<compile_context>
chip_gen: v7x
topology: tpu7x:2x2x1
jax: 0.10.2.dev20260603
libtpu: 0.0.44.dev20260713+nightly
codegen_flags: <defaults>
</compile_context>

<pallas_src>
import functools

import jax
import jax.numpy as jnp
from jax import lax
from jax.experimental import pallas as pl
from jax.experimental.pallas import tpu as pltpu
from jax.experimental.pallas import tpu_sc as plsc

N = 10000
D_IN = 128
D_HID = 256
E = 320000
N_NEG = 5

_NC, _NS, _L = 2, 16, 16
_NW = _NC * _NS
_EPT = E // _NW

_sc_mesh = plsc.VectorSubcoreMesh(core_axis_name="c", subcore_axis_name="s")


@functools.partial(
    pl.kernel,
    out_type=jax.ShapeDtypeStruct((_NW, N), jnp.int32),
    mesh=_sc_mesh,
    scratch_types=[
        pltpu.VMEM((_EPT,), jnp.int32),
        pltpu.VMEM((N,), jnp.int32),
    ],
    compiler_params=pltpu.CompilerParams(needs_layout_passes=False),
)
def _deg_kernel(dst_hbm, out_hbm, idx_v, hist_v):
    wid = lax.axis_index("s") * _NC + lax.axis_index("c")
    base = wid * _EPT
    pltpu.sync_copy(dst_hbm.at[pl.ds(base, _EPT)], idx_v)
    zeros = jnp.zeros((_L,), jnp.int32)

    def zbody(i, _):
        hist_v[pl.ds(i * _L, _L)] = zeros
        return ()

    lax.fori_loop(0, N // _L, zbody, (), unroll=8)

    def body(i, _):
        d = idx_v[pl.ds(i * _L, _L)]
        cnt, last = plsc.scan_count(d)
        plsc.addupdate_scatter(hist_v, [d], cnt, mask=last)
        return ()

    lax.fori_loop(0, _EPT // _L, body, (), unroll=8)
    pltpu.sync_copy(hist_v, out_hbm.at[wid])


_NCHUNK = E // 128
_CPT = _NCHUNK // _NS
_CREM = _NCHUNK - _CPT * _NS
_STRIPE = 640
_RB = 80


@functools.partial(
    pl.kernel,
    out_type=jax.ShapeDtypeStruct((2 * N, 128), jnp.float32),
    mesh=_sc_mesh,
    scratch_types=[
        pltpu.VMEM((1, 128), jnp.int32),
        pltpu.VMEM((1, 128), jnp.int32),
        pltpu.VMEM((128, 128), jnp.float32),
        pltpu.VMEM((_RB, 128), jnp.float32),
        pltpu.VMEM_SHARED((N, 128), jnp.float32),
        pltpu.SemaphoreType.DMA,
    ],
    compiler_params=pltpu.CompilerParams(needs_layout_passes=False),
)
def _agg_kernel(src_hbm, dst_hbm, y_hbm, out_hbm, sidx_v, didx_v, rows_v,
                buf_v, acc_sh, sem):
    c = lax.axis_index("c")
    sid = lax.axis_index("s")
    zeros = jnp.zeros((_L,), jnp.float32)

    def zb(i, _):
        for k in range(128 // _L):
            buf_v[i, pl.ds(k * _L, _L)] = zeros
        return ()

    lax.fori_loop(0, _RB, zb, (), unroll=4)
    nrb = jnp.where(sid < _NS - 1, _STRIPE // _RB, (N - 15 * _STRIPE) // _RB)

    def zs(k, _):
        r0 = pl.multiple_of(sid * _STRIPE + k * _RB, _RB)
        pltpu.sync_copy(buf_v, acc_sh.at[pl.ds(r0, _RB)])
        return ()

    lax.fori_loop(0, nrb, zs, ())
    plsc.subcore_barrier()

    base = sid * _CPT + jnp.minimum(sid, _CREM)
    nch = _CPT + jnp.where(sid < _CREM, 1, 0)
    coff = jnp.broadcast_to(c * N, (_L,)).astype(jnp.int32)

    def body(j, _):
        cb = pl.multiple_of((base + j) * 128, 128)
        pltpu.sync_copy(src_hbm.at[pl.ds(cb, 128)], sidx_v.at[0])
        pltpu.sync_copy(dst_hbm.at[pl.ds(cb, 128)], didx_v.at[0])
        for k in range(128 // _L):
            sl = pl.ds(k * _L, _L)
            sidx_v[0, sl] = sidx_v[0, sl] + coff
        pltpu.async_copy(y_hbm.at[sidx_v.at[0]], rows_v, sem).wait()
        pltpu.sync_copy(rows_v, acc_sh.at[didx_v.at[0]], add=True)
        return ()

    lax.fori_loop(0, nch, body, ())
    plsc.subcore_barrier()

    def wb(k, _):
        r0 = pl.multiple_of(sid * _STRIPE + k * _RB, _RB)
        pltpu.sync_copy(acc_sh.at[pl.ds(r0, _RB)], buf_v)
        pltpu.sync_copy(buf_v, out_hbm.at[pl.ds(c * N + r0, _RB)])
        return ()

    lax.fori_loop(0, nrb, wb, ())


_NPAIR = E + N_NEG * N
_NPCH = -(-_NPAIR // 128)
_NPAD = _NPCH * 128
_PCPT = _NPCH // _NW
_PCREM = _NPCH - _PCPT * _NW


@functools.partial(
    pl.kernel,
    out_type=jax.ShapeDtypeStruct((_NPAD,), jnp.float32),
    mesh=_sc_mesh,
    scratch_types=[
        pltpu.VMEM((1, 128), jnp.int32),
        pltpu.VMEM((1, 128), jnp.int32),
        pltpu.VMEM((128, 128), jnp.int32),
        pltpu.VMEM((128, 128), jnp.int32),
        pltpu.VMEM((1, 128), jnp.float32),
        pltpu.VMEM((128, _L), jnp.float32),
        pltpu.SemaphoreType.DMA,
        pltpu.SemaphoreType.DMA,
    ],
    compiler_params=pltpu.CompilerParams(needs_layout_passes=False),
)
def _sims_kernel(aidx_hbm, bidx_hbm, z_hbm, out_hbm, aidx_v, bidx_v,
                 za_v, zb_v, sims_v, accs_v, sema, semb):
    wid = lax.axis_index("s") * _NC + lax.axis_index("c")
    base = wid * _PCPT + jnp.minimum(wid, _PCREM)
    nch = _PCPT + jnp.where(wid < _PCREM, 1, 0)

    def body(j, _):
        cb = pl.multiple_of((base + j) * 128, 128)
        pltpu.sync_copy(aidx_hbm.at[pl.ds(cb, 128)], aidx_v.at[0])
        pltpu.sync_copy(bidx_hbm.at[pl.ds(cb, 128)], bidx_v.at[0])
        cpa = pltpu.async_copy(z_hbm.at[aidx_v.at[0]], za_v, sema)
        cpb = pltpu.async_copy(z_hbm.at[bidx_v.at[0]], zb_v, semb)
        cpa.wait()
        cpb.wait()

        def dot(e, _):
            acc = None
            for k in range(128 // _L):
                sl = pl.ds(k * _L, _L)
                a = plsc.bitcast(za_v[e, sl], jnp.bfloat16)
                bb = plsc.bitcast(zb_v[e, sl], jnp.bfloat16)
                acc = a * bb if acc is None else acc + a * bb
            lo, hi = plsc.unpack(acc, format=plsc.PackFormat.INTERLEAVED)
            accs_v[e, pl.ds(0, _L)] = lo + hi
            return ()

        lax.fori_loop(0, 128, dot, (), unroll=2)

        lanes = lax.iota(jnp.int32, _L)
        for g in range(128 // _L):
            rows = lanes + g * _L
            s = plsc.load_gather(accs_v, [rows, jnp.zeros((_L,), jnp.int32)])
            for k in range(1, _L):
                s = s + plsc.load_gather(
                    accs_v, [rows, jnp.full((_L,), k, jnp.int32)])
            sims_v[0, pl.ds(g * _L, _L)] = s
        pltpu.sync_copy(sims_v.at[0], out_hbm.at[pl.ds(cb, 128)])
        return ()

    lax.fori_loop(0, nch, body, ())


def _matmul_body(x_ref, w_ref, o_ref):
    o_ref[...] = jnp.dot(x_ref[...], w_ref[...],
                         preferred_element_type=jnp.float32)


def _matmul(x, W):
    blk = 1000
    return pl.pallas_call(
        _matmul_body,
        grid=(N // blk,),
        in_specs=[
            pl.BlockSpec((blk, D_IN), lambda i: (i, 0)),
            pl.BlockSpec((D_IN, D_HID), lambda i: (0, 0)),
        ],
        out_specs=pl.BlockSpec((blk, D_HID), lambda i: (i, 0)),
        out_shape=jax.ShapeDtypeStruct((N, D_HID), jnp.float32),
    )(x, W)



def _fin_body(acc_ref, y_ref, dinv_ref, b_ref, z_ref):
    o = jnp.concatenate([acc_ref[0], acc_ref[1]], axis=1)
    out = dinv_ref[...] * (o + y_ref[...]) + b_ref[...]
    h = jnp.maximum(out, 0.0)
    nrm = jnp.sqrt(jnp.sum(h * h, axis=1, keepdims=True))
    z_ref[...] = h / jnp.maximum(nrm, 1e-12)


def _finalize(acc2, y, dinv2, b2):
    blk = 1000
    return pl.pallas_call(
        _fin_body,
        grid=(N // blk,),
        in_specs=[
            pl.BlockSpec((2, blk, 128), lambda i: (0, i, 0)),
            pl.BlockSpec((blk, D_HID), lambda i: (i, 0)),
            pl.BlockSpec((blk, 1), lambda i: (i, 0)),
            pl.BlockSpec((1, D_HID), lambda i: (0, 0)),
        ],
        out_specs=pl.BlockSpec((blk, D_HID), lambda i: (i, 0)),
        out_shape=jax.ShapeDtypeStruct((N, D_HID), jnp.float32),
    )(acc2, y, dinv2, b2)


_NNEG_PAD = 50048


def _loss_body(simsp_ref, pmask_ref, simsn_ref, nmask_ref, niota_ref, o_ref):
    pm = pmask_ref[...]
    num_pos = jnp.sum(pm)
    d = simsp_ref[...] - 1.0
    pos_sum = jnp.sum(pm * d * d)
    num_neg = jnp.minimum(num_pos, float(N_NEG * N))
    nm = nmask_ref[...] * (niota_ref[...] < num_neg).astype(jnp.float32)
    cnt_neg = jnp.sum(nm)
    sn = simsn_ref[...]
    neg_sum = jnp.sum(nm * sn * sn)
    o_ref[...] = (pos_sum / num_pos + neg_sum / cnt_neg).reshape(1, 1)


def _loss(simsp, pmask, simsn, nmask, niota):
    return pl.pallas_call(
        _loss_body,
        out_shape=jax.ShapeDtypeStruct((1, 1), jnp.float32),
    )(simsp, pmask, simsn, nmask, niota)


def kernel(node_features, edge_indices, W, b):
    x = node_features
    src = edge_indices[0]
    dst = edge_indices[1]
    deg_part = _deg_kernel(dst)
    deg = deg_part.sum(axis=0).astype(jnp.float32) + 1.0
    dinv = jax.lax.rsqrt(deg)
    xw = _matmul(x, W)
    y = xw * dinv[:, None]
    y_flat = jnp.concatenate([y[:, :128], y[:, 128:]], axis=0)
    acc_flat = _agg_kernel(src, dst, y_flat)
    z = _finalize(acc_flat.reshape(2, N, 128), y, dinv[:, None],
                  b.reshape(1, D_HID))

    nk = jax.random.key(12345)
    neg = jax.random.randint(nk, (2, N_NEG * N), 0, N, dtype=jnp.int32)
    pad = jnp.zeros((_NPAD - _NPAIR,), jnp.int32)
    a_idx = jnp.concatenate([src, neg[0], pad])
    b_idx = jnp.concatenate([dst, neg[1], pad])
    z_pack = jax.lax.bitcast_convert_type(
        z.astype(jnp.bfloat16).reshape(N, 128, 2), jnp.int32)
    sims = _sims_kernel(a_idx, b_idx, z_pack)

    simsp = sims[:E].reshape(E // 128, 128)
    pmask = (src < dst).astype(jnp.float32).reshape(E // 128, 128)
    zpad = jnp.zeros((_NNEG_PAD - N_NEG * N,), jnp.float32)
    simsn = jnp.concatenate([sims[E:_NPAIR], zpad]).reshape(_NNEG_PAD // 128, 128)
    nmask = jnp.concatenate(
        [(neg[0] < neg[1]).astype(jnp.float32), zpad]).reshape(_NNEG_PAD // 128, 128)
    niota = jnp.arange(_NNEG_PAD, dtype=jnp.float32).reshape(_NNEG_PAD // 128, 128)
    loss = _loss(simsp, pmask, simsn, nmask, niota)[0, 0]
    return (z, loss)

# --- scband reference (transcript-rebuilt; emitter-appended) ---
"""Pipeline reference for scband-graph-structure-estimator-34196529611078 (READ-ONLY COPY).

The authoritative reference and input builder live on the scoring server;
editing this copy changes nothing except your own understanding.
"""

import jax, jax.numpy as jnp
import numpy as np

N = 10000
D_IN = 128
D_HID = 256
E = 320000
TAU = 0.1
N_NEG = 5


def setup_inputs(seed: int = 0) -> dict:
    key = jax.random.key(seed)
    k1, k2, k3 = jax.random.split(key, 3)
    node_features = jax.random.normal(k1, (N, D_IN), dtype=jnp.float32)
    edge_indices = jax.random.randint(k2, (2, E), 0, N, dtype=jnp.int32)
    # GCNConv learned parameters (glorot-ish init)
    W = jax.random.normal(k3, (D_IN, D_HID), dtype=jnp.float32) * (1.0 / np.sqrt(D_IN))
    b = jnp.zeros((D_HID,), dtype=jnp.float32)
    return {"node_features": node_features, "edge_indices": edge_indices, "W": W, "b": b}


def _gcn_conv(x, edge_index, W, b):
    # GCNConv with add_self_loops=True and symmetric normalization:
    # out = D^{-1/2} (A + I) D^{-1/2} X W + b
    n = x.shape[0]
    loop = jnp.arange(n, dtype=edge_index.dtype)
    src = jnp.concatenate([edge_index[0], loop])
    dst = jnp.concatenate([edge_index[1], loop])
    ones = jnp.ones(src.shape[0], dtype=x.dtype)
    deg = jax.ops.segment_sum(ones, dst, num_segments=n)
    deg_inv_sqrt = jnp.where(deg > 0, 1.0 / jnp.sqrt(deg), 0.0)
    norm = deg_inv_sqrt[src] * deg_inv_sqrt[dst]
    xw = x @ W
    msg = xw[src] * norm[:, None]
    out = jax.ops.segment_sum(msg, dst, num_segments=n) + b
    return out


def _forward(node_features, edge_indices, W, b):
    h = jax.nn.relu(_gcn_conv(node_features, edge_indices, W, b))
    # F.normalize(..., dim=1): x / max(||x||_2, eps)
    nrm = jnp.linalg.norm(h, axis=1, keepdims=True)
    z = h / jnp.maximum(nrm, 1e-12)
    return z


def reference(node_features, edge_indices, W, b):
    z = _forward(node_features, edge_indices, W, b)
    # positive edges: src < dst
    pos_mask = edge_indices[0] < edge_indices[1]
    all_pos_sim = jnp.sum(z[edge_indices[0]] * z[edge_indices[1]], axis=1)
    num_pos = jnp.sum(pos_mask)
    pos_loss = jnp.sum(jnp.where(pos_mask, (all_pos_sim - 1.0) ** 2, 0.0)) / num_pos.astype(z.dtype)
    # negative sampling: num_neg = min(num_pos, n_neg * num_nodes)
    num_neg = jnp.minimum(num_pos, N_NEG * N)
    nk = jax.random.key(12345)
    neg = jax.random.randint(nk, (2, N_NEG * N), 0, N, dtype=jnp.int32)
    neg_mask = (neg[0] < neg[1]) & (jnp.arange(N_NEG * N) < num_neg)
    neg_sim = jnp.sum(z[neg[0]] * z[neg[1]], axis=1)
    cnt_neg = jnp.sum(neg_mask)
    neg_loss = jnp.sum(jnp.where(neg_mask, neg_sim ** 2, 0.0)) / cnt_neg.astype(z.dtype)
    reconstruction_loss = pos_loss + neg_loss
    return (z, reconstruction_loss)

if __name__ == "__main__":
    import jax
    _d = setup_inputs()
    print(jax.jit(kernel)(*tuple(_d.values())))

</pallas_src>

<mosaic_0001>
#map = affine_map<(d0, d1) -> (0)>
#map1 = affine_map<(d0, d1) -> (0, 0)>
module attributes {stable_mosaic.version = 14 : i64} {
  func.func @_deg_kernel(%arg0: i32, %arg1: i32, %arg2: memref<320000xi32, #tpu.memory_space<hbm>>, %arg3: memref<32x10000xi32, #tpu.memory_space<hbm>>, %arg4: memref<10000xi32, #tpu.memory_space<vmem>>, %arg5: memref<10000xi32, #tpu.memory_space<vmem>>) attributes {dimension_semantics = [#tpu.dimension_semantics<core_parallel>, #tpu.dimension_semantics<subcore_parallel>], iteration_bounds = array<i64: 2, 16>, scalar_prefetch = 0 : i64, scratch_operands = 2 : i64, tpu.core_type = #tpu.core_type<sc_vector_subcore>, window_params = [{transform_indices = #map}, {transform_indices = #map1}]} {
    %mul3A = arith.constant 2 : i32
    %mul3A_0 = arith.muli %arg1, %mul3A : i32
    %add3A = arith.addi %mul3A_0, %arg0 : i32
    %mul3A_1 = arith.constant 10000 : i32
    %mul3A_2 = arith.muli %add3A, %mul3A_1 : i32
    "tpu.region"() ({
      %run_scoped3A = tpu.sem_alloc : memref<!tpu.dma_semaphore, #tpu.memory_space<semaphore_mem>>
      %dma_start3A = tpu.memref_slice %arg2[%mul3A_2] : memref<320000xi32, #tpu.memory_space<hbm>> -> memref<10000xi32, #tpu.memory_space<hbm>>
      %dma_start3A_26 = tpu.memref_slice %arg2[%mul3A_2] : memref<320000xi32, #tpu.memory_space<hbm>> -> memref<10000xi32, #tpu.memory_space<hbm>>
      tpu.enqueue_dma source(%dma_start3A_26 : memref<10000xi32, #tpu.memory_space<hbm>>) target(%arg4 : memref<10000xi32, #tpu.memory_space<vmem>>) target_semaphore(%run_scoped3A : memref<!tpu.dma_semaphore, #tpu.memory_space<semaphore_mem>>)
      %dma_wait3A = tpu.memref_slice %arg2[%mul3A_2] : memref<320000xi32, #tpu.memory_space<hbm>> -> memref<10000xi32, #tpu.memory_space<hbm>>
      %dma_wait3A_27 = tpu.memref_slice %arg2[%mul3A_2] : memref<320000xi32, #tpu.memory_space<hbm>> -> memref<10000xi32, #tpu.memory_space<hbm>>
      tpu.wait_dma2 semaphore(%run_scoped3A : memref<!tpu.dma_semaphore, #tpu.memory_space<semaphore_mem>>) src(%dma_wait3A_27 : memref<10000xi32, #tpu.memory_space<hbm>>) dst(%arg4 : memref<10000xi32, #tpu.memory_space<vmem>>)
      tpu.yield
    }) : () -> ()
    %broadcast_in_dim3A = arith.constant 0 : i32
    %broadcast_in_dim3A_3 = vector.broadcast %broadcast_in_dim3A : i32 to vector<16xi32>
    %scan3A = arith.constant 0 : i32
    %scan3A_4 = arith.constant 624 : i32
    %scan3A_5 = arith.addi %scan3A, %scan3A_4 : i32
    %scan3A_6 = arith.constant 8 : i32
    scf.for %scan3A_26 = %scan3A to %scan3A_5 step %scan3A_6  : i32 {
      %mul3A_27 = arith.constant 16 : i32
      %mul3A_28 = arith.muli %scan3A_26, %mul3A_27 : i32
      %swap3A_29 = arith.index_cast %mul3A_28 : i32 to index
      %swap3A_30 = tpu.vector_load %arg5[%swap3A_29] {strides = array<i32>} : memref<10000xi32, #tpu.memory_space<vmem>>, vector<16xi32>,
      tpu.vector_store %arg5[%swap3A_29], %broadcast_in_dim3A_3 {strides = array<i32>} : memref<10000xi32, #tpu.memory_space<vmem>>, vector<16xi32>,
      %scan3A_31 = arith.constant 1 : i32
      %scan3A_32 = arith.addi %scan3A_26, %scan3A_31 : i32
      %mul3A_33 = arith.constant 16 : i32
      %mul3A_34 = arith.muli %scan3A_32, %mul3A_33 : i32
      %swap3A_35 = arith.index_cast %mul3A_34 : i32 to index
      %swap3A_36 = tpu.vector_load %arg5[%swap3A_35] {strides = array<i32>} : memref<10000xi32, #tpu.memory_space<vmem>>, vector<16xi32>,
      tpu.vector_store %arg5[%swap3A_35], %broadcast_in_dim3A_3 {strides = array<i32>} : memref<10000xi32, #tpu.memory_space<vmem>>, vector<16xi32>,
      %scan3A_37 = arith.constant 2 : i32
      %scan3A_38 = arith.addi %scan3A_26, %scan3A_37 : i32
      %mul3A_39 = arith.constant 16 : i32
      %mul3A_40 = arith.muli %scan3A_38, %mul3A_39 : i32
      %swap3A_41 = arith.index_cast %mul3A_40 : i32 to index
      %swap3A_42 = tpu.vector_load %arg5[%swap3A_41] {strides = array<i32>} : memref<10000xi32, #tpu.memory_space<vmem>>, vector<16xi32>,
      tpu.vector_store %arg5[%swap3A_41], %broadcast_in_dim3A_3 {strides = array<i32>} : memref<10000xi32, #tpu.memory_space<vmem>>, vector<16xi32>,
      %scan3A_43 = arith.constant 3 : i32
      %scan3A_44 = arith.addi %scan3A_26, %scan3A_43 : i32
      %mul3A_45 = arith.constant 16 : i32
      %mul3A_46 = arith.muli %scan3A_44, %mul3A_45 : i32
      %swap3A_47 = arith.index_cast %mul3A_46 : i32 to index
      %swap3A_48 = tpu.vector_load %arg5[%swap3A_47] {strides = array<i32>} : memref<10000xi32, #tpu.memory_space<vmem>>, vector<16xi32>,
      tpu.vector_store %arg5[%swap3A_47], %broadcast_in_dim3A_3 {strides = array<i32>} : memref<10000xi32, #tpu.memory_space<vmem>>, vector<16xi32>,
      %scan3A_49 = arith.constant 4 : i32
      %scan3A_50 = arith.addi %scan3A_26, %scan3A_49 : i32
      %mul3A_51 = arith.constant 16 : i32
      %mul3A_52 = arith.muli %scan3A_50, %mul3A_51 : i32
      %swap3A_53 = arith.index_cast %mul3A_52 : i32 to index
      %swap3A_54 = tpu.vector_load %arg5[%swap3A_53] {strides = array<i32>} : memref<10000xi32, #tpu.memory_space<vmem>>, vector<16xi32>,
      tpu.vector_store %arg5[%swap3A_53], %broadcast_in_dim3A_3 {strides = array<i32>} : memref<10000xi32, #tpu.memory_space<vmem>>, vector<16xi32>,
      %scan3A_55 = arith.constant 5 : i32
      %scan3A_56 = arith.addi %scan3A_26, %scan3A_55 : i32
      %mul3A_57 = arith.constant 16 : i32
      %mul3A_58 = arith.muli %scan3A_56, %mul3A_57 : i32
      %swap3A_59 = arith.index_cast %mul3A_58 : i32 to index
      %swap3A_60 = tpu.vector_load %arg5[%swap3A_59] {strides = array<i32>} : memref<10000xi32, #tpu.memory_space<vmem>>, vector<16xi32>,
      tpu.vector_store %arg5[%swap3A_59], %broadcast_in_dim3A_3 {strides = array<i32>} : memref<10000xi32, #tpu.memory_space<vmem>>, vector<16xi32>,
      %scan3A_61 = arith.constant 6 : i32
      %scan3A_62 = arith.addi %scan3A_26, %scan3A_61 : i32
      %mul3A_63 = arith.constant 16 : i32
      %mul3A_64 = arith.muli %scan3A_62, %mul3A_63 : i32
      %swap3A_65 = arith.index_cast %mul3A_64 : i32 to index
      %swap3A_66 = tpu.vector_load %arg5[%swap3A_65] {strides = array<i32>} : memref<10000xi32, #tpu.memory_space<vmem>>, vector<16xi32>,
      tpu.vector_store %arg5[%swap3A_65], %broadcast_in_dim3A_3 {strides = array<i32>} : memref<10000xi32, #tpu.memory_space<vmem>>, vector<16xi32>,
      %scan3A_67 = arith.constant 7 : i32
      %scan3A_68 = arith.addi %scan3A_26, %scan3A_67 : i32
      %mul3A_69 = arith.constant 16 : i32
      %mul3A_70 = arith.muli %scan3A_68, %mul3A_69 : i32
      %swap3A_71 = arith.index_cast %mul3A_70 : i32 to index
      %swap3A_72 = tpu.vector_load %arg5[%swap3A_71] {strides = array<i32>} : memref<10000xi32, #tpu.memory_space<vmem>>, vector<16xi32>,
      tpu.vector_store %arg5[%swap3A_71], %broadcast_in_dim3A_3 {strides = array<i32>} : memref<10000xi32, #tpu.memory_space<vmem>>, vector<16xi32>,
    }
    %scan3A_7 = arith.constant 624 : i32
    %scan3A_8 = arith.addi %scan3A, %scan3A_7 : i32
    %mul3A_9 = arith.constant 16 : i32
    %mul3A_10 = arith.muli %scan3A_8, %mul3A_9 : i32
    %swap3A = arith.index_cast %mul3A_10 : i32 to index
    %swap3A_11 = tpu.vector_load %arg5[%swap3A] {strides = array<i32>} : memref<10000xi32, #tpu.memory_space<vmem>>, vector<16xi32>,
    tpu.vector_store %arg5[%swap3A], %broadcast_in_dim3A_3 {strides = array<i32>} : memref<10000xi32, #tpu.memory_space<vmem>>, vector<16xi32>,
    %scan3A_12 = arith.constant 625 : i32
    %scan3A_13 = arith.constant 0 : i32
    %scan3A_14 = arith.constant 624 : i32
    %scan3A_15 = arith.addi %scan3A_13, %scan3A_14 : i32
    %scan3A_16 = arith.constant 8 : i32
    scf.for %scan3A_26 = %scan3A_13 to %scan3A_15 step %scan3A_16  : i32 {
      %mul3A_27 = arith.constant 16 : i32
      %mul3A_28 = arith.muli %scan3A_26, %mul3A_27 : i32
      %get3A_29 = arith.index_cast %mul3A_28 : i32 to index
      %get3A_30 = tpu.vector_load %arg4[%get3A_29] {strides = array<i32>} : memref<10000xi32, #tpu.memory_space<vmem>>, vector<16xi32>,
      %broadcast_in_dim3A_31 = arith.constant true
      %broadcast_in_dim3A_32 = vector.broadcast %broadcast_in_dim3A_31 : i1 to vector<16xi1>
      %unique3A_33, %unique3A_34 = tpu.scan_count mask(%broadcast_in_dim3A_32 : vector<16xi1>) value(%get3A_30 : vector<16xi32>) : vector<16xi1>, vector<16xi32>
      tpu.vector_store_idx %arg5[%get3A_30], %unique3A_34 masked %unique3A_33 {add = true} : memref<10000xi32, #tpu.memory_space<vmem>>[vector<16xi32>], vector<16xi32>, vector<16xi1>
      %scan3A_35 = arith.constant 1 : i32
      %scan3A_36 = arith.addi %scan3A_26, %scan3A_35 : i32
      %mul3A_37 = arith.constant 16 : i32
      %mul3A_38 = arith.muli %scan3A_36, %mul3A_37 : i32
      %get3A_39 = arith.index_cast %mul3A_38 : i32 to index
      %get3A_40 = tpu.vector_load %arg4[%get3A_39] {strides = array<i32>} : memref<10000xi32, #tpu.memory_space<vmem>>, vector<16xi32>,
      %broadcast_in_dim3A_41 = arith.constant true
      %broadcast_in_dim3A_42 = vector.broadcast %broadcast_in_dim3A_41 : i1 to vector<16xi1>
      %unique3A_43, %unique3A_44 = tpu.scan_count mask(%broadcast_in_dim3A_42 : vector<16xi1>) value(%get3A_40 : vector<16xi32>) : vector<16xi1>, vector<16xi32>
      tpu.vector_store_idx %arg5[%get3A_40], %unique3A_44 masked %unique3A_43 {add = true} : memref<10000xi32, #tpu.memory_space<vmem>>[vector<16xi32>], vector<16xi32>, vector<16xi1>
      %scan3A_45 = arith.constant 2 : i32
      %scan3A_46 = arith.addi %scan3A_26, %scan3A_45 : i32
      %mul3A_47 = arith.constant 16 : i32
      %mul3A_48 = arith.muli %scan3A_46, %mul3A_47 : i32
      %get3A_49 = arith.index_cast %mul3A_48 : i32 to index
      %get3A_50 = tpu.vector_load %arg4[%get3A_49] {strides = array<i32>} : memref<10000xi32, #tpu.memory_space<vmem>>, vector<16xi32>,
      %broadcast_in_dim3A_51 = arith.constant true
      %broadcast_in_dim3A_52 = vector.broadcast %broadcast_in_dim3A_51 : i1 to vector<16xi1>
      %unique3A_53, %unique3A_54 = tpu.scan_count mask(%broadcast_in_dim3A_52 : vector<16xi1>) value(%get3A_50 : vector<16xi32>) : vector<16xi1>, vector<16xi32>
      tpu.vector_store_idx %arg5[%get3A_50], %unique3A_54 masked %unique3A_53 {add = true} : memref<10000xi32, #tpu.memory_space<vmem>>[vector<16xi32>], vector<16xi32>, vector<16xi1>
      %scan3A_55 = arith.constant 3 : i32
      %scan3A_56 = arith.addi %scan3A_26, %scan3A_55 : i32
      %mul3A_57 = arith.constant 16 : i32
      %mul3A_58 = arith.muli %scan3A_56, %mul3A_57 : i32
      %get3A_59 = arith.index_cast %mul3A_58 : i32 to index
      %get3A_60 = tpu.vector_load %arg4[%get3A_59] {strides = array<i32>} : memref<10000xi32, #tpu.memory_space<vmem>>, vector<16xi32>,
      %broadcast_in_dim3A_61 = arith.constant true
      %broadcast_in_dim3A_62 = vector.broadcast %broadcast_in_dim3A_61 : i1 to vector<16xi1>
      %unique3A_63, %unique3A_64 = tpu.scan_count mask(%broadcast_in_dim3A_62 : vector<16xi1>) value(%get3A_60 : vector<16xi32>) : vector<16xi1>, vector<16xi32>
      tpu.vector_store_idx %arg5[%get3A_60], %unique3A_64 masked %unique3A_63 {add = true} : memref<10000xi32, #tpu.memory_space<vmem>>[vector<16xi32>], vector<16xi32>, vector<16xi1>
      %scan3A_65 = arith.constant 4 : i32
      %scan3A_66 = arith.addi %scan3A_26, %scan3A_65 : i32
      %mul3A_67 = arith.constant 16 : i32
      %mul3A_68 = arith.muli %scan3A_66, %mul3A_67 : i32
      %get3A_69 = arith.index_cast %mul3A_68 : i32 to index
      %get3A_70 = tpu.vector_load %arg4[%get3A_69] {strides = array<i32>} : memref<10000xi32, #tpu.memory_space<vmem>>, vector<16xi32>,
      %broadcast_in_dim3A_71 = arith.constant true
      %broadcast_in_dim3A_72 = vector.broadcast %broadcast_in_dim3A_71 : i1 to vector<16xi1>
      %unique3A_73, %unique3A_74 = tpu.scan_count mask(%broadcast_in_dim3A_72 : vector<16xi1>) value(%get3A_70 : vector<16xi32>) : vector<16xi1>, vector<16xi32>
      tpu.vector_store_idx %arg5[%get3A_70], %unique3A_74 masked %unique3A_73 {add = true} : memref<10000xi32, #tpu.memory_space<vmem>>[vector<16xi32>], vector<16xi32>, vector<16xi1>
      %scan3A_75 = arith.constant 5 : i32
      %scan3A_76 = arith.addi %scan3A_26, %scan3A_75 : i32
      %mul3A_77 = arith.constant 16 : i32
      %mul3A_78 = arith.muli %scan3A_76, %mul3A_77 : i32
      %get3A_79 = arith.index_cast %mul3A_78 : i32 to index
      %get3A_80 = tpu.vector_load %arg4[%get3A_79] {strides = array<i32>} : memref<10000xi32, #tpu.memory_space<vmem>>, vector<16xi32>,
      %broadcast_in_dim3A_81 = arith.constant true
      %broadcast_in_dim3A_82 = vector.broadcast %broadcast_in_dim3A_81 : i1 to vector<16xi1>
      %unique3A_83, %unique3A_84 = tpu.scan_count mask(%broadcast_in_dim3A_82 : vector<16xi1>) value(%get3A_80 : vector<16xi32>) : vector<16xi1>, vector<16xi32>
      tpu.vector_store_idx %arg5[%get3A_80], %unique3A_84 masked %unique3A_83 {add = true} : memref<10000xi32, #tpu.memory_space<vmem>>[vector<16xi32>], vector<16xi32>, vector<16xi1>
      %scan3A_85 = arith.constant 6 : i32
      %scan3A_86 = arith.addi %scan3A_26, %scan3A_85 : i32
      %mul3A_87 = arith.constant 16 : i32
      %mul3A_88 = arith.muli %scan3A_86, %mul3A_87 : i32
      %get3A_89 = arith.index_cast %mul3A_88 : i32 to index
      %get3A_90 = tpu.vector_load %arg4[%get3A_89] {strides = array<i32>} : memref<10000xi32, #tpu.memory_space<vmem>>, vector<16xi32>,
      %broadcast_in_dim3A_91 = arith.constant true
      %broadcast_in_dim3A_92 = vector.broadcast %broadcast_in_dim3A_91 : i1 to vector<16xi1>
      %unique3A_93, %unique3A_94 = tpu.scan_count mask(%broadcast_in_dim3A_92 : vector<16xi1>) value(%get3A_90 : vector<16xi32>) : vector<16xi1>, vector<16xi32>
      tpu.vector_store_idx %arg5[%get3A_90], %unique3A_94 masked %unique3A_93 {add = true} : memref<10000xi32, #tpu.memory_space<vmem>>[vector<16xi32>], vector<16xi32>, vector<16xi1>
      %scan3A_95 = arith.constant 7 : i32
      %scan3A_96 = arith.addi %scan3A_26, %scan3A_95 : i32
      %mul3A_97 = arith.constant 16 : i32
      %mul3A_98 = arith.muli %scan3A_96, %mul3A_97 : i32
      %get3A_99 = arith.index_cast %mul3A_98 : i32 to index
      %get3A_100 = tpu.vector_load %arg4[%get3A_99] {strides = array<i32>} : memref<10000xi32, #tpu.memory_space<vmem>>, vector<16xi32>,
      %broadcast_in_dim3A_101 = arith.constant true
      %broadcast_in_dim3A_102 = vector.broadcast %broadcast_in_dim3A_101 : i1 to vector<16xi1>
      %unique3A_103, %unique3A_104 = tpu.scan_count mask(%broadcast_in_dim3A_102 : vector<16xi1>) value(%get3A_100 : vector<16xi32>) : vector<16xi1>, vector<16xi32>
      tpu.vector_store_idx %arg5[%get3A_100], %unique3A_104 masked %unique3A_103 {add = true} : memref<10000xi32, #tpu.memory_space<vmem>>[vector<16xi32>], vector<16xi32>, vector<16xi1>
    }
    %scan3A_17 = arith.constant 624 : i32
    %scan3A_18 = arith.addi %scan3A_13, %scan3A_17 : i32
    %mul3A_19 = arith.constant 16 : i32
    %mul3A_20 = arith.muli %scan3A_18, %mul3A_19 : i32
    %get3A = arith.index_cast %mul3A_20 : i32 to index
    %get3A_21 = tpu.vector_load %arg4[%get3A] {strides = array<i32>} : memref<10000xi32, #tpu.memory_space<vmem>>, vector<16xi32>,
    %broadcast_in_dim3A_22 = arith.constant true
    %broadcast_in_dim3A_23 = vector.broadcast %broadcast_in_dim3A_22 : i1 to vector<16xi1>
    %unique3A, %unique3A_24 = tpu.scan_count mask(%broadcast_in_dim3A_23 : vector<16xi1>) value(%get3A_21 : vector<16xi32>) : vector<16xi1>, vector<16xi32>
    tpu.vector_store_idx %arg5[%get3A_21], %unique3A_24 masked %unique3A {add = true} : memref<10000xi32, #tpu.memory_space<vmem>>[vector<16xi32>], vector<16xi32>, vector<16xi1>
    %scan3A_25 = arith.constant 625 : i32
    "tpu.region"() ({
      %run_scoped3A = tpu.sem_alloc : memref<!tpu.dma_semaphore, #tpu.memory_space<semaphore_mem>>
      %dma_start3A = arith.constant 0 : i32
      %dma_start3A_26 = tpu.memref_slice %arg3[%add3A, %dma_start3A] : memref<32x10000xi32, #tpu.memory_space<hbm>> -> memref<1x10000xi32, #tpu.memory_space<hbm>>
      %dma_start3A_27 = tpu.memref_squeeze %dma_start3A_26 : memref<1x10000xi32, #tpu.memory_space<hbm>> -> memref<10000xi32, #tpu.memory_space<hbm>>
      %dma_start3A_28 = arith.constant 0 : i32
      %dma_start3A_29 = tpu.memref_slice %arg3[%add3A, %dma_start3A_28] : memref<32x10000xi32, #tpu.memory_space<hbm>> -> memref<1x10000xi32, #tpu.memory_space<hbm>>
      %dma_start3A_30 = tpu.memref_squeeze %dma_start3A_29 : memref<1x10000xi32, #tpu.memory_space<hbm>> -> memref<10000xi32, #tpu.memory_space<hbm>>
      tpu.enqueue_dma source(%arg5 : memref<10000xi32, #tpu.memory_space<vmem>>) target(%dma_start3A_30 : memref<10000xi32, #tpu.memory_space<hbm>>) target_semaphore(%run_scoped3A : memref<!tpu.dma_semaphore, #tpu.memory_space<semaphore_mem>>)
      %dma_wait3A = arith.constant 0 : i32
      %dma_wait3A_31 = tpu.memref_slice %arg3[%add3A, %dma_wait3A] : memref<32x10000xi32, #tpu.memory_space<hbm>> -> memref<1x10000xi32, #tpu.memory_space<hbm>>
      %dma_wait3A_32 = tpu.memref_squeeze %dma_wait3A_31 : memref<1x10000xi32, #tpu.memory_space<hbm>> -> memref<10000xi32, #tpu.memory_space<hbm>>
      %dma_wait3A_33 = arith.constant 0 : i32
      %dma_wait3A_34 = tpu.memref_slice %arg3[%add3A, %dma_wait3A_33] : memref<32x10000xi32, #tpu.memory_space<hbm>> -> memref<1x10000xi32, #tpu.memory_space<hbm>>
      %dma_wait3A_35 = tpu.memref_squeeze %dma_wait3A_34 : memref<1x10000xi32, #tpu.memory_space<hbm>> -> memref<10000xi32, #tpu.memory_space<hbm>>
      tpu.wait_dma2 semaphore(%run_scoped3A : memref<!tpu.dma_semaphore, #tpu.memory_space<semaphore_mem>>) src(%arg5 : memref<10000xi32, #tpu.memory_space<vmem>>) dst(%dma_wait3A_35 : memref<10000xi32, #tpu.memory_space<hbm>>)
      tpu.yield
    }) : () -> ()
    return
  }
}

#map = affine_map<(d0, d1) -> (0)>
#map1 = affine_map<(d0, d1) -> (0, 0)>
module attributes {stable_mosaic.version = 14 : i64} {
  func.func @_sims_kernel(%arg0: i32, %arg1: i32, %arg2: memref<370048xi32, #tpu.memory_space<hbm>>, %arg3: memref<370048xi32, #tpu.memory_space<hbm>>, %arg4: memref<10000x128xi32, #tpu.memory_space<hbm>>, %arg5: memref<370048xf32, #tpu.memory_space<hbm>>, %arg6: memref<1x128xi32, #tpu.memory_space<vmem>>, %arg7: memref<1x128xi32, #tpu.memory_space<vmem>>, %arg8: memref<128x128xi32, #tpu.memory_space<vmem>>, %arg9: memref<128x128xi32, #tpu.memory_space<vmem>>, %arg10: memref<1x128xf32, #tpu.memory_space<vmem>>, %arg11: memref<128x16xf32, #tpu.memory_space<vmem>>, %arg12: memref<!tpu.dma_semaphore, #tpu.memory_space<semaphore_mem>>, %arg13: memref<!tpu.dma_semaphore, #tpu.memory_space<semaphore_mem>>) attributes {dimension_semantics = [#tpu.dimension_semantics<core_parallel>, #tpu.dimension_semantics<subcore_parallel>], iteration_bounds = array<i64: 2, 16>, scalar_prefetch = 0 : i64, scratch_operands = 8 : i64, tpu.core_type = #tpu.core_type<sc_vector_subcore>, window_params = [{transform_indices = #map}, {transform_indices = #map}, {transform_indices = #map1}, {transform_indices = #map}]} {
    %mul3A = arith.constant 2 : i32
    %mul3A_0 = arith.muli %arg1, %mul3A : i32
    %add3A = arith.addi %mul3A_0, %arg0 : i32
    %mul3A_1 = arith.constant 90 : i32
    %mul3A_2 = arith.muli %add3A, %mul3A_1 : i32
    %min3A = arith.constant 11 : i32
    %min3A_3 = arith.minsi %add3A, %min3A : i32
    %add3A_4 = arith.addi %mul3A_2, %min3A_3 : i32
    %lt3A = arith.constant 11 : i32
    %lt3A_5 = arith.cmpi slt, %add3A, %lt3A : i32
    %jit3A = arith.constant 1 : i32
    %jit3A_6 = arith.constant 0 : i32
    %select_n3A = arith.select %lt3A_5, %jit3A, %jit3A_6 : i32
    %add3A_7 = arith.constant 90 : i32
    %add3A_8 = arith.addi %add3A_7, %select_n3A : i32
    %while3A = arith.constant 0 : i32
    %while3A_9 = arith.subi %add3A_8, %while3A : i32
    %while3A_10 = arith.addi %while3A, %while3A_9 : i32
    %while3A_11 = arith.constant 1 : i32
    %while3A_12 = arith.divsi %while3A_9, %while3A_11 : i32
    %while3A_13 = arith.muli %while3A_12, %while3A_11 : i32
    %while3A_14 = arith.addi %while3A, %while3A_13 : i32
    %while3A_15 = arith.constant 1 : i32
    scf.for %while3A_17 = %while3A to %while3A_14 step %while3A_15  : i32 {
      %add3A_18 = arith.addi %add3A_4, %while3A_17 : i32
      %mul3A_19 = arith.constant 128 : i32
      %mul3A_20 = arith.muli %add3A_18, %mul3A_19 : i32
      %multiple_of3A = tpu.assume_multiple %mul3A_20, 128 : i32
      %run_scoped3A = arith.constant 0 : i32
      "tpu.region"() ({
        %run_scoped3A_610 = tpu.sem_alloc : memref<!tpu.dma_semaphore, #tpu.memory_space<semaphore_mem>>
        %dma_start3A_611 = arith.constant 0 : i32
        %dma_start3A_612 = tpu.memref_slice %arg6[%run_scoped3A, %dma_start3A_611] : memref<1x128xi32, #tpu.memory_space<vmem>> -> memref<1x128xi32, #tpu.memory_space<vmem>>
        %dma_start3A_613 = tpu.memref_squeeze %dma_start3A_612 : memref<1x128xi32, #tpu.memory_space<vmem>> -> memref<128xi32, #tpu.memory_space<vmem>>
        %dma_start3A_614 = tpu.memref_slice %arg2[%multiple_of3A] : memref<370048xi32, #tpu.memory_space<hbm>> -> memref<128xi32, #tpu.memory_space<hbm>>
        %dma_start3A_615 = arith.constant 0 : i32
        %dma_start3A_616 = tpu.memref_slice %arg6[%run_scoped3A, %dma_start3A_615] : memref<1x128xi32, #tpu.memory_space<vmem>> -> memref<1x128xi32, #tpu.memory_space<vmem>>
        %dma_start3A_617 = tpu.memref_squeeze %dma_start3A_616 : memref<1x128xi32, #tpu.memory_space<vmem>> -> memref<128xi32, #tpu.memory_space<vmem>>
        %dma_start3A_618 = tpu.memref_slice %arg2[%multiple_of3A] : memref<370048xi32, #tpu.memory_space<hbm>> -> memref<128xi32, #tpu.memory_space<hbm>>
        tpu.enqueue_dma source(%dma_start3A_618 : memref<128xi32, #tpu.memory_space<hbm>>) target(%dma_start3A_617 : memref<128xi32, #tpu.memory_space<vmem>>) target_semaphore(%run_scoped3A_610 : memref<!tpu.dma_semaphore, #tpu.memory_space<semaphore_mem>>)
        %dma_wait3A_619 = arith.constant 0 : i32
        %dma_wait3A_620 = tpu.memref_slice %arg6[%run_scoped3A, %dma_wait3A_619] : memref<1x128xi32, #tpu.memory_space<vmem>> -> memref<1x128xi32, #tpu.memory_space<vmem>>
        %dma_wait3A_621 = tpu.memref_squeeze %dma_wait3A_620 : memref<1x128xi32, #tpu.memory_space<vmem>> -> memref<128xi32, #tpu.memory_space<vmem>>
        %dma_wait3A_622 = tpu.memref_slice %arg2[%multiple_of3A] : memref<370048xi32, #tpu.memory_space<hbm>> -> memref<128xi32, #tpu.memory_space<hbm>>
        %dma_wait3A_623 = arith.constant 0 : i32
        %dma_wait3A_624 = tpu.memref_slice %arg6[%run_scoped3A, %dma_wait3A_623] : memref<1x128xi32, #tpu.memory_space<vmem>> -> memref<1x128xi32, #tpu.memory_space<vmem>>
        %dma_wait3A_625 = tpu.memref_squeeze %dma_wait3A_624 : memref<1x128xi32, #tpu.memory_space<vmem>> -> memref<128xi32, #tpu.memory_space<vmem>>
        %dma_wait3A_626 = tpu.memref_slice %arg2[%multiple_of3A] : memref<370048xi32, #tpu.memory_space<hbm>> -> memref<128xi32, #tpu.memory_space<hbm>>
        tpu.wait_dma2 semaphore(%run_scoped3A_610 : memref<!tpu.dma_semaphore, #tpu.memory_space<semaphore_mem>>) src(%dma_wait3A_626 : memref<128xi32, #tpu.memory_space<hbm>>) dst(%dma_wait3A_625 : memref<128xi32, #tpu.memory_space<vmem>>)
        tpu.yield
      }) : () -> ()
      %run_scoped3A_21 = arith.constant 0 : i32
      "tpu.region"() ({
        %run_scoped3A_610 = tpu.sem_alloc : memref<!tpu.dma_semaphore, #tpu.memory_space<semaphore_mem>>
        %dma_start3A_611 = arith.constant 0 : i32
        %dma_start3A_612 = tpu.memref_slice %arg7[%run_scoped3A_21, %dma_start3A_611] : memref<1x128xi32, #tpu.memory_space<vmem>> -> memref<1x128xi32, #tpu.memory_space<vmem>>
        %dma_start3A_613 = tpu.memref_squeeze %dma_start3A_612 : memref<1x128xi32, #tpu.memory_space<vmem>> -> memref<128xi32, #tpu.memory_space<vmem>>
        %dma_start3A_614 = tpu.memref_slice %arg3[%multiple_of3A] : memref<370048xi32, #tpu.memory_space<hbm>> -> memref<128xi32, #tpu.memory_space<hbm>>
        %dma_start3A_615 = arith.constant 0 : i32
        %dma_start3A_616 = tpu.memref_slice %arg7[%run_scoped3A_21, %dma_start3A_615] : memref<1x128xi32, #tpu.memory_space<vmem>> -> memref<1x128xi32, #tpu.memory_space<vmem>>
        %dma_start3A_617 = tpu.memref_squeeze %dma_start3A_616 : memref<1x128xi32, #tpu.memory_space<vmem>> -> memref<128xi32, #tpu.memory_space<vmem>>
        %dma_start3A_618 = tpu.memref_slice %arg3[%multiple_of3A] : memref<370048xi32, #tpu.memory_space<hbm>> -> memref<128xi32, #tpu.memory_space<hbm>>
        tpu.enqueue_dma source(%dma_start3A_618 : memref<128xi32, #tpu.memory_space<hbm>>) target(%dma_start3A_617 : memref<128xi32, #tpu.memory_space<vmem>>) target_semaphore(%run_scoped3A_610 : memref<!tpu.dma_semaphore, #tpu.memory_space<semaphore_mem>>)
        %dma_wait3A_619 = arith.constant 0 : i32
        %dma_wait3A_620 = tpu.memref_slice %arg7[%run_scoped3A_21, %dma_wait3A_619] : memref<1x128xi32, #tpu.memory_space<vmem>> -> memref<1x128xi32, #tpu.memory_space<vmem>>
        %dma_wait3A_621 = tpu.memref_squeeze %dma_wait3A_620 : memref<1x128xi32, #tpu.memory_space<vmem>> -> memref<128xi32, #tpu.memory_space<vmem>>
        %dma_wait3A_622 = tpu.memref_slice %arg3[%multiple_of3A] : memref<370048xi32, #tpu.memory_space<hbm>> -> memref<128xi32, #tpu.memory_space<hbm>>
        %dma_wait3A_623 = arith.constant 0 : i32
        %dma_wait3A_624 = tpu.memref_slice %arg7[%run_scoped3A_21, %dma_wait3A_623] : memref<1x128xi32, #tpu.memory_space<vmem>> -> memref<1x128xi32, #tpu.memory_space<vmem>>
        %dma_wait3A_625 = tpu.memref_squeeze %dma_wait3A_624 : memref<1x128xi32, #tpu.memory_space<vmem>> -> memref<128xi32, #tpu.memory_space<vmem>>
        %dma_wait3A_626 = tpu.memref_slice %arg3[%multiple_of3A] : memref<370048xi32, #tpu.memory_space<hbm>> -> memref<128xi32, #tpu.memory_space<hbm>>
        tpu.wait_dma2 semaphore(%run_scoped3A_610 : memref<!tpu.dma_semaphore, #tpu.memory_space<semaphore_mem>>) src(%dma_wait3A_626 : memref<128xi32, #tpu.memory_space<hbm>>) dst(%dma_wait3A_625 : memref<128xi32, #tpu.memory_space<vmem>>)
        tpu.yield
      }) : () -> ()
      %dma_start3A = arith.constant 0 : i32
      %dma_start3A_22 = arith.constant 0 : i32
      %dma_start3A_23 = tpu.memref_slice %arg6[%dma_start3A, %dma_start3A_22] : memref<1x128xi32, #tpu.memory_space<vmem>> -> memref<1x128xi32, #tpu.memory_space<vmem>>
      %dma_start3A_24 = tpu.memref_squeeze %dma_start3A_23 : memref<1x128xi32, #tpu.memory_space<vmem>> -> memref<128xi32, #tpu.memory_space<vmem>>
      %dma_start3A_25 = arith.constant 0 : i32
      %dma_start3A_26 = arith.constant 0 : i32
      %dma_start3A_27 = tpu.memref_slice %arg4[%dma_start3A_25, %dma_start3A_26] : memref<10000x128xi32, #tpu.memory_space<hbm>> -> memref<10000x128xi32, #tpu.memory_space<hbm>>
      tpu.enqueue_indirect_dma source(%dma_start3A_27 : memref<10000x128xi32, #tpu.memory_space<hbm>>) target(%arg8 : memref<128x128xi32, #tpu.memory_space<vmem>>) offsets(%dma_start3A_24 : memref<128xi32, #tpu.memory_space<vmem>>) semaphore(%arg12 : memref<!tpu.dma_semaphore, #tpu.memory_space<semaphore_mem>>)
      %dma_start3A_28 = arith.constant 0 : i32
      %dma_start3A_29 = arith.constant 0 : i32
      %dma_start3A_30 = tpu.memref_slice %arg7[%dma_start3A_28, %dma_start3A_29] : memref<1x128xi32, #tpu.memory_space<vmem>> -> memref<1x128xi32, #tpu.memory_space<vmem>>
      %dma_start3A_31 = tpu.memref_squeeze %dma_start3A_30 : memref<1x128xi32, #tpu.memory_space<vmem>> -> memref<128xi32, #tpu.memory_space<vmem>>
      %dma_start3A_32 = arith.constant 0 : i32
      %dma_start3A_33 = arith.constant 0 : i32
      %dma_start3A_34 = tpu.memref_slice %arg4[%dma_start3A_32, %dma_start3A_33] : memref<10000x128xi32, #tpu.memory_space<hbm>> -> memref<10000x128xi32, #tpu.memory_space<hbm>>
      tpu.enqueue_indirect_dma source(%dma_start3A_34 : memref<10000x128xi32, #tpu.memory_space<hbm>>) target(%arg9 : memref<128x128xi32, #tpu.memory_space<vmem>>) offsets(%dma_start3A_31 : memref<128xi32, #tpu.memory_space<vmem>>) semaphore(%arg13 : memref<!tpu.dma_semaphore, #tpu.memory_space<semaphore_mem>>)
      %dma_wait3A = arith.constant 0 : i32
      %dma_wait3A_35 = arith.constant 0 : i32
      %dma_wait3A_36 = tpu.memref_slice %arg6[%dma_wait3A, %dma_wait3A_35] : memref<1x128xi32, #tpu.memory_space<vmem>> -> memref<1x128xi32, #tpu.memory_space<vmem>>
      %dma_wait3A_37 = tpu.memref_squeeze %dma_wait3A_36 : memref<1x128xi32, #tpu.memory_space<vmem>> -> memref<128xi32, #tpu.memory_space<vmem>>
      %dma_wait3A_38 = arith.constant 0 : i32
      %dma_wait3A_39 = arith.constant 0 : i32
      %dma_wait3A_40 = tpu.memref_slice %arg4[%dma_wait3A_38, %dma_wait3A_39] : memref<10000x128xi32, #tpu.memory_space<hbm>> -> memref<10000x128xi32, #tpu.memory_space<hbm>>
      tpu.wait_indirect_dma semaphore(%arg12 : memref<!tpu.dma_semaphore, #tpu.memory_space<semaphore_mem>>) src(%dma_wait3A_40 : memref<10000x128xi32, #tpu.memory_space<hbm>>) dst(%arg8 : memref<128x128xi32, #tpu.memory_space<vmem>>)
      %dma_wait3A_41 = arith.constant 0 : i32
      %dma_wait3A_42 = arith.constant 0 : i32
      %dma_wait3A_43 = tpu.memref_slice %arg7[%dma_wait3A_41, %dma_wait3A_42] : memref<1x128xi32, #tpu.memory_space<vmem>> -> memref<1x128xi32, #tpu.memory_space<vmem>>
      %dma_wait3A_44 = tpu.memref_squeeze %dma_wait3A_43 : memref<1x128xi32, #tpu.memory_space<vmem>> -> memref<128xi32, #tpu.memory_space<vmem>>
      %dma_wait3A_45 = arith.constant 0 : i32
      %dma_wait3A_46 = arith.constant 0 : i32
      %dma_wait3A_47 = tpu.memref_slice %arg4[%dma_wait3A_45, %dma_wait3A_46] : memref<10000x128xi32, #tpu.memory_space<hbm>> -> memref<10000x128xi32, #tpu.memory_space<hbm>>
      tpu.wait_indirect_dma semaphore(%arg13 : memref<!tpu.dma_semaphore, #tpu.memory_space<semaphore_mem>>) src(%dma_wait3A_47 : memref<10000x128xi32, #tpu.memory_space<hbm>>) dst(%arg9 : memref<128x128xi32, #tpu.memory_space<vmem>>)
      %scan3A = arith.constant 0 : i32
      %scan3A_48 = arith.constant 128 : i32
      %scan3A_49 = arith.addi %scan3A, %scan3A_48 : i32
      %scan3A_50 = arith.constant 2 : i32
      scf.for %scan3A_610 = %scan3A to %scan3A_49 step %scan3A_50  : i32 {
        %get3A = arith.index_cast %scan3A_610 : i32 to index
        %get3A_611 = arith.constant 0 : index
        %get3A_612 = tpu.vector_load %arg8[%get3A, %get3A_611] {strides = array<i32>} : memref<128x128xi32, #tpu.memory_space<vmem>>, vector<16xi32>,
        %bitcast3A = vector.bitcast %get3A_612 : vector<16xi32> to vector<32xbf16>
        %get3A_613 = arith.index_cast %scan3A_610 : i32 to index
        %get3A_614 = arith.constant 0 : index
        %get3A_615 = tpu.vector_load %arg9[%get3A_613, %get3A_614] {strides = array<i32>} : memref<128x128xi32, #tpu.memory_space<vmem>>, vector<16xi32>,
        %bitcast3A_616 = vector.bitcast %get3A_615 : vector<16xi32> to vector<32xbf16>
        %mul3A_617 = arith.mulf %bitcast3A, %bitcast3A_616 : vector<32xbf16>
        %get3A_618 = arith.index_cast %scan3A_610 : i32 to index
        %get3A_619 = arith.constant 16 : index
        %get3A_620 = tpu.vector_load %arg8[%get3A_618, %get3A_619] {strides = array<i32>} : memref<128x128xi32, #tpu.memory_space<vmem>>, vector<16xi32>,
        %bitcast3A_621 = vector.bitcast %get3A_620 : vector<16xi32> to vector<32xbf16>
        %get3A_622 = arith.index_cast %scan3A_610 : i32 to index
        %get3A_623 = arith.constant 16 : index
        %get3A_624 = tpu.vector_load %arg9[%get3A_622, %get3A_623] {strides = array<i32>} : memref<128x128xi32, #tpu.memory_space<vmem>>, vector<16xi32>,
        %bitcast3A_625 = vector.bitcast %get3A_624 : vector<16xi32> to vector<32xbf16>
        %mul3A_626 = arith.mulf %bitcast3A_621, %bitcast3A_625 : vector<32xbf16>
        %add3A_627 = arith.addf %mul3A_617, %mul3A_626 : vector<32xbf16>
        %get3A_628 = arith.index_cast %scan3A_610 : i32 to index
        %get3A_629 = arith.constant 32 : index
        %get3A_630 = tpu.vector_load %arg8[%get3A_628, %get3A_629] {strides = array<i32>} : memref<128x128xi32, #tpu.memory_space<vmem>>, vector<16xi32>,
        %bitcast3A_631 = vector.bitcast %get3A_630 : vector<16xi32> to vector<32xbf16>
        %get3A_632 = arith.index_cast %scan3A_610 : i32 to index
        %get3A_633 = arith.constant 32 : index
        %get3A_634 = tpu.vector_load %arg9[%get3A_632, %get3A_633] {strides = array<i32>} : memref<128x128xi32, #tpu.memory_space<vmem>>, vector<16xi32>,
        %bitcast3A_635 = vector.bitcast %get3A_634 : vector<16xi32> to vector<32xbf16>
        %mul3A_636 = arith.mulf %bitcast3A_631, %bitcast3A_635 : vector<32xbf16>
        %add3A_637 = arith.addf %add3A_627, %mul3A_636 : vector<32xbf16>
        %get3A_638 = arith.index_cast %scan3A_610 : i32 to index
        %get3A_639 = arith.constant 48 : index
        %get3A_640 = tpu.vector_load %arg8[%get3A_638, %get3A_639] {strides = array<i32>} : memref<128x128xi32, #tpu.memory_space<vmem>>, vector<16xi32>,
        %bitcast3A_641 = vector.bitcast %get3A_640 : vector<16xi32> to vector<32xbf16>
        %get3A_642 = arith.index_cast %scan3A_610 : i32 to index
        %get3A_643 = arith.constant 48 : index
        %get3A_644 = tpu.vector_load %arg9[%get3A_642, %get3A_643] {strides = array<i32>} : memref<128x128xi32, #tpu.memory_space<vmem>>, vector<16xi32>,
        %bitcast3A_645 = vector.bitcast %get3A_644 : vector<16xi32> to vector<32xbf16>
        %mul3A_646 = arith.mulf %bitcast3A_641, %bitcast3A_645 : vector<32xbf16>
        %add3A_647 = arith.addf %add3A_637, %mul3A_646 : vector<32xbf16>
        %get3A_648 = arith.index_cast %scan3A_610 : i32 to index
        %get3A_649 = arith.constant 64 : index
        %get3A_650 = tpu.vector_load %arg8[%get3A_648, %get3A_649] {strides = array<i32>} : memref<128x128xi32, #tpu.memory_space<vmem>>, vector<16xi32>,
        %bitcast3A_651 = vector.bitcast %get3A_650 : vector<16xi32> to vector<32xbf16>
        %get3A_652 = arith.index_cast %scan3A_610 : i32 to index
        %get3A_653 = arith.constant 64 : index
        %get3A_654 = tpu.vector_load %arg9[%get3A_652, %get3A_653] {strides = array<i32>} : memref<128x128xi32, #tpu.memory_space<vmem>>, vector<16xi32>,
        %bitcast3A_655 = vector.bitcast %get3A_654 : vector<16xi32> to vector<32xbf16>
        %mul3A_656 = arith.mulf %bitcast3A_651, %bitcast3A_655 : vector<32xbf16>
        %add3A_657 = arith.addf %add3A_647, %mul3A_656 : vector<32xbf16>
        %get3A_658 = arith.index_cast %scan3A_610 : i32 to index
        %get3A_659 = arith.constant 80 : index
        %get3A_660 = tpu.vector_load %arg8[%get3A_658, %get3A_659] {strides = array<i32>} : memref<128x128xi32, #tpu.memory_space<vmem>>, vector<16xi32>,
        %bitcast3A_661 = vector.bitcast %get3A_660 : vector<16xi32> to vector<32xbf16>
        %get3A_662 = arith.index_cast %scan3A_610 : i32 to index
        %get3A_663 = arith.constant 80 : index
        %get3A_664 = tpu.vector_load %arg9[%get3A_662, %get3A_663] {strides = array<i32>} : memref<128x128xi32, #tpu.memory_space<vmem>>, vector<16xi32>,
        %bitcast3A_665 = vector.bitcast %get3A_664 : vector<16xi32> to vector<32xbf16>
        %mul3A_666 = arith.mulf %bitcast3A_661, %bitcast3A_665 : vector<32xbf16>
        %add3A_667 = arith.addf %add3A_657, %mul3A_666 : vector<32xbf16>
        %get3A_668 = arith.index_cast %scan3A_610 : i32 to index
        %get3A_669 = arith.constant 96 : index
        %get3A_670 = tpu.vector_load %arg8[%get3A_668, %get3A_669] {strides = array<i32>} : memref<128x128xi32, #tpu.memory_space<vmem>>, vector<16xi32>,
        %bitcast3A_671 = vector.bitcast %get3A_670 : vector<16xi32> to vector<32xbf16>
        %get3A_672 = arith.index_cast %scan3A_610 : i32 to index
        %get3A_673 = arith.constant 96 : index
        %get3A_674 = tpu.vector_load %arg9[%get3A_672, %get3A_673] {strides = array<i32>} : memref<128x128xi32, #tpu.memory_space<vmem>>, vector<16xi32>,
        %bitcast3A_675 = vector.bitcast %get3A_674 : vector<16xi32> to vector<32xbf16>
        %mul3A_676 = arith.mulf %bitcast3A_671, %bitcast3A_675 : vector<32xbf16>
        %add3A_677 = arith.addf %add3A_667, %mul3A_676 : vector<32xbf16>
        %get3A_678 = arith.index_cast %scan3A_610 : i32 to index
        %get3A_679 = arith.constant 112 : index
        %get3A_680 = tpu.vector_load %arg8[%get3A_678, %get3A_679] {strides = array<i32>} : memref<128x128xi32, #tpu.memory_space<vmem>>, vector<16xi32>,
        %bitcast3A_681 = vector.bitcast %get3A_680 : vector<16xi32> to vector<32xbf16>
        %get3A_682 = arith.index_cast %scan3A_610 : i32 to index
        %get3A_683 = arith.constant 112 : index
        %get3A_684 = tpu.vector_load %arg9[%get3A_682, %get3A_683] {strides = array<i32>} : memref<128x128xi32, #tpu.memory_space<vmem>>, vector<16xi32>,
        %bitcast3A_685 = vector.bitcast %get3A_684 : vector<16xi32> to vector<32xbf16>
        %mul3A_686 = arith.mulf %bitcast3A_681, %bitcast3A_685 : vector<32xbf16>
        %add3A_687 = arith.addf %add3A_677, %mul3A_686 : vector<32xbf16>
        %unpack3A = tpu.unpack_subelements %add3A_687, 0 {pack_format = #tpu.pack_format<interleaved>} : vector<32xbf16> -> vector<16xf32>
        %unpack3A_688 = tpu.unpack_subelements %add3A_687, 1 {pack_format = #tpu.pack_format<interleaved>} : vector<32xbf16> -> vector<16xf32>
        %add3A_689 = arith.addf %unpack3A, %unpack3A_688 : vector<16xf32>
        %swap3A_690 = arith.index_cast %scan3A_610 : i32 to index
        %swap3A_691 = arith.constant 0 : index
        %swap3A_692 = tpu.vector_load %arg11[%swap3A_690, %swap3A_691] {strides = array<i32>} : memref<128x16xf32, #tpu.memory_space<vmem>>, vector<16xf32>,
        tpu.vector_store %arg11[%swap3A_690, %swap3A_691], %add3A_689 {strides = array<i32>} : memref<128x16xf32, #tpu.memory_space<vmem>>, vector<16xf32>,
        %scan3A_693 = arith.constant 1 : i32
        %scan3A_694 = arith.addi %scan3A_610, %scan3A_693 : i32
        %get3A_695 = arith.index_cast %scan3A_694 : i32 to index
        %get3A_696 = arith.constant 0 : index
        %get3A_697 = tpu.vector_load %arg8[%get3A_695, %get3A_696] {strides = array<i32>} : memref<128x128xi32, #tpu.memory_space<vmem>>, vector<16xi32>,
        %bitcast3A_698 = vector.bitcast %get3A_697 : vector<16xi32> to vector<32xbf16>
        %get3A_699 = arith.index_cast %scan3A_694 : i32 to index
        %get3A_700 = arith.constant 0 : index
        %get3A_701 = tpu.vector_load %arg9[%get3A_699, %get3A_700] {strides = array<i32>} : memref<128x128xi32, #tpu.memory_space<vmem>>, vector<16xi32>,
        %bitcast3A_702 = vector.bitcast %get3A_701 : vector<16xi32> to vector<32xbf16>
        %mul3A_703 = arith.mulf %bitcast3A_698, %bitcast3A_702 : vector<32xbf16>
        %get3A_704 = arith.index_cast %scan3A_694 : i32 to index
        %get3A_705 = arith.constant 16 : index
        %get3A_706 = tpu.vector_load %arg8[%get3A_704, %get3A_705] {strides = array<i32>} : memref<128x128xi32, #tpu.memory_space<vmem>>, vector<16xi32>,
        %bitcast3A_707 = vector.bitcast %get3A_706 : vector<16xi32> to vector<32xbf16>
        %get3A_708 = arith.index_cast %scan3A_694 : i32 to index
        %get3A_709 = arith.constant 16 : index
        %get3A_710 = tpu.vector_load %arg9[%get3A_708, %get3A_709] {strides = array<i32>} : memref<128x128xi32, #tpu.memory_space<vmem>>, vector<16xi32>,
        %bitcast3A_711 = vector.bitcast %get3A_710 : vector<16xi32> to vector<32xbf16>
        %mul3A_712 = arith.mulf %bitcast3A_707, %bitcast3A_711 : vector<32xbf16>
        %add3A_713 = arith.addf %mul3A_703, %mul3A_712 : vector<32xbf16>
        %get3A_714 = arith.index_cast %scan3A_694 : i32 to index
        %get3A_715 = arith.constant 32 : index
        %get3A_716 = tpu.vector_load %arg8[%get3A_714, %get3A_715] {strides = array<i32>} : memref<128x128xi32, #tpu.memory_space<vmem>>, vector<16xi32>,
        %bitcast3A_717 = vector.bitcast %get3A_716 : vector<16xi32> to vector<32xbf16>
        %get3A_718 = arith.index_cast %scan3A_694 : i32 to index
        %get3A_719 = arith.constant 32 : index
        %get3A_720 = tpu.vector_load %arg9[%get3A_718, %get3A_719] {strides = array<i32>} : memref<128x128xi32, #tpu.memory_space<vmem>>, vector<16xi32>,
        %bitcast3A_721 = vector.bitcast %get3A_720 : vector<16xi32> to vector<32xbf16>
        %mul3A_722 = arith.mulf %bitcast3A_717, %bitcast3A_721 : vector<32xbf16>
        %add3A_723 = arith.addf %add3A_713, %mul3A_722 : vector<32xbf16>
        %get3A_724 = arith.index_cast %scan3A_694 : i32 to index
        %get3A_725 = arith.constant 48 : index
        %get3A_726 = tpu.vector_load %arg8[%get3A_724, %get3A_725] {strides = array<i32>} : memref<128x128xi32, #tpu.memory_space<vmem>>, vector<16xi32>,
        %bitcast3A_727 = vector.bitcast %get3A_726 : vector<16xi32> to vector<32xbf16>
        %get3A_728 = arith.index_cast %scan3A_694 : i32 to index
        %get3A_729 = arith.constant 48 : index
        %get3A_730 = tpu.vector_load %arg9[%get3A_728, %get3A_729] {strides = array<i32>} : memref<128x128xi32, #tpu.memory_space<vmem>>, vector<16xi32>,
        %bitcast3A_731 = vector.bitcast %get3A_730 : vector<16xi32> to vector<32xbf16>
        %mul3A_732 = arith.mulf %bitcast3A_727, %bitcast3A_731 : vector<32xbf16>
        %add3A_733 = arith.addf %add3A_723, %mul3A_732 : vector<32xbf16>
        %get3A_734 = arith.index_cast %scan3A_694 : i32 to index
        %get3A_735 = arith.constant 64 : index
        %get3A_736 = tpu.vector_load %arg8[%get3A_734, %get3A_735] {strides = array<i32>} : memref<128x128xi32, #tpu.memory_space<vmem>>, vector<16xi32>,
        %bitcast3A_737 = vector.bitcast %get3A_736 : vector<16xi32> to vector<32xbf16>
        %get3A_738 = arith.index_cast %scan3A_694 : i32 to index
        %get3A_739 = arith.constant 64 : index
        %get3A_740 = tpu.vector_load %arg9[%get3A_738, %get3A_739] {strides = array<i32>} : memref<128x128xi32, #tpu.memory_space<vmem>>, vector<16xi32>,
        %bitcast3A_741 = vector.bitcast %get3A_740 : vector<16xi32> to vector<32xbf16>
        %mul3A_742 = arith.mulf %bitcast3A_737, %bitcast3A_741 : vector<32xbf16>
        %add3A_743 = arith.addf %add3A_733, %mul3A_742 : vector<32xbf16>
        %get3A_744 = arith.index_cast %scan3A_694 : i32 to index
        %get3A_745 = arith.constant 80 : index
        %get3A_746 = tpu.vector_load %arg8[%get3A_744, %get3A_745] {strides = array<i32>} : memref<128x128xi32, #tpu.memory_space<vmem>>, vector<16xi32>,
        %bitcast3A_747 = vector.bitcast %get3A_746 : vector<16xi32> to vector<32xbf16>
        %get3A_748 = arith.index_cast %scan3A_694 : i32 to index
        %get3A_749 = arith.constant 80 : index
        %get3A_750 = tpu.vector_load %arg9[%get3A_748, %get3A_749] {strides = array<i32>} : memref<128x128xi32, #tpu.memory_space<vmem>>, vector<16xi32>,
        %bitcast3A_751 = vector.bitcast %get3A_750 : vector<16xi32> to vector<32xbf16>
        %mul3A_752 = arith.mulf %bitcast3A_747, %bitcast3A_751 : vector<32xbf16>
        %add3A_753 = arith.addf %add3A_743, %mul3A_752 : vector<32xbf16>
        %get3A_754 = arith.index_cast %scan3A_694 : i32 to index
        %get3A_755 = arith.constant 96 : index
        %get3A_756 = tpu.vector_load %arg8[%get3A_754, %get3A_755] {strides = array<i32>} : memref<128x128xi32, #tpu.memory_space<vmem>>, vector<16xi32>,
        %bitcast3A_757 = vector.bitcast %get3A_756 : vector<16xi32> to vector<32xbf16>
        %get3A_758 = arith.index_cast %scan3A_694 : i32 to index
        %get3A_759 = arith.constant 96 : index
        %get3A_760 = tpu.vector_load %arg9[%get3A_758, %get3A_759] {strides = array<i32>} : memref<128x128xi32, #tpu.memory_space<vmem>>, vector<16xi32>,
        %bitcast3A_761 = vector.bitcast %get3A_760 : vector<16xi32> to vector<32xbf16>
        %mul3A_762 = arith.mulf %bitcast3A_757, %bitcast3A_761 : vector<32xbf16>
        %add3A_763 = arith.addf %add3A_753, %mul3A_762 : vector<32xbf16>
        %get3A_764 = arith.index_cast %scan3A_694 : i32 to index
        %get3A_765 = arith.constant 112 : index
        %get3A_766 = tpu.vector_load %arg8[%get3A_764, %get3A_765] {strides = array<i32>} : memref<128x128xi32, #tpu.memory_space<vmem>>, vector<16xi32>,
        %bitcast3A_767 = vector.bitcast %get3A_766 : vector<16xi32> to vector<32xbf16>
        %get3A_768 = arith.index_cast %scan3A_694 : i32 to index
        %get3A_769 = arith.constant 112 : index
        %get3A_770 = tpu.vector_load %arg9[%get3A_768, %get3A_769] {strides = array<i32>} : memref<128x128xi32, #tpu.memory_space<vmem>>, vector<16xi32>,
        %bitcast3A_771 = vector.bitcast %get3A_770 : vector<16xi32> to vector<32xbf16>
        %mul3A_772 = arith.mulf %bitcast3A_767, %bitcast3A_771 : vector<32xbf16>
        %add3A_773 = arith.addf %add3A_763, %mul3A_772 : vector<32xbf16>
        %unpack3A_774 = tpu.unpack_subelements %add3A_773, 0 {pack_format = #tpu.pack_format<interleaved>} : vector<32xbf16> -> vector<16xf32>
        %unpack3A_775 = tpu.unpack_subelements %add3A_773, 1 {pack_format = #tpu.pack_format<interleaved>} : vector<32xbf16> -> vector<16xf32>
        %add3A_776 = arith.addf %unpack3A_774, %unpack3A_775 : vector<16xf32>
        %swap3A_777 = arith.index_cast %scan3A_694 : i32 to index
        %swap3A_778 = arith.constant 0 : index
        %swap3A_779 = tpu.vector_load %arg11[%swap3A_777, %swap3A_778] {strides = array<i32>} : memref<128x16xf32, #tpu.memory_space<vmem>>, vector<16xf32>,
        tpu.vector_store %arg11[%swap3A_777, %swap3A_778], %add3A_776 {strides = array<i32>} : memref<128x16xf32, #tpu.memory_space<vmem>>, vector<16xf32>,
      }
      %scan3A_51 = arith.constant 128 : i32
      %iota3A = tpu.iota {dimensions = array<i32: 0>} : vector<16xi32>
      %add3A_52 = arith.constant 0 : i32
      %add3A_53 = vector.broadcast %add3A_52 : i32 to vector<16xi32>
      %add3A_54 = arith.addi %iota3A, %add3A_53 : vector<16xi32>
      %broadcast_in_dim3A = arith.constant 0 : i32
      %broadcast_in_dim3A_55 = vector.broadcast %broadcast_in_dim3A : i32 to vector<16xi32>
      %gather3A = tpu.vector_load_idx %arg11[%add3A_54, %broadcast_in_dim3A_55] : memref<128x16xf32, #tpu.memory_space<vmem>>[vector<16xi32>, vector<16xi32>], vector<16xf32>,
      %broadcast_in_dim3A_56 = arith.constant 1 : i32
      %broadcast_in_dim3A_57 = vector.broadcast %broadcast_in_dim3A_56 : i32 to vector<16xi32>
      %gather3A_58 = tpu.vector_load_idx %arg11[%add3A_54, %broadcast_in_dim3A_57] : memref<128x16xf32, #tpu.memory_space<vmem>>[vector<16xi32>, vector<16xi32>], vector<16xf32>,
      %add3A_59 = arith.addf %gather3A, %gather3A_58 : vector<16xf32>
      %broadcast_in_dim3A_60 = arith.constant 2 : i32
      %broadcast_in_dim3A_61 = vector.broadcast %broadcast_in_dim3A_60 : i32 to vector<16xi32>
      %gather3A_62 = tpu.vector_load_idx %arg11[%add3A_54, %broadcast_in_dim3A_61] : memref<128x16xf32, #tpu.memory_space<vmem>>[vector<16xi32>, vector<16xi32>], vector<16xf32>,
      %add3A_63 = arith.addf %add3A_59, %gather3A_62 : vector<16xf32>
      %broadcast_in_dim3A_64 = arith.constant 3 : i32
      %broadcast_in_dim3A_65 = vector.broadcast %broadcast_in_dim3A_64 : i32 to vector<16xi32>
      %gather3A_66 = tpu.vector_load_idx %arg11[%add3A_54, %broadcast_in_dim3A_65] : memref<128x16xf32, #tpu.memory_space<vmem>>[vector<16xi32>, vector<16xi32>], vector<16xf32>,
      %add3A_67 = arith.addf %add3A_63, %gather3A_66 : vector<16xf32>
      %broadcast_in_dim3A_68 = arith.constant 4 : i32
      %broadcast_in_dim3A_69 = vector.broadcast %broadcast_in_dim3A_68 : i32 to vector<16xi32>
      %gather3A_70 = tpu.vector_load_idx %arg11[%add3A_54, %broadcast_in_dim3A_69] : memref<128x16xf32, #tpu.memory_space<vmem>>[vector<16xi32>, vector<16xi32>], vector<16xf32>,
      %add3A_71 = arith.addf %add3A_67, %gather3A_70 : vector<16xf32>
      %broadcast_in_dim3A_72 = arith.constant 5 : i32
      %broadcast_in_dim3A_73 = vector.broadcast %broadcast_in_dim3A_72 : i32 to vector<16xi32>
      %gather3A_74 = tpu.vector_load_idx %arg11[%add3A_54, %broadcast_in_dim3A_73] : memref<128x16xf32, #tpu.memory_space<vmem>>[vector<16xi32>, vector<16xi32>], vector<16xf32>,
      %add3A_75 = arith.addf %add3A_71, %gather3A_74 : vector<16xf32>
      %broadcast_in_dim3A_76 = arith.constant 6 : i32
      %broadcast_in_dim3A_77 = vector.broadcast %broadcast_in_dim3A_76 : i32 to vector<16xi32>
      %gather3A_78 = tpu.vector_load_idx %arg11[%add3A_54, %broadcast_in_dim3A_77] : memref<128x16xf32, #tpu.memory_space<vmem>>[vector<16xi32>, vector<16xi32>], vector<16xf32>,
      %add3A_79 = arith.addf %add3A_75, %gather3A_78 : vector<16xf32>
      %broadcast_in_dim3A_80 = arith.constant 7 : i32
      %broadcast_in_dim3A_81 = vector.broadcast %broadcast_in_dim3A_80 : i32 to vector<16xi32>
      %gather3A_82 = tpu.vector_load_idx %arg11[%add3A_54, %broadcast_in_dim3A_81] : memref<128x16xf32, #tpu.memory_space<vmem>>[vector<16xi32>, vector<16xi32>], vector<16xf32>,
      %add3A_83 = arith.addf %add3A_79, %gather3A_82 : vector<16xf32>
      %broadcast_in_dim3A_84 = arith.constant 8 : i32
      %broadcast_in_dim3A_85 = vector.broadcast %broadcast_in_dim3A_84 : i32 to vector<16xi32>
      %gather3A_86 = tpu.vector_load_idx %arg11[%add3A_54, %broadcast_in_dim3A_85] : memref<128x16xf32, #tpu.memory_space<vmem>>[vector<16xi32>, vector<16xi32>], vector<16xf32>,
      %add3A_87 = arith.addf %add3A_83, %gather3A_86 : vector<16xf32>
      %broadcast_in_dim3A_88 = arith.constant 9 : i32
      %broadcast_in_dim3A_89 = vector.broadcast %broadcast_in_dim3A_88 : i32 to vector<16xi32>
      %gather3A_90 = tpu.vector_load_idx %arg11[%add3A_54, %broadcast_in_dim3A_89] : memref<128x16xf32, #tpu.memory_space<vmem>>[vector<16xi32>, vector<16xi32>], vector<16xf32>,
      %add3A_91 = arith.addf %add3A_87, %gather3A_90 : vector<16xf32>
      %broadcast_in_dim3A_92 = arith.constant 10 : i32
      %broadcast_in_dim3A_93 = vector.broadcast %broadcast_in_dim3A_92 : i32 to vector<16xi32>
      %gather3A_94 = tpu.vector_load_idx %arg11[%add3A_54, %broadcast_in_dim3A_93] : memref<128x16xf32, #tpu.memory_space<vmem>>[vector<16xi32>, vector<16xi32>], vector<16xf32>,
      %add3A_95 = arith.addf %add3A_91, %gather3A_94 : vector<16xf32>
      %broadcast_in_dim3A_96 = arith.constant 11 : i32
      %broadcast_in_dim3A_97 = vector.broadcast %broadcast_in_dim3A_96 : i32 to vector<16xi32>
      %gather3A_98 = tpu.vector_load_idx %arg11[%add3A_54, %broadcast_in_dim3A_97] : memref<128x16xf32, #tpu.memory_space<vmem>>[vector<16xi32>, vector<16xi32>], vector<16xf32>,
      %add3A_99 = arith.addf %add3A_95, %gather3A_98 : vector<16xf32>
      %broadcast_in_dim3A_100 = arith.constant 12 : i32
      %broadcast_in_dim3A_101 = vector.broadcast %broadcast_in_dim3A_100 : i32 to vector<16xi32>
      %gather3A_102 = tpu.vector_load_idx %arg11[%add3A_54, %broadcast_in_dim3A_101] : memref<128x16xf32, #tpu.memory_space<vmem>>[vector<16xi32>, vector<16xi32>], vector<16xf32>,
      %add3A_103 = arith.addf %add3A_99, %gather3A_102 : vector<16xf32>
      %broadcast_in_dim3A_104 = arith.constant 13 : i32
      %broadcast_in_dim3A_105 = vector.broadcast %broadcast_in_dim3A_104 : i32 to vector<16xi32>
      %gather3A_106 = tpu.vector_load_idx %arg11[%add3A_54, %broadcast_in_dim3A_105] : memref<128x16xf32, #tpu.memory_space<vmem>>[vector<16xi32>, vector<16xi32>], vector<16xf32>,
      %add3A_107 = arith.addf %add3A_103, %gather3A_106 : vector<16xf32>
      %broadcast_in_dim3A_108 = arith.constant 14 : i32
      %broadcast_in_dim3A_109 = vector.broadcast %broadcast_in_dim3A_108 : i32 to vector<16xi32>
      %gather3A_110 = tpu.vector_load_idx %arg11[%add3A_54, %broadcast_in_dim3A_109] : memref<128x16xf32, #tpu.memory_space<vmem>>[vector<16xi32>, vector<16xi32>], vector<16xf32>,
      %add3A_111 = arith.addf %add3A_107, %gather3A_110 : vector<16xf32>
      %broadcast_in_dim3A_112 = arith.constant 15 : i32
      %broadcast_in_dim3A_113 = vector.broadcast %broadcast_in_dim3A_112 : i32 to vector<16xi32>
      %gather3A_114 = tpu.vector_load_idx %arg11[%add3A_54, %broadcast_in_dim3A_113] : memref<128x16xf32, #tpu.memory_space<vmem>>[vector<16xi32>, vector<16xi32>], vector<16xf32>,
      %add3A_115 = arith.addf %add3A_111, %gather3A_114 : vector<16xf32>
      %swap3A = arith.constant 0 : i32
      %swap3A_116 = arith.index_cast %swap3A : i32 to index
      %swap3A_117 = arith.constant 0 : index
      %swap3A_118 = tpu.vector_load %arg10[%swap3A_116, %swap3A_117] {strides = array<i32>} : memref<1x128xf32, #tpu.memory_space<vmem>>, vector<16xf32>,
      tpu.vector_store %arg10[%swap3A_116, %swap3A_117], %add3A_115 {strides = array<i32>} : memref<1x128xf32, #tpu.memory_space<vmem>>, vector<16xf32>,
      %add3A_119 = arith.constant 16 : i32
      %add3A_120 = vector.broadcast %add3A_119 : i32 to vector<16xi32>
      %add3A_121 = arith.addi %iota3A, %add3A_120 : vector<16xi32>
      %broadcast_in_dim3A_122 = arith.constant 0 : i32
      %broadcast_in_dim3A_123 = vector.broadcast %broadcast_in_dim3A_122 : i32 to vector<16xi32>
      %gather3A_124 = tpu.vector_load_idx %arg11[%add3A_121, %broadcast_in_dim3A_123] : memref<128x16xf32, #tpu.memory_space<vmem>>[vector<16xi32>, vector<16xi32>], vector<16xf32>,
      %broadcast_in_dim3A_125 = arith.constant 1 : i32
      %broadcast_in_dim3A_126 = vector.broadcast %broadcast_in_dim3A_125 : i32 to vector<16xi32>
      %gather3A_127 = tpu.vector_load_idx %arg11[%add3A_121, %broadcast_in_dim3A_126] : memref<128x16xf32, #tpu.memory_space<vmem>>[vector<16xi32>, vector<16xi32>], vector<16xf32>,
      %add3A_128 = arith.addf %gather3A_124, %gather3A_127 : vector<16xf32>
      %broadcast_in_dim3A_129 = arith.constant 2 : i32
      %broadcast_in_dim3A_130 = vector.broadcast %broadcast_in_dim3A_129 : i32 to vector<16xi32>
      %gather3A_131 = tpu.vector_load_idx %arg11[%add3A_121, %broadcast_in_dim3A_130] : memref<128x16xf32, #tpu.memory_space<vmem>>[vector<16xi32>, vector<16xi32>], vector<16xf32>,
      %add3A_132 = arith.addf %add3A_128, %gather3A_131 : vector<16xf32>
      %broadcast_in_dim3A_133 = arith.constant 3 : i32
      %broadcast_in_dim3A_134 = vector.broadcast %broadcast_in_dim3A_133 : i32 to vector<16xi32>
      %gather3A_135 = tpu.vector_load_idx %arg11[%add3A_121, %broadcast_in_dim3A_134] : memref<128x16xf32, #tpu.memory_space<vmem>>[vector<16xi32>, vector<16xi32>], vector<16xf32>,
      %add3A_136 = arith.addf %add3A_132, %gather3A_135 : vector<16xf32>
      %broadcast_in_dim3A_137 = arith.constant 4 : i32
      %broadcast_in_dim3A_138 = vector.broadcast %broadcast_in_dim3A_137 : i32 to vector<16xi32>
      %gather3A_139 = tpu.vector_load_idx %arg11[%add3A_121, %broadcast_in_dim3A_138] : memref<128x16xf32, #tpu.memory_space<vmem>>[vector<16xi32>, vector<16xi32>], vector<16xf32>,
      %add3A_140 = arith.addf %add3A_136, %gather3A_139 : vector<16xf32>
      %broadcast_in_dim3A_141 = arith.constant 5 : i32
      %broadcast_in_dim3A_142 = vector.broadcast %broadcast_in_dim3A_141 : i32 to vector<16xi32>
      %gather3A_143 = tpu.vector_load_idx %arg11[%add3A_121, %broadcast_in_dim3A_142] : memref<128x16xf32, #tpu.memory_space<vmem>>[vector<16xi32>, vector<16xi32>], vector<16xf32>,
      %add3A_144 = arith.addf %add3A_140, %gather3A_143 : vector<16xf32>
      %broadcast_in_dim3A_145 = arith.constant 6 : i32
      %broadcast_in_dim3A_146 = vector.broadcast %broadcast_in_dim3A_145 : i32 to vector<16xi32>
      %gather3A_147 = tpu.vector_load_idx %arg11[%add3A_121, %broadcast_in_dim3A_146] : memref<128x16xf32, #tpu.memory_space<vmem>>[vector<16xi32>, vector<16xi32>], vector<16xf32>,
      %add3A_148 = arith.addf %add3A_144, %gather3A_147 : vector<16xf32>
      %broadcast_in_dim3A_149 = arith.constant 7 : i32
      %broadcast_in_dim3A_150 = vector.broadcast %broadcast_in_dim3A_149 : i32 to vector<16xi32>
      %gather3A_151 = tpu.vector_load_idx %arg11[%add3A_121, %broadcast_in_dim3A_150] : memref<128x16xf32, #tpu.memory_space<vmem>>[vector<16xi32>, vector<16xi32>], vector<16xf32>,
      %add3A_152 = arith.addf %add3A_148, %gather3A_151 : vector<16xf32>
      %broadcast_in_dim3A_153 = arith.constant 8 : i32
      %broadcast_in_dim3A_154 = vector.broadcast %broadcast_in_dim3A_153 : i32 to vector<16xi32>
      %gather3A_155 = tpu.vector_load_idx %arg11[%add3A_121, %broadcast_in_dim3A_154] : memref<128x16xf32, #tpu.memory_space<vmem>>[vector<16xi32>, vector<16xi32>], vector<16xf32>,
      %add3A_156 = arith.addf %add3A_152, %gather3A_155 : vector<16xf32>
      %broadcast_in_dim3A_157 = arith.constant 9 : i32
      %broadcast_in_dim3A_158 = vector.broadcast %broadcast_in_dim3A_157 : i32 to vector<16xi32>
      %gather3A_159 = tpu.vector_load_idx %arg11[%add3A_121, %broadcast_in_dim3A_158] : memref<128x16xf32, #tpu.memory_space<vmem>>[vector<16xi32>, vector<16xi32>], vector<16xf32>,
      %add3A_160 = arith.addf %add3A_156, %gather3A_159 : vector<16xf32>
      %broadcast_in_dim3A_161 = arith.constant 10 : i32
      %broadcast_in_dim3A_162 = vector.broadcast %broadcast_in_dim3A_161 : i32 to vector<16xi32>
      %gather3A_163 = tpu.vector_load_idx %arg11[%add3A_121, %broadcast_in_dim3A_162] : memref<128x16xf32, #tpu.memory_space<vmem>>[vector<16xi32>, vector<16xi32>], vector<16xf32>,
      %add3A_164 = arith.addf %add3A_160, %gather3A_163 : vector<16xf32>
      %broadcast_in_dim3A_165 = arith.constant 11 : i32
      %broadcast_in_dim3A_166 = vector.broadcast %broadcast_in_dim3A_165 : i32 to vector<16xi32>
      %gather3A_167 = tpu.vector_load_idx %arg11[%add3A_121, %broadcast_in_dim3A_166] : memref<128x16xf32, #tpu.memory_space<vmem>>[vector<16xi32>, vector<16xi32>], vector<16xf32>,
      %add3A_168 = arith.addf %add3A_164, %gather3A_167 : vector<16xf32>
      %broadcast_in_dim3A_169 = arith.constant 12 : i32
      %broadcast_in_dim3A_170 = vector.broadcast %broadcast_in_dim3A_169 : i32 to vector<16xi32>
      %gather3A_171 = tpu.vector_load_idx %arg11[%add3A_121, %broadcast_in_dim3A_170] : memref<128x16xf32, #tpu.memory_space<vmem>>[vector<16xi32>, vector<16xi32>], vector<16xf32>,
      %add3A_172 = arith.addf %add3A_168, %gather3A_171 : vector<16xf32>
      %broadcast_in_dim3A_173 = arith.constant 13 : i32
      %broadcast_in_dim3A_174 = vector.broadcast %broadcast_in_dim3A_173 : i32 to vector<16xi32>
      %gather3A_175 = tpu.vector_load_idx %arg11[%add3A_121, %broadcast_in_dim3A_174] : memref<128x16xf32, #tpu.memory_space<vmem>>[vector<16xi32>, vector<16xi32>], vector<16xf32>,
      %add3A_176 = arith.addf %add3A_172, %gather3A_175 : vector<16xf32>
      %broadcast_in_dim3A_177 = arith.constant 14 : i32
      %broadcast_in_dim3A_178 = vector.broadcast %broadcast_in_dim3A_177 : i32 to vector<16xi32>
      %gather3A_179 = tpu.vector_load_idx %arg11[%add3A_121, %broadcast_in_dim3A_178] : memref<128x16xf32, #tpu.memory_space<vmem>>[vector<16xi32>, vector<16xi32>], vector<16xf32>,
      %add3A_180 = arith.addf %add3A_176, %gather3A_179 : vector<16xf32>
      %broadcast_in_dim3A_181 = arith.constant 15 : i32
      %broadcast_in_dim3A_182 = vector.broadcast %broadcast_in_dim3A_181 : i32 to vector<16xi32>
      %gather3A_183 = tpu.vector_load_idx %arg11[%add3A_121, %broadcast_in_dim3A_182] : memref<128x16xf32, #tpu.memory_space<vmem>>[vector<16xi32>, vector<16xi32>], vector<16xf32>,
      %add3A_184 = arith.addf %add3A_180, %gather3A_183 : vector<16xf32>
      %swap3A_185 = arith.constant 0 : i32
      %swap3A_186 = arith.index_cast %swap3A_185 : i32 to index
      %swap3A_187 = arith.constant 16 : index
      %swap3A_188 = tpu.vector_load %arg10[%swap3A_186, %swap3A_187] {strides = array<i32>} : memref<1x128xf32, #tpu.memory_space<vmem>>, vector<16xf32>,
      tpu.vector_store %arg10[%swap3A_186, %swap3A_187], %add3A_184 {strides = array<i32>} : memref<1x128xf32, #tpu.memory_space<vmem>>, vector<16xf32>,
      %add3A_189 = arith.constant 32 : i32
      %add3A_190 = vector.broadcast %add3A_189 : i32 to vector<16xi32>
      %add3A_191 = arith.addi %iota3A, %add3A_190 : vector<16xi32>
      %broadcast_in_dim3A_192 = arith.constant 0 : i32
      %broadcast_in_dim3A_193 = vector.broadcast %broadcast_in_dim3A_192 : i32 to vector<16xi32>
      %gather3A_194 = tpu.vector_load_idx %arg11[%add3A_191, %broadcast_in_dim3A_193] : memref<128x16xf32, #tpu.memory_space<vmem>>[vector<16xi32>, vector<16xi32>], vector<16xf32>,
      %broadcast_in_dim3A_195 = arith.constant 1 : i32
      %broadcast_in_dim3A_196 = vector.broadcast %broadcast_in_dim3A_195 : i32 to vector<16xi32>
      %gather3A_197 = tpu.vector_load_idx %arg11[%add3A_191, %broadcast_in_dim3A_196] : memref<128x16xf32, #tpu.memory_space<vmem>>[vector<16xi32>, vector<16xi32>], vector<16xf32>,
      %add3A_198 = arith.addf %gather3A_194, %gather3A_197 : vector<16xf32>
      %broadcast_in_dim3A_199 = arith.constant 2 : i32
      %broadcast_in_dim3A_200 = vector.broadcast %broadcast_in_dim3A_199 : i32 to vector<16xi32>
      %gather3A_201 = tpu.vector_load_idx %arg11[%add3A_191, %broadcast_in_dim3A_200] : memref<128x16xf32, #tpu.memory_space<vmem>>[vector<16xi32>, vector<16xi32>], vector<16xf32>,
      %add3A_202 = arith.addf %add3A_198, %gather3A_201 : vector<16xf32>
      %broadcast_in_dim3A_203 = arith.constant 3 : i32
      %broadcast_in_dim3A_204 = vector.broadcast %broadcast_in_dim3A_203 : i32 to vector<16xi32>
      %gather3A_205 = tpu.vector_load_idx %arg11[%add3A_191, %broadcast_in_dim3A_204] : memref<128x16xf32, #tpu.memory_space<vmem>>[vector<16xi32>, vector<16xi32>], vector<16xf32>,
      %add3A_206 = arith.addf %add3A_202, %gather3A_205 : vector<16xf32>
      %broadcast_in_dim3A_207 = arith.constant 4 : i32
      %broadcast_in_dim3A_208 = vector.broadcast %broadcast_in_dim3A_207 : i32 to vector<16xi32>
      %gather3A_209 = tpu.vector_load_idx %arg11[%add3A_191, %broadcast_in_dim3A_208] : memref<128x16xf32, #tpu.memory_space<vmem>>[vector<16xi32>, vector<16xi32>], vector<16xf32>,
      %add3A_210 = arith.addf %add3A_206, %gather3A_209 : vector<16xf32>
      %broadcast_in_dim3A_211 = arith.constant 5 : i32
      %broadcast_in_dim3A_212 = vector.broadcast %broadcast_in_dim3A_211 : i32 to vector<16xi32>
      %gather3A_213 = tpu.vector_load_idx %arg11[%add3A_191, %broadcast_in_dim3A_212] : memref<128x16xf32, #tpu.memory_space<vmem>>[vector<16xi32>, vector<16xi32>], vector<16xf32>,
      %add3A_214 = arith.addf %add3A_210, %gather3A_213 : vector<16xf32>
      %broadcast_in_dim3A_215 = arith.constant 6 : i32
      %broadcast_in_dim3A_216 = vector.broadcast %broadcast_in_dim3A_215 : i32 to vector<16xi32>
      %gather3A_217 = tpu.vector_load_idx %arg11[%add3A_191, %broadcast_in_dim3A_216] : memref<128x16xf32, #tpu.memory_space<vmem>>[vector<16xi32>, vector<16xi32>], vector<16xf32>,
      %add3A_218 = arith.addf %add3A_214, %gather3A_217 : vector<16xf32>
      %broadcast_in_dim3A_219 = arith.constant 7 : i32
      %broadcast_in_dim3A_220 = vector.broadcast %broadcast_in_dim3A_219 : i32 to vector<16xi32>
      %gather3A_221 = tpu.vector_load_idx %arg11[%add3A_191, %broadcast_in_dim3A_220] : memref<128x16xf32, #tpu.memory_space<vmem>>[vector<16xi32>, vector<16xi32>], vector<16xf32>,
      %add3A_222 = arith.addf %add3A_218, %gather3A_221 : vector<16xf32>
      %broadcast_in_dim3A_223 = arith.constant 8 : i32
      %broadcast_in_dim3A_224 = vector.broadcast %broadcast_in_dim3A_223 : i32 to vector<16xi32>
      %gather3A_225 = tpu.vector_load_idx %arg11[%add3A_191, %broadcast_in_dim3A_224] : memref<128x16xf32, #tpu.memory_space<vmem>>[vector<16xi32>, vector<16xi32>], vector<16xf32>,
      %add3A_226 = arith.addf %add3A_222, %gather3A_225 : vector<16xf32>
      %broadcast_in_dim3A_227 = arith.constant 9 : i32
      %broadcast_in_dim3A_228 = vector.broadcast %broadcast_in_dim3A_227 : i32 to vector<16xi32>
      %gather3A_229 = tpu.vector_load_idx %arg11[%add3A_191, %broadcast_in_dim3A_228] : memref<128x16xf32, #tpu.memory_space<vmem>>[vector<16xi32>, vector<16xi32>], vector<16xf32>,
      %add3A_230 = arith.addf %add3A_226, %gather3A_229 : vector<16xf32>
      %broadcast_in_dim3A_231 = arith.constant 10 : i32
      %broadcast_in_dim3A_232 = vector.broadcast %broadcast_in_dim3A_231 : i32 to vector<16xi32>
      %gather3A_233 = tpu.vector_load_idx %arg11[%add3A_191, %broadcast_in_dim3A_232] : memref<128x16xf32, #tpu.memory_space<vmem>>[vector<16xi32>, vector<16xi32>], vector<16xf32>,
      %add3A_234 = arith.addf %add3A_230, %gather3A_233 : vector<16xf32>
      %broadcast_in_dim3A_235 = arith.constant 11 : i32
      %broadcast_in_dim3A_236 = vector.broadcast %broadcast_in_dim3A_235 : i32 to vector<16xi32>
      %gather3A_237 = tpu.vector_load_idx %arg11[%add3A_191, %broadcast_in_dim3A_236] : memref<128x16xf32, #tpu.memory_space<vmem>>[vector<16xi32>, vector<16xi32>], vector<16xf32>,
      %add3A_238 = arith.addf %add3A_234, %gather3A_237 : vector<16xf32>
      %broadcast_in_dim3A_239 = arith.constant 12 : i32
      %broadcast_in_dim3A_240 = vector.broadcast %broadcast_in_dim3A_239 : i32 to vector<16xi32>
      %gather3A_241 = tpu.vector_load_idx %arg11[%add3A_191, %broadcast_in_dim3A_240] : memref<128x16xf32, #tpu.memory_space<vmem>>[vector<16xi32>, vector<16xi32>], vector<16xf32>,
      %add3A_242 = arith.addf %add3A_238, %gather3A_241 : vector<16xf32>
      %broadcast_in_dim3A_243 = arith.constant 13 : i32
      %broadcast_in_dim3A_244 = vector.broadcast %broadcast_in_dim3A_243 : i32 to vector<16xi32>
      %gather3A_245 = tpu.vector_load_idx %arg11[%add3A_191, %broadcast_in_dim3A_244] : memref<128x16xf32, #tpu.memory_space<vmem>>[vector<16xi32>, vector<16xi32>], vector<16xf32>,
      %add3A_246 = arith.addf %add3A_242, %gather3A_245 : vector<16xf32>
      %broadcast_in_dim3A_247 = arith.constant 14 : i32
      %broadcast_in_dim3A_248 = vector.broadcast %broadcast_in_dim3A_247 : i32 to vector<16xi32>
      %gather3A_249 = tpu.vector_load_idx %arg11[%add3A_191, %broadcast_in_dim3A_248] : memref<128x16xf32, #tpu.memory_space<vmem>>[vector<16xi32>, vector<16xi32>], vector<16xf32>,
      %add3A_250 = arith.addf %add3A_246, %gather3A_249 : vector<16xf32>
      %broadcast_in_dim3A_251 = arith.constant 15 : i32
      %broadcast_in_dim3A_252 = vector.broadcast %broadcast_in_dim3A_251 : i32 to vector<16xi32>
      %gather3A_253 = tpu.vector_load_idx %arg11[%add3A_191, %broadcast_in_dim3A_252] : memref<128x16xf32, #tpu.memory_space<vmem>>[vector<16xi32>, vector<16xi32>], vector<16xf32>,
      %add3A_254 = arith.addf %add3A_250, %gather3A_253 : vector<16xf32>
      %swap3A_255 = arith.constant 0 : i32
      %swap3A_256 = arith.index_cast %swap3A_255 : i32 to index
      %swap3A_257 = arith.constant 32 : index
      %swap3A_258 = tpu.vector_load %arg10[%swap3A_256, %swap3A_257] {strides = array<i32>} : memref<1x128xf32, #tpu.memory_space<vmem>>, vector<16xf32>,
      tpu.vector_store %arg10[%swap3A_256, %swap3A_257], %add3A_254 {strides = array<i32>} : memref<1x128xf32, #tpu.memory_space<vmem>>, vector<16xf32>,
      %add3A_259 = arith.constant 48 : i32
      %add3A_260 = vector.broadcast %add3A_259 : i32 to vector<16xi32>
      %add3A_261 = arith.addi %iota3A, %add3A_260 : vector<16xi32>
      %broadcast_in_dim3A_262 = arith.constant 0 : i32
      %broadcast_in_dim3A_263 = vector.broadcast %broadcast_in_dim3A_262 : i32 to vector<16xi32>
      %gather3A_264 = tpu.vector_load_idx %arg11[%add3A_261, %broadcast_in_dim3A_263] : memref<128x16xf32, #tpu.memory_space<vmem>>[vector<16xi32>, vector<16xi32>], vector<16xf32>,
      %broadcast_in_dim3A_265 = arith.constant 1 : i32
      %broadcast_in_dim3A_266 = vector.broadcast %broadcast_in_dim3A_265 : i32 to vector<16xi32>
      %gather3A_267 = tpu.vector_load_idx %arg11[%add3A_261, %broadcast_in_dim3A_266] : memref<128x16xf32, #tpu.memory_space<vmem>>[vector<16xi32>, vector<16xi32>], vector<16xf32>,
      %add3A_268 = arith.addf %gather3A_264, %gather3A_267 : vector<16xf32>
      %broadcast_in_dim3A_269 = arith.constant 2 : i32
      %broadcast_in_dim3A_270 = vector.broadcast %broadcast_in_dim3A_269 : i32 to vector<16xi32>
      %gather3A_271 = tpu.vector_load_idx %arg11[%add3A_261, %broadcast_in_dim3A_270] : memref<128x16xf32, #tpu.memory_space<vmem>>[vector<16xi32>, vector<16xi32>], vector<16xf32>,
      %add3A_272 = arith.addf %add3A_268, %gather3A_271 : vector<16xf32>
      %broadcast_in_dim3A_273 = arith.constant 3 : i32
      %broadcast_in_dim3A_274 = vector.broadcast %broadcast_in_dim3A_273 : i32 to vector<16xi32>
      %gather3A_275 = tpu.vector_load_idx %arg11[%add3A_261, %broadcast_in_dim3A_274] : memref<128x16xf32, #tpu.memory_space<vmem>>[vector<16xi32>, vector<16xi32>], vector<16xf32>,
      %add3A_276 = arith.addf %add3A_272, %gather3A_275 : vector<16xf32>
      %broadcast_in_dim3A_277 = arith.constant 4 : i32
      %broadcast_in_dim3A_278 = vector.broadcast %broadcast_in_dim3A_277 : i32 to vector<16xi32>
      %gather3A_279 = tpu.vector_load_idx %arg11[%add3A_261, %broadcast_in_dim3A_278] : memref<128x16xf32, #tpu.memory_space<vmem>>[vector<16xi32>, vector<16xi32>], vector<16xf32>,
      %add3A_280 = arith.addf %add3A_276, %gather3A_279 : vector<16xf32>
      %broadcast_in_dim3A_281 = arith.constant 5 : i32
      %broadcast_in_dim3A_282 = vector.broadcast %broadcast_in_dim3A_281 : i32 to vector<16xi32>
      %gather3A_283 = tpu.vector_load_idx %arg11[%add3A_261, %broadcast_in_dim3A_282] : memref<128x16xf32, #tpu.memory_space<vmem>>[vector<16xi32>, vector<16xi32>], vector<16xf32>,
      %add3A_284 = arith.addf %add3A_280, %gather3A_283 : vector<16xf32>
      %broadcast_in_dim3A_285 = arith.constant 6 : i32
      %broadcast_in_dim3A_286 = vector.broadcast %broadcast_in_dim3A_285 : i32 to vector<16xi32>
      %gather3A_287 = tpu.vector_load_idx %arg11[%add3A_261, %broadcast_in_dim3A_286] : memref<128x16xf32, #tpu.memory_space<vmem>>[vector<16xi32>, vector<16xi32>], vector<16xf32>,
      %add3A_288 = arith.addf %add3A_284, %gather3A_287 : vector<16xf32>
      %broadcast_in_dim3A_289 = arith.constant 7 : i32
      %broadcast_in_dim3A_290 = vector.broadcast %broadcast_in_dim3A_289 : i32 to vector<16xi32>
      %gather3A_291 = tpu.vector_load_idx %arg11[%add3A_261, %broadcast_in_dim3A_290] : memref<128x16xf32, #tpu.memory_space<vmem>>[vector<16xi32>, vector<16xi32>], vector<16xf32>,
      %add3A_292 = arith.addf %add3A_288, %gather3A_291 : vector<16xf32>
      %broadcast_in_dim3A_293 = arith.constant 8 : i32
      %broadcast_in_dim3A_294 = vector.broadcast %broadcast_in_dim3A_293 : i32 to vector<16xi32>
      %gather3A_295 = tpu.vector_load_idx %arg11[%add3A_261, %broadcast_in_dim3A_294] : memref<128x16xf32, #tpu.memory_space<vmem>>[vector<16xi32>, vector<16xi32>], vector<16xf32>,
      %add3A_296 = arith.addf %add3A_292, %gather3A_295 : vector<16xf32>
      %broadcast_in_dim3A_297 = arith.constant 9 : i32
      %broadcast_in_dim3A_298 = vector.broadcast %broadcast_in_dim3A_297 : i32 to vector<16xi32>
      %gather3A_299 = tpu.vector_load_idx %arg11[%add3A_261, %broadcast_in_dim3A_298] : memref<128x16xf32, #tpu.memory_space<vmem>>[vector<16xi32>, vector<16xi32>], vector<16xf32>,
      %add3A_300 = arith.addf %add3A_296, %gather3A_299 : vector<16xf32>
      %broadcast_in_dim3A_301 = arith.constant 10 : i32
      %broadcast_in_dim3A_302 = vector.broadcast %broadcast_in_dim3A_301 : i32 to vector<16xi32>
      %gather3A_303 = tpu.vector_load_idx %arg11[%add3A_261, %broadcast_in_dim3A_302] : memref<128x16xf32, #tpu.memory_space<vmem>>[vector<16xi32>, vector<16xi32>], vector<16xf32>,
      %add3A_304 = arith.addf %add3A_300, %gather3A_303 : vector<16xf32>
      %broadcast_in_dim3A_305 = arith.constant 11 : i32
      %broadcast_in_dim3A_306 = vector.broadcast %broadcast_in_dim3A_305 : i32 to vector<16xi32>
      %gather3A_307 = tpu.vector_load_idx %arg11[%add3A_261, %broadcast_in_dim3A_306] : memref<128x16xf32, #tpu.memory_space<vmem>>[vector<16xi32>, vector<16xi32>], vector<16xf32>,
      %add3A_308 = arith.addf %add3A_304, %gather3A_307 : vector<16xf32>
      %broadcast_in_dim3A_309 = arith.constant 12 : i32
      %broadcast_in_dim3A_310 = vector.broadcast %broadcast_in_dim3A_309 : i32 to vector<16xi32>
      %gather3A_311 = tpu.vector_load_idx %arg11[%add3A_261, %broadcast_in_dim3A_310] : memref<128x16xf32, #tpu.memory_space<vmem>>[vector<16xi32>, vector<16xi32>], vector<16xf32>,
      %add3A_312 = arith.addf %add3A_308, %gather3A_311 : vector<16xf32>
      %broadcast_in_dim3A_313 = arith.constant 13 : i32
      %broadcast_in_dim3A_314 = vector.broadcast %broadcast_in_dim3A_313 : i32 to vector<16xi32>
      %gather3A_315 = tpu.vector_load_idx %arg11[%add3A_261, %broadcast_in_dim3A_314] : memref<128x16xf32, #tpu.memory_space<vmem>>[vector<16xi32>, vector<16xi32>], vector<16xf32>,
      %add3A_316 = arith.addf %add3A_312, %gather3A_315 : vector<16xf32>
      %broadcast_in_dim3A_317 = arith.constant 14 : i32
      %broadcast_in_dim3A_318 = vector.broadcast %broadcast_in_dim3A_317 : i32 to vector<16xi32>
      %gather3A_319 = tpu.vector_load_idx %arg11[%add3A_261, %broadcast_in_dim3A_318] : memref<128x16xf32, #tpu.memory_space<vmem>>[vector<16xi32>, vector<16xi32>], vector<16xf32>,
      %add3A_320 = arith.addf %add3A_316, %gather3A_319 : vector<16xf32>
      %broadcast_in_dim3A_321 = arith.constant 15 : i32
      %broadcast_in_dim3A_322 = vector.broadcast %broadcast_in_dim3A_321 : i32 to vector<16xi32>
      %gather3A_323 = tpu.vector_load_idx %arg11[%add3A_261, %broadcast_in_dim3A_322] : memref<128x16xf32, #tpu.memory_space<vmem>>[vector<16xi32>, vector<16xi32>], vector<16xf32>,
      %add3A_324 = arith.addf %add3A_320, %gather3A_323 : vector<16xf32>
      %swap3A_325 = arith.constant 0 : i32
      %swap3A_326 = arith.index_cast %swap3A_325 : i32 to index
      %swap3A_327 = arith.constant 48 : index
      %swap3A_328 = tpu.vector_load %arg10[%swap3A_326, %swap3A_327] {strides = array<i32>} : memref<1x128xf32, #tpu.memory_space<vmem>>, vector<16xf32>,
      tpu.vector_store %arg10[%swap3A_326, %swap3A_327], %add3A_324 {strides = array<i32>} : memref<1x128xf32, #tpu.memory_space<vmem>>, vector<16xf32>,
      %add3A_329 = arith.constant 64 : i32
      %add3A_330 = vector.broadcast %add3A_329 : i32 to vector<16xi32>
      %add3A_331 = arith.addi %iota3A, %add3A_330 : vector<16xi32>
      %broadcast_in_dim3A_332 = arith.constant 0 : i32
      %broadcast_in_dim3A_333 = vector.broadcast %broadcast_in_dim3A_332 : i32 to vector<16xi32>
      %gather3A_334 = tpu.vector_load_idx %arg11[%add3A_331, %broadcast_in_dim3A_333] : memref<128x16xf32, #tpu.memory_space<vmem>>[vector<16xi32>, vector<16xi32>], vector<16xf32>,
      %broadcast_in_dim3A_335 = arith.constant 1 : i32
      %broadcast_in_dim3A_336 = vector.broadcast %broadcast_in_dim3A_335 : i32 to vector<16xi32>
      %gather3A_337 = tpu.vector_load_idx %arg11[%add3A_331, %broadcast_in_dim3A_336] : memref<128x16xf32, #tpu.memory_space<vmem>>[vector<16xi32>, vector<16xi32>], vector<16xf32>,
      %add3A_338 = arith.addf %gather3A_334, %gather3A_337 : vector<16xf32>
      %broadcast_in_dim3A_339 = arith.constant 2 : i32
      %broadcast_in_dim3A_340 = vector.broadcast %broadcast_in_dim3A_339 : i32 to vector<16xi32>
      %gather3A_341 = tpu.vector_load_idx %arg11[%add3A_331, %broadcast_in_dim3A_340] : memref<128x16xf32, #tpu.memory_space<vmem>>[vector<16xi32>, vector<16xi32>], vector<16xf32>,
      %add3A_342 = arith.addf %add3A_338, %gather3A_341 : vector<16xf32>
      %broadcast_in_dim3A_343 = arith.constant 3 : i32
      %broadcast_in_dim3A_344 = vector.broadcast %broadcast_in_dim3A_343 : i32 to vector<16xi32>
      %gather3A_345 = tpu.vector_load_idx %arg11[%add3A_331, %broadcast_in_dim3A_344] : memref<128x16xf32, #tpu.memory_space<vmem>>[vector<16xi32>, vector<16xi32>], vector<16xf32>,
      %add3A_346 = arith.addf %add3A_342, %gather3A_345 : vector<16xf32>
      %broadcast_in_dim3A_347 = arith.constant 4 : i32
      %broadcast_in_dim3A_348 = vector.broadcast %broadcast_in_dim3A_347 : i32 to vector<16xi32>
      %gather3A_349 = tpu.vector_load_idx %arg11[%add3A_331, %broadcast_in_dim3A_348] : memref<128x16xf32, #tpu.memory_space<vmem>>[vector<16xi32>, vector<16xi32>], vector<16xf32>,
      %add3A_350 = arith.addf %add3A_346, %gather3A_349 : vector<16xf32>
      %broadcast_in_dim3A_351 = arith.constant 5 : i32
      %broadcast_in_dim3A_352 = vector.broadcast %broadcast_in_dim3A_351 : i32 to vector<16xi32>
      %gather3A_353 = tpu.vector_load_idx %arg11[%add3A_331, %broadcast_in_dim3A_352] : memref<128x16xf32, #tpu.memory_space<vmem>>[vector<16xi32>, vector<16xi32>], vector<16xf32>,
      %add3A_354 = arith.addf %add3A_350, %gather3A_353 : vector<16xf32>
      %broadcast_in_dim3A_355 = arith.constant 6 : i32
      %broadcast_in_dim3A_356 = vector.broadcast %broadcast_in_dim3A_355 : i32 to vector<16xi32>
      %gather3A_357 = tpu.vector_load_idx %arg11[%add3A_331, %broadcast_in_dim3A_356] : memref<128x16xf32, #tpu.memory_space<vmem>>[vector<16xi32>, vector<16xi32>], vector<16xf32>,
      %add3A_358 = arith.addf %add3A_354, %gather3A_357 : vector<16xf32>
      %broadcast_in_dim3A_359 = arith.constant 7 : i32
      %broadcast_in_dim3A_360 = vector.broadcast %broadcast_in_dim3A_359 : i32 to vector<16xi32>
      %gather3A_361 = tpu.vector_load_idx %arg11[%add3A_331, %broadcast_in_dim3A_360] : memref<128x16xf32, #tpu.memory_space<vmem>>[vector<16xi32>, vector<16xi32>], vector<16xf32>,
      %add3A_362 = arith.addf %add3A_358, %gather3A_361 : vector<16xf32>
      %broadcast_in_dim3A_363 = arith.constant 8 : i32
      %broadcast_in_dim3A_364 = vector.broadcast %broadcast_in_dim3A_363 : i32 to vector<16xi32>
      %gather3A_365 = tpu.vector_load_idx %arg11[%add3A_331, %broadcast_in_dim3A_364] : memref<128x16xf32, #tpu.memory_space<vmem>>[vector<16xi32>, vector<16xi32>], vector<16xf32>,
      %add3A_366 = arith.addf %add3A_362, %gather3A_365 : vector<16xf32>
      %broadcast_in_dim3A_367 = arith.constant 9 : i32
      %broadcast_in_dim3A_368 = vector.broadcast %broadcast_in_dim3A_367 : i32 to vector<16xi32>
      %gather3A_369 = tpu.vector_load_idx %arg11[%add3A_331, %broadcast_in_dim3A_368] : memref<128x16xf32, #tpu.memory_space<vmem>>[vector<16xi32>, vector<16xi32>], vector<16xf32>,
      %add3A_370 = arith.addf %add3A_366, %gather3A_369 : vector<16xf32>
      %broadcast_in_dim3A_371 = arith.constant 10 : i32
      %broadcast_in_dim3A_372 = vector.broadcast %broadcast_in_dim3A_371 : i32 to vector<16xi32>
      %gather3A_373 = tpu.vector_load_idx %arg11[%add3A_331, %broadcast_in_dim3A_372] : memref<128x16xf32, #tpu.memory_space<vmem>>[vector<16xi32>, vector<16xi32>], vector<16xf32>,
      %add3A_374 = arith.addf %add3A_370, %gather3A_373 : vector<16xf32>
      %broadcast_in_dim3A_375 = arith.constant 11 : i32
      %broadcast_in_dim3A_376 = vector.broadcast %broadcast_in_dim3A_375 : i32 to vector<16xi32>
      %gather3A_377 = tpu.vector_load_idx %arg11[%add3A_331, %broadcast_in_dim3A_376] : memref<128x16xf32, #tpu.memory_space<vmem>>[vector<16xi32>, vector<16xi32>], vector<16xf32>,
      %add3A_378 = arith.addf %add3A_374, %gather3A_377 : vector<16xf32>
      %broadcast_in_dim3A_379 = arith.constant 12 : i32
      %broadcast_in_dim3A_380 = vector.broadcast %broadcast_in_dim3A_379 : i32 to vector<16xi32>
      %gather3A_381 = tpu.vector_load_idx %arg11[%add3A_331, %broadcast_in_dim3A_380] : memref<128x16xf32, #tpu.memory_space<vmem>>[vector<16xi32>, vector<16xi32>], vector<16xf32>,
      %add3A_382 = arith.addf %add3A_378, %gather3A_381 : vector<16xf32>
      %broadcast_in_dim3A_383 = arith.constant 13 : i32
      %broadcast_in_dim3A_384 = vector.broadcast %broadcast_in_dim3A_383 : i32 to vector<16xi32>
      %gather3A_385 = tpu.vector_load_idx %arg11[%add3A_331, %broadcast_in_dim3A_384] : memref<128x16xf32, #tpu.memory_space<vmem>>[vector<16xi32>, vector<16xi32>], vector<16xf32>,
      %add3A_386 = arith.addf %add3A_382, %gather3A_385 : vector<16xf32>
      %broadcast_in_dim3A_387 = arith.constant 14 : i32
      %broadcast_in_dim3A_388 = vector.broadcast %broadcast_in_dim3A_387 : i32 to vector<16xi32>
      %gather3A_389 = tpu.vector_load_idx %arg11[%add3A_331, %broadcast_in_dim3A_388] : memref<128x16xf32, #tpu.memory_space<vmem>>[vector<16xi32>, vector<16xi32>], vector<16xf32>,
      %add3A_390 = arith.addf %add3A_386, %gather3A_389 : vector<16xf32>
      %broadcast_in_dim3A_391 = arith.constant 15 : i32
      %broadcast_in_dim3A_392 = vector.broadcast %broadcast_in_dim3A_391 : i32 to vector<16xi32>
      %gather3A_393 = tpu.vector_load_idx %arg11[%add3A_331, %broadcast_in_dim3A_392] : memref<128x16xf32, #tpu.memory_space<vmem>>[vector<16xi32>, vector<16xi32>], vector<16xf32>,
      %add3A_394 = arith.addf %add3A_390, %gather3A_393 : vector<16xf32>
      %swap3A_395 = arith.constant 0 : i32
      %swap3A_396 = arith.index_cast %swap3A_395 : i32 to index
      %swap3A_397 = arith.constant 64 : index
      %swap3A_398 = tpu.vector_load %arg10[%swap3A_396, %swap3A_397] {strides = array<i32>} : memref<1x128xf32, #tpu.memory_space<vmem>>, vector<16xf32>,
      tpu.vector_store %arg10[%swap3A_396, %swap3A_397], %add3A_394 {strides = array<i32>} : memref<1x128xf32, #tpu.memory_space<vmem>>, vector<16xf32>,
      %add3A_399 = arith.constant 80 : i32
      %add3A_400 = vector.broadcast %add3A_399 : i32 to vector<16xi32>
      %add3A_401 = arith.addi %iota3A, %add3A_400 : vector<16xi32>
      %broadcast_in_dim3A_402 = arith.constant 0 : i32
      %broadcast_in_dim3A_403 = vector.broadcast %broadcast_in_dim3A_402 : i32 to vector<16xi32>
      %gather3A_404 = tpu.vector_load_idx %arg11[%add3A_401, %broadcast_in_dim3A_403] : memref<128x16xf32, #tpu.memory_space<vmem>>[vector<16xi32>, vector<16xi32>], vector<16xf32>,
      %broadcast_in_dim3A_405 = arith.constant 1 : i32
      %broadcast_in_dim3A_406 = vector.broadcast %broadcast_in_dim3A_405 : i32 to vector<16xi32>
      %gather3A_407 = tpu.vector_load_idx %arg11[%add3A_401, %broadcast_in_dim3A_406] : memref<128x16xf32, #tpu.memory_space<vmem>>[vector<16xi32>, vector<16xi32>], vector<16xf32>,
      %add3A_408 = arith.addf %gather3A_404, %gather3A_407 : vector<16xf32>
      %broadcast_in_dim3A_409 = arith.constant 2 : i32
      %broadcast_in_dim3A_410 = vector.broadcast %broadcast_in_dim3A_409 : i32 to vector<16xi32>
      %gather3A_411 = tpu.vector_load_idx %arg11[%add3A_401, %broadcast_in_dim3A_410] : memref<128x16xf32, #tpu.memory_space<vmem>>[vector<16xi32>, vector<16xi32>], vector<16xf32>,
      %add3A_412 = arith.addf %add3A_408, %gather3A_411 : vector<16xf32>
      %broadcast_in_dim3A_413 = arith.constant 3 : i32
      %broadcast_in_dim3A_414 = vector.broadcast %broadcast_in_dim3A_413 : i32 to vector<16xi32>
      %gather3A_415 = tpu.vector_load_idx %arg11[%add3A_401, %broadcast_in_dim3A_414] : memref<128x16xf32, #tpu.memory_space<vmem>>[vector<16xi32>, vector<16xi32>], vector<16xf32>,
      %add3A_416 = arith.addf %add3A_412, %gather3A_415 : vector<16xf32>
      %broadcast_in_dim3A_417 = arith.constant 4 : i32
      %broadcast_in_dim3A_418 = vector.broadcast %broadcast_in_dim3A_417 : i32 to vector<16xi32>
      %gather3A_419 = tpu.vector_load_idx %arg11[%add3A_401, %broadcast_in_dim3A_418] : memref<128x16xf32, #tpu.memory_space<vmem>>[vector<16xi32>, vector<16xi32>], vector<16xf32>,
      %add3A_420 = arith.addf %add3A_416, %gather3A_419 : vector<16xf32>
      %broadcast_in_dim3A_421 = arith.constant 5 : i32
      %broadcast_in_dim3A_422 = vector.broadcast %broadcast_in_dim3A_421 : i32 to vector<16xi32>
      %gather3A_423 = tpu.vector_load_idx %arg11[%add3A_401, %broadcast_in_dim3A_422] : memref<128x16xf32, #tpu.memory_space<vmem>>[vector<16xi32>, vector<16xi32>], vector<16xf32>,
      %add3A_424 = arith.addf %add3A_420, %gather3A_423 : vector<16xf32>
      %broadcast_in_dim3A_425 = arith.constant 6 : i32
      %broadcast_in_dim3A_426 = vector.broadcast %broadcast_in_dim3A_425 : i32 to vector<16xi32>
      %gather3A_427 = tpu.vector_load_idx %arg11[%add3A_401, %broadcast_in_dim3A_426] : memref<128x16xf32, #tpu.memory_space<vmem>>[vector<16xi32>, vector<16xi32>], vector<16xf32>,
      %add3A_428 = arith.addf %add3A_424, %gather3A_427 : vector<16xf32>
      %broadcast_in_dim3A_429 = arith.constant 7 : i32
      %broadcast_in_dim3A_430 = vector.broadcast %broadcast_in_dim3A_429 : i32 to vector<16xi32>
      %gather3A_431 = tpu.vector_load_idx %arg11[%add3A_401, %broadcast_in_dim3A_430] : memref<128x16xf32, #tpu.memory_space<vmem>>[vector<16xi32>, vector<16xi32>], vector<16xf32>,
      %add3A_432 = arith.addf %add3A_428, %gather3A_431 : vector<16xf32>
      %broadcast_in_dim3A_433 = arith.constant 8 : i32
      %broadcast_in_dim3A_434 = vector.broadcast %broadcast_in_dim3A_433 : i32 to vector<16xi32>
      %gather3A_435 = tpu.vector_load_idx %arg11[%add3A_401, %broadcast_in_dim3A_434] : memref<128x16xf32, #tpu.memory_space<vmem>>[vector<16xi32>, vector<16xi32>], vector<16xf32>,
      %add3A_436 = arith.addf %add3A_432, %gather3A_435 : vector<16xf32>
      %broadcast_in_dim3A_437 = arith.constant 9 : i32
      %broadcast_in_dim3A_438 = vector.broadcast %broadcast_in_dim3A_437 : i32 to vector<16xi32>
      %gather3A_439 = tpu.vector_load_idx %arg11[%add3A_401, %broadcast_in_dim3A_438] : memref<128x16xf32, #tpu.memory_space<vmem>>[vector<16xi32>, vector<16xi32>], vector<16xf32>,
      %add3A_440 = arith.addf %add3A_436, %gather3A_439 : vector<16xf32>
      %broadcast_in_dim3A_441 = arith.constant 10 : i32
      %broadcast_in_dim3A_442 = vector.broadcast %broadcast_in_dim3A_441 : i32 to vector<16xi32>
      %gather3A_443 = tpu.vector_load_idx %arg11[%add3A_401, %broadcast_in_dim3A_442] : memref<128x16xf32, #tpu.memory_space<vmem>>[vector<16xi32>, vector<16xi32>], vector<16xf32>,
      %add3A_444 = arith.addf %add3A_440, %gather3A_443 : vector<16xf32>
      %broadcast_in_dim3A_445 = arith.constant 11 : i32
      %broadcast_in_dim3A_446 = vector.broadcast %broadcast_in_dim3A_445 : i32 to vector<16xi32>
      %gather3A_447 = tpu.vector_load_idx %arg11[%add3A_401, %broadcast_in_dim3A_446] : memref<128x16xf32, #tpu.memory_space<vmem>>[vector<16xi32>, vector<16xi32>], vector<16xf32>,
      %add3A_448 = arith.addf %add3A_444, %gather3A_447 : vector<16xf32>
      %broadcast_in_dim3A_449 = arith.constant 12 : i32
      %broadcast_in_dim3A_450 = vector.broadcast %broadcast_in_dim3A_449 : i32 to vector<16xi32>
      %gather3A_451 = tpu.vector_load_idx %arg11[%add3A_401, %broadcast_in_dim3A_450] : memref<128x16xf32, #tpu.memory_space<vmem>>[vector<16xi32>, vector<16xi32>], vector<16xf32>,
      %add3A_452 = arith.addf %add3A_448, %gather3A_451 : vector<16xf32>
      %broadcast_in_dim3A_453 = arith.constant 13 : i32
      %broadcast_in_dim3A_454 = vector.broadcast %broadcast_in_dim3A_453 : i32 to vector<16xi32>
      %gather3A_455 = tpu.vector_load_idx %arg11[%add3A_401, %broadcast_in_dim3A_454] : memref<128x16xf32, #tpu.memory_space<vmem>>[vector<16xi32>, vector<16xi32>], vector<16xf32>,
      %add3A_456 = arith.addf %add3A_452, %gather3A_455 : vector<16xf32>
      %broadcast_in_dim3A_457 = arith.constant 14 : i32
      %broadcast_in_dim3A_458 = vector.broadcast %broadcast_in_dim3A_457 : i32 to vector<16xi32>
      %gather3A_459 = tpu.vector_load_idx %arg11[%add3A_401, %broadcast_in_dim3A_458] : memref<128x16xf32, #tpu.memory_space<vmem>>[vector<16xi32>, vector<16xi32>], vector<16xf32>,
      %add3A_460 = arith.addf %add3A_456, %gather3A_459 : vector<16xf32>
      %broadcast_in_dim3A_461 = arith.constant 15 : i32
      %broadcast_in_dim3A_462 = vector.broadcast %broadcast_in_dim3A_461 : i32 to vector<16xi32>
      %gather3A_463 = tpu.vector_load_idx %arg11[%add3A_401, %broadcast_in_dim3A_462] : memref<128x16xf32, #tpu.memory_space<vmem>>[vector<16xi32>, vector<16xi32>], vector<16xf32>,
      %add3A_464 = arith.addf %add3A_460, %gather3A_463 : vector<16xf32>
      %swap3A_465 = arith.constant 0 : i32
      %swap3A_466 = arith.index_cast %swap3A_465 : i32 to index
      %swap3A_467 = arith.constant 80 : index
      %swap3A_468 = tpu.vector_load %arg10[%swap3A_466, %swap3A_467] {strides = array<i32>} : memref<1x128xf32, #tpu.memory_space<vmem>>, vector<16xf32>,
      tpu.vector_store %arg10[%swap3A_466, %swap3A_467], %add3A_464 {strides = array<i32>} : memref<1x128xf32, #tpu.memory_space<vmem>>, vector<16xf32>,
      %add3A_469 = arith.constant 96 : i32
      %add3A_470 = vector.broadcast %add3A_469 : i32 to vector<16xi32>
      %add3A_471 = arith.addi %iota3A, %add3A_470 : vector<16xi32>
      %broadcast_in_dim3A_472 = arith.constant 0 : i32
      %broadcast_in_dim3A_473 = vector.broadcast %broadcast_in_dim3A_472 : i32 to vector<16xi32>
      %gather3A_474 = tpu.vector_load_idx %arg11[%add3A_471, %broadcast_in_dim3A_473] : memref<128x16xf32, #tpu.memory_space<vmem>>[vector<16xi32>, vector<16xi32>], vector<16xf32>,
      %broadcast_in_dim3A_475 = arith.constant 1 : i32
      %broadcast_in_dim3A_476 = vector.broadcast %broadcast_in_dim3A_475 : i32 to vector<16xi32>
      %gather3A_477 = tpu.vector_load_idx %arg11[%add3A_471, %broadcast_in_dim3A_476] : memref<128x16xf32, #tpu.memory_space<vmem>>[vector<16xi32>, vector<16xi32>], vector<16xf32>,
      %add3A_478 = arith.addf %gather3A_474, %gather3A_477 : vector<16xf32>
      %broadcast_in_dim3A_479 = arith.constant 2 : i32
      %broadcast_in_dim3A_480 = vector.broadcast %broadcast_in_dim3A_479 : i32 to vector<16xi32>
      %gather3A_481 = tpu.vector_load_idx %arg11[%add3A_471, %broadcast_in_dim3A_480] : memref<128x16xf32, #tpu.memory_space<vmem>>[vector<16xi32>, vector<16xi32>], vector<16xf32>,
      %add3A_482 = arith.addf %add3A_478, %gather3A_481 : vector<16xf32>
      %broadcast_in_dim3A_483 = arith.constant 3 : i32
      %broadcast_in_dim3A_484 = vector.broadcast %broadcast_in_dim3A_483 : i32 to vector<16xi32>
      %gather3A_485 = tpu.vector_load_idx %arg11[%add3A_471, %broadcast_in_dim3A_484] : memref<128x16xf32, #tpu.memory_space<vmem>>[vector<16xi32>, vector<16xi32>], vector<16xf32>,
      %add3A_486 = arith.addf %add3A_482, %gather3A_485 : vector<16xf32>
      %broadcast_in_dim3A_487 = arith.constant 4 : i32
      %broadcast_in_dim3A_488 = vector.broadcast %broadcast_in_dim3A_487 : i32 to vector<16xi32>
      %gather3A_489 = tpu.vector_load_idx %arg11[%add3A_471, %broadcast_in_dim3A_488] : memref<128x16xf32, #tpu.memory_space<vmem>>[vector<16xi32>, vector<16xi32>], vector<16xf32>,
      %add3A_490 = arith.addf %add3A_486, %gather3A_489 : vector<16xf32>
      %broadcast_in_dim3A_491 = arith.constant 5 : i32
      %broadcast_in_dim3A_492 = vector.broadcast %broadcast_in_dim3A_491 : i32 to vector<16xi32>
      %gather3A_493 = tpu.vector_load_idx %arg11[%add3A_471, %broadcast_in_dim3A_492] : memref<128x16xf32, #tpu.memory_space<vmem>>[vector<16xi32>, vector<16xi32>], vector<16xf32>,
      %add3A_494 = arith.addf %add3A_490, %gather3A_493 : vector<16xf32>
      %broadcast_in_dim3A_495 = arith.constant 6 : i32
      %broadcast_in_dim3A_496 = vector.broadcast %broadcast_in_dim3A_495 : i32 to vector<16xi32>
      %gather3A_497 = tpu.vector_load_idx %arg11[%add3A_471, %broadcast_in_dim3A_496] : memref<128x16xf32, #tpu.memory_space<vmem>>[vector<16xi32>, vector<16xi32>], vector<16xf32>,
      %add3A_498 = arith.addf %add3A_494, %gather3A_497 : vector<16xf32>
      %broadcast_in_dim3A_499 = arith.constant 7 : i32
      %broadcast_in_dim3A_500 = vector.broadcast %broadcast_in_dim3A_499 : i32 to vector<16xi32>
      %gather3A_501 = tpu.vector_load_idx %arg11[%add3A_471, %broadcast_in_dim3A_500] : memref<128x16xf32, #tpu.memory_space<vmem>>[vector<16xi32>, vector<16xi32>], vector<16xf32>,
      %add3A_502 = arith.addf %add3A_498, %gather3A_501 : vector<16xf32>
      %broadcast_in_dim3A_503 = arith.constant 8 : i32
      %broadcast_in_dim3A_504 = vector.broadcast %broadcast_in_dim3A_503 : i32 to vector<16xi32>
      %gather3A_505 = tpu.vector_load_idx %arg11[%add3A_471, %broadcast_in_dim3A_504] : memref<128x16xf32, #tpu.memory_space<vmem>>[vector<16xi32>, vector<16xi32>], vector<16xf32>,
      %add3A_506 = arith.addf %add3A_502, %gather3A_505 : vector<16xf32>
      %broadcast_in_dim3A_507 = arith.constant 9 : i32
      %broadcast_in_dim3A_508 = vector.broadcast %broadcast_in_dim3A_507 : i32 to vector<16xi32>
      %gather3A_509 = tpu.vector_load_idx %arg11[%add3A_471, %broadcast_in_dim3A_508] : memref<128x16xf32, #tpu.memory_space<vmem>>[vector<16xi32>, vector<16xi32>], vector<16xf32>,
      %add3A_510 = arith.addf %add3A_506, %gather3A_509 : vector<16xf32>
      %broadcast_in_dim3A_511 = arith.constant 10 : i32
      %broadcast_in_dim3A_512 = vector.broadcast %broadcast_in_dim3A_511 : i32 to vector<16xi32>
      %gather3A_513 = tpu.vector_load_idx %arg11[%add3A_471, %broadcast_in_dim3A_512] : memref<128x16xf32, #tpu.memory_space<vmem>>[vector<16xi32>, vector<16xi32>], vector<16xf32>,
      %add3A_514 = arith.addf %add3A_510, %gather3A_513 : vector<16xf32>
      %broadcast_in_dim3A_515 = arith.constant 11 : i32
      %broadcast_in_dim3A_516 = vector.broadcast %broadcast_in_dim3A_515 : i32 to vector<16xi32>
      %gather3A_517 = tpu.vector_load_idx %arg11[%add3A_471, %broadcast_in_dim3A_516] : memref<128x16xf32, #tpu.memory_space<vmem>>[vector<16xi32>, vector<16xi32>], vector<16xf32>,
      %add3A_518 = arith.addf %add3A_514, %gather3A_517 : vector<16xf32>
      %broadcast_in_dim3A_519 = arith.constant 12 : i32
      %broadcast_in_dim3A_520 = vector.broadcast %broadcast_in_dim3A_519 : i32 to vector<16xi32>
      %gather3A_521 = tpu.vector_load_idx %arg11[%add3A_471, %broadcast_in_dim3A_520] : memref<128x16xf32, #tpu.memory_space<vmem>>[vector<16xi32>, vector<16xi32>], vector<16xf32>,
      %add3A_522 = arith.addf %add3A_518, %gather3A_521 : vector<16xf32>
      %broadcast_in_dim3A_523 = arith.constant 13 : i32
      %broadcast_in_dim3A_524 = vector.broadcast %broadcast_in_dim3A_523 : i32 to vector<16xi32>
      %gather3A_525 = tpu.vector_load_idx %arg11[%add3A_471, %broadcast_in_dim3A_524] : memref<128x16xf32, #tpu.memory_space<vmem>>[vector<16xi32>, vector<16xi32>], vector<16xf32>,
      %add3A_526 = arith.addf %add3A_522, %gather3A_525 : vector<16xf32>
      %broadcast_in_dim3A_527 = arith.constant 14 : i32
      %broadcast_in_dim3A_528 = vector.broadcast %broadcast_in_dim3A_527 : i32 to vector<16xi32>
      %gather3A_529 = tpu.vector_load_idx %arg11[%add3A_471, %broadcast_in_dim3A_528] : memref<128x16xf32, #tpu.memory_space<vmem>>[vector<16xi32>, vector<16xi32>], vector<16xf32>,
      %add3A_530 = arith.addf %add3A_526, %gather3A_529 : vector<16xf32>
      %broadcast_in_dim3A_531 = arith.constant 15 : i32
      %broadcast_in_dim3A_532 = vector.broadcast %broadcast_in_dim3A_531 : i32 to vector<16xi32>
      %gather3A_533 = tpu.vector_load_idx %arg11[%add3A_471, %broadcast_in_dim3A_532] : memref<128x16xf32, #tpu.memory_space<vmem>>[vector<16xi32>, vector<16xi32>], vector<16xf32>,
      %add3A_534 = arith.addf %add3A_530, %gather3A_533 : vector<16xf32>
      %swap3A_535 = arith.constant 0 : i32
      %swap3A_536 = arith.index_cast %swap3A_535 : i32 to index
      %swap3A_537 = arith.constant 96 : index
      %swap3A_538 = tpu.vector_load %arg10[%swap3A_536, %swap3A_537] {strides = array<i32>} : memref<1x128xf32, #tpu.memory_space<vmem>>, vector<16xf32>,
      tpu.vector_store %arg10[%swap3A_536, %swap3A_537], %add3A_534 {strides = array<i32>} : memref<1x128xf32, #tpu.memory_space<vmem>>, vector<16xf32>,
      %add3A_539 = arith.constant 112 : i32
      %add3A_540 = vector.broadcast %add3A_539 : i32 to vector<16xi32>
      %add3A_541 = arith.addi %iota3A, %add3A_540 : vector<16xi32>
      %broadcast_in_dim3A_542 = arith.constant 0 : i32
      %broadcast_in_dim3A_543 = vector.broadcast %broadcast_in_dim3A_542 : i32 to vector<16xi32>
      %gather3A_544 = tpu.vector_load_idx %arg11[%add3A_541, %broadcast_in_dim3A_543] : memref<128x16xf32, #tpu.memory_space<vmem>>[vector<16xi32>, vector<16xi32>], vector<16xf32>,
      %broadcast_in_dim3A_545 = arith.constant 1 : i32
      %broadcast_in_dim3A_546 = vector.broadcast %broadcast_in_dim3A_545 : i32 to vector<16xi32>
      %gather3A_547 = tpu.vector_load_idx %arg11[%add3A_541, %broadcast_in_dim3A_546] : memref<128x16xf32, #tpu.memory_space<vmem>>[vector<16xi32>, vector<16xi32>], vector<16xf32>,
      %add3A_548 = arith.addf %gather3A_544, %gather3A_547 : vector<16xf32>
      %broadcast_in_dim3A_549 = arith.constant 2 : i32
      %broadcast_in_dim3A_550 = vector.broadcast %broadcast_in_dim3A_549 : i32 to vector<16xi32>
      %gather3A_551 = tpu.vector_load_idx %arg11[%add3A_541, %broadcast_in_dim3A_550] : memref<128x16xf32, #tpu.memory_space<vmem>>[vector<16xi32>, vector<16xi32>], vector<16xf32>,
      %add3A_552 = arith.addf %add3A_548, %gather3A_551 : vector<16xf32>
      %broadcast_in_dim3A_553 = arith.constant 3 : i32
      %broadcast_in_dim3A_554 = vector.broadcast %broadcast_in_dim3A_553 : i32 to vector<16xi32>
      %gather3A_555 = tpu.vector_load_idx %arg11[%add3A_541, %broadcast_in_dim3A_554] : memref<128x16xf32, #tpu.memory_space<vmem>>[vector<16xi32>, vector<16xi32>], vector<16xf32>,
      %add3A_556 = arith.addf %add3A_552, %gather3A_555 : vector<16xf32>
      %broadcast_in_dim3A_557 = arith.constant 4 : i32
      %broadcast_in_dim3A_558 = vector.broadcast %broadcast_in_dim3A_557 : i32 to vector<16xi32>
      %gather3A_559 = tpu.vector_load_idx %arg11[%add3A_541, %broadcast_in_dim3A_558] : memref<128x16xf32, #tpu.memory_space<vmem>>[vector<16xi32>, vector<16xi32>], vector<16xf32>,
      %add3A_560 = arith.addf %add3A_556, %gather3A_559 : vector<16xf32>
      %broadcast_in_dim3A_561 = arith.constant 5 : i32
      %broadcast_in_dim3A_562 = vector.broadcast %broadcast_in_dim3A_561 : i32 to vector<16xi32>
      %gather3A_563 = tpu.vector_load_idx %arg11[%add3A_541, %broadcast_in_dim3A_562] : memref<128x16xf32, #tpu.memory_space<vmem>>[vector<16xi32>, vector<16xi32>], vector<16xf32>,
      %add3A_564 = arith.addf %add3A_560, %gather3A_563 : vector<16xf32>
      %broadcast_in_dim3A_565 = arith.constant 6 : i32
      %broadcast_in_dim3A_566 = vector.broadcast %broadcast_in_dim3A_565 : i32 to vector<16xi32>
      %gather3A_567 = tpu.vector_load_idx %arg11[%add3A_541, %broadcast_in_dim3A_566] : memref<128x16xf32, #tpu.memory_space<vmem>>[vector<16xi32>, vector<16xi32>], vector<16xf32>,
      %add3A_568 = arith.addf %add3A_564, %gather3A_567 : vector<16xf32>
      %broadcast_in_dim3A_569 = arith.constant 7 : i32
      %broadcast_in_dim3A_570 = vector.broadcast %broadcast_in_dim3A_569 : i32 to vector<16xi32>
      %gather3A_571 = tpu.vector_load_idx %arg11[%add3A_541, %broadcast_in_dim3A_570] : memref<128x16xf32, #tpu.memory_space<vmem>>[vector<16xi32>, vector<16xi32>], vector<16xf32>,
      %add3A_572 = arith.addf %add3A_568, %gather3A_571 : vector<16xf32>
      %broadcast_in_dim3A_573 = arith.constant 8 : i32
      %broadcast_in_dim3A_574 = vector.broadcast %broadcast_in_dim3A_573 : i32 to vector<16xi32>
      %gather3A_575 = tpu.vector_load_idx %arg11[%add3A_541, %broadcast_in_dim3A_574] : memref<128x16xf32, #tpu.memory_space<vmem>>[vector<16xi32>, vector<16xi32>], vector<16xf32>,
      %add3A_576 = arith.addf %add3A_572, %gather3A_575 : vector<16xf32>
      %broadcast_in_dim3A_577 = arith.constant 9 : i32
      %broadcast_in_dim3A_578 = vector.broadcast %broadcast_in_dim3A_577 : i32 to vector<16xi32>
      %gather3A_579 = tpu.vector_load_idx %arg11[%add3A_541, %broadcast_in_dim3A_578] : memref<128x16xf32, #tpu.memory_space<vmem>>[vector<16xi32>, vector<16xi32>], vector<16xf32>,
      %add3A_580 = arith.addf %add3A_576, %gather3A_579 : vector<16xf32>
      %broadcast_in_dim3A_581 = arith.constant 10 : i32
      %broadcast_in_dim3A_582 = vector.broadcast %broadcast_in_dim3A_581 : i32 to vector<16xi32>
      %gather3A_583 = tpu.vector_load_idx %arg11[%add3A_541, %broadcast_in_dim3A_582] : memref<128x16xf32, #tpu.memory_space<vmem>>[vector<16xi32>, vector<16xi32>], vector<16xf32>,
      %add3A_584 = arith.addf %add3A_580, %gather3A_583 : vector<16xf32>
      %broadcast_in_dim3A_585 = arith.constant 11 : i32
      %broadcast_in_dim3A_586 = vector.broadcast %broadcast_in_dim3A_585 : i32 to vector<16xi32>
      %gather3A_587 = tpu.vector_load_idx %arg11[%add3A_541, %broadcast_in_dim3A_586] : memref<128x16xf32, #tpu.memory_space<vmem>>[vector<16xi32>, vector<16xi32>], vector<16xf32>,
      %add3A_588 = arith.addf %add3A_584, %gather3A_587 : vector<16xf32>
      %broadcast_in_dim3A_589 = arith.constant 12 : i32
      %broadcast_in_dim3A_590 = vector.broadcast %broadcast_in_dim3A_589 : i32 to vector<16xi32>
      %gather3A_591 = tpu.vector_load_idx %arg11[%add3A_541, %broadcast_in_dim3A_590] : memref<128x16xf32, #tpu.memory_space<vmem>>[vector<16xi32>, vector<16xi32>], vector<16xf32>,
      %add3A_592 = arith.addf %add3A_588, %gather3A_591 : vector<16xf32>
      %broadcast_in_dim3A_593 = arith.constant 13 : i32
      %broadcast_in_dim3A_594 = vector.broadcast %broadcast_in_dim3A_593 : i32 to vector<16xi32>
      %gather3A_595 = tpu.vector_load_idx %arg11[%add3A_541, %broadcast_in_dim3A_594] : memref<128x16xf32, #tpu.memory_space<vmem>>[vector<16xi32>, vector<16xi32>], vector<16xf32>,
      %add3A_596 = arith.addf %add3A_592, %gather3A_595 : vector<16xf32>
      %broadcast_in_dim3A_597 = arith.constant 14 : i32
      %broadcast_in_dim3A_598 = vector.broadcast %broadcast_in_dim3A_597 : i32 to vector<16xi32>
      %gather3A_599 = tpu.vector_load_idx %arg11[%add3A_541, %broadcast_in_dim3A_598] : memref<128x16xf32, #tpu.memory_space<vmem>>[vector<16xi32>, vector<16xi32>], vector<16xf32>,
      %add3A_600 = arith.addf %add3A_596, %gather3A_599 : vector<16xf32>
      %broadcast_in_dim3A_601 = arith.constant 15 : i32
      %broadcast_in_dim3A_602 = vector.broadcast %broadcast_in_dim3A_601 : i32 to vector<16xi32>
      %gather3A_603 = tpu.vector_load_idx %arg11[%add3A_541, %broadcast_in_dim3A_602] : memref<128x16xf32, #tpu.memory_space<vmem>>[vector<16xi32>, vector<16xi32>], vector<16xf32>,
      %add3A_604 = arith.addf %add3A_600, %gather3A_603 : vector<16xf32>
      %swap3A_605 = arith.constant 0 : i32
      %swap3A_606 = arith.index_cast %swap3A_605 : i32 to index
      %swap3A_607 = arith.constant 112 : index
      %swap3A_608 = tpu.vector_load %arg10[%swap3A_606, %swap3A_607] {strides = array<i32>} : memref<1x128xf32, #tpu.memory_space<vmem>>, vector<16xf32>,
      tpu.vector_store %arg10[%swap3A_606, %swap3A_607], %add3A_604 {strides = array<i32>} : memref<1x128xf32, #tpu.memory_space<vmem>>, vector<16xf32>,
      %run_scoped3A_609 = arith.constant 0 : i32
      "tpu.region"() ({
        %run_scoped3A_610 = tpu.sem_alloc : memref<!tpu.dma_semaphore, #tpu.memory_space<semaphore_mem>>
        %dma_start3A_611 = arith.constant 0 : i32
        %dma_start3A_612 = tpu.memref_slice %arg10[%run_scoped3A_609, %dma_start3A_611] : memref<1x128xf32, #tpu.memory_space<vmem>> -> memref<1x128xf32, #tpu.memory_space<vmem>>
        %dma_start3A_613 = tpu.memref_squeeze %dma_start3A_612 : memref<1x128xf32, #tpu.memory_space<vmem>> -> memref<128xf32, #tpu.memory_space<vmem>>
        %dma_start3A_614 = tpu.memref_slice %arg5[%multiple_of3A] : memref<370048xf32, #tpu.memory_space<hbm>> -> memref<128xf32, #tpu.memory_space<hbm>>
        %dma_start3A_615 = tpu.memref_slice %arg5[%multiple_of3A] : memref<370048xf32, #tpu.memory_space<hbm>> -> memref<128xf32, #tpu.memory_space<hbm>>
        %dma_start3A_616 = arith.constant 0 : i32
        %dma_start3A_617 = tpu.memref_slice %arg10[%run_scoped3A_609, %dma_start3A_616] : memref<1x128xf32, #tpu.memory_space<vmem>> -> memref<1x128xf32, #tpu.memory_space<vmem>>
        %dma_start3A_618 = tpu.memref_squeeze %dma_start3A_617 : memref<1x128xf32, #tpu.memory_space<vmem>> -> memref<128xf32, #tpu.memory_space<vmem>>
        tpu.enqueue_dma source(%dma_start3A_618 : memref<128xf32, #tpu.memory_space<vmem>>) target(%dma_start3A_615 : memref<128xf32, #tpu.memory_space<hbm>>) target_semaphore(%run_scoped3A_610 : memref<!tpu.dma_semaphore, #tpu.memory_space<semaphore_mem>>)
        %dma_wait3A_619 = arith.constant 0 : i32
        %dma_wait3A_620 = tpu.memref_slice %arg10[%run_scoped3A_609, %dma_wait3A_619] : memref<1x128xf32, #tpu.memory_space<vmem>> -> memref<1x128xf32, #tpu.memory_space<vmem>>
        %dma_wait3A_621 = tpu.memref_squeeze %dma_wait3A_620 : memref<1x128xf32, #tpu.memory_space<vmem>> -> memref<128xf32, #tpu.memory_space<vmem>>
        %dma_wait3A_622 = tpu.memref_slice %arg5[%multiple_of3A] : memref<370048xf32, #tpu.memory_space<hbm>> -> memref<128xf32, #tpu.memory_space<hbm>>
        %dma_wait3A_623 = tpu.memref_slice %arg5[%multiple_of3A] : memref<370048xf32, #tpu.memory_space<hbm>> -> memref<128xf32, #tpu.memory_space<hbm>>
        %dma_wait3A_624 = arith.constant 0 : i32
        %dma_wait3A_625 = tpu.memref_slice %arg10[%run_scoped3A_609, %dma_wait3A_624] : memref<1x128xf32, #tpu.memory_space<vmem>> -> memref<1x128xf32, #tpu.memory_space<vmem>>
        %dma_wait3A_626 = tpu.memref_squeeze %dma_wait3A_625 : memref<1x128xf32, #tpu.memory_space<vmem>> -> memref<128xf32, #tpu.memory_space<vmem>>
        tpu.wait_dma2 semaphore(%run_scoped3A_610 : memref<!tpu.dma_semaphore, #tpu.memory_space<semaphore_mem>>) src(%dma_wait3A_626 : memref<128xf32, #tpu.memory_space<vmem>>) dst(%dma_wait3A_623 : memref<128xf32, #tpu.memory_space<hbm>>)
        tpu.yield
      }) : () -> ()
    }
    %while3A_16 = arith.constant 1 : i32
    scf.for %while3A_17 = %while3A_14 to %while3A_10 step %while3A_16  : i32 {
      %add3A_18 = arith.addi %add3A_4, %while3A_17 : i32
      %mul3A_19 = arith.constant 128 : i32
      %mul3A_20 = arith.muli %add3A_18, %mul3A_19 : i32
      %multiple_of3A = tpu.assume_multiple %mul3A_20, 128 : i32
      %run_scoped3A = arith.constant 0 : i32
      "tpu.region"() ({
        %run_scoped3A_610 = tpu.sem_alloc : memref<!tpu.dma_semaphore, #tpu.memory_space<semaphore_mem>>
        %dma_start3A_611 = arith.constant 0 : i32
        %dma_start3A_612 = tpu.memref_slice %arg6[%run_scoped3A, %dma_start3A_611] : memref<1x128xi32, #tpu.memory_space<vmem>> -> memref<1x128xi32, #tpu.memory_space<vmem>>
        %dma_start3A_613 = tpu.memref_squeeze %dma_start3A_612 : memref<1x128xi32, #tpu.memory_space<vmem>> -> memref<128xi32, #tpu.memory_space<vmem>>
        %dma_start3A_614 = tpu.memref_slice %arg2[%multiple_of3A] : memref<370048xi32, #tpu.memory_space<hbm>> -> memref<128xi32, #tpu.memory_space<hbm>>
        %dma_start3A_615 = arith.constant 0 : i32
        %dma_start3A_616 = tpu.memref_slice %arg6[%run_scoped3A, %dma_start3A_615] : memref<1x128xi32, #tpu.memory_space<vmem>> -> memref<1x128xi32, #tpu.memory_space<vmem>>
        %dma_start3A_617 = tpu.memref_squeeze %dma_start3A_616 : memref<1x128xi32, #tpu.memory_space<vmem>> -> memref<128xi32, #tpu.memory_space<vmem>>
        %dma_start3A_618 = tpu.memref_slice %arg2[%multiple_of3A] : memref<370048xi32, #tpu.memory_space<hbm>> -> memref<128xi32, #tpu.memory_space<hbm>>
        tpu.enqueue_dma source(%dma_start3A_618 : memref<128xi32, #tpu.memory_space<hbm>>) target(%dma_start3A_617 : memref<128xi32, #tpu.memory_space<vmem>>) target_semaphore(%run_scoped3A_610 : memref<!tpu.dma_semaphore, #tpu.memory_space<semaphore_mem>>)
        %dma_wait3A_619 = arith.constant 0 : i32
        %dma_wait3A_620 = tpu.memref_slice %arg6[%run_scoped3A, %dma_wait3A_619] : memref<1x128xi32, #tpu.memory_space<vmem>> -> memref<1x128xi32, #tpu.memory_space<vmem>>
        %dma_wait3A_621 = tpu.memref_squeeze %dma_wait3A_620 : memref<1x128xi32, #tpu.memory_space<vmem>> -> memref<128xi32, #tpu.memory_space<vmem>>
        %dma_wait3A_622 = tpu.memref_slice %arg2[%multiple_of3A] : memref<370048xi32, #tpu.memory_space<hbm>> -> memref<128xi32, #tpu.memory_space<hbm>>
        %dma_wait3A_623 = arith.constant 0 : i32
        %dma_wait3A_624 = tpu.memref_slice %arg6[%run_scoped3A, %dma_wait3A_623] : memref<1x128xi32, #tpu.memory_space<vmem>> -> memref<1x128xi32, #tpu.memory_space<vmem>>
        %dma_wait3A_625 = tpu.memref_squeeze %dma_wait3A_624 : memref<1x128xi32, #tpu.memory_space<vmem>> -> memref<128xi32, #tpu.memory_space<vmem>>
        %dma_wait3A_626 = tpu.memref_slice %arg2[%multiple_of3A] : memref<370048xi32, #tpu.memory_space<hbm>> -> memref<128xi32, #tpu.memory_space<hbm>>
        tpu.wait_dma2 semaphore(%run_scoped3A_610 : memref<!tpu.dma_semaphore, #tpu.memory_space<semaphore_mem>>) src(%dma_wait3A_626 : memref<128xi32, #tpu.memory_space<hbm>>) dst(%dma_wait3A_625 : memref<128xi32, #tpu.memory_space<vmem>>)
        tpu.yield
      }) : () -> ()
      %run_scoped3A_21 = arith.constant 0 : i32
      "tpu.region"() ({
        %run_scoped3A_610 = tpu.sem_alloc : memref<!tpu.dma_semaphore, #tpu.memory_space<semaphore_mem>>
        %dma_start3A_611 = arith.constant 0 : i32
        %dma_start3A_612 = tpu.memref_slice %arg7[%run_scoped3A_21, %dma_start3A_611] : memref<1x128xi32, #tpu.memory_space<vmem>> -> memref<1x128xi32, #tpu.memory_space<vmem>>
        %dma_start3A_613 = tpu.memref_squeeze %dma_start3A_612 : memref<1x128xi32, #tpu.memory_space<vmem>> -> memref<128xi32, #tpu.memory_space<vmem>>
        %dma_start3A_614 = tpu.memref_slice %arg3[%multiple_of3A] : memref<370048xi32, #tpu.memory_space<hbm>> -> memref<128xi32, #tpu.memory_space<hbm>>
        %dma_start3A_615 = arith.constant 0 : i32
        %dma_start3A_616 = tpu.memref_slice %arg7[%run_scoped3A_21, %dma_start3A_615] : memref<1x128xi32, #tpu.memory_space<vmem>> -> memref<1x128xi32, #tpu.memory_space<vmem>>
        %dma_start3A_617 = tpu.memref_squeeze %dma_start3A_616 : memref<1x128xi32, #tpu.memory_space<vmem>> -> memref<128xi32, #tpu.memory_space<vmem>>
        %dma_start3A_618 = tpu.memref_slice %arg3[%multiple_of3A] : memref<370048xi32, #tpu.memory_space<hbm>> -> memref<128xi32, #tpu.memory_space<hbm>>
        tpu.enqueue_dma source(%dma_start3A_618 : memref<128xi32, #tpu.memory_space<hbm>>) target(%dma_start3A_617 : memref<128xi32, #tpu.memory_space<vmem>>) target_semaphore(%run_scoped3A_610 : memref<!tpu.dma_semaphore, #tpu.memory_space<semaphore_mem>>)
        %dma_wait3A_619 = arith.constant 0 : i32
        %dma_wait3A_620 = tpu.memref_slice %arg7[%run_scoped3A_21, %dma_wait3A_619] : memref<1x128xi32, #tpu.memory_space<vmem>> -> memref<1x128xi32, #tpu.memory_space<vmem>>
        %dma_wait3A_621 = tpu.memref_squeeze %dma_wait3A_620 : memref<1x128xi32, #tpu.memory_space<vmem>> -> memref<128xi32, #tpu.memory_space<vmem>>
        %dma_wait3A_622 = tpu.memref_slice %arg3[%multiple_of3A] : memref<370048xi32, #tpu.memory_space<hbm>> -> memref<128xi32, #tpu.memory_space<hbm>>
        %dma_wait3A_623 = arith.constant 0 : i32
        %dma_wait3A_624 = tpu.memref_slice %arg7[%run_scoped3A_21, %dma_wait3A_623] : memref<1x128xi32, #tpu.memory_space<vmem>> -> memref<1x128xi32, #tpu.memory_space<vmem>>
        %dma_wait3A_625 = tpu.memref_squeeze %dma_wait3A_624 : memref<1x128xi32, #tpu.memory_space<vmem>> -> memref<128xi32, #tpu.memory_space<vmem>>
        %dma_wait3A_626 = tpu.memref_slice %arg3[%multiple_of3A] : memref<370048xi32, #tpu.memory_space<hbm>> -> memref<128xi32, #tpu.memory_space<hbm>>
        tpu.wait_dma2 semaphore(%run_scoped3A_610 : memref<!tpu.dma_semaphore, #tpu.memory_space<semaphore_mem>>) src(%dma_wait3A_626 : memref<128xi32, #tpu.memory_space<hbm>>) dst(%dma_wait3A_625 : memref<128xi32, #tpu.memory_space<vmem>>)
        tpu.yield
      }) : () -> ()
      %dma_start3A = arith.constant 0 : i32
      %dma_start3A_22 = arith.constant 0 : i32
      %dma_start3A_23 = tpu.memref_slice %arg6[%dma_start3A, %dma_start3A_22] : memref<1x128xi32, #tpu.memory_space<vmem>> -> memref<1x128xi32, #tpu.memory_space<vmem>>
      %dma_start3A_24 = tpu.memref_squeeze %dma_start3A_23 : memref<1x128xi32, #tpu.memory_space<vmem>> -> memref<128xi32, #tpu.memory_space<vmem>>
      %dma_start3A_25 = arith.constant 0 : i32
      %dma_start3A_26 = arith.constant 0 : i32
      %dma_start3A_27 = tpu.memref_slice %arg4[%dma_start3A_25, %dma_start3A_26] : memref<10000x128xi32, #tpu.memory_space<hbm>> -> memref<10000x128xi32, #tpu.memory_space<hbm>>
      tpu.enqueue_indirect_dma source(%dma_start3A_27 : memref<10000x128xi32, #tpu.memory_space<hbm>>) target(%arg8 : memref<128x128xi32, #tpu.memory_space<vmem>>) offsets(%dma_start3A_24 : memref<128xi32, #tpu.memory_space<vmem>>) semaphore(%arg12 : memref<!tpu.dma_semaphore, #tpu.memory_space<semaphore_mem>>)
      %dma_start3A_28 = arith.constant 0 : i32
      %dma_start3A_29 = arith.constant 0 : i32
      %dma_start3A_30 = tpu.memref_slice %arg7[%dma_start3A_28, %dma_start3A_29] : memref<1x128xi32, #tpu.memory_space<vmem>> -> memref<1x128xi32, #tpu.memory_space<vmem>>
      %dma_start3A_31 = tpu.memref_squeeze %dma_start3A_30 : memref<1x128xi32, #tpu.memory_space<vmem>> -> memref<128xi32, #tpu.memory_space<vmem>>
      %dma_start3A_32 = arith.constant 0 : i32
      %dma_start3A_33 = arith.constant 0 : i32
      %dma_start3A_34 = tpu.memref_slice %arg4[%dma_start3A_32, %dma_start3A_33] : memref<10000x128xi32, #tpu.memory_space<hbm>> -> memref<10000x128xi32, #tpu.memory_space<hbm>>
      tpu.enqueue_indirect_dma source(%dma_start3A_34 : memref<10000x128xi32, #tpu.memory_space<hbm>>) target(%arg9 : memref<128x128xi32, #tpu.memory_space<vmem>>) offsets(%dma_start3A_31 : memref<128xi32, #tpu.memory_space<vmem>>) semaphore(%arg13 : memref<!tpu.dma_semaphore, #tpu.memory_space<semaphore_mem>>)
      %dma_wait3A = arith.constant 0 : i32
      %dma_wait3A_35 = arith.constant 0 : i32
      %dma_wait3A_36 = tpu.memref_slice %arg6[%dma_wait3A, %dma_wait3A_35] : memref<1x128xi32, #tpu.memory_space<vmem>> -> memref<1x128xi32, #tpu.memory_space<vmem>>
      %dma_wait3A_37 = tpu.memref_squeeze %dma_wait3A_36 : memref<1x128xi32, #tpu.memory_space<vmem>> -> memref<128xi32, #tpu.memory_space<vmem>>
      %dma_wait3A_38 = arith.constant 0 : i32
      %dma_wait3A_39 = arith.constant 0 : i32
      %dma_wait3A_40 = tpu.memref_slice %arg4[%dma_wait3A_38, %dma_wait3A_39] : memref<10000x128xi32, #tpu.memory_space<hbm>> -> memref<10000x128xi32, #tpu.memory_space<hbm>>
      tpu.wait_indirect_dma semaphore(%arg12 : memref<!tpu.dma_semaphore, #tpu.memory_space<semaphore_mem>>) src(%dma_wait3A_40 : memref<10000x128xi32, #tpu.memory_space<hbm>>) dst(%arg8 : memref<128x128xi32, #tpu.memory_space<vmem>>)
      %dma_wait3A_41 = arith.constant 0 : i32
      %dma_wait3A_42 = arith.constant 0 : i32
      %dma_wait3A_43 = tpu.memref_slice %arg7[%dma_wait3A_41, %dma_wait3A_42] : memref<1x128xi32, #tpu.memory_space<vmem>> -> memref<1x128xi32, #tpu.memory_space<vmem>>
      %dma_wait3A_44 = tpu.memref_squeeze %dma_wait3A_43 : memref<1x128xi32, #tpu.memory_space<vmem>> -> memref<128xi32, #tpu.memory_space<vmem>>
      %dma_wait3A_45 = arith.constant 0 : i32
      %dma_wait3A_46 = arith.constant 0 : i32
      %dma_wait3A_47 = tpu.memref_slice %arg4[%dma_wait3A_45, %dma_wait3A_46] : memref<10000x128xi32, #tpu.memory_space<hbm>> -> memref<10000x128xi32, #tpu.memory_space<hbm>>
      tpu.wait_indirect_dma semaphore(%arg13 : memref<!tpu.dma_semaphore, #tpu.memory_space<semaphore_mem>>) src(%dma_wait3A_47 : memref<10000x128xi32, #tpu.memory_space<hbm>>) dst(%arg9 : memref<128x128xi32, #tpu.memory_space<vmem>>)
      %scan3A = arith.constant 0 : i32
      %scan3A_48 = arith.constant 128 : i32
      %scan3A_49 = arith.addi %scan3A, %scan3A_48 : i32
      %scan3A_50 = arith.constant 2 : i32
      scf.for %scan3A_610 = %scan3A to %scan3A_49 step %scan3A_50  : i32 {
        %get3A = arith.index_cast %scan3A_610 : i32 to index
        %get3A_611 = arith.constant 0 : index
        %get3A_612 = tpu.vector_load %arg8[%get3A, %get3A_611] {strides = array<i32>} : memref<128x128xi32, #tpu.memory_space<vmem>>, vector<16xi32>,
        %bitcast3A = vector.bitcast %get3A_612 : vector<16xi32> to vector<32xbf16>
        %get3A_613 = arith.index_cast %scan3A_610 : i32 to index
        %get3A_614 = arith.constant 0 : index
        %get3A_615 = tpu.vector_load %arg9[%get3A_613, %get3A_614] {strides = array<i32>} : memref<128x128xi32, #tpu.memory_space<vmem>>, vector<16xi32>,
        %bitcast3A_616 = vector.bitcast %get3A_615 : vector<16xi32> to vector<32xbf16>
        %mul3A_617 = arith.mulf %bitcast3A, %bitcast3A_616 : vector<32xbf16>
        %get3A_618 = arith.index_cast %scan3A_610 : i32 to index
        %get3A_619 = arith.constant 16 : index
        %get3A_620 = tpu.vector_load %arg8[%get3A_618, %get3A_619] {strides = array<i32>} : memref<128x128xi32, #tpu.memory_space<vmem>>, vector<16xi32>,
        %bitcast3A_621 = vector.bitcast %get3A_620 : vector<16xi32> to vector<32xbf16>
        %get3A_622 = arith.index_cast %scan3A_610 : i32 to index
        %get3A_623 = arith.constant 16 : index
        %get3A_624 = tpu.vector_load %arg9[%get3A_622, %get3A_623] {strides = array<i32>} : memref<128x128xi32, #tpu.memory_space<vmem>>, vector<16xi32>,
        %bitcast3A_625 = vector.bitcast %get3A_624 : vector<16xi32> to vector<32xbf16>
        %mul3A_626 = arith.mulf %bitcast3A_621, %bitcast3A_625 : vector<32xbf16>
        %add3A_627 = arith.addf %mul3A_617, %mul3A_626 : vector<32xbf16>
        %get3A_628 = arith.index_cast %scan3A_610 : i32 to index
        %get3A_629 = arith.constant 32 : index
        %get3A_630 = tpu.vector_load %arg8[%get3A_628, %get3A_629] {strides = array<i32>} : memref<128x128xi32, #tpu.memory_space<vmem>>, vector<16xi32>,
        %bitcast3A_631 = vector.bitcast %get3A_630 : vector<16xi32> to vector<32xbf16>
        %get3A_632 = arith.index_cast %scan3A_610 : i32 to index
        %get3A_633 = arith.constant 32 : index
        %get3A_634 = tpu.vector_load %arg9[%get3A_632, %get3A_633] {strides = array<i32>} : memref<128x128xi32, #tpu.memory_space<vmem>>, vector<16xi32>,
        %bitcast3A_635 = vector.bitcast %get3A_634 : vector<16xi32> to vector<32xbf16>
        %mul3A_636 = arith.mulf %bitcast3A_631, %bitcast3A_635 : vector<32xbf16>
        %add3A_637 = arith.addf %add3A_627, %mul3A_636 : vector<32xbf16>
        %get3A_638 = arith.index_cast %scan3A_610 : i32 to index
        %get3A_639 = arith.constant 48 : index
        %get3A_640 = tpu.vector_load %arg8[%get3A_638, %get3A_639] {strides = array<i32>} : memref<128x128xi32, #tpu.memory_space<vmem>>, vector<16xi32>,
        %bitcast3A_641 = vector.bitcast %get3A_640 : vector<16xi32> to vector<32xbf16>
        %get3A_642 = arith.index_cast %scan3A_610 : i32 to index
        %get3A_643 = arith.constant 48 : index
        %get3A_644 = tpu.vector_load %arg9[%get3A_642, %get3A_643] {strides = array<i32>} : memref<128x128xi32, #tpu.memory_space<vmem>>, vector<16xi32>,
        %bitcast3A_645 = vector.bitcast %get3A_644 : vector<16xi32> to vector<32xbf16>
        %mul3A_646 = arith.mulf %bitcast3A_641, %bitcast3A_645 : vector<32xbf16>
        %add3A_647 = arith.addf %add3A_637, %mul3A_646 : vector<32xbf16>
        %get3A_648 = arith.index_cast %scan3A_610 : i32 to index
        %get3A_649 = arith.constant 64 : index
        %get3A_650 = tpu.vector_load %arg8[%get3A_648, %get3A_649] {strides = array<i32>} : memref<128x128xi32, #tpu.memory_space<vmem>>, vector<16xi32>,
        %bitcast3A_651 = vector.bitcast %get3A_650 : vector<16xi32> to vector<32xbf16>
        %get3A_652 = arith.index_cast %scan3A_610 : i32 to index
        %get3A_653 = arith.constant 64 : index
        %get3A_654 = tpu.vector_load %arg9[%get3A_652, %get3A_653] {strides = array<i32>} : memref<128x128xi32, #tpu.memory_space<vmem>>, vector<16xi32>,
        %bitcast3A_655 = vector.bitcast %get3A_654 : vector<16xi32> to vector<32xbf16>
        %mul3A_656 = arith.mulf %bitcast3A_651, %bitcast3A_655 : vector<32xbf16>
        %add3A_657 = arith.addf %add3A_647, %mul3A_656 : vector<32xbf16>
        %get3A_658 = arith.index_cast %scan3A_610 : i32 to index
        %get3A_659 = arith.constant 80 : index
        %get3A_660 = tpu.vector_load %arg8[%get3A_658, %get3A_659] {strides = array<i32>} : memref<128x128xi32, #tpu.memory_space<vmem>>, vector<16xi32>,
        %bitcast3A_661 = vector.bitcast %get3A_660 : vector<16xi32> to vector<32xbf16>
        %get3A_662 = arith.index_cast %scan3A_610 : i32 to index
        %get3A_663 = arith.constant 80 : index
        %get3A_664 = tpu.vector_load %arg9[%get3A_662, %get3A_663] {strides = array<i32>} : memref<128x128xi32, #tpu.memory_space<vmem>>, vector<16xi32>,
        %bitcast3A_665 = vector.bitcast %get3A_664 : vector<16xi32> to vector<32xbf16>
        %mul3A_666 = arith.mulf %bitcast3A_661, %bitcast3A_665 : vector<32xbf16>
        %add3A_667 = arith.addf %add3A_657, %mul3A_666 : vector<32xbf16>
        %get3A_668 = arith.index_cast %scan3A_610 : i32 to index
        %get3A_669 = arith.constant 96 : index
        %get3A_670 = tpu.vector_load %arg8[%get3A_668, %get3A_669] {strides = array<i32>} : memref<128x128xi32, #tpu.memory_space<vmem>>, vector<16xi32>,
        %bitcast3A_671 = vector.bitcast %get3A_670 : vector<16xi32> to vector<32xbf16>
        %get3A_672 = arith.index_cast %scan3A_610 : i32 to index
        %get3A_673 = arith.constant 96 : index
        %get3A_674 = tpu.vector_load %arg9[%get3A_672, %get3A_673] {strides = array<i32>} : memref<128x128xi32, #tpu.memory_space<vmem>>, vector<16xi32>,
        %bitcast3A_675 = vector.bitcast %get3A_674 : vector<16xi32> to vector<32xbf16>
        %mul3A_676 = arith.mulf %bitcast3A_671, %bitcast3A_675 : vector<32xbf16>
        %add3A_677 = arith.addf %add3A_667, %mul3A_676 : vector<32xbf16>
        %get3A_678 = arith.index_cast %scan3A_610 : i32 to index
        %get3A_679 = arith.constant 112 : index
        %get3A_680 = tpu.vector_load %arg8[%get3A_678, %get3A_679] {strides = array<i32>} : memref<128x128xi32, #tpu.memory_space<vmem>>, vector<16xi32>,
        %bitcast3A_681 = vector.bitcast %get3A_680 : vector<16xi32> to vector<32xbf16>
        %get3A_682 = arith.index_cast %scan3A_610 : i32 to index
        %get3A_683 = arith.constant 112 : index
        %get3A_684 = tpu.vector_load %arg9[%get3A_682, %get3A_683] {strides = array<i32>} : memref<128x128xi32, #tpu.memory_space<vmem>>, vector<16xi32>,
        %bitcast3A_685 = vector.bitcast %get3A_684 : vector<16xi32> to vector<32xbf16>
        %mul3A_686 = arith.mulf %bitcast3A_681, %bitcast3A_685 : vector<32xbf16>
        %add3A_687 = arith.addf %add3A_677, %mul3A_686 : vector<32xbf16>
        %unpack3A = tpu.unpack_subelements %add3A_687, 0 {pack_format = #tpu.pack_format<interleaved>} : vector<32xbf16> -> vector<16xf32>
        %unpack3A_688 = tpu.unpack_subelements %add3A_687, 1 {pack_format = #tpu.pack_format<interleaved>} : vector<32xbf16> -> vector<16xf32>
        %add3A_689 = arith.addf %unpack3A, %unpack3A_688 : vector<16xf32>
        %swap3A_690 = arith.index_cast %scan3A_610 : i32 to index
        %swap3A_691 = arith.constant 0 : index
        %swap3A_692 = tpu.vector_load %arg11[%swap3A_690, %swap3A_691] {strides = array<i32>} : memref<128x16xf32, #tpu.memory_space<vmem>>, vector<16xf32>,
        tpu.vector_store %arg11[%swap3A_690, %swap3A_691], %add3A_689 {strides = array<i32>} : memref<128x16xf32, #tpu.memory_space<vmem>>, vector<16xf32>,
        %scan3A_693 = arith.constant 1 : i32
        %scan3A_694 = arith.addi %scan3A_610, %scan3A_693 : i32
        %get3A_695 = arith.index_cast %scan3A_694 : i32 to index
        %get3A_696 = arith.constant 0 : index
        %get3A_697 = tpu.vector_load %arg8[%get3A_695, %get3A_696] {strides = array<i32>} : memref<128x128xi32, #tpu.memory_space<vmem>>, vector<16xi32>,
        %bitcast3A_698 = vector.bitcast %get3A_697 : vector<16xi32> to vector<32xbf16>
        %get3A_699 = arith.index_cast %scan3A_694 : i32 to index
        %get3A_700 = arith.constant 0 : index
        %get3A_701 = tpu.vector_load %arg9[%get3A_699, %get3A_700] {strides = array<i32>} : memref<128x128xi32, #tpu.memory_space<vmem>>, vector<16xi32>,
        %bitcast3A_702 = vector.bitcast %get3A_701 : vector<16xi32> to vector<32xbf16>
        %mul3A_703 = arith.mulf %bitcast3A_698, %bitcast3A_702 : vector<32xbf16>
        %get3A_704 = arith.index_cast %scan3A_694 : i32 to index
        %get3A_705 = arith.constant 16 : index
        %get3A_706 = tpu.vector_load %arg8[%get3A_704, %get3A_705] {strides = array<i32>} : memref<128x128xi32, #tpu.memory_space<vmem>>, vector<16xi32>,
        %bitcast3A_707 = vector.bitcast %get3A_706 : vector<16xi32> to vector<32xbf16>
        %get3A_708 = arith.index_cast %scan3A_694 : i32 to index
        %get3A_709 = arith.constant 16 : index
        %get3A_710 = tpu.vector_load %arg9[%get3A_708, %get3A_709] {strides = array<i32>} : memref<128x128xi32, #tpu.memory_space<vmem>>, vector<16xi32>,
        %bitcast3A_711 = vector.bitcast %get3A_710 : vector<16xi32> to vector<32xbf16>
        %mul3A_712 = arith.mulf %bitcast3A_707, %bitcast3A_711 : vector<32xbf16>
        %add3A_713 = arith.addf %mul3A_703, %mul3A_712 : vector<32xbf16>
        %get3A_714 = arith.index_cast %scan3A_694 : i32 to index
        %get3A_715 = arith.constant 32 : index
        %get3A_716 = tpu.vector_load %arg8[%get3A_714, %get3A_715] {strides = array<i32>} : memref<128x128xi32, #tpu.memory_space<vmem>>, vector<16xi32>,
        %bitcast3A_717 = vector.bitcast %get3A_716 : vector<16xi32> to vector<32xbf16>
        %get3A_718 = arith.index_cast %scan3A_694 : i32 to index
        %get3A_719 = arith.constant 32 : index
        %get3A_720 = tpu.vector_load %arg9[%get3A_718, %get3A_719] {strides = array<i32>} : memref<128x128xi32, #tpu.memory_space<vmem>>, vector<16xi32>,
        %bitcast3A_721 = vector.bitcast %get3A_720 : vector<16xi32> to vector<32xbf16>
        %mul3A_722 = arith.mulf %bitcast3A_717, %bitcast3A_721 : vector<32xbf16>
        %add3A_723 = arith.addf %add3A_713, %mul3A_722 : vector<32xbf16>
        %get3A_724 = arith.index_cast %scan3A_694 : i32 to index
        %get3A_725 = arith.constant 48 : index
        %get3A_726 = tpu.vector_load %arg8[%get3A_724, %get3A_725] {strides = array<i32>} : memref<128x128xi32, #tpu.memory_space<vmem>>, vector<16xi32>,
        %bitcast3A_727 = vector.bitcast %get3A_726 : vector<16xi32> to vector<32xbf16>
        %get3A_728 = arith.index_cast %scan3A_694 : i32 to index
        %get3A_729 = arith.constant 48 : index
        %get3A_730 = tpu.vector_load %arg9[%get3A_728, %get3A_729] {strides = array<i32>} : memref<128x128xi32, #tpu.memory_space<vmem>>, vector<16xi32>,
        %bitcast3A_731 = vector.bitcast %get3A_730 : vector<16xi32> to vector<32xbf16>
        %mul3A_732 = arith.mulf %bitcast3A_727, %bitcast3A_731 : vector<32xbf16>
        %add3A_733 = arith.addf %add3A_723, %mul3A_732 : vector<32xbf16>
        %get3A_734 = arith.index_cast %scan3A_694 : i32 to index
        %get3A_735 = arith.constant 64 : index
        %get3A_736 = tpu.vector_load %arg8[%get3A_734, %get3A_735] {strides = array<i32>} : memref<128x128xi32, #tpu.memory_space<vmem>>, vector<16xi32>,
        %bitcast3A_737 = vector.bitcast %get3A_736 : vector<16xi32> to vector<32xbf16>
        %get3A_738 = arith.index_cast %scan3A_694 : i32 to index
        %get3A_739 = arith.constant 64 : index
        %get3A_740 = tpu.vector_load %arg9[%get3A_738, %get3A_739] {strides = array<i32>} : memref<128x128xi32, #tpu.memory_space<vmem>>, vector<16xi32>,
        %bitcast3A_741 = vector.bitcast %get3A_740 : vector<16xi32> to vector<32xbf16>
        %mul3A_742 = arith.mulf %bitcast3A_737, %bitcast3A_741 : vector<32xbf16>
        %add3A_743 = arith.addf %add3A_733, %mul3A_742 : vector<32xbf16>
        %get3A_744 = arith.index_cast %scan3A_694 : i32 to index
        %get3A_745 = arith.constant 80 : index
        %get3A_746 = tpu.vector_load %arg8[%get3A_744, %get3A_745] {strides = array<i32>} : memref<128x128xi32, #tpu.memory_space<vmem>>, vector<16xi32>,
        %bitcast3A_747 = vector.bitcast %get3A_746 : vector<16xi32> to vector<32xbf16>
        %get3A_748 = arith.index_cast %scan3A_694 : i32 to index
        %get3A_749 = arith.constant 80 : index
        %get3A_750 = tpu.vector_load %arg9[%get3A_748, %get3A_749] {strides = array<i32>} : memref<128x128xi32, #tpu.memory_space<vmem>>, vector<16xi32>,
        %bitcast3A_751 = vector.bitcast %get3A_750 : vector<16xi32> to vector<32xbf16>
        %mul3A_752 = arith.mulf %bitcast3A_747, %bitcast3A_751 : vector<32xbf16>
        %add3A_753 = arith.addf %add3A_743, %mul3A_752 : vector<32xbf16>
        %get3A_754 = arith.index_cast %scan3A_694 : i32 to index
        %get3A_755 = arith.constant 96 : index
        %get3A_756 = tpu.vector_load %arg8[%get3A_754, %get3A_755] {strides = array<i32>} : memref<128x128xi32, #tpu.memory_space<vmem>>, vector<16xi32>,
        %bitcast3A_757 = vector.bitcast %get3A_756 : vector<16xi32> to vector<32xbf16>
        %get3A_758 = arith.index_cast %scan3A_694 : i32 to index
        %get3A_759 = arith.constant 96 : index
        %get3A_760 = tpu.vector_load %arg9[%get3A_758, %get3A_759] {strides = array<i32>} : memref<128x128xi32, #tpu.memory_space<vmem>>, vector<16xi32>,
        %bitcast3A_761 = vector.bitcast %get3A_760 : vector<16xi32> to vector<32xbf16>
        %mul3A_762 = arith.mulf %bitcast3A_757, %bitcast3A_761 : vector<32xbf16>
        %add3A_763 = arith.addf %add3A_753, %mul3A_762 : vector<32xbf16>
        %get3A_764 = arith.index_cast %scan3A_694 : i32 to index
        %get3A_765 = arith.constant 112 : index
        %get3A_766 = tpu.vector_load %arg8[%get3A_764, %get3A_765] {strides = array<i32>} : memref<128x128xi32, #tpu.memory_space<vmem>>, vector<16xi32>,
        %bitcast3A_767 = vector.bitcast %get3A_766 : vector<16xi32> to vector<32xbf16>
        %get3A_768 = arith.index_cast %scan3A_694 : i32 to index
        %get3A_769 = arith.constant 112 : index
        %get3A_770 = tpu.vector_load %arg9[%get3A_768, %get3A_769] {strides = array<i32>} : memref<128x128xi32, #tpu.memory_space<vmem>>, vector<16xi32>,
        %bitcast3A_771 = vector.bitcast %get3A_770 : vector<16xi32> to vector<32xbf16>
        %mul3A_772 = arith.mulf %bitcast3A_767, %bitcast3A_771 : vector<32xbf16>
        %add3A_773 = arith.addf %add3A_763, %mul3A_772 : vector<32xbf16>
        %unpack3A_774 = tpu.unpack_subelements %add3A_773, 0 {pack_format = #tpu.pack_format<interleaved>} : vector<32xbf16> -> vector<16xf32>
        %unpack3A_775 = tpu.unpack_subelements %add3A_773, 1 {pack_format = #tpu.pack_format<interleaved>} : vector<32xbf16> -> vector<16xf32>
        %add3A_776 = arith.addf %unpack3A_774, %unpack3A_775 : vector<16xf32>
        %swap3A_777 = arith.index_cast %scan3A_694 : i32 to index
        %swap3A_778 = arith.constant 0 : index
        %swap3A_779 = tpu.vector_load %arg11[%swap3A_777, %swap3A_778] {strides = array<i32>} : memref<128x16xf32, #tpu.memory_space<vmem>>, vector<16xf32>,
        tpu.vector_store %arg11[%swap3A_777, %swap3A_778], %add3A_776 {strides = array<i32>} : memref<128x16xf32, #tpu.memory_space<vmem>>, vector<16xf32>,
      }
      %scan3A_51 = arith.constant 128 : i32
      %iota3A = tpu.iota {dimensions = array<i32: 0>} : vector<16xi32>
      %add3A_52 = arith.constant 0 : i32
      %add3A_53 = vector.broadcast %add3A_52 : i32 to vector<16xi32>
      %add3A_54 = arith.addi %iota3A, %add3A_53 : vector<16xi32>
      %broadcast_in_dim3A = arith.constant 0 : i32
      %broadcast_in_dim3A_55 = vector.broadcast %broadcast_in_dim3A : i32 to vector<16xi32>
      %gather3A = tpu.vector_load_idx %arg11[%add3A_54, %broadcast_in_dim3A_55] : memref<128x16xf32, #tpu.memory_space<vmem>>[vector<16xi32>, vector<16xi32>], vector<16xf32>,
      %broadcast_in_dim3A_56 = arith.constant 1 : i32
      %broadcast_in_dim3A_57 = vector.broadcast %broadcast_in_dim3A_56 : i32 to vector<16xi32>
      %gather3A_58 = tpu.vector_load_idx %arg11[%add3A_54, %broadcast_in_dim3A_57] : memref<128x16xf32, #tpu.memory_space<vmem>>[vector<16xi32>, vector<16xi32>], vector<16xf32>,
      %add3A_59 = arith.addf %gather3A, %gather3A_58 : vector<16xf32>
      %broadcast_in_dim3A_60 = arith.constant 2 : i32
      %broadcast_in_dim3A_61 = vector.broadcast %broadcast_in_dim3A_60 : i32 to vector<16xi32>
      %gather3A_62 = tpu.vector_load_idx %arg11[%add3A_54, %broadcast_in_dim3A_61] : memref<128x16xf32, #tpu.memory_space<vmem>>[vector<16xi32>, vector<16xi32>], vector<16xf32>,
      %add3A_63 = arith.addf %add3A_59, %gather3A_62 : vector<16xf32>
      %broadcast_in_dim3A_64 = arith.constant 3 : i32
      %broadcast_in_dim3A_65 = vector.broadcast %broadcast_in_dim3A_64 : i32 to vector<16xi32>
      %gather3A_66 = tpu.vector_load_idx %arg11[%add3A_54, %broadcast_in_dim3A_65] : memref<128x16xf32, #tpu.memory_space<vmem>>[vector<16xi32>, vector<16xi32>], vector<16xf32>,
      %add3A_67 = arith.addf %add3A_63, %gather3A_66 : vector<16xf32>
      %broadcast_in_dim3A_68 = arith.constant 4 : i32
      %broadcast_in_dim3A_69 = vector.broadcast %broadcast_in_dim3A_68 : i32 to vector<16xi32>
      %gather3A_70 = tpu.vector_load_idx %arg11[%add3A_54, %broadcast_in_dim3A_69] : memref<128x16xf32, #tpu.memory_space<vmem>>[vector<16xi32>, vector<16xi32>], vector<16xf32>,
      %add3A_71 = arith.addf %add3A_67, %gather3A_70 : vector<16xf32>
      %broadcast_in_dim3A_72 = arith.constant 5 : i32
      %broadcast_in_dim3A_73 = vector.broadcast %broadcast_in_dim3A_72 : i32 to vector<16xi32>
      %gather3A_74 = tpu.vector_load_idx %arg11[%add3A_54, %broadcast_in_dim3A_73] : memref<128x16xf32, #tpu.memory_space<vmem>>[vector<16xi32>, vector<16xi32>], vector<16xf32>,
      %add3A_75 = arith.addf %add3A_71, %gather3A_74 : vector<16xf32>
      %broadcast_in_dim3A_76 = arith.constant 6 : i32
      %broadcast_in_dim3A_77 = vector.broadcast %broadcast_in_dim3A_76 : i32 to vector<16xi32>
      %gather3A_78 = tpu.vector_load_idx %arg11[%add3A_54, %broadcast_in_dim3A_77] : memref<128x16xf32, #tpu.memory_space<vmem>>[vector<16xi32>, vector<16xi32>], vector<16xf32>,
      %add3A_79 = arith.addf %add3A_75, %gather3A_78 : vector<16xf32>
      %broadcast_in_dim3A_80 = arith.constant 7 : i32
      %broadcast_in_dim3A_81 = vector.broadcast %broadcast_in_dim3A_80 : i32 to vector<16xi32>
      %gather3A_82 = tpu.vector_load_idx %arg11[%add3A_54, %broadcast_in_dim3A_81] : memref<128x16xf32, #tpu.memory_space<vmem>>[vector<16xi32>, vector<16xi32>], vector<16xf32>,
      %add3A_83 = arith.addf %add3A_79, %gather3A_82 : vector<16xf32>
      %broadcast_in_dim3A_84 = arith.constant 8 : i32
      %broadcast_in_dim3A_85 = vector.broadcast %broadcast_in_dim3A_84 : i32 to vector<16xi32>
      %gather3A_86 = tpu.vector_load_idx %arg11[%add3A_54, %broadcast_in_dim3A_85] : memref<128x16xf32, #tpu.memory_space<vmem>>[vector<16xi32>, vector<16xi32>], vector<16xf32>,
      %add3A_87 = arith.addf %add3A_83, %gather3A_86 : vector<16xf32>
      %broadcast_in_dim3A_88 = arith.constant 9 : i32
      %broadcast_in_dim3A_89 = vector.broadcast %broadcast_in_dim3A_88 : i32 to vector<16xi32>
      %gather3A_90 = tpu.vector_load_idx %arg11[%add3A_54, %broadcast_in_dim3A_89] : memref<128x16xf32, #tpu.memory_space<vmem>>[vector<16xi32>, vector<16xi32>], vector<16xf32>,
      %add3A_91 = arith.addf %add3A_87, %gather3A_90 : vector<16xf32>
      %broadcast_in_dim3A_92 = arith.constant 10 : i32
      %broadcast_in_dim3A_93 = vector.broadcast %broadcast_in_dim3A_92 : i32 to vector<16xi32>
      %gather3A_94 = tpu.vector_load_idx %arg11[%add3A_54, %broadcast_in_dim3A_93] : memref<128x16xf32, #tpu.memory_space<vmem>>[vector<16xi32>, vector<16xi32>], vector<16xf32>,
      %add3A_95 = arith.addf %add3A_91, %gather3A_94 : vector<16xf32>
      %broadcast_in_dim3A_96 = arith.constant 11 : i32
      %broadcast_in_dim3A_97 = vector.broadcast %broadcast_in_dim3A_96 : i32 to vector<16xi32>
      %gather3A_98 = tpu.vector_load_idx %arg11[%add3A_54, %broadcast_in_dim3A_97] : memref<128x16xf32, #tpu.memory_space<vmem>>[vector<16xi32>, vector<16xi32>], vector<16xf32>,
      %add3A_99 = arith.addf %add3A_95, %gather3A_98 : vector<16xf32>
      %broadcast_in_dim3A_100 = arith.constant 12 : i32
      %broadcast_in_dim3A_101 = vector.broadcast %broadcast_in_dim3A_100 : i32 to vector<16xi32>
      %gather3A_102 = tpu.vector_load_idx %arg11[%add3A_54, %broadcast_in_dim3A_101] : memref<128x16xf32, #tpu.memory_space<vmem>>[vector<16xi32>, vector<16xi32>], vector<16xf32>,
      %add3A_103 = arith.addf %add3A_99, %gather3A_102 : vector<16xf32>
      %broadcast_in_dim3A_104 = arith.constant 13 : i32
      %broadcast_in_dim3A_105 = vector.broadcast %broadcast_in_dim3A_104 : i32 to vector<16xi32>
      %gather3A_106 = tpu.vector_load_idx %arg11[%add3A_54, %broadcast_in_dim3A_105] : memref<128x16xf32, #tpu.memory_space<vmem>>[vector<16xi32>, vector<16xi32>], vector<16xf32>,
      %add3A_107 = arith.addf %add3A_103, %gather3A_106 : vector<16xf32>
      %broadcast_in_dim3A_108 = arith.constant 14 : i32
      %broadcast_in_dim3A_109 = vector.broadcast %broadcast_in_dim3A_108 : i32 to vector<16xi32>
      %gather3A_110 = tpu.vector_load_idx %arg11[%add3A_54, %broadcast_in_dim3A_109] : memref<128x16xf32, #tpu.memory_space<vmem>>[vector<16xi32>, vector<16xi32>], vector<16xf32>,
      %add3A_111 = arith.addf %add3A_107, %gather3A_110 : vector<16xf32>
      %broadcast_in_dim3A_112 = arith.constant 15 : i32
      %broadcast_in_dim3A_113 = vector.broadcast %broadcast_in_dim3A_112 : i32 to vector<16xi32>
      %gather3A_114 = tpu.vector_load_idx %arg11[%add3A_54, %broadcast_in_dim3A_113] : memref<128x16xf32, #tpu.memory_space<vmem>>[vector<16xi32>, vector<16xi32>], vector<16xf32>,
      %add3A_115 = arith.addf %add3A_111, %gather3A_114 : vector<16xf32>
      %swap3A = arith.constant 0 : i32
      %swap3A_116 = arith.index_cast %swap3A : i32 to index
      %swap3A_117 = arith.constant 0 : index
      %swap3A_118 = tpu.vector_load %arg10[%swap3A_116, %swap3A_117] {strides = array<i32>} : memref<1x128xf32, #tpu.memory_space<vmem>>, vector<16xf32>,
      tpu.vector_store %arg10[%swap3A_116, %swap3A_117], %add3A_115 {strides = array<i32>} : memref<1x128xf32, #tpu.memory_space<vmem>>, vector<16xf32>,
      %add3A_119 = arith.constant 16 : i32
      %add3A_120 = vector.broadcast %add3A_119 : i32 to vector<16xi32>
      %add3A_121 = arith.addi %iota3A, %add3A_120 : vector<16xi32>
      %broadcast_in_dim3A_122 = arith.constant 0 : i32
      %broadcast_in_dim3A_123 = vector.broadcast %broadcast_in_dim3A_122 : i32 to vector<16xi32>
      %gather3A_124 = tpu.vector_load_idx %arg11[%add3A_121, %broadcast_in_dim3A_123] : memref<128x16xf32, #tpu.memory_space<vmem>>[vector<16xi32>, vector<16xi32>], vector<16xf32>,
      %broadcast_in_dim3A_125 = arith.constant 1 : i32
      %broadcast_in_dim3A_126 = vector.broadcast %broadcast_in_dim3A_125 : i32 to vector<16xi32>
      %gather3A_127 = tpu.vector_load_idx %arg11[%add3A_121, %broadcast_in_dim3A_126] : memref<128x16xf32, #tpu.memory_space<vmem>>[vector<16xi32>, vector<16xi32>], vector<16xf32>,
      %add3A_128 = arith.addf %gather3A_124, %gather3A_127 : vector<16xf32>
      %broadcast_in_dim3A_129 = arith.constant 2 : i32
      %broadcast_in_dim3A_130 = vector.broadcast %broadcast_in_dim3A_129 : i32 to vector<16xi32>
      %gather3A_131 = tpu.vector_load_idx %arg11[%add3A_121, %broadcast_in_dim3A_130] : memref<128x16xf32, #tpu.memory_space<vmem>>[vector<16xi32>, vector<16xi32>], vector<16xf32>,
      %add3A_132 = arith.addf %add3A_128, %gather3A_131 : vector<16xf32>
      %broadcast_in_dim3A_133 = arith.constant 3 : i32
      %broadcast_in_dim3A_134 = vector.broadcast %broadcast_in_dim3A_133 : i32 to vector<16xi32>
      %gather3A_135 = tpu.vector_load_idx %arg11[%add3A_121, %broadcast_in_dim3A_134] : memref<128x16xf32, #tpu.memory_space<vmem>>[vector<16xi32>, vector<16xi32>], vector<16xf32>,
      %add3A_136 = arith.addf %add3A_132, %gather3A_135 : vector<16xf32>
      %broadcast_in_dim3A_137 = arith.constant 4 : i32
      %broadcast_in_dim3A_138 = vector.broadcast %broadcast_in_dim3A_137 : i32 to vector<16xi32>
      %gather3A_139 = tpu.vector_load_idx %arg11[%add3A_121, %broadcast_in_dim3A_138] : memref<128x16xf32, #tpu.memory_space<vmem>>[vector<16xi32>, vector<16xi32>], vector<16xf32>,
      %add3A_140 = arith.addf %add3A_136, %gather3A_139 : vector<16xf32>
      %broadcast_in_dim3A_141 = arith.constant 5 : i32
      %broadcast_in_dim3A_142 = vector.broadcast %broadcast_in_dim3A_141 : i32 to vector<16xi32>
      %gather3A_143 = tpu.vector_load_idx %arg11[%add3A_121, %broadcast_in_dim3A_142] : memref<128x16xf32, #tpu.memory_space<vmem>>[vector<16xi32>, vector<16xi32>], vector<16xf32>,
      %add3A_144 = arith.addf %add3A_140, %gather3A_143 : vector<16xf32>
      %broadcast_in_dim3A_145 = arith.constant 6 : i32
      %broadcast_in_dim3A_146 = vector.broadcast %broadcast_in_dim3A_145 : i32 to vector<16xi32>
      %gather3A_147 = tpu.vector_load_idx %arg11[%add3A_121, %broadcast_in_dim3A_146] : memref<128x16xf32, #tpu.memory_space<vmem>>[vector<16xi32>, vector<16xi32>], vector<16xf32>,
      %add3A_148 = arith.addf %add3A_144, %gather3A_147 : vector<16xf32>
      %broadcast_in_dim3A_149 = arith.constant 7 : i32
      %broadcast_in_dim3A_150 = vector.broadcast %broadcast_in_dim3A_149 : i32 to vector<16xi32>
      %gather3A_151 = tpu.vector_load_idx %arg11[%add3A_121, %broadcast_in_dim3A_150] : memref<128x16xf32, #tpu.memory_space<vmem>>[vector<16xi32>, vector<16xi32>], vector<16xf32>,
      %add3A_152 = arith.addf %add3A_148, %gather3A_151 : vector<16xf32>
      %broadcast_in_dim3A_153 = arith.constant 8 : i32
      %broadcast_in_dim3A_154 = vector.broadcast %broadcast_in_dim3A_153 : i32 to vector<16xi32>
      %gather3A_155 = tpu.vector_load_idx %arg11[%add3A_121, %broadcast_in_dim3A_154] : memref<128x16xf32, #tpu.memory_space<vmem>>[vector<16xi32>, vector<16xi32>], vector<16xf32>,
      %add3A_156 = arith.addf %add3A_152, %gather3A_155 : vector<16xf32>
      %broadcast_in_dim3A_157 = arith.constant 9 : i32
      %broadcast_in_dim3A_158 = vector.broadcast %broadcast_in_dim3A_157 : i32 to vector<16xi32>
      %gather3A_159 = tpu.vector_load_idx %arg11[%add3A_121, %broadcast_in_dim3A_158] : memref<128x16xf32, #tpu.memory_space<vmem>>[vector<16xi32>, vector<16xi32>], vector<16xf32>,
      %add3A_160 = arith.addf %add3A_156, %gather3A_159 : vector<16xf32>
      %broadcast_in_dim3A_161 = arith.constant 10 : i32
      %broadcast_in_dim3A_162 = vector.broadcast %broadcast_in_dim3A_161 : i32 to vector<16xi32>
      %gather3A_163 = tpu.vector_load_idx %arg11[%add3A_121, %broadcast_in_dim3A_162] : memref<128x16xf32, #tpu.memory_space<vmem>>[vector<16xi32>, vector<16xi32>], vector<16xf32>,
      %add3A_164 = arith.addf %add3A_160, %gather3A_163 : vector<16xf32>
      %broadcast_in_dim3A_165 = arith.constant 11 : i32
      %broadcast_in_dim3A_166 = vector.broadcast %broadcast_in_dim3A_165 : i32 to vector<16xi32>
      %gather3A_167 = tpu.vector_load_idx %arg11[%add3A_121, %broadcast_in_dim3A_166] : memref<128x16xf32, #tpu.memory_space<vmem>>[vector<16xi32>, vector<16xi32>], vector<16xf32>,
      %add3A_168 = arith.addf %add3A_164, %gather3A_167 : vector<16xf32>
      %broadcast_in_dim3A_169 = arith.constant 12 : i32
      %broadcast_in_dim3A_170 = vector.broadcast %broadcast_in_dim3A_169 : i32 to vector<16xi32>
      %gather3A_171 = tpu.vector_load_idx %arg11[%add3A_121, %broadcast_in_dim3A_170] : memref<128x16xf32, #tpu.memory_space<vmem>>[vector<16xi32>, vector<16xi32>], vector<16xf32>,
      %add3A_172 = arith.addf %add3A_168, %gather3A_171 : vector<16xf32>
      %broadcast_in_dim3A_173 = arith.constant 13 : i32
      %broadcast_in_dim3A_174 = vector.broadcast %broadcast_in_dim3A_173 : i32 to vector<16xi32>
      %gather3A_175 = tpu.vector_load_idx %arg11[%add3A_121, %broadcast_in_dim3A_174] : memref<128x16xf32, #tpu.memory_space<vmem>>[vector<16xi32>, vector<16xi32>], vector<16xf32>,
      %add3A_176 = arith.addf %add3A_172, %gather3A_175 : vector<16xf32>
      %broadcast_in_dim3A_177 = arith.constant 14 : i32
      %broadcast_in_dim3A_178 = vector.broadcast %broadcast_in_dim3A_177 : i32 to vector<16xi32>
      %gather3A_179 = tpu.vector_load_idx %arg11[%add3A_121, %broadcast_in_dim3A_178] : memref<128x16xf32, #tpu.memory_space<vmem>>[vector<16xi32>, vector<16xi32>], vector<16xf32>,
      %add3A_180 = arith.addf %add3A_176, %gather3A_179 : vector<16xf32>
      %broadcast_in_dim3A_181 = arith.constant 15 : i32
      %broadcast_in_dim3A_182 = vector.broadcast %broadcast_in_dim3A_181 : i32 to vector<16xi32>
      %gather3A_183 = tpu.vector_load_idx %arg11[%add3A_121, %broadcast_in_dim3A_182] : memref<128x16xf32, #tpu.memory_space<vmem>>[vector<16xi32>, vector<16xi32>], vector<16xf32>,
      %add3A_184 = arith.addf %add3A_180, %gather3A_183 : vector<16xf32>
      %swap3A_185 = arith.constant 0 : i32
      %swap3A_186 = arith.index_cast %swap3A_185 : i32 to index
      %swap3A_187 = arith.constant 16 : index
      %swap3A_188 = tpu.vector_load %arg10[%swap3A_186, %swap3A_187] {strides = array<i32>} : memref<1x128xf32, #tpu.memory_space<vmem>>, vector<16xf32>,
      tpu.vector_store %arg10[%swap3A_186, %swap3A_187], %add3A_184 {strides = array<i32>} : memref<1x128xf32, #tpu.memory_space<vmem>>, vector<16xf32>,
      %add3A_189 = arith.constant 32 : i32
      %add3A_190 = vector.broadcast %add3A_189 : i32 to vector<16xi32>
      %add3A_191 = arith.addi %iota3A, %add3A_190 : vector<16xi32>
      %broadcast_in_dim3A_192 = arith.constant 0 : i32
      %broadcast_in_dim3A_193 = vector.broadcast %broadcast_in_dim3A_192 : i32 to vector<16xi32>
      %gather3A_194 = tpu.vector_load_idx %arg11[%add3A_191, %broadcast_in_dim3A_193] : memref<128x16xf32, #tpu.memory_space<vmem>>[vector<16xi32>, vector<16xi32>], vector<16xf32>,
      %broadcast_in_dim3A_195 = arith.constant 1 : i32
      %broadcast_in_dim3A_196 = vector.broadcast %broadcast_in_dim3A_195 : i32 to vector<16xi32>
      %gather3A_197 = tpu.vector_load_idx %arg11[%add3A_191, %broadcast_in_dim3A_196] : memref<128x16xf32, #tpu.memory_space<vmem>>[vector<16xi32>, vector<16xi32>], vector<16xf32>,
      %add3A_198 = arith.addf %gather3A_194, %gather3A_197 : vector<16xf32>
      %broadcast_in_dim3A_199 = arith.constant 2 : i32
      %broadcast_in_dim3A_200 = vector.broadcast %broadcast_in_dim3A_199 : i32 to vector<16xi32>
      %gather3A_201 = tpu.vector_load_idx %arg11[%add3A_191, %broadcast_in_dim3A_200] : memref<128x16xf32, #tpu.memory_space<vmem>>[vector<16xi32>, vector<16xi32>], vector<16xf32>,
      %add3A_202 = arith.addf %add3A_198, %gather3A_201 : vector<16xf32>
      %broadcast_in_dim3A_203 = arith.constant 3 : i32
      %broadcast_in_dim3A_204 = vector.broadcast %broadcast_in_dim3A_203 : i32 to vector<16xi32>
      %gather3A_205 = tpu.vector_load_idx %arg11[%add3A_191, %broadcast_in_dim3A_204] : memref<128x16xf32, #tpu.memory_space<vmem>>[vector<16xi32>, vector<16xi32>], vector<16xf32>,
      %add3A_206 = arith.addf %add3A_202, %gather3A_205 : vector<16xf32>
      %broadcast_in_dim3A_207 = arith.constant 4 : i32
      %broadcast_in_dim3A_208 = vector.broadcast %broadcast_in_dim3A_207 : i32 to vector<16xi32>
      %gather3A_209 = tpu.vector_load_idx %arg11[%add3A_191, %broadcast_in_dim3A_208] : memref<128x16xf32, #tpu.memory_space<vmem>>[vector<16xi32>, vector<16xi32>], vector<16xf32>,
      %add3A_210 = arith.addf %add3A_206, %gather3A_209 : vector<16xf32>
      %broadcast_in_dim3A_211 = arith.constant 5 : i32
      %broadcast_in_dim3A_212 = vector.broadcast %broadcast_in_dim3A_211 : i32 to vector<16xi32>
      %gather3A_213 = tpu.vector_load_idx %arg11[%add3A_191, %broadcast_in_dim3A_212] : memref<128x16xf32, #tpu.memory_space<vmem>>[vector<16xi32>, vector<16xi32>], vector<16xf32>,
      %add3A_214 = arith.addf %add3A_210, %gather3A_213 : vector<16xf32>
      %broadcast_in_dim3A_215 = arith.constant 6 : i32
      %broadcast_in_dim3A_216 = vector.broadcast %broadcast_in_dim3A_215 : i32 to vector<16xi32>
      %gather3A_217 = tpu.vector_load_idx %arg11[%add3A_191, %broadcast_in_dim3A_216] : memref<128x16xf32, #tpu.memory_space<vmem>>[vector<16xi32>, vector<16xi32>], vector<16xf32>,
      %add3A_218 = arith.addf %add3A_214, %gather3A_217 : vector<16xf32>
      %broadcast_in_dim3A_219 = arith.constant 7 : i32
      %broadcast_in_dim3A_220 = vector.broadcast %broadcast_in_dim3A_219 : i32 to vector<16xi32>
      %gather3A_221 = tpu.vector_load_idx %arg11[%add3A_191, %broadcast_in_dim3A_220] : memref<128x16xf32, #tpu.memory_space<vmem>>[vector<16xi32>, vector<16xi32>], vector<16xf32>,
      %add3A_222 = arith.addf %add3A_218, %gather3A_221 : vector<16xf32>
      %broadcast_in_dim3A_223 = arith.constant 8 : i32
      %broadcast_in_dim3A_224 = vector.broadcast %broadcast_in_dim3A_223 : i32 to vector<16xi32>
      %gather3A_225 = tpu.vector_load_idx %arg11[%add3A_191, %broadcast_in_dim3A_224] : memref<128x16xf32, #tpu.memory_space<vmem>>[vector<16xi32>, vector<16xi32>], vector<16xf32>,
      %add3A_226 = arith.addf %add3A_222, %gather3A_225 : vector<16xf32>
      %broadcast_in_dim3A_227 = arith.constant 9 : i32
      %broadcast_in_dim3A_228 = vector.broadcast %broadcast_in_dim3A_227 : i32 to vector<16xi32>
      %gather3A_229 = tpu.vector_load_idx %arg11[%add3A_191, %broadcast_in_dim3A_228] : memref<128x16xf32, #tpu.memory_space<vmem>>[vector<16xi32>, vector<16xi32>], vector<16xf32>,
      %add3A_230 = arith.addf %add3A_226, %gather3A_229 : vector<16xf32>
      %broadcast_in_dim3A_231 = arith.constant 10 : i32
      %broadcast_in_dim3A_232 = vector.broadcast %broadcast_in_dim3A_231 : i32 to vector<16xi32>
      %gather3A_233 = tpu.vector_load_idx %arg11[%add3A_191, %broadcast_in_dim3A_232] : memref<128x16xf32, #tpu.memory_space<vmem>>[vector<16xi32>, vector<16xi32>], vector<16xf32>,
      %add3A_234 = arith.addf %add3A_230, %gather3A_233 : vector<16xf32>
      %broadcast_in_dim3A_235 = arith.constant 11 : i32
      %broadcast_in_dim3A_236 = vector.broadcast %broadcast_in_dim3A_235 : i32 to vector<16xi32>
      %gather3A_237 = tpu.vector_load_idx %arg11[%add3A_191, %broadcast_in_dim3A_236] : memref<128x16xf32, #tpu.memory_space<vmem>>[vector<16xi32>, vector<16xi32>], vector<16xf32>,
      %add3A_238 = arith.addf %add3A_234, %gather3A_237 : vector<16xf32>
      %broadcast_in_dim3A_239 = arith.constant 12 : i32
      %broadcast_in_dim3A_240 = vector.broadcast %broadcast_in_dim3A_239 : i32 to vector<16xi32>
      %gather3A_241 = tpu.vector_load_idx %arg11[%add3A_191, %broadcast_in_dim3A_240] : memref<128x16xf32, #tpu.memory_space<vmem>>[vector<16xi32>, vector<16xi32>], vector<16xf32>,
      %add3A_242 = arith.addf %add3A_238, %gather3A_241 : vector<16xf32>
      %broadcast_in_dim3A_243 = arith.constant 13 : i32
      %broadcast_in_dim3A_244 = vector.broadcast %broadcast_in_dim3A_243 : i32 to vector<16xi32>
      %gather3A_245 = tpu.vector_load_idx %arg11[%add3A_191, %broadcast_in_dim3A_244] : memref<128x16xf32, #tpu.memory_space<vmem>>[vector<16xi32>, vector<16xi32>], vector<16xf32>,
      %add3A_246 = arith.addf %add3A_242, %gather3A_245 : vector<16xf32>
      %broadcast_in_dim3A_247 = arith.constant 14 : i32
      %broadcast_in_dim3A_248 = vector.broadcast %broadcast_in_dim3A_247 : i32 to vector<16xi32>
      %gather3A_249 = tpu.vector_load_idx %arg11[%add3A_191, %broadcast_in_dim3A_248] : memref<128x16xf32, #tpu.memory_space<vmem>>[vector<16xi32>, vector<16xi32>], vector<16xf32>,
      %add3A_250 = arith.addf %add3A_246, %gather3A_249 : vector<16xf32>
      %broadcast_in_dim3A_251 = arith.constant 15 : i32
      %broadcast_in_dim3A_252 = vector.broadcast %broadcast_in_dim3A_251 : i32 to vector<16xi32>
      %gather3A_253 = tpu.vector_load_idx %arg11[%add3A_191, %broadcast_in_dim3A_252] : memref<128x16xf32, #tpu.memory_space<vmem>>[vector<16xi32>, vector<16xi32>], vector<16xf32>,
      %add3A_254 = arith.addf %add3A_250, %gather3A_253 : vector<16xf32>
      %swap3A_255 = arith.constant 0 : i32
      %swap3A_256 = arith.index_cast %swap3A_255 : i32 to index
      %swap3A_257 = arith.constant 32 : index
      %swap3A_258 = tpu.vector_load %arg10[%swap3A_256, %swap3A_257] {strides = array<i32>} : memref<1x128xf32, #tpu.memory_space<vmem>>, vector<16xf32>,
      tpu.vector_store %arg10[%swap3A_256, %swap3A_257], %add3A_254 {strides = array<i32>} : memref<1x128xf32, #tpu.memory_space<vmem>>, vector<16xf32>,
      %add3A_259 = arith.constant 48 : i32
      %add3A_260 = vector.broadcast %add3A_259 : i32 to vector<16xi32>
      %add3A_261 = arith.addi %iota3A, %add3A_260 : vector<16xi32>
      %broadcast_in_dim3A_262 = arith.constant 0 : i32
      %broadcast_in_dim3A_263 = vector.broadcast %broadcast_in_dim3A_262 : i32 to vector<16xi32>
      %gather3A_264 = tpu.vector_load_idx %arg11[%add3A_261, %broadcast_in_dim3A_263] : memref<128x16xf32, #tpu.memory_space<vmem>>[vector<16xi32>, vector<16xi32>], vector<16xf32>,
      %broadcast_in_dim3A_265 = arith.constant 1 : i32
      %broadcast_in_dim3A_266 = vector.broadcast %broadcast_in_dim3A_265 : i32 to vector<16xi32>
      %gather3A_267 = tpu.vector_load_idx %arg11[%add3A_261, %broadcast_in_dim3A_266] : memref<128x16xf32, #tpu.memory_space<vmem>>[vector<16xi32>, vector<16xi32>], vector<16xf32>,
      %add3A_268 = arith.addf %gather3A_264, %gather3A_267 : vector<16xf32>
      %broadcast_in_dim3A_269 = arith.constant 2 : i32
      %broadcast_in_dim3A_270 = vector.broadcast %broadcast_in_dim3A_269 : i32 to vector<16xi32>
      %gather3A_271 = tpu.vector_load_idx %arg11[%add3A_261, %broadcast_in_dim3A_270] : memref<128x16xf32, #tpu.memory_space<vmem>>[vector<16xi32>, vector<16xi32>], vector<16xf32>,
      %add3A_272 = arith.addf %add3A_268, %gather3A_271 : vector<16xf32>
      %broadcast_in_dim3A_273 = arith.constant 3 : i32
      %broadcast_in_dim3A_274 = vector.broadcast %broadcast_in_dim3A_273 : i32 to vector<16xi32>
      %gather3A_275 = tpu.vector_load_idx %arg11[%add3A_261, %broadcast_in_dim3A_274] : memref<128x16xf32, #tpu.memory_space<vmem>>[vector<16xi32>, vector<16xi32>], vector<16xf32>,
      %add3A_276 = arith.addf %add3A_272, %gather3A_275 : vector<16xf32>
      %broadcast_in_dim3A_277 = arith.constant 4 : i32
      %broadcast_in_dim3A_278 = vector.broadcast %broadcast_in_dim3A_277 : i32 to vector<16xi32>
      %gather3A_279 = tpu.vector_load_idx %arg11[%add3A_261, %broadcast_in_dim3A_278] : memref<128x16xf32, #tpu.memory_space<vmem>>[vector<16xi32>, vector<16xi32>], vector<16xf32>,
      %add3A_280 = arith.addf %add3A_276, %gather3A_279 : vector<16xf32>
      %broadcast_in_dim3A_281 = arith.constant 5 : i32
      %broadcast_in_dim3A_282 = vector.broadcast %broadcast_in_dim3A_281 : i32 to vector<16xi32>
      %gather3A_283 = tpu.vector_load_idx %arg11[%add3A_261, %broadcast_in_dim3A_282] : memref<128x16xf32, #tpu.memory_space<vmem>>[vector<16xi32>, vector<16xi32>], vector<16xf32>,
      %add3A_284 = arith.addf %add3A_280, %gather3A_283 : vector<16xf32>
      %broadcast_in_dim3A_285 = arith.constant 6 : i32
      %broadcast_in_dim3A_286 = vector.broadcast %broadcast_in_dim3A_285 : i32 to vector<16xi32>
      %gather3A_287 = tpu.vector_load_idx %arg11[%add3A_261, %broadcast_in_dim3A_286] : memref<128x16xf32, #tpu.memory_space<vmem>>[vector<16xi32>, vector<16xi32>], vector<16xf32>,
      %add3A_288 = arith.addf %add3A_284, %gather3A_287 : vector<16xf32>
      %broadcast_in_dim3A_289 = arith.constant 7 : i32
      %broadcast_in_dim3A_290 = vector.broadcast %broadcast_in_dim3A_289 : i32 to vector<16xi32>
      %gather3A_291 = tpu.vector_load_idx %arg11[%add3A_261, %broadcast_in_dim3A_290] : memref<128x16xf32, #tpu.memory_space<vmem>>[vector<16xi32>, vector<16xi32>], vector<16xf32>,
      %add3A_292 = arith.addf %add3A_288, %gather3A_291 : vector<16xf32>
      %broadcast_in_dim3A_293 = arith.constant 8 : i32
      %broadcast_in_dim3A_294 = vector.broadcast %broadcast_in_dim3A_293 : i32 to vector<16xi32>
      %gather3A_295 = tpu.vector_load_idx %arg11[%add3A_261, %broadcast_in_dim3A_294] : memref<128x16xf32, #tpu.memory_space<vmem>>[vector<16xi32>, vector<16xi32>], vector<16xf32>,
      %add3A_296 = arith.addf %add3A_292, %gather3A_295 : vector<16xf32>
      %broadcast_in_dim3A_297 = arith.constant 9 : i32
      %broadcast_in_dim3A_298 = vector.broadcast %broadcast_in_dim3A_297 : i32 to vector<16xi32>
      %gather3A_299 = tpu.vector_load_idx %arg11[%add3A_261, %broadcast_in_dim3A_298] : memref<128x16xf32, #tpu.memory_space<vmem>>[vector<16xi32>, vector<16xi32>], vector<16xf32>,
      %add3A_300 = arith.addf %add3A_296, %gather3A_299 : vector<16xf32>
      %broadcast_in_dim3A_301 = arith.constant 10 : i32
      %broadcast_in_dim3A_302 = vector.broadcast %broadcast_in_dim3A_301 : i32 to vector<16xi32>
      %gather3A_303 = tpu.vector_load_idx %arg11[%add3A_261, %broadcast_in_dim3A_302] : memref<128x16xf32, #tpu.memory_space<vmem>>[vector<16xi32>, vector<16xi32>], vector<16xf32>,
      %add3A_304 = arith.addf %add3A_300, %gather3A_303 : vector<16xf32>
      %broadcast_in_dim3A_305 = arith.constant 11 : i32
      %broadcast_in_dim3A_306 = vector.broadcast %broadcast_in_dim3A_305 : i32 to vector<16xi32>
      %gather3A_307 = tpu.vector_load_idx %arg11[%add3A_261, %broadcast_in_dim3A_306] : memref<128x16xf32, #tpu.memory_space<vmem>>[vector<16xi32>, vector<16xi32>], vector<16xf32>,
      %add3A_308 = arith.addf %add3A_304, %gather3A_307 : vector<16xf32>
      %broadcast_in_dim3A_309 = arith.constant 12 : i32
      %broadcast_in_dim3A_310 = vector.broadcast %broadcast_in_dim3A_309 : i32 to vector<16xi32>
      %gather3A_311 = tpu.vector_load_idx %arg11[%add3A_261, %broadcast_in_dim3A_310] : memref<128x16xf32, #tpu.memory_space<vmem>>[vector<16xi32>, vector<16xi32>], vector<16xf32>,
      %add3A_312 = arith.addf %add3A_308, %gather3A_311 : vector<16xf32>
      %broadcast_in_dim3A_313 = arith.constant 13 : i32
      %broadcast_in_dim3A_314 = vector.broadcast %broadcast_in_dim3A_313 : i32 to vector<16xi32>
      %gather3A_315 = tpu.vector_load_idx %arg11[%add3A_261, %broadcast_in_dim3A_314] : memref<128x16xf32, #tpu.memory_space<vmem>>[vector<16xi32>, vector<16xi32>], vector<16xf32>,
      %add3A_316 = arith.addf %add3A_312, %gather3A_315 : vector<16xf32>
      %broadcast_in_dim3A_317 = arith.constant 14 : i32
      %broadcast_in_dim3A_318 = vector.broadcast %broadcast_in_dim3A_317 : i32 to vector<16xi32>
      %gather3A_319 = tpu.vector_load_idx %arg11[%add3A_261, %broadcast_in_dim3A_318] : memref<128x16xf32, #tpu.memory_space<vmem>>[vector<16xi32>, vector<16xi32>], vector<16xf32>,
      %add3A_320 = arith.addf %add3A_316, %gather3A_319 : vector<16xf32>
      %broadcast_in_dim3A_321 = arith.constant 15 : i32
      %broadcast_in_dim3A_322 = vector.broadcast %broadcast_in_dim3A_321 : i32 to vector<16xi32>
      %gather3A_323 = tpu.vector_load_idx %arg11[%add3A_261, %broadcast_in_dim3A_322] : memref<128x16xf32, #tpu.memory_space<vmem>>[vector<16xi32>, vector<16xi32>], vector<16xf32>,
      %add3A_324 = arith.addf %add3A_320, %gather3A_323 : vector<16xf32>
      %swap3A_325 = arith.constant 0 : i32
      %swap3A_326 = arith.index_cast %swap3A_325 : i32 to index
      %swap3A_327 = arith.constant 48 : index
      %swap3A_328 = tpu.vector_load %arg10[%swap3A_326, %swap3A_327] {strides = array<i32>} : memref<1x128xf32, #tpu.memory_space<vmem>>, vector<16xf32>,
      tpu.vector_store %arg10[%swap3A_326, %swap3A_327], %add3A_324 {strides = array<i32>} : memref<1x128xf32, #tpu.memory_space<vmem>>, vector<16xf32>,
      %add3A_329 = arith.constant 64 : i32
      %add3A_330 = vector.broadcast %add3A_329 : i32 to vector<16xi32>
      %add3A_331 = arith.addi %iota3A, %add3A_330 : vector<16xi32>
      %broadcast_in_dim3A_332 = arith.constant 0 : i32
      %broadcast_in_dim3A_333 = vector.broadcast %broadcast_in_dim3A_332 : i32 to vector<16xi32>
      %gather3A_334 = tpu.vector_load_idx %arg11[%add3A_331, %broadcast_in_dim3A_333] : memref<128x16xf32, #tpu.memory_space<vmem>>[vector<16xi32>, vector<16xi32>], vector<16xf32>,
      %broadcast_in_dim3A_335 = arith.constant 1 : i32
      %broadcast_in_dim3A_336 = vector.broadcast %broadcast_in_dim3A_335 : i32 to vector<16xi32>
      %gather3A_337 = tpu.vector_load_idx %arg11[%add3A_331, %broadcast_in_dim3A_336] : memref<128x16xf32, #tpu.memory_space<vmem>>[vector<16xi32>, vector<16xi32>], vector<16xf32>,
      %add3A_338 = arith.addf %gather3A_334, %gather3A_337 : vector<16xf32>
      %broadcast_in_dim3A_339 = arith.constant 2 : i32
      %broadcast_in_dim3A_340 = vector.broadcast %broadcast_in_dim3A_339 : i32 to vector<16xi32>
      %gather3A_341 = tpu.vector_load_idx %arg11[%add3A_331, %broadcast_in_dim3A_340] : memref<128x16xf32, #tpu.memory_space<vmem>>[vector<16xi32>, vector<16xi32>], vector<16xf32>,
      %add3A_342 = arith.addf %add3A_338, %gather3A_341 : vector<16xf32>
      %broadcast_in_dim3A_343 = arith.constant 3 : i32
      %broadcast_in_dim3A_344 = vector.broadcast %broadcast_in_dim3A_343 : i32 to vector<16xi32>
      %gather3A_345 = tpu.vector_load_idx %arg11[%add3A_331, %broadcast_in_dim3A_344] : memref<128x16xf32, #tpu.memory_space<vmem>>[vector<16xi32>, vector<16xi32>], vector<16xf32>,
      %add3A_346 = arith.addf %add3A_342, %gather3A_345 : vector<16xf32>
      %broadcast_in_dim3A_347 = arith.constant 4 : i32
      %broadcast_in_dim3A_348 = vector.broadcast %broadcast_in_dim3A_347 : i32 to vector<16xi32>
      %gather3A_349 = tpu.vector_load_idx %arg11[%add3A_331, %broadcast_in_dim3A_348] : memref<128x16xf32, #tpu.memory_space<vmem>>[vector<16xi32>, vector<16xi32>], vector<16xf32>,
      %add3A_350 = arith.addf %add3A_346, %gather3A_349 : vector<16xf32>
      %broadcast_in_dim3A_351 = arith.constant 5 : i32
      %broadcast_in_dim3A_352 = vector.broadcast %broadcast_in_dim3A_351 : i32 to vector<16xi32>
      %gather3A_353 = tpu.vector_load_idx %arg11[%add3A_331, %broadcast_in_dim3A_352] : memref<128x16xf32, #tpu.memory_space<vmem>>[vector<16xi32>, vector<16xi32>], vector<16xf32>,
      %add3A_354 = arith.addf %add3A_350, %gather3A_353 : vector<16xf32>
      %broadcast_in_dim3A_355 = arith.constant 6 : i32
      %broadcast_in_dim3A_356 = vector.broadcast %broadcast_in_dim3A_355 : i32 to vector<16xi32>
      %gather3A_357 = tpu.vector_load_idx %arg11[%add3A_331, %broadcast_in_dim3A_356] : memref<128x16xf32, #tpu.memory_space<vmem>>[vector<16xi32>, vector<16xi32>], vector<16xf32>,
      %add3A_358 = arith.addf %add3A_354, %gather3A_357 : vector<16xf32>
      %broadcast_in_dim3A_359 = arith.constant 7 : i32
      %broadcast_in_dim3A_360 = vector.broadcast %broadcast_in_dim3A_359 : i32 to vector<16xi32>
      %gather3A_361 = tpu.vector_load_idx %arg11[%add3A_331, %broadcast_in_dim3A_360] : memref<128x16xf32, #tpu.memory_space<vmem>>[vector<16xi32>, vector<16xi32>], vector<16xf32>,
      %add3A_362 = arith.addf %add3A_358, %gather3A_361 : vector<16xf32>
      %broadcast_in_dim3A_363 = arith.constant 8 : i32
      %broadcast_in_dim3A_364 = vector.broadcast %broadcast_in_dim3A_363 : i32 to vector<16xi32>
      %gather3A_365 = tpu.vector_load_idx %arg11[%add3A_331, %broadcast_in_dim3A_364] : memref<128x16xf32, #tpu.memory_space<vmem>>[vector<16xi32>, vector<16xi32>], vector<16xf32>,
      %add3A_366 = arith.addf %add3A_362, %gather3A_365 : vector<16xf32>
      %broadcast_in_dim3A_367 = arith.constant 9 : i32
      %broadcast_in_dim3A_368 = vector.broadcast %broadcast_in_dim3A_367 : i32 to vector<16xi32>
      %gather3A_369 = tpu.vector_load_idx %arg11[%add3A_331, %broadcast_in_dim3A_368] : memref<128x16xf32, #tpu.memory_space<vmem>>[vector<16xi32>, vector<16xi32>], vector<16xf32>,
      %add3A_370 = arith.addf %add3A_366, %gather3A_369 : vector<16xf32>
      %broadcast_in_dim3A_371 = arith.constant 10 : i32
      %broadcast_in_dim3A_372 = vector.broadcast %broadcast_in_dim3A_371 : i32 to vector<16xi32>
      %gather3A_373 = tpu.vector_load_idx %arg11[%add3A_331, %broadcast_in_dim3A_372] : memref<128x16xf32, #tpu.memory_space<vmem>>[vector<16xi32>, vector<16xi32>], vector<16xf32>,
      %add3A_374 = arith.addf %add3A_370, %gather3A_373 : vector<16xf32>
      %broadcast_in_dim3A_375 = arith.constant 11 : i32
      %broadcast_in_dim3A_376 = vector.broadcast %broadcast_in_dim3A_375 : i32 to vector<16xi32>
      %gather3A_377 = tpu.vector_load_idx %arg11[%add3A_331, %broadcast_in_dim3A_376] : memref<128x16xf32, #tpu.memory_space<vmem>>[vector<16xi32>, vector<16xi32>], vector<16xf32>,
      %add3A_378 = arith.addf %add3A_374, %gather3A_377 : vector<16xf32>
      %broadcast_in_dim3A_379 = arith.constant 12 : i32
      %broadcast_in_dim3A_380 = vector.broadcast %broadcast_in_dim3A_379 : i32 to vector<16xi32>
      %gather3A_381 = tpu.vector_load_idx %arg11[%add3A_331, %broadcast_in_dim3A_380] : memref<128x16xf32, #tpu.memory_space<vmem>>[vector<16xi32>, vector<16xi32>], vector<16xf32>,
      %add3A_382 = arith.addf %add3A_378, %gather3A_381 : vector<16xf32>
      %broadcast_in_dim3A_383 = arith.constant 13 : i32
      %broadcast_in_dim3A_384 = vector.broadcast %broadcast_in_dim3A_383 : i32 to vector<16xi32>
      %gather3A_385 = tpu.vector_load_idx %arg11[%add3A_331, %broadcast_in_dim3A_384] : memref<128x16xf32, #tpu.memory_space<vmem>>[vector<16xi32>, vector<16xi32>], vector<16xf32>,
      %add3A_386 = arith.addf %add3A_382, %gather3A_385 : vector<16xf32>
      %broadcast_in_dim3A_387 = arith.constant 14 : i32
      %broadcast_in_dim3A_388 = vector.broadcast %broadcast_in_dim3A_387 : i32 to vector<16xi32>
      %gather3A_389 = tpu.vector_load_idx %arg11[%add3A_331, %broadcast_in_dim3A_388] : memref<128x16xf32, #tpu.memory_space<vmem>>[vector<16xi32>, vector<16xi32>], vector<16xf32>,
      %add3A_390 = arith.addf %add3A_386, %gather3A_389 : vector<16xf32>
      %broadcast_in_dim3A_391 = arith.constant 15 : i32
      %broadcast_in_dim3A_392 = vector.broadcast %broadcast_in_dim3A_391 : i32 to vector<16xi32>
      %gather3A_393 = tpu.vector_load_idx %arg11[%add3A_331, %broadcast_in_dim3A_392] : memref<128x16xf32, #tpu.memory_space<vmem>>[vector<16xi32>, vector<16xi32>], vector<16xf32>,
      %add3A_394 = arith.addf %add3A_390, %gather3A_393 : vector<16xf32>
      %swap3A_395 = arith.constant 0 : i32
      %swap3A_396 = arith.index_cast %swap3A_395 : i32 to index
      %swap3A_397 = arith.constant 64 : index
      %swap3A_398 = tpu.vector_load %arg10[%swap3A_396, %swap3A_397] {strides = array<i32>} : memref<1x128xf32, #tpu.memory_space<vmem>>, vector<16xf32>,
      tpu.vector_store %arg10[%swap3A_396, %swap3A_397], %add3A_394 {strides = array<i32>} : memref<1x128xf32, #tpu.memory_space<vmem>>, vector<16xf32>,
      %add3A_399 = arith.constant 80 : i32
      %add3A_400 = vector.broadcast %add3A_399 : i32 to vector<16xi32>
      %add3A_401 = arith.addi %iota3A, %add3A_400 : vector<16xi32>
      %broadcast_in_dim3A_402 = arith.constant 0 : i32
      %broadcast_in_dim3A_403 = vector.broadcast %broadcast_in_dim3A_402 : i32 to vector<16xi32>
      %gather3A_404 = tpu.vector_load_idx %arg11[%add3A_401, %broadcast_in_dim3A_403] : memref<128x16xf32, #tpu.memory_space<vmem>>[vector<16xi32>, vector<16xi32>], vector<16xf32>,
      %broadcast_in_dim3A_405 = arith.constant 1 : i32
      %broadcast_in_dim3A_406 = vector.broadcast %broadcast_in_dim3A_405 : i32 to vector<16xi32>
      %gather3A_407 = tpu.vector_load_idx %arg11[%add3A_401, %broadcast_in_dim3A_406] : memref<128x16xf32, #tpu.memory_space<vmem>>[vector<16xi32>, vector<16xi32>], vector<16xf32>,
      %add3A_408 = arith.addf %gather3A_404, %gather3A_407 : vector<16xf32>
      %broadcast_in_dim3A_409 = arith.constant 2 : i32
      %broadcast_in_dim3A_410 = vector.broadcast %broadcast_in_dim3A_409 : i32 to vector<16xi32>
      %gather3A_411 = tpu.vector_load_idx %arg11[%add3A_401, %broadcast_in_dim3A_410] : memref<128x16xf32, #tpu.memory_space<vmem>>[vector<16xi32>, vector<16xi32>], vector<16xf32>,
      %add3A_412 = arith.addf %add3A_408, %gather3A_411 : vector<16xf32>
      %broadcast_in_dim3A_413 = arith.constant 3 : i32
      %broadcast_in_dim3A_414 = vector.broadcast %broadcast_in_dim3A_413 : i32 to vector<16xi32>
      %gather3A_415 = tpu.vector_load_idx %arg11[%add3A_401, %broadcast_in_dim3A_414] : memref<128x16xf32, #tpu.memory_space<vmem>>[vector<16xi32>, vector<16xi32>], vector<16xf32>,
      %add3A_416 = arith.addf %add3A_412, %gather3A_415 : vector<16xf32>
      %broadcast_in_dim3A_417 = arith.constant 4 : i32
      %broadcast_in_dim3A_418 = vector.broadcast %broadcast_in_dim3A_417 : i32 to vector<16xi32>
      %gather3A_419 = tpu.vector_load_idx %arg11[%add3A_401, %broadcast_in_dim3A_418] : memref<128x16xf32, #tpu.memory_space<vmem>>[vector<16xi32>, vector<16xi32>], vector<16xf32>,
      %add3A_420 = arith.addf %add3A_416, %gather3A_419 : vector<16xf32>
      %broadcast_in_dim3A_421 = arith.constant 5 : i32
      %broadcast_in_dim3A_422 = vector.broadcast %broadcast_in_dim3A_421 : i32 to vector<16xi32>
      %gather3A_423 = tpu.vector_load_idx %arg11[%add3A_401, %broadcast_in_dim3A_422] : memref<128x16xf32, #tpu.memory_space<vmem>>[vector<16xi32>, vector<16xi32>], vector<16xf32>,
      %add3A_424 = arith.addf %add3A_420, %gather3A_423 : vector<16xf32>
      %broadcast_in_dim3A_425 = arith.constant 6 : i32
      %broadcast_in_dim3A_426 = vector.broadcast %broadcast_in_dim3A_425 : i32 to vector<16xi32>
      %gather3A_427 = tpu.vector_load_idx %arg11[%add3A_401, %broadcast_in_dim3A_426] : memref<128x16xf32, #tpu.memory_space<vmem>>[vector<16xi32>, vector<16xi32>], vector<16xf32>,
      %add3A_428 = arith.addf %add3A_424, %gather3A_427 : vector<16xf32>
      %broadcast_in_dim3A_429 = arith.constant 7 : i32
      %broadcast_in_dim3A_430 = vector.broadcast %broadcast_in_dim3A_429 : i32 to vector<16xi32>
      %gather3A_431 = tpu.vector_load_idx %arg11[%add3A_401, %broadcast_in_dim3A_430] : memref<128x16xf32, #tpu.memory_space<vmem>>[vector<16xi32>, vector<16xi32>], vector<16xf32>,
      %add3A_432 = arith.addf %add3A_428, %gather3A_431 : vector<16xf32>
      %broadcast_in_dim3A_433 = arith.constant 8 : i32
      %broadcast_in_dim3A_434 = vector.broadcast %broadcast_in_dim3A_433 : i32 to vector<16xi32>
      %gather3A_435 = tpu.vector_load_idx %arg11[%add3A_401, %broadcast_in_dim3A_434] : memref<128x16xf32, #tpu.memory_space<vmem>>[vector<16xi32>, vector<16xi32>], vector<16xf32>,
      %add3A_436 = arith.addf %add3A_432, %gather3A_435 : vector<16xf32>
      %broadcast_in_dim3A_437 = arith.constant 9 : i32
      %broadcast_in_dim3A_438 = vector.broadcast %broadcast_in_dim3A_437 : i32 to vector<16xi32>
      %gather3A_439 = tpu.vector_load_idx %arg11[%add3A_401, %broadcast_in_dim3A_438] : memref<128x16xf32, #tpu.memory_space<vmem>>[vector<16xi32>, vector<16xi32>], vector<16xf32>,
      %add3A_440 = arith.addf %add3A_436, %gather3A_439 : vector<16xf32>
      %broadcast_in_dim3A_441 = arith.constant 10 : i32
      %broadcast_in_dim3A_442 = vector.broadcast %broadcast_in_dim3A_441 : i32 to vector<16xi32>
      %gather3A_443 = tpu.vector_load_idx %arg11[%add3A_401, %broadcast_in_dim3A_442] : memref<128x16xf32, #tpu.memory_space<vmem>>[vector<16xi32>, vector<16xi32>], vector<16xf32>,
      %add3A_444 = arith.addf %add3A_440, %gather3A_443 : vector<16xf32>
      %broadcast_in_dim3A_445 = arith.constant 11 : i32
      %broadcast_in_dim3A_446 = vector.broadcast %broadcast_in_dim3A_445 : i32 to vector<16xi32>
      %gather3A_447 = tpu.vector_load_idx %arg11[%add3A_401, %broadcast_in_dim3A_446] : memref<128x16xf32, #tpu.memory_space<vmem>>[vector<16xi32>, vector<16xi32>], vector<16xf32>,
      %add3A_448 = arith.addf %add3A_444, %gather3A_447 : vector<16xf32>
      %broadcast_in_dim3A_449 = arith.constant 12 : i32
      %broadcast_in_dim3A_450 = vector.broadcast %broadcast_in_dim3A_449 : i32 to vector<16xi32>
      %gather3A_451 = tpu.vector_load_idx %arg11[%add3A_401, %broadcast_in_dim3A_450] : memref<128x16xf32, #tpu.memory_space<vmem>>[vector<16xi32>, vector<16xi32>], vector<16xf32>,
      %add3A_452 = arith.addf %add3A_448, %gather3A_451 : vector<16xf32>
      %broadcast_in_dim3A_453 = arith.constant 13 : i32
      %broadcast_in_dim3A_454 = vector.broadcast %broadcast_in_dim3A_453 : i32 to vector<16xi32>
      %gather3A_455 = tpu.vector_load_idx %arg11[%add3A_401, %broadcast_in_dim3A_454] : memref<128x16xf32, #tpu.memory_space<vmem>>[vector<16xi32>, vector<16xi32>], vector<16xf32>,
      %add3A_456 = arith.addf %add3A_452, %gather3A_455 : vector<16xf32>
      %broadcast_in_dim3A_457 = arith.constant 14 : i32
      %broadcast_in_dim3A_458 = vector.broadcast %broadcast_in_dim3A_457 : i32 to vector<16xi32>
      %gather3A_459 = tpu.vector_load_idx %arg11[%add3A_401, %broadcast_in_dim3A_458] : memref<128x16xf32, #tpu.memory_space<vmem>>[vector<16xi32>, vector<16xi32>], vector<16xf32>,
      %add3A_460 = arith.addf %add3A_456, %gather3A_459 : vector<16xf32>
      %broadcast_in_dim3A_461 = arith.constant 15 : i32
      %broadcast_in_dim3A_462 = vector.broadcast %broadcast_in_dim3A_461 : i32 to vector<16xi32>
      %gather3A_463 = tpu.vector_load_idx %arg11[%add3A_401, %broadcast_in_dim3A_462] : memref<128x16xf32, #tpu.memory_space<vmem>>[vector<16xi32>, vector<16xi32>], vector<16xf32>,
      %add3A_464 = arith.addf %add3A_460, %gather3A_463 : vector<16xf32>
      %swap3A_465 = arith.constant 0 : i32
      %swap3A_466 = arith.index_cast %swap3A_465 : i32 to index
      %swap3A_467 = arith.constant 80 : index
      %swap3A_468 = tpu.vector_load %arg10[%swap3A_466, %swap3A_467] {strides = array<i32>} : memref<1x128xf32, #tpu.memory_space<vmem>>, vector<16xf32>,
      tpu.vector_store %arg10[%swap3A_466, %swap3A_467], %add3A_464 {strides = array<i32>} : memref<1x128xf32, #tpu.memory_space<vmem>>, vector<16xf32>,
      %add3A_469 = arith.constant 96 : i32
      %add3A_470 = vector.broadcast %add3A_469 : i32 to vector<16xi32>
      %add3A_471 = arith.addi %iota3A, %add3A_470 : vector<16xi32>
      %broadcast_in_dim3A_472 = arith.constant 0 : i32
      %broadcast_in_dim3A_473 = vector.broadcast %broadcast_in_dim3A_472 : i32 to vector<16xi32>
      %gather3A_474 = tpu.vector_load_idx %arg11[%add3A_471, %broadcast_in_dim3A_473] : memref<128x16xf32, #tpu.memory_space<vmem>>[vector<16xi32>, vector<16xi32>], vector<16xf32>,
      %broadcast_in_dim3A_475 = arith.constant 1 : i32
      %broadcast_in_dim3A_476 = vector.broadcast %broadcast_in_dim3A_475 : i32 to vector<16xi32>
      %gather3A_477 = tpu.vector_load_idx %arg11[%add3A_471, %broadcast_in_dim3A_476] : memref<128x16xf32, #tpu.memory_space<vmem>>[vector<16xi32>, vector<16xi32>], vector<16xf32>,
      %add3A_478 = arith.addf %gather3A_474, %gather3A_477 : vector<16xf32>
      %broadcast_in_dim3A_479 = arith.constant 2 : i32
      %broadcast_in_dim3A_480 = vector.broadcast %broadcast_in_dim3A_479 : i32 to vector<16xi32>
      %gather3A_481 = tpu.vector_load_idx %arg11[%add3A_471, %broadcast_in_dim3A_480] : memref<128x16xf32, #tpu.memory_space<vmem>>[vector<16xi32>, vector<16xi32>], vector<16xf32>,
      %add3A_482 = arith.addf %add3A_478, %gather3A_481 : vector<16xf32>
      %broadcast_in_dim3A_483 = arith.constant 3 : i32
      %broadcast_in_dim3A_484 = vector.broadcast %broadcast_in_dim3A_483 : i32 to vector<16xi32>
      %gather3A_485 = tpu.vector_load_idx %arg11[%add3A_471, %broadcast_in_dim3A_484] : memref<128x16xf32, #tpu.memory_space<vmem>>[vector<16xi32>, vector<16xi32>], vector<16xf32>,
      %add3A_486 = arith.addf %add3A_482, %gather3A_485 : vector<16xf32>
      %broadcast_in_dim3A_487 = arith.constant 4 : i32
      %broadcast_in_dim3A_488 = vector.broadcast %broadcast_in_dim3A_487 : i32 to vector<16xi32>
      %gather3A_489 = tpu.vector_load_idx %arg11[%add3A_471, %broadcast_in_dim3A_488] : memref<128x16xf32, #tpu.memory_space<vmem>>[vector<16xi32>, vector<16xi32>], vector<16xf32>,
      %add3A_490 = arith.addf %add3A_486, %gather3A_489 : vector<16xf32>
      %broadcast_in_dim3A_491 = arith.constant 5 : i32
      %broadcast_in_dim3A_492 = vector.broadcast %broadcast_in_dim3A_491 : i32 to vector<16xi32>
      %gather3A_493 = tpu.vector_load_idx %arg11[%add3A_471, %broadcast_in_dim3A_492] : memref<128x16xf32, #tpu.memory_space<vmem>>[vector<16xi32>, vector<16xi32>], vector<16xf32>,
      %add3A_494 = arith.addf %add3A_490, %gather3A_493 : vector<16xf32>
      %broadcast_in_dim3A_495 = arith.constant 6 : i32
      %broadcast_in_dim3A_496 = vector.broadcast %broadcast_in_dim3A_495 : i32 to vector<16xi32>
      %gather3A_497 = tpu.vector_load_idx %arg11[%add3A_471, %broadcast_in_dim3A_496] : memref<128x16xf32, #tpu.memory_space<vmem>>[vector<16xi32>, vector<16xi32>], vector<16xf32>,
      %add3A_498 = arith.addf %add3A_494, %gather3A_497 : vector<16xf32>
      %broadcast_in_dim3A_499 = arith.constant 7 : i32
      %broadcast_in_dim3A_500 = vector.broadcast %broadcast_in_dim3A_499 : i32 to vector<16xi32>
      %gather3A_501 = tpu.vector_load_idx %arg11[%add3A_471, %broadcast_in_dim3A_500] : memref<128x16xf32, #tpu.memory_space<vmem>>[vector<16xi32>, vector<16xi32>], vector<16xf32>,
      %add3A_502 = arith.addf %add3A_498, %gather3A_501 : vector<16xf32>
      %broadcast_in_dim3A_503 = arith.constant 8 : i32
      %broadcast_in_dim3A_504 = vector.broadcast %broadcast_in_dim3A_503 : i32 to vector<16xi32>
      %gather3A_505 = tpu.vector_load_idx %arg11[%add3A_471, %broadcast_in_dim3A_504] : memref<128x16xf32, #tpu.memory_space<vmem>>[vector<16xi32>, vector<16xi32>], vector<16xf32>,
      %add3A_506 = arith.addf %add3A_502, %gather3A_505 : vector<16xf32>
      %broadcast_in_dim3A_507 = arith.constant 9 : i32
      %broadcast_in_dim3A_508 = vector.broadcast %broadcast_in_dim3A_507 : i32 to vector<16xi32>
      %gather3A_509 = tpu.vector_load_idx %arg11[%add3A_471, %broadcast_in_dim3A_508] : memref<128x16xf32, #tpu.memory_space<vmem>>[vector<16xi32>, vector<16xi32>], vector<16xf32>,
      %add3A_510 = arith.addf %add3A_506, %gather3A_509 : vector<16xf32>
      %broadcast_in_dim3A_511 = arith.constant 10 : i32
      %broadcast_in_dim3A_512 = vector.broadcast %broadcast_in_dim3A_511 : i32 to vector<16xi32>
      %gather3A_513 = tpu.vector_load_idx %arg11[%add3A_471, %broadcast_in_dim3A_512] : memref<128x16xf32, #tpu.memory_space<vmem>>[vector<16xi32>, vector<16xi32>], vector<16xf32>,
      %add3A_514 = arith.addf %add3A_510, %gather3A_513 : vector<16xf32>
      %broadcast_in_dim3A_515 = arith.constant 11 : i32
      %broadcast_in_dim3A_516 = vector.broadcast %broadcast_in_dim3A_515 : i32 to vector<16xi32>
      %gather3A_517 = tpu.vector_load_idx %arg11[%add3A_471, %broadcast_in_dim3A_516] : memref<128x16xf32, #tpu.memory_space<vmem>>[vector<16xi32>, vector<16xi32>], vector<16xf32>,
      %add3A_518 = arith.addf %add3A_514, %gather3A_517 : vector<16xf32>
      %broadcast_in_dim3A_519 = arith.constant 12 : i32
      %broadcast_in_dim3A_520 = vector.broadcast %broadcast_in_dim3A_519 : i32 to vector<16xi32>
      %gather3A_521 = tpu.vector_load_idx %arg11[%add3A_471, %broadcast_in_dim3A_520] : memref<128x16xf32, #tpu.memory_space<vmem>>[vector<16xi32>, vector<16xi32>], vector<16xf32>,
      %add3A_522 = arith.addf %add3A_518, %gather3A_521 : vector<16xf32>
      %broadcast_in_dim3A_523 = arith.constant 13 : i32
      %broadcast_in_dim3A_524 = vector.broadcast %broadcast_in_dim3A_523 : i32 to vector<16xi32>
      %gather3A_525 = tpu.vector_load_idx %arg11[%add3A_471, %broadcast_in_dim3A_524] : memref<128x16xf32, #tpu.memory_space<vmem>>[vector<16xi32>, vector<16xi32>], vector<16xf32>,
      %add3A_526 = arith.addf %add3A_522, %gather3A_525 : vector<16xf32>
      %broadcast_in_dim3A_527 = arith.constant 14 : i32
      %broadcast_in_dim3A_528 = vector.broadcast %broadcast_in_dim3A_527 : i32 to vector<16xi32>
      %gather3A_529 = tpu.vector_load_idx %arg11[%add3A_471, %broadcast_in_dim3A_528] : memref<128x16xf32, #tpu.memory_space<vmem>>[vector<16xi32>, vector<16xi32>], vector<16xf32>,
      %add3A_530 = arith.addf %add3A_526, %gather3A_529 : vector<16xf32>
      %broadcast_in_dim3A_531 = arith.constant 15 : i32
      %broadcast_in_dim3A_532 = vector.broadcast %broadcast_in_dim3A_531 : i32 to vector<16xi32>
      %gather3A_533 = tpu.vector_load_idx %arg11[%add3A_471, %broadcast_in_dim3A_532] : memref<128x16xf32, #tpu.memory_space<vmem>>[vector<16xi32>, vector<16xi32>], vector<16xf32>,
      %add3A_534 = arith.addf %add3A_530, %gather3A_533 : vector<16xf32>
      %swap3A_535 = arith.constant 0 : i32
      %swap3A_536 = arith.index_cast %swap3A_535 : i32 to index
      %swap3A_537 = arith.constant 96 : index
      %swap3A_538 = tpu.vector_load %arg10[%swap3A_536, %swap3A_537] {strides = array<i32>} : memref<1x128xf32, #tpu.memory_space<vmem>>, vector<16xf32>,
      tpu.vector_store %arg10[%swap3A_536, %swap3A_537], %add3A_534 {strides = array<i32>} : memref<1x128xf32, #tpu.memory_space<vmem>>, vector<16xf32>,
      %add3A_539 = arith.constant 112 : i32
      %add3A_540 = vector.broadcast %add3A_539 : i32 to vector<16xi32>
      %add3A_541 = arith.addi %iota3A, %add3A_540 : vector<16xi32>
      %broadcast_in_dim3A_542 = arith.constant 0 : i32
      %broadcast_in_dim3A_543 = vector.broadcast %broadcast_in_dim3A_542 : i32 to vector<16xi32>
      %gather3A_544 = tpu.vector_load_idx %arg11[%add3A_541, %broadcast_in_dim3A_543] : memref<128x16xf32, #tpu.memory_space<vmem>>[vector<16xi32>, vector<16xi32>], vector<16xf32>,
      %broadcast_in_dim3A_545 = arith.constant 1 : i32
      %broadcast_in_dim3A_546 = vector.broadcast %broadcast_in_dim3A_545 : i32 to vector<16xi32>
      %gather3A_547 = tpu.vector_load_idx %arg11[%add3A_541, %broadcast_in_dim3A_546] : memref<128x16xf32, #tpu.memory_space<vmem>>[vector<16xi32>, vector<16xi32>], vector<16xf32>,
      %add3A_548 = arith.addf %gather3A_544, %gather3A_547 : vector<16xf32>
      %broadcast_in_dim3A_549 = arith.constant 2 : i32
      %broadcast_in_dim3A_550 = vector.broadcast %broadcast_in_dim3A_549 : i32 to vector<16xi32>
      %gather3A_551 = tpu.vector_load_idx %arg11[%add3A_541, %broadcast_in_dim3A_550] : memref<128x16xf32, #tpu.memory_space<vmem>>[vector<16xi32>, vector<16xi32>], vector<16xf32>,
      %add3A_552 = arith.addf %add3A_548, %gather3A_551 : vector<16xf32>
      %broadcast_in_dim3A_553 = arith.constant 3 : i32
      %broadcast_in_dim3A_554 = vector.broadcast %broadcast_in_dim3A_553 : i32 to vector<16xi32>
      %gather3A_555 = tpu.vector_load_idx %arg11[%add3A_541, %broadcast_in_dim3A_554] : memref<128x16xf32, #tpu.memory_space<vmem>>[vector<16xi32>, vector<16xi32>], vector<16xf32>,
      %add3A_556 = arith.addf %add3A_552, %gather3A_555 : vector<16xf32>
      %broadcast_in_dim3A_557 = arith.constant 4 : i32
      %broadcast_in_dim3A_558 = vector.broadcast %broadcast_in_dim3A_557 : i32 to vector<16xi32>
      %gather3A_559 = tpu.vector_load_idx %arg11[%add3A_541, %broadcast_in_dim3A_558] : memref<128x16xf32, #tpu.memory_space<vmem>>[vector<16xi32>, vector<16xi32>], vector<16xf32>,
      %add3A_560 = arith.addf %add3A_556, %gather3A_559 : vector<16xf32>
      %broadcast_in_dim3A_561 = arith.constant 5 : i32
      %broadcast_in_dim3A_562 = vector.broadcast %broadcast_in_dim3A_561 : i32 to vector<16xi32>
      %gather3A_563 = tpu.vector_load_idx %arg11[%add3A_541, %broadcast_in_dim3A_562] : memref<128x16xf32, #tpu.memory_space<vmem>>[vector<16xi32>, vector<16xi32>], vector<16xf32>,
      %add3A_564 = arith.addf %add3A_560, %gather3A_563 : vector<16xf32>
      %broadcast_in_dim3A_565 = arith.constant 6 : i32
      %broadcast_in_dim3A_566 = vector.broadcast %broadcast_in_dim3A_565 : i32 to vector<16xi32>
      %gather3A_567 = tpu.vector_load_idx %arg11[%add3A_541, %broadcast_in_dim3A_566] : memref<128x16xf32, #tpu.memory_space<vmem>>[vector<16xi32>, vector<16xi32>], vector<16xf32>,
      %add3A_568 = arith.addf %add3A_564, %gather3A_567 : vector<16xf32>
      %broadcast_in_dim3A_569 = arith.constant 7 : i32
      %broadcast_in_dim3A_570 = vector.broadcast %broadcast_in_dim3A_569 : i32 to vector<16xi32>
      %gather3A_571 = tpu.vector_load_idx %arg11[%add3A_541, %broadcast_in_dim3A_570] : memref<128x16xf32, #tpu.memory_space<vmem>>[vector<16xi32>, vector<16xi32>], vector<16xf32>,
      %add3A_572 = arith.addf %add3A_568, %gather3A_571 : vector<16xf32>
      %broadcast_in_dim3A_573 = arith.constant 8 : i32
      %broadcast_in_dim3A_574 = vector.broadcast %broadcast_in_dim3A_573 : i32 to vector<16xi32>
      %gather3A_575 = tpu.vector_load_idx %arg11[%add3A_541, %broadcast_in_dim3A_574] : memref<128x16xf32, #tpu.memory_space<vmem>>[vector<16xi32>, vector<16xi32>], vector<16xf32>,
      %add3A_576 = arith.addf %add3A_572, %gather3A_575 : vector<16xf32>
      %broadcast_in_dim3A_577 = arith.constant 9 : i32
      %broadcast_in_dim3A_578 = vector.broadcast %broadcast_in_dim3A_577 : i32 to vector<16xi32>
      %gather3A_579 = tpu.vector_load_idx %arg11[%add3A_541, %broadcast_in_dim3A_578] : memref<128x16xf32, #tpu.memory_space<vmem>>[vector<16xi32>, vector<16xi32>], vector<16xf32>,
      %add3A_580 = arith.addf %add3A_576, %gather3A_579 : vector<16xf32>
      %broadcast_in_dim3A_581 = arith.constant 10 : i32
      %broadcast_in_dim3A_582 = vector.broadcast %broadcast_in_dim3A_581 : i32 to vector<16xi32>
      %gather3A_583 = tpu.vector_load_idx %arg11[%add3A_541, %broadcast_in_dim3A_582] : memref<128x16xf32, #tpu.memory_space<vmem>>[vector<16xi32>, vector<16xi32>], vector<16xf32>,
      %add3A_584 = arith.addf %add3A_580, %gather3A_583 : vector<16xf32>
      %broadcast_in_dim3A_585 = arith.constant 11 : i32
      %broadcast_in_dim3A_586 = vector.broadcast %broadcast_in_dim3A_585 : i32 to vector<16xi32>
      %gather3A_587 = tpu.vector_load_idx %arg11[%add3A_541, %broadcast_in_dim3A_586] : memref<128x16xf32, #tpu.memory_space<vmem>>[vector<16xi32>, vector<16xi32>], vector<16xf32>,
      %add3A_588 = arith.addf %add3A_584, %gather3A_587 : vector<16xf32>
      %broadcast_in_dim3A_589 = arith.constant 12 : i32
      %broadcast_in_dim3A_590 = vector.broadcast %broadcast_in_dim3A_589 : i32 to vector<16xi32>
      %gather3A_591 = tpu.vector_load_idx %arg11[%add3A_541, %broadcast_in_dim3A_590] : memref<128x16xf32, #tpu.memory_space<vmem>>[vector<16xi32>, vector<16xi32>], vector<16xf32>,
      %add3A_592 = arith.addf %add3A_588, %gather3A_591 : vector<16xf32>
      %broadcast_in_dim3A_593 = arith.constant 13 : i32
      %broadcast_in_dim3A_594 = vector.broadcast %broadcast_in_dim3A_593 : i32 to vector<16xi32>
      %gather3A_595 = tpu.vector_load_idx %arg11[%add3A_541, %broadcast_in_dim3A_594] : memref<128x16xf32, #tpu.memory_space<vmem>>[vector<16xi32>, vector<16xi32>], vector<16xf32>,
      %add3A_596 = arith.addf %add3A_592, %gather3A_595 : vector<16xf32>
      %broadcast_in_dim3A_597 = arith.constant 14 : i32
      %broadcast_in_dim3A_598 = vector.broadcast %broadcast_in_dim3A_597 : i32 to vector<16xi32>
      %gather3A_599 = tpu.vector_load_idx %arg11[%add3A_541, %broadcast_in_dim3A_598] : memref<128x16xf32, #tpu.memory_space<vmem>>[vector<16xi32>, vector<16xi32>], vector<16xf32>,
      %add3A_600 = arith.addf %add3A_596, %gather3A_599 : vector<16xf32>
      %broadcast_in_dim3A_601 = arith.constant 15 : i32
      %broadcast_in_dim3A_602 = vector.broadcast %broadcast_in_dim3A_601 : i32 to vector<16xi32>
      %gather3A_603 = tpu.vector_load_idx %arg11[%add3A_541, %broadcast_in_dim3A_602] : memref<128x16xf32, #tpu.memory_space<vmem>>[vector<16xi32>, vector<16xi32>], vector<16xf32>,
      %add3A_604 = arith.addf %add3A_600, %gather3A_603 : vector<16xf32>
      %swap3A_605 = arith.constant 0 : i32
      %swap3A_606 = arith.index_cast %swap3A_605 : i32 to index
      %swap3A_607 = arith.constant 112 : index
      %swap3A_608 = tpu.vector_load %arg10[%swap3A_606, %swap3A_607] {strides = array<i32>} : memref<1x128xf32, #tpu.memory_space<vmem>>, vector<16xf32>,
      tpu.vector_store %arg10[%swap3A_606, %swap3A_607], %add3A_604 {strides = array<i32>} : memref<1x128xf32, #tpu.memory_space<vmem>>, vector<16xf32>,
      %run_scoped3A_609 = arith.constant 0 : i32
      "tpu.region"() ({
        %run_scoped3A_610 = tpu.sem_alloc : memref<!tpu.dma_semaphore, #tpu.memory_space<semaphore_mem>>
        %dma_start3A_611 = arith.constant 0 : i32
        %dma_start3A_612 = tpu.memref_slice %arg10[%run_scoped3A_609, %dma_start3A_611] : memref<1x128xf32, #tpu.memory_space<vmem>> -> memref<1x128xf32, #tpu.memory_space<vmem>>
        %dma_start3A_613 = tpu.memref_squeeze %dma_start3A_612 : memref<1x128xf32, #tpu.memory_space<vmem>> -> memref<128xf32, #tpu.memory_space<vmem>>
        %dma_start3A_614 = tpu.memref_slice %arg5[%multiple_of3A] : memref<370048xf32, #tpu.memory_space<hbm>> -> memref<128xf32, #tpu.memory_space<hbm>>
        %dma_start3A_615 = tpu.memref_slice %arg5[%multiple_of3A] : memref<370048xf32, #tpu.memory_space<hbm>> -> memref<128xf32, #tpu.memory_space<hbm>>
        %dma_start3A_616 = arith.constant 0 : i32
        %dma_start3A_617 = tpu.memref_slice %arg10[%run_scoped3A_609, %dma_start3A_616] : memref<1x128xf32, #tpu.memory_space<vmem>> -> memref<1x128xf32, #tpu.memory_space<vmem>>
        %dma_start3A_618 = tpu.memref_squeeze %dma_start3A_617 : memref<1x128xf32, #tpu.memory_space<vmem>> -> memref<128xf32, #tpu.memory_space<vmem>>
        tpu.enqueue_dma source(%dma_start3A_618 : memref<128xf32, #tpu.memory_space<vmem>>) target(%dma_start3A_615 : memref<128xf32, #tpu.memory_space<hbm>>) target_semaphore(%run_scoped3A_610 : memref<!tpu.dma_semaphore, #tpu.memory_space<semaphore_mem>>)
        %dma_wait3A_619 = arith.constant 0 : i32
        %dma_wait3A_620 = tpu.memref_slice %arg10[%run_scoped3A_609, %dma_wait3A_619] : memref<1x128xf32, #tpu.memory_space<vmem>> -> memref<1x128xf32, #tpu.memory_space<vmem>>
        %dma_wait3A_621 = tpu.memref_squeeze %dma_wait3A_620 : memref<1x128xf32, #tpu.memory_space<vmem>> -> memref<128xf32, #tpu.memory_space<vmem>>
        %dma_wait3A_622 = tpu.memref_slice %arg5[%multiple_of3A] : memref<370048xf32, #tpu.memory_space<hbm>> -> memref<128xf32, #tpu.memory_space<hbm>>
        %dma_wait3A_623 = tpu.memref_slice %arg5[%multiple_of3A] : memref<370048xf32, #tpu.memory_space<hbm>> -> memref<128xf32, #tpu.memory_space<hbm>>
        %dma_wait3A_624 = arith.constant 0 : i32
        %dma_wait3A_625 = tpu.memref_slice %arg10[%run_scoped3A_609, %dma_wait3A_624] : memref<1x128xf32, #tpu.memory_space<vmem>> -> memref<1x128xf32, #tpu.memory_space<vmem>>
        %dma_wait3A_626 = tpu.memref_squeeze %dma_wait3A_625 : memref<1x128xf32, #tpu.memory_space<vmem>> -> memref<128xf32, #tpu.memory_space<vmem>>
        tpu.wait_dma2 semaphore(%run_scoped3A_610 : memref<!tpu.dma_semaphore, #tpu.memory_space<semaphore_mem>>) src(%dma_wait3A_626 : memref<128xf32, #tpu.memory_space<vmem>>) dst(%dma_wait3A_623 : memref<128xf32, #tpu.memory_space<hbm>>)
        tpu.yield
      }) : () -> ()
    }
    return
  }
}

#map = affine_map<(d0, d1) -> (0)>
#map1 = affine_map<(d0, d1) -> (0, 0)>
module attributes {stable_mosaic.version = 14 : i64} {
  func.func @_agg_kernel(%arg0: i32, %arg1: i32, %arg2: memref<320000xi32, #tpu.memory_space<hbm>>, %arg3: memref<320000xi32, #tpu.memory_space<hbm>>, %arg4: memref<20000x128xf32, #tpu.memory_space<hbm>>, %arg5: memref<20000x128xf32, #tpu.memory_space<hbm>>, %arg6: memref<1x128xi32, #tpu.memory_space<vmem>>, %arg7: memref<1x128xi32, #tpu.memory_space<vmem>>, %arg8: memref<128x128xf32, #tpu.memory_space<vmem>>, %arg9: memref<80x128xf32, #tpu.memory_space<vmem>>, %arg10: memref<10000x128xf32, #tpu.memory_space<vmem_shared>>, %arg11: memref<!tpu.dma_semaphore, #tpu.memory_space<semaphore_mem>>) attributes {dimension_semantics = [#tpu.dimension_semantics<core_parallel>, #tpu.dimension_semantics<subcore_parallel>], iteration_bounds = array<i64: 2, 16>, scalar_prefetch = 0 : i64, scratch_operands = 6 : i64, tpu.core_type = #tpu.core_type<sc_vector_subcore>, window_params = [{transform_indices = #map}, {transform_indices = #map}, {transform_indices = #map1}, {transform_indices = #map1}]} {
    %broadcast_in_dim3A = arith.constant 0.000000e+00 : f32
    %broadcast_in_dim3A_0 = vector.broadcast %broadcast_in_dim3A : f32 to vector<16xf32>
    %scan3A = arith.constant 0 : i32
    %scan3A_1 = arith.constant 80 : i32
    %scan3A_2 = arith.addi %scan3A, %scan3A_1 : i32
    %scan3A_3 = arith.constant 4 : i32
    scf.for %scan3A_46 = %scan3A to %scan3A_2 step %scan3A_3  : i32 {
      %swap3A = arith.index_cast %scan3A_46 : i32 to index
      %swap3A_47 = arith.constant 0 : index
      %swap3A_48 = tpu.vector_load %arg9[%swap3A, %swap3A_47] {strides = array<i32>} : memref<80x128xf32, #tpu.memory_space<vmem>>, vector<16xf32>,
      tpu.vector_store %arg9[%swap3A, %swap3A_47], %broadcast_in_dim3A_0 {strides = array<i32>} : memref<80x128xf32, #tpu.memory_space<vmem>>, vector<16xf32>,
      %swap3A_49 = arith.index_cast %scan3A_46 : i32 to index
      %swap3A_50 = arith.constant 16 : index
      %swap3A_51 = tpu.vector_load %arg9[%swap3A_49, %swap3A_50] {strides = array<i32>} : memref<80x128xf32, #tpu.memory_space<vmem>>, vector<16xf32>,
      tpu.vector_store %arg9[%swap3A_49, %swap3A_50], %broadcast_in_dim3A_0 {strides = array<i32>} : memref<80x128xf32, #tpu.memory_space<vmem>>, vector<16xf32>,
      %swap3A_52 = arith.index_cast %scan3A_46 : i32 to index
      %swap3A_53 = arith.constant 32 : index
      %swap3A_54 = tpu.vector_load %arg9[%swap3A_52, %swap3A_53] {strides = array<i32>} : memref<80x128xf32, #tpu.memory_space<vmem>>, vector<16xf32>,
      tpu.vector_store %arg9[%swap3A_52, %swap3A_53], %broadcast_in_dim3A_0 {strides = array<i32>} : memref<80x128xf32, #tpu.memory_space<vmem>>, vector<16xf32>,
      %swap3A_55 = arith.index_cast %scan3A_46 : i32 to index
      %swap3A_56 = arith.constant 48 : index
      %swap3A_57 = tpu.vector_load %arg9[%swap3A_55, %swap3A_56] {strides = array<i32>} : memref<80x128xf32, #tpu.memory_space<vmem>>, vector<16xf32>,
      tpu.vector_store %arg9[%swap3A_55, %swap3A_56], %broadcast_in_dim3A_0 {strides = array<i32>} : memref<80x128xf32, #tpu.memory_space<vmem>>, vector<16xf32>,
      %swap3A_58 = arith.index_cast %scan3A_46 : i32 to index
      %swap3A_59 = arith.constant 64 : index
      %swap3A_60 = tpu.vector_load %arg9[%swap3A_58, %swap3A_59] {strides = array<i32>} : memref<80x128xf32, #tpu.memory_space<vmem>>, vector<16xf32>,
      tpu.vector_store %arg9[%swap3A_58, %swap3A_59], %broadcast_in_dim3A_0 {strides = array<i32>} : memref<80x128xf32, #tpu.memory_space<vmem>>, vector<16xf32>,
      %swap3A_61 = arith.index_cast %scan3A_46 : i32 to index
      %swap3A_62 = arith.constant 80 : index
      %swap3A_63 = tpu.vector_load %arg9[%swap3A_61, %swap3A_62] {strides = array<i32>} : memref<80x128xf32, #tpu.memory_space<vmem>>, vector<16xf32>,
      tpu.vector_store %arg9[%swap3A_61, %swap3A_62], %broadcast_in_dim3A_0 {strides = array<i32>} : memref<80x128xf32, #tpu.memory_space<vmem>>, vector<16xf32>,
      %swap3A_64 = arith.index_cast %scan3A_46 : i32 to index
      %swap3A_65 = arith.constant 96 : index
      %swap3A_66 = tpu.vector_load %arg9[%swap3A_64, %swap3A_65] {strides = array<i32>} : memref<80x128xf32, #tpu.memory_space<vmem>>, vector<16xf32>,
      tpu.vector_store %arg9[%swap3A_64, %swap3A_65], %broadcast_in_dim3A_0 {strides = array<i32>} : memref<80x128xf32, #tpu.memory_space<vmem>>, vector<16xf32>,
      %swap3A_67 = arith.index_cast %scan3A_46 : i32 to index
      %swap3A_68 = arith.constant 112 : index
      %swap3A_69 = tpu.vector_load %arg9[%swap3A_67, %swap3A_68] {strides = array<i32>} : memref<80x128xf32, #tpu.memory_space<vmem>>, vector<16xf32>,
      tpu.vector_store %arg9[%swap3A_67, %swap3A_68], %broadcast_in_dim3A_0 {strides = array<i32>} : memref<80x128xf32, #tpu.memory_space<vmem>>, vector<16xf32>,
      %scan3A_70 = arith.constant 1 : i32
      %scan3A_71 = arith.addi %scan3A_46, %scan3A_70 : i32
      %swap3A_72 = arith.index_cast %scan3A_71 : i32 to index
      %swap3A_73 = arith.constant 0 : index
      %swap3A_74 = tpu.vector_load %arg9[%swap3A_72, %swap3A_73] {strides = array<i32>} : memref<80x128xf32, #tpu.memory_space<vmem>>, vector<16xf32>,
      tpu.vector_store %arg9[%swap3A_72, %swap3A_73], %broadcast_in_dim3A_0 {strides = array<i32>} : memref<80x128xf32, #tpu.memory_space<vmem>>, vector<16xf32>,
      %swap3A_75 = arith.index_cast %scan3A_71 : i32 to index
      %swap3A_76 = arith.constant 16 : index
      %swap3A_77 = tpu.vector_load %arg9[%swap3A_75, %swap3A_76] {strides = array<i32>} : memref<80x128xf32, #tpu.memory_space<vmem>>, vector<16xf32>,
      tpu.vector_store %arg9[%swap3A_75, %swap3A_76], %broadcast_in_dim3A_0 {strides = array<i32>} : memref<80x128xf32, #tpu.memory_space<vmem>>, vector<16xf32>,
      %swap3A_78 = arith.index_cast %scan3A_71 : i32 to index
      %swap3A_79 = arith.constant 32 : index
      %swap3A_80 = tpu.vector_load %arg9[%swap3A_78, %swap3A_79] {strides = array<i32>} : memref<80x128xf32, #tpu.memory_space<vmem>>, vector<16xf32>,
      tpu.vector_store %arg9[%swap3A_78, %swap3A_79], %broadcast_in_dim3A_0 {strides = array<i32>} : memref<80x128xf32, #tpu.memory_space<vmem>>, vector<16xf32>,
      %swap3A_81 = arith.index_cast %scan3A_71 : i32 to index
      %swap3A_82 = arith.constant 48 : index
      %swap3A_83 = tpu.vector_load %arg9[%swap3A_81, %swap3A_82] {strides = array<i32>} : memref<80x128xf32, #tpu.memory_space<vmem>>, vector<16xf32>,
      tpu.vector_store %arg9[%swap3A_81, %swap3A_82], %broadcast_in_dim3A_0 {strides = array<i32>} : memref<80x128xf32, #tpu.memory_space<vmem>>, vector<16xf32>,
      %swap3A_84 = arith.index_cast %scan3A_71 : i32 to index
      %swap3A_85 = arith.constant 64 : index
      %swap3A_86 = tpu.vector_load %arg9[%swap3A_84, %swap3A_85] {strides = array<i32>} : memref<80x128xf32, #tpu.memory_space<vmem>>, vector<16xf32>,
      tpu.vector_store %arg9[%swap3A_84, %swap3A_85], %broadcast_in_dim3A_0 {strides = array<i32>} : memref<80x128xf32, #tpu.memory_space<vmem>>, vector<16xf32>,
      %swap3A_87 = arith.index_cast %scan3A_71 : i32 to index
      %swap3A_88 = arith.constant 80 : index
      %swap3A_89 = tpu.vector_load %arg9[%swap3A_87, %swap3A_88] {strides = array<i32>} : memref<80x128xf32, #tpu.memory_space<vmem>>, vector<16xf32>,
      tpu.vector_store %arg9[%swap3A_87, %swap3A_88], %broadcast_in_dim3A_0 {strides = array<i32>} : memref<80x128xf32, #tpu.memory_space<vmem>>, vector<16xf32>,
      %swap3A_90 = arith.index_cast %scan3A_71 : i32 to index
      %swap3A_91 = arith.constant 96 : index
      %swap3A_92 = tpu.vector_load %arg9[%swap3A_90, %swap3A_91] {strides = array<i32>} : memref<80x128xf32, #tpu.memory_space<vmem>>, vector<16xf32>,
      tpu.vector_store %arg9[%swap3A_90, %swap3A_91], %broadcast_in_dim3A_0 {strides = array<i32>} : memref<80x128xf32, #tpu.memory_space<vmem>>, vector<16xf32>,
      %swap3A_93 = arith.index_cast %scan3A_71 : i32 to index
      %swap3A_94 = arith.constant 112 : index
      %swap3A_95 = tpu.vector_load %arg9[%swap3A_93, %swap3A_94] {strides = array<i32>} : memref<80x128xf32, #tpu.memory_space<vmem>>, vector<16xf32>,
      tpu.vector_store %arg9[%swap3A_93, %swap3A_94], %broadcast_in_dim3A_0 {strides = array<i32>} : memref<80x128xf32, #tpu.memory_space<vmem>>, vector<16xf32>,
      %scan3A_96 = arith.constant 2 : i32
      %scan3A_97 = arith.addi %scan3A_46, %scan3A_96 : i32
      %swap3A_98 = arith.index_cast %scan3A_97 : i32 to index
      %swap3A_99 = arith.constant 0 : index
      %swap3A_100 = tpu.vector_load %arg9[%swap3A_98, %swap3A_99] {strides = array<i32>} : memref<80x128xf32, #tpu.memory_space<vmem>>, vector<16xf32>,
      tpu.vector_store %arg9[%swap3A_98, %swap3A_99], %broadcast_in_dim3A_0 {strides = array<i32>} : memref<80x128xf32, #tpu.memory_space<vmem>>, vector<16xf32>,
      %swap3A_101 = arith.index_cast %scan3A_97 : i32 to index
      %swap3A_102 = arith.constant 16 : index
      %swap3A_103 = tpu.vector_load %arg9[%swap3A_101, %swap3A_102] {strides = array<i32>} : memref<80x128xf32, #tpu.memory_space<vmem>>, vector<16xf32>,
      tpu.vector_store %arg9[%swap3A_101, %swap3A_102], %broadcast_in_dim3A_0 {strides = array<i32>} : memref<80x128xf32, #tpu.memory_space<vmem>>, vector<16xf32>,
      %swap3A_104 = arith.index_cast %scan3A_97 : i32 to index
      %swap3A_105 = arith.constant 32 : index
      %swap3A_106 = tpu.vector_load %arg9[%swap3A_104, %swap3A_105] {strides = array<i32>} : memref<80x128xf32, #tpu.memory_space<vmem>>, vector<16xf32>,
      tpu.vector_store %arg9[%swap3A_104, %swap3A_105], %broadcast_in_dim3A_0 {strides = array<i32>} : memref<80x128xf32, #tpu.memory_space<vmem>>, vector<16xf32>,
      %swap3A_107 = arith.index_cast %scan3A_97 : i32 to index
      %swap3A_108 = arith.constant 48 : index
      %swap3A_109 = tpu.vector_load %arg9[%swap3A_107, %swap3A_108] {strides = array<i32>} : memref<80x128xf32, #tpu.memory_space<vmem>>, vector<16xf32>,
      tpu.vector_store %arg9[%swap3A_107, %swap3A_108], %broadcast_in_dim3A_0 {strides = array<i32>} : memref<80x128xf32, #tpu.memory_space<vmem>>, vector<16xf32>,
      %swap3A_110 = arith.index_cast %scan3A_97 : i32 to index
      %swap3A_111 = arith.constant 64 : index
      %swap3A_112 = tpu.vector_load %arg9[%swap3A_110, %swap3A_111] {strides = array<i32>} : memref<80x128xf32, #tpu.memory_space<vmem>>, vector<16xf32>,
      tpu.vector_store %arg9[%swap3A_110, %swap3A_111], %broadcast_in_dim3A_0 {strides = array<i32>} : memref<80x128xf32, #tpu.memory_space<vmem>>, vector<16xf32>,
      %swap3A_113 = arith.index_cast %scan3A_97 : i32 to index
      %swap3A_114 = arith.constant 80 : index
      %swap3A_115 = tpu.vector_load %arg9[%swap3A_113, %swap3A_114] {strides = array<i32>} : memref<80x128xf32, #tpu.memory_space<vmem>>, vector<16xf32>,
      tpu.vector_store %arg9[%swap3A_113, %swap3A_114], %broadcast_in_dim3A_0 {strides = array<i32>} : memref<80x128xf32, #tpu.memory_space<vmem>>, vector<16xf32>,
      %swap3A_116 = arith.index_cast %scan3A_97 : i32 to index
      %swap3A_117 = arith.constant 96 : index
      %swap3A_118 = tpu.vector_load %arg9[%swap3A_116, %swap3A_117] {strides = array<i32>} : memref<80x128xf32, #tpu.memory_space<vmem>>, vector<16xf32>,
      tpu.vector_store %arg9[%swap3A_116, %swap3A_117], %broadcast_in_dim3A_0 {strides = array<i32>} : memref<80x128xf32, #tpu.memory_space<vmem>>, vector<16xf32>,
      %swap3A_119 = arith.index_cast %scan3A_97 : i32 to index
      %swap3A_120 = arith.constant 112 : index
      %swap3A_121 = tpu.vector_load %arg9[%swap3A_119, %swap3A_120] {strides = array<i32>} : memref<80x128xf32, #tpu.memory_space<vmem>>, vector<16xf32>,
      tpu.vector_store %arg9[%swap3A_119, %swap3A_120], %broadcast_in_dim3A_0 {strides = array<i32>} : memref<80x128xf32, #tpu.memory_space<vmem>>, vector<16xf32>,
      %scan3A_122 = arith.constant 3 : i32
      %scan3A_123 = arith.addi %scan3A_46, %scan3A_122 : i32
      %swap3A_124 = arith.index_cast %scan3A_123 : i32 to index
      %swap3A_125 = arith.constant 0 : index
      %swap3A_126 = tpu.vector_load %arg9[%swap3A_124, %swap3A_125] {strides = array<i32>} : memref<80x128xf32, #tpu.memory_space<vmem>>, vector<16xf32>,
      tpu.vector_store %arg9[%swap3A_124, %swap3A_125], %broadcast_in_dim3A_0 {strides = array<i32>} : memref<80x128xf32, #tpu.memory_space<vmem>>, vector<16xf32>,
      %swap3A_127 = arith.index_cast %scan3A_123 : i32 to index
      %swap3A_128 = arith.constant 16 : index
      %swap3A_129 = tpu.vector_load %arg9[%swap3A_127, %swap3A_128] {strides = array<i32>} : memref<80x128xf32, #tpu.memory_space<vmem>>, vector<16xf32>,
      tpu.vector_store %arg9[%swap3A_127, %swap3A_128], %broadcast_in_dim3A_0 {strides = array<i32>} : memref<80x128xf32, #tpu.memory_space<vmem>>, vector<16xf32>,
      %swap3A_130 = arith.index_cast %scan3A_123 : i32 to index
      %swap3A_131 = arith.constant 32 : index
      %swap3A_132 = tpu.vector_load %arg9[%swap3A_130, %swap3A_131] {strides = array<i32>} : memref<80x128xf32, #tpu.memory_space<vmem>>, vector<16xf32>,
      tpu.vector_store %arg9[%swap3A_130, %swap3A_131], %broadcast_in_dim3A_0 {strides = array<i32>} : memref<80x128xf32, #tpu.memory_space<vmem>>, vector<16xf32>,
      %swap3A_133 = arith.index_cast %scan3A_123 : i32 to index
      %swap3A_134 = arith.constant 48 : index
      %swap3A_135 = tpu.vector_load %arg9[%swap3A_133, %swap3A_134] {strides = array<i32>} : memref<80x128xf32, #tpu.memory_space<vmem>>, vector<16xf32>,
      tpu.vector_store %arg9[%swap3A_133, %swap3A_134], %broadcast_in_dim3A_0 {strides = array<i32>} : memref<80x128xf32, #tpu.memory_space<vmem>>, vector<16xf32>,
      %swap3A_136 = arith.index_cast %scan3A_123 : i32 to index
      %swap3A_137 = arith.constant 64 : index
      %swap3A_138 = tpu.vector_load %arg9[%swap3A_136, %swap3A_137] {strides = array<i32>} : memref<80x128xf32, #tpu.memory_space<vmem>>, vector<16xf32>,
      tpu.vector_store %arg9[%swap3A_136, %swap3A_137], %broadcast_in_dim3A_0 {strides = array<i32>} : memref<80x128xf32, #tpu.memory_space<vmem>>, vector<16xf32>,
      %swap3A_139 = arith.index_cast %scan3A_123 : i32 to index
      %swap3A_140 = arith.constant 80 : index
      %swap3A_141 = tpu.vector_load %arg9[%swap3A_139, %swap3A_140] {strides = array<i32>} : memref<80x128xf32, #tpu.memory_space<vmem>>, vector<16xf32>,
      tpu.vector_store %arg9[%swap3A_139, %swap3A_140], %broadcast_in_dim3A_0 {strides = array<i32>} : memref<80x128xf32, #tpu.memory_space<vmem>>, vector<16xf32>,
      %swap3A_142 = arith.index_cast %scan3A_123 : i32 to index
      %swap3A_143 = arith.constant 96 : index
      %swap3A_144 = tpu.vector_load %arg9[%swap3A_142, %swap3A_143] {strides = array<i32>} : memref<80x128xf32, #tpu.memory_space<vmem>>, vector<16xf32>,
      tpu.vector_store %arg9[%swap3A_142, %swap3A_143], %broadcast_in_dim3A_0 {strides = array<i32>} : memref<80x128xf32, #tpu.memory_space<vmem>>, vector<16xf32>,
      %swap3A_145 = arith.index_cast %scan3A_123 : i32 to index
      %swap3A_146 = arith.constant 112 : index
      %swap3A_147 = tpu.vector_load %arg9[%swap3A_145, %swap3A_146] {strides = array<i32>} : memref<80x128xf32, #tpu.memory_space<vmem>>, vector<16xf32>,
      tpu.vector_store %arg9[%swap3A_145, %swap3A_146], %broadcast_in_dim3A_0 {strides = array<i32>} : memref<80x128xf32, #tpu.memory_space<vmem>>, vector<16xf32>,
    }
    %scan3A_4 = arith.constant 80 : i32
    %lt3A = arith.constant 15 : i32
    %lt3A_5 = arith.cmpi slt, %arg1, %lt3A : i32
    %jit3A = arith.constant 8 : i32
    %jit3A_6 = arith.constant 5 : i32
    %select_n3A = arith.select %lt3A_5, %jit3A, %jit3A_6 : i32
    %while3A = arith.constant 0 : i32
    %while3A_7 = arith.subi %select_n3A, %while3A : i32
    %while3A_8 = arith.addi %while3A, %while3A_7 : i32
    %while3A_9 = arith.constant 1 : i32
    %while3A_10 = arith.divsi %while3A_7, %while3A_9 : i32
    %while3A_11 = arith.muli %while3A_10, %while3A_9 : i32
    %while3A_12 = arith.addi %while3A, %while3A_11 : i32
    %while3A_13 = arith.constant 1 : i32
    scf.for %while3A_46 = %while3A to %while3A_12 step %while3A_13  : i32 {
      %mul3A_47 = arith.constant 640 : i32
      %mul3A_48 = arith.muli %arg1, %mul3A_47 : i32
      %mul3A_49 = arith.constant 80 : i32
      %mul3A_50 = arith.muli %while3A_46, %mul3A_49 : i32
      %add3A_51 = arith.addi %mul3A_48, %mul3A_50 : i32
      %multiple_of3A = tpu.assume_multiple %add3A_51, 80 : i32
      "tpu.region"() ({
        %run_scoped3A = tpu.sem_alloc : memref<!tpu.dma_semaphore, #tpu.memory_space<semaphore_mem>>
        %dma_start3A = arith.constant 0 : i32
        %dma_start3A_52 = tpu.memref_slice %arg10[%multiple_of3A, %dma_start3A] : memref<10000x128xf32, #tpu.memory_space<vmem_shared>> -> memref<80x128xf32, #tpu.memory_space<vmem_shared>>
        %dma_start3A_53 = arith.constant 0 : i32
        %dma_start3A_54 = tpu.memref_slice %arg10[%multiple_of3A, %dma_start3A_53] : memref<10000x128xf32, #tpu.memory_space<vmem_shared>> -> memref<80x128xf32, #tpu.memory_space<vmem_shared>>
        tpu.enqueue_dma source(%arg9 : memref<80x128xf32, #tpu.memory_space<vmem>>) target(%dma_start3A_54 : memref<80x128xf32, #tpu.memory_space<vmem_shared>>) target_semaphore(%run_scoped3A : memref<!tpu.dma_semaphore, #tpu.memory_space<semaphore_mem>>)
        %dma_wait3A = arith.constant 0 : i32
        %dma_wait3A_55 = tpu.memref_slice %arg10[%multiple_of3A, %dma_wait3A] : memref<10000x128xf32, #tpu.memory_space<vmem_shared>> -> memref<80x128xf32, #tpu.memory_space<vmem_shared>>
        %dma_wait3A_56 = arith.constant 0 : i32
        %dma_wait3A_57 = tpu.memref_slice %arg10[%multiple_of3A, %dma_wait3A_56] : memref<10000x128xf32, #tpu.memory_space<vmem_shared>> -> memref<80x128xf32, #tpu.memory_space<vmem_shared>>
        tpu.wait_dma2 semaphore(%run_scoped3A : memref<!tpu.dma_semaphore, #tpu.memory_space<semaphore_mem>>) src(%arg9 : memref<80x128xf32, #tpu.memory_space<vmem>>) dst(%dma_wait3A_57 : memref<80x128xf32, #tpu.memory_space<vmem_shared>>)
        tpu.yield
      }) : () -> ()
    }
    %while3A_14 = arith.constant 1 : i32
    scf.for %while3A_46 = %while3A_12 to %while3A_8 step %while3A_14  : i32 {
      %mul3A_47 = arith.constant 640 : i32
      %mul3A_48 = arith.muli %arg1, %mul3A_47 : i32
      %mul3A_49 = arith.constant 80 : i32
      %mul3A_50 = arith.muli %while3A_46, %mul3A_49 : i32
      %add3A_51 = arith.addi %mul3A_48, %mul3A_50 : i32
      %multiple_of3A = tpu.assume_multiple %add3A_51, 80 : i32
      "tpu.region"() ({
        %run_scoped3A = tpu.sem_alloc : memref<!tpu.dma_semaphore, #tpu.memory_space<semaphore_mem>>
        %dma_start3A = arith.constant 0 : i32
        %dma_start3A_52 = tpu.memref_slice %arg10[%multiple_of3A, %dma_start3A] : memref<10000x128xf32, #tpu.memory_space<vmem_shared>> -> memref<80x128xf32, #tpu.memory_space<vmem_shared>>
        %dma_start3A_53 = arith.constant 0 : i32
        %dma_start3A_54 = tpu.memref_slice %arg10[%multiple_of3A, %dma_start3A_53] : memref<10000x128xf32, #tpu.memory_space<vmem_shared>> -> memref<80x128xf32, #tpu.memory_space<vmem_shared>>
        tpu.enqueue_dma source(%arg9 : memref<80x128xf32, #tpu.memory_space<vmem>>) target(%dma_start3A_54 : memref<80x128xf32, #tpu.memory_space<vmem_shared>>) target_semaphore(%run_scoped3A : memref<!tpu.dma_semaphore, #tpu.memory_space<semaphore_mem>>)
        %dma_wait3A = arith.constant 0 : i32
        %dma_wait3A_55 = tpu.memref_slice %arg10[%multiple_of3A, %dma_wait3A] : memref<10000x128xf32, #tpu.memory_space<vmem_shared>> -> memref<80x128xf32, #tpu.memory_space<vmem_shared>>
        %dma_wait3A_56 = arith.constant 0 : i32
        %dma_wait3A_57 = tpu.memref_slice %arg10[%multiple_of3A, %dma_wait3A_56] : memref<10000x128xf32, #tpu.memory_space<vmem_shared>> -> memref<80x128xf32, #tpu.memory_space<vmem_shared>>
        tpu.wait_dma2 semaphore(%run_scoped3A : memref<!tpu.dma_semaphore, #tpu.memory_space<semaphore_mem>>) src(%arg9 : memref<80x128xf32, #tpu.memory_space<vmem>>) dst(%dma_wait3A_57 : memref<80x128xf32, #tpu.memory_space<vmem_shared>>)
        tpu.yield
      }) : () -> ()
    }
    %barrier3A = arith.constant 0 : index
    tpu.barrier barrier_id(%barrier3A)
    %mul3A = arith.constant 156 : i32
    %mul3A_15 = arith.muli %arg1, %mul3A : i32
    %min3A = arith.constant 4 : i32
    %min3A_16 = arith.minsi %arg1, %min3A : i32
    %add3A = arith.addi %mul3A_15, %min3A_16 : i32
    %lt3A_17 = arith.constant 4 : i32
    %lt3A_18 = arith.cmpi slt, %arg1, %lt3A_17 : i32
    %jit3A_19 = arith.constant 1 : i32
    %jit3A_20 = arith.constant 0 : i32
    %select_n3A_21 = arith.select %lt3A_18, %jit3A_19, %jit3A_20 : i32
    %add3A_22 = arith.constant 156 : i32
    %add3A_23 = arith.addi %add3A_22, %select_n3A_21 : i32
    %mul3A_24 = arith.constant 10000 : i32
    %mul3A_25 = arith.muli %arg0, %mul3A_24 : i32
    %broadcast_in_dim3A_26 = vector.broadcast %mul3A_25 : i32 to vector<16xi32>
    %while3A_27 = arith.constant 0 : i32
    %while3A_28 = arith.subi %add3A_23, %while3A_27 : i32
    %while3A_29 = arith.addi %while3A_27, %while3A_28 : i32
    %while3A_30 = arith.constant 1 : i32
    %while3A_31 = arith.divsi %while3A_28, %while3A_30 : i32
    %while3A_32 = arith.muli %while3A_31, %while3A_30 : i32
    %while3A_33 = arith.addi %while3A_27, %while3A_32 : i32
    %while3A_34 = arith.constant 1 : i32
    scf.for %while3A_46 = %while3A_27 to %while3A_33 step %while3A_34  : i32 {
      %add3A_47 = arith.addi %add3A, %while3A_46 : i32
      %mul3A_48 = arith.constant 128 : i32
      %mul3A_49 = arith.muli %add3A_47, %mul3A_48 : i32
      %multiple_of3A = tpu.assume_multiple %mul3A_49, 128 : i32
      %run_scoped3A = arith.constant 0 : i32
      "tpu.region"() ({
        %run_scoped3A_134 = tpu.sem_alloc : memref<!tpu.dma_semaphore, #tpu.memory_space<semaphore_mem>>
        %dma_start3A_135 = arith.constant 0 : i32
        %dma_start3A_136 = tpu.memref_slice %arg6[%run_scoped3A, %dma_start3A_135] : memref<1x128xi32, #tpu.memory_space<vmem>> -> memref<1x128xi32, #tpu.memory_space<vmem>>
        %dma_start3A_137 = tpu.memref_squeeze %dma_start3A_136 : memref<1x128xi32, #tpu.memory_space<vmem>> -> memref<128xi32, #tpu.memory_space<vmem>>
        %dma_start3A_138 = tpu.memref_slice %arg2[%multiple_of3A] : memref<320000xi32, #tpu.memory_space<hbm>> -> memref<128xi32, #tpu.memory_space<hbm>>
        %dma_start3A_139 = arith.constant 0 : i32
        %dma_start3A_140 = tpu.memref_slice %arg6[%run_scoped3A, %dma_start3A_139] : memref<1x128xi32, #tpu.memory_space<vmem>> -> memref<1x128xi32, #tpu.memory_space<vmem>>
        %dma_start3A_141 = tpu.memref_squeeze %dma_start3A_140 : memref<1x128xi32, #tpu.memory_space<vmem>> -> memref<128xi32, #tpu.memory_space<vmem>>
        %dma_start3A_142 = tpu.memref_slice %arg2[%multiple_of3A] : memref<320000xi32, #tpu.memory_space<hbm>> -> memref<128xi32, #tpu.memory_space<hbm>>
        tpu.enqueue_dma source(%dma_start3A_142 : memref<128xi32, #tpu.memory_space<hbm>>) target(%dma_start3A_141 : memref<128xi32, #tpu.memory_space<vmem>>) target_semaphore(%run_scoped3A_134 : memref<!tpu.dma_semaphore, #tpu.memory_space<semaphore_mem>>)
        %dma_wait3A_143 = arith.constant 0 : i32
        %dma_wait3A_144 = tpu.memref_slice %arg6[%run_scoped3A, %dma_wait3A_143] : memref<1x128xi32, #tpu.memory_space<vmem>> -> memref<1x128xi32, #tpu.memory_space<vmem>>
        %dma_wait3A_145 = tpu.memref_squeeze %dma_wait3A_144 : memref<1x128xi32, #tpu.memory_space<vmem>> -> memref<128xi32, #tpu.memory_space<vmem>>
        %dma_wait3A_146 = tpu.memref_slice %arg2[%multiple_of3A] : memref<320000xi32, #tpu.memory_space<hbm>> -> memref<128xi32, #tpu.memory_space<hbm>>
        %dma_wait3A_147 = arith.constant 0 : i32
        %dma_wait3A_148 = tpu.memref_slice %arg6[%run_scoped3A, %dma_wait3A_147] : memref<1x128xi32, #tpu.memory_space<vmem>> -> memref<1x128xi32, #tpu.memory_space<vmem>>
        %dma_wait3A_149 = tpu.memref_squeeze %dma_wait3A_148 : memref<1x128xi32, #tpu.memory_space<vmem>> -> memref<128xi32, #tpu.memory_space<vmem>>
        %dma_wait3A_150 = tpu.memref_slice %arg2[%multiple_of3A] : memref<320000xi32, #tpu.memory_space<hbm>> -> memref<128xi32, #tpu.memory_space<hbm>>
        tpu.wait_dma2 semaphore(%run_scoped3A_134 : memref<!tpu.dma_semaphore, #tpu.memory_space<semaphore_mem>>) src(%dma_wait3A_150 : memref<128xi32, #tpu.memory_space<hbm>>) dst(%dma_wait3A_149 : memref<128xi32, #tpu.memory_space<vmem>>)
        tpu.yield
      }) : () -> ()
      %run_scoped3A_50 = arith.constant 0 : i32
      "tpu.region"() ({
        %run_scoped3A_134 = tpu.sem_alloc : memref<!tpu.dma_semaphore, #tpu.memory_space<semaphore_mem>>
        %dma_start3A_135 = arith.constant 0 : i32
        %dma_start3A_136 = tpu.memref_slice %arg7[%run_scoped3A_50, %dma_start3A_135] : memref<1x128xi32, #tpu.memory_space<vmem>> -> memref<1x128xi32, #tpu.memory_space<vmem>>
        %dma_start3A_137 = tpu.memref_squeeze %dma_start3A_136 : memref<1x128xi32, #tpu.memory_space<vmem>> -> memref<128xi32, #tpu.memory_space<vmem>>
        %dma_start3A_138 = tpu.memref_slice %arg3[%multiple_of3A] : memref<320000xi32, #tpu.memory_space<hbm>> -> memref<128xi32, #tpu.memory_space<hbm>>
        %dma_start3A_139 = arith.constant 0 : i32
        %dma_start3A_140 = tpu.memref_slice %arg7[%run_scoped3A_50, %dma_start3A_139] : memref<1x128xi32, #tpu.memory_space<vmem>> -> memref<1x128xi32, #tpu.memory_space<vmem>>
        %dma_start3A_141 = tpu.memref_squeeze %dma_start3A_140 : memref<1x128xi32, #tpu.memory_space<vmem>> -> memref<128xi32, #tpu.memory_space<vmem>>
        %dma_start3A_142 = tpu.memref_slice %arg3[%multiple_of3A] : memref<320000xi32, #tpu.memory_space<hbm>> -> memref<128xi32, #tpu.memory_space<hbm>>
        tpu.enqueue_dma source(%dma_start3A_142 : memref<128xi32, #tpu.memory_space<hbm>>) target(%dma_start3A_141 : memref<128xi32, #tpu.memory_space<vmem>>) target_semaphore(%run_scoped3A_134 : memref<!tpu.dma_semaphore, #tpu.memory_space<semaphore_mem>>)
        %dma_wait3A_143 = arith.constant 0 : i32
        %dma_wait3A_144 = tpu.memref_slice %arg7[%run_scoped3A_50, %dma_wait3A_143] : memref<1x128xi32, #tpu.memory_space<vmem>> -> memref<1x128xi32, #tpu.memory_space<vmem>>
        %dma_wait3A_145 = tpu.memref_squeeze %dma_wait3A_144 : memref<1x128xi32, #tpu.memory_space<vmem>> -> memref<128xi32, #tpu.memory_space<vmem>>
        %dma_wait3A_146 = tpu.memref_slice %arg3[%multiple_of3A] : memref<320000xi32, #tpu.memory_space<hbm>> -> memref<128xi32, #tpu.memory_space<hbm>>
        %dma_wait3A_147 = arith.constant 0 : i32
        %dma_wait3A_148 = tpu.memref_slice %arg7[%run_scoped3A_50, %dma_wait3A_147] : memref<1x128xi32, #tpu.memory_space<vmem>> -> memref<1x128xi32, #tpu.memory_space<vmem>>
        %dma_wait3A_149 = tpu.memref_squeeze %dma_wait3A_148 : memref<1x128xi32, #tpu.memory_space<vmem>> -> memref<128xi32, #tpu.memory_space<vmem>>
        %dma_wait3A_150 = tpu.memref_slice %arg3[%multiple_of3A] : memref<320000xi32, #tpu.memory_space<hbm>> -> memref<128xi32, #tpu.memory_space<hbm>>
        tpu.wait_dma2 semaphore(%run_scoped3A_134 : memref<!tpu.dma_semaphore, #tpu.memory_space<semaphore_mem>>) src(%dma_wait3A_150 : memref<128xi32, #tpu.memory_space<hbm>>) dst(%dma_wait3A_149 : memref<128xi32, #tpu.memory_space<vmem>>)
        tpu.yield
      }) : () -> ()
      %get3A = arith.constant 0 : i32
      %get3A_51 = arith.index_cast %get3A : i32 to index
      %get3A_52 = arith.constant 0 : index
      %get3A_53 = tpu.vector_load %arg6[%get3A_51, %get3A_52] {strides = array<i32>} : memref<1x128xi32, #tpu.memory_space<vmem>>, vector<16xi32>,
      %add3A_54 = arith.addi %get3A_53, %broadcast_in_dim3A_26 : vector<16xi32>
      %swap3A = arith.constant 0 : i32
      %swap3A_55 = arith.index_cast %swap3A : i32 to index
      %swap3A_56 = arith.constant 0 : index
      %swap3A_57 = tpu.vector_load %arg6[%swap3A_55, %swap3A_56] {strides = array<i32>} : memref<1x128xi32, #tpu.memory_space<vmem>>, vector<16xi32>,
      tpu.vector_store %arg6[%swap3A_55, %swap3A_56], %add3A_54 {strides = array<i32>} : memref<1x128xi32, #tpu.memory_space<vmem>>, vector<16xi32>,
      %get3A_58 = arith.constant 0 : i32
      %get3A_59 = arith.index_cast %get3A_58 : i32 to index
      %get3A_60 = arith.constant 16 : index
      %get3A_61 = tpu.vector_load %arg6[%get3A_59, %get3A_60] {strides = array<i32>} : memref<1x128xi32, #tpu.memory_space<vmem>>, vector<16xi32>,
      %add3A_62 = arith.addi %get3A_61, %broadcast_in_dim3A_26 : vector<16xi32>
      %swap3A_63 = arith.constant 0 : i32
      %swap3A_64 = arith.index_cast %swap3A_63 : i32 to index
      %swap3A_65 = arith.constant 16 : index
      %swap3A_66 = tpu.vector_load %arg6[%swap3A_64, %swap3A_65] {strides = array<i32>} : memref<1x128xi32, #tpu.memory_space<vmem>>, vector<16xi32>,
      tpu.vector_store %arg6[%swap3A_64, %swap3A_65], %add3A_62 {strides = array<i32>} : memref<1x128xi32, #tpu.memory_space<vmem>>, vector<16xi32>,
      %get3A_67 = arith.constant 0 : i32
      %get3A_68 = arith.index_cast %get3A_67 : i32 to index
      %get3A_69 = arith.constant 32 : index
      %get3A_70 = tpu.vector_load %arg6[%get3A_68, %get3A_69] {strides = array<i32>} : memref<1x128xi32, #tpu.memory_space<vmem>>, vector<16xi32>,
      %add3A_71 = arith.addi %get3A_70, %broadcast_in_dim3A_26 : vector<16xi32>
      %swap3A_72 = arith.constant 0 : i32
      %swap3A_73 = arith.index_cast %swap3A_72 : i32 to index
      %swap3A_74 = arith.constant 32 : index
      %swap3A_75 = tpu.vector_load %arg6[%swap3A_73, %swap3A_74] {strides = array<i32>} : memref<1x128xi32, #tpu.memory_space<vmem>>, vector<16xi32>,
      tpu.vector_store %arg6[%swap3A_73, %swap3A_74], %add3A_71 {strides = array<i32>} : memref<1x128xi32, #tpu.memory_space<vmem>>, vector<16xi32>,
      %get3A_76 = arith.constant 0 : i32
      %get3A_77 = arith.index_cast %get3A_76 : i32 to index
      %get3A_78 = arith.constant 48 : index
      %get3A_79 = tpu.vector_load %arg6[%get3A_77, %get3A_78] {strides = array<i32>} : memref<1x128xi32, #tpu.memory_space<vmem>>, vector<16xi32>,
      %add3A_80 = arith.addi %get3A_79, %broadcast_in_dim3A_26 : vector<16xi32>
      %swap3A_81 = arith.constant 0 : i32
      %swap3A_82 = arith.index_cast %swap3A_81 : i32 to index
      %swap3A_83 = arith.constant 48 : index
      %swap3A_84 = tpu.vector_load %arg6[%swap3A_82, %swap3A_83] {strides = array<i32>} : memref<1x128xi32, #tpu.memory_space<vmem>>, vector<16xi32>,
      tpu.vector_store %arg6[%swap3A_82, %swap3A_83], %add3A_80 {strides = array<i32>} : memref<1x128xi32, #tpu.memory_space<vmem>>, vector<16xi32>,
      %get3A_85 = arith.constant 0 : i32
      %get3A_86 = arith.index_cast %get3A_85 : i32 to index
      %get3A_87 = arith.constant 64 : index
      %get3A_88 = tpu.vector_load %arg6[%get3A_86, %get3A_87] {strides = array<i32>} : memref<1x128xi32, #tpu.memory_space<vmem>>, vector<16xi32>,
      %add3A_89 = arith.addi %get3A_88, %broadcast_in_dim3A_26 : vector<16xi32>
      %swap3A_90 = arith.constant 0 : i32
      %swap3A_91 = arith.index_cast %swap3A_90 : i32 to index
      %swap3A_92 = arith.constant 64 : index
      %swap3A_93 = tpu.vector_load %arg6[%swap3A_91, %swap3A_92] {strides = array<i32>} : memref<1x128xi32, #tpu.memory_space<vmem>>, vector<16xi32>,
      tpu.vector_store %arg6[%swap3A_91, %swap3A_92], %add3A_89 {strides = array<i32>} : memref<1x128xi32, #tpu.memory_space<vmem>>, vector<16xi32>,
      %get3A_94 = arith.constant 0 : i32
      %get3A_95 = arith.index_cast %get3A_94 : i32 to index
      %get3A_96 = arith.constant 80 : index
      %get3A_97 = tpu.vector_load %arg6[%get3A_95, %get3A_96] {strides = array<i32>} : memref<1x128xi32, #tpu.memory_space<vmem>>, vector<16xi32>,
      %add3A_98 = arith.addi %get3A_97, %broadcast_in_dim3A_26 : vector<16xi32>
      %swap3A_99 = arith.constant 0 : i32
      %swap3A_100 = arith.index_cast %swap3A_99 : i32 to index
      %swap3A_101 = arith.constant 80 : index
      %swap3A_102 = tpu.vector_load %arg6[%swap3A_100, %swap3A_101] {strides = array<i32>} : memref<1x128xi32, #tpu.memory_space<vmem>>, vector<16xi32>,
      tpu.vector_store %arg6[%swap3A_100, %swap3A_101], %add3A_98 {strides = array<i32>} : memref<1x128xi32, #tpu.memory_space<vmem>>, vector<16xi32>,
      %get3A_103 = arith.constant 0 : i32
      %get3A_104 = arith.index_cast %get3A_103 : i32 to index
      %get3A_105 = arith.constant 96 : index
      %get3A_106 = tpu.vector_load %arg6[%get3A_104, %get3A_105] {strides = array<i32>} : memref<1x128xi32, #tpu.memory_space<vmem>>, vector<16xi32>,
      %add3A_107 = arith.addi %get3A_106, %broadcast_in_dim3A_26 : vector<16xi32>
      %swap3A_108 = arith.constant 0 : i32
      %swap3A_109 = arith.index_cast %swap3A_108 : i32 to index
      %swap3A_110 = arith.constant 96 : index
      %swap3A_111 = tpu.vector_load %arg6[%swap3A_109, %swap3A_110] {strides = array<i32>} : memref<1x128xi32, #tpu.memory_space<vmem>>, vector<16xi32>,
      tpu.vector_store %arg6[%swap3A_109, %swap3A_110], %add3A_107 {strides = array<i32>} : memref<1x128xi32, #tpu.memory_space<vmem>>, vector<16xi32>,
      %get3A_112 = arith.constant 0 : i32
      %get3A_113 = arith.index_cast %get3A_112 : i32 to index
      %get3A_114 = arith.constant 112 : index
      %get3A_115 = tpu.vector_load %arg6[%get3A_113, %get3A_114] {strides = array<i32>} : memref<1x128xi32, #tpu.memory_space<vmem>>, vector<16xi32>,
      %add3A_116 = arith.addi %get3A_115, %broadcast_in_dim3A_26 : vector<16xi32>
      %swap3A_117 = arith.constant 0 : i32
      %swap3A_118 = arith.index_cast %swap3A_117 : i32 to index
      %swap3A_119 = arith.constant 112 : index
      %swap3A_120 = tpu.vector_load %arg6[%swap3A_118, %swap3A_119] {strides = array<i32>} : memref<1x128xi32, #tpu.memory_space<vmem>>, vector<16xi32>,
      tpu.vector_store %arg6[%swap3A_118, %swap3A_119], %add3A_116 {strides = array<i32>} : memref<1x128xi32, #tpu.memory_space<vmem>>, vector<16xi32>,
      %dma_start3A = arith.constant 0 : i32
      %dma_start3A_121 = arith.constant 0 : i32
      %dma_start3A_122 = tpu.memref_slice %arg6[%dma_start3A, %dma_start3A_121] : memref<1x128xi32, #tpu.memory_space<vmem>> -> memref<1x128xi32, #tpu.memory_space<vmem>>
      %dma_start3A_123 = tpu.memref_squeeze %dma_start3A_122 : memref<1x128xi32, #tpu.memory_space<vmem>> -> memref<128xi32, #tpu.memory_space<vmem>>
      %dma_start3A_124 = arith.constant 0 : i32
      %dma_start3A_125 = arith.constant 0 : i32
      %dma_start3A_126 = tpu.memref_slice %arg4[%dma_start3A_124, %dma_start3A_125] : memref<20000x128xf32, #tpu.memory_space<hbm>> -> memref<20000x128xf32, #tpu.memory_space<hbm>>
      tpu.enqueue_indirect_dma source(%dma_start3A_126 : memref<20000x128xf32, #tpu.memory_space<hbm>>) target(%arg8 : memref<128x128xf32, #tpu.memory_space<vmem>>) offsets(%dma_start3A_123 : memref<128xi32, #tpu.memory_space<vmem>>) semaphore(%arg11 : memref<!tpu.dma_semaphore, #tpu.memory_space<semaphore_mem>>)
      %dma_wait3A = arith.constant 0 : i32
      %dma_wait3A_127 = arith.constant 0 : i32
      %dma_wait3A_128 = tpu.memref_slice %arg6[%dma_wait3A, %dma_wait3A_127] : memref<1x128xi32, #tpu.memory_space<vmem>> -> memref<1x128xi32, #tpu.memory_space<vmem>>
      %dma_wait3A_129 = tpu.memref_squeeze %dma_wait3A_128 : memref<1x128xi32, #tpu.memory_space<vmem>> -> memref<128xi32, #tpu.memory_space<vmem>>
      %dma_wait3A_130 = arith.constant 0 : i32
      %dma_wait3A_131 = arith.constant 0 : i32
      %dma_wait3A_132 = tpu.memref_slice %arg4[%dma_wait3A_130, %dma_wait3A_131] : memref<20000x128xf32, #tpu.memory_space<hbm>> -> memref<20000x128xf32, #tpu.memory_space<hbm>>
      tpu.wait_indirect_dma semaphore(%arg11 : memref<!tpu.dma_semaphore, #tpu.memory_space<semaphore_mem>>) src(%dma_wait3A_132 : memref<20000x128xf32, #tpu.memory_space<hbm>>) dst(%arg8 : memref<128x128xf32, #tpu.memory_space<vmem>>)
      %run_scoped3A_133 = arith.constant 0 : i32
      "tpu.region"() ({
        %run_scoped3A_134 = tpu.sem_alloc : memref<!tpu.dma_semaphore, #tpu.memory_space<semaphore_mem>>
        %dma_start3A_135 = arith.constant 0 : i32
        %dma_start3A_136 = tpu.memref_slice %arg7[%run_scoped3A_133, %dma_start3A_135] : memref<1x128xi32, #tpu.memory_space<vmem>> -> memref<1x128xi32, #tpu.memory_space<vmem>>
        %dma_start3A_137 = tpu.memref_squeeze %dma_start3A_136 : memref<1x128xi32, #tpu.memory_space<vmem>> -> memref<128xi32, #tpu.memory_space<vmem>>
        %dma_start3A_138 = arith.constant 0 : i32
        %dma_start3A_139 = arith.constant 0 : i32
        %dma_start3A_140 = tpu.memref_slice %arg10[%dma_start3A_138, %dma_start3A_139] : memref<10000x128xf32, #tpu.memory_space<vmem_shared>> -> memref<10000x128xf32, #tpu.memory_space<vmem_shared>>
        tpu.enqueue_indirect_dma source(%arg8 : memref<128x128xf32, #tpu.memory_space<vmem>>) target(%dma_start3A_140 : memref<10000x128xf32, #tpu.memory_space<vmem_shared>>) offsets(%dma_start3A_137 : memref<128xi32, #tpu.memory_space<vmem>>) semaphore(%run_scoped3A_134 : memref<!tpu.dma_semaphore, #tpu.memory_space<semaphore_mem>>) {add = true}
        %dma_wait3A_141 = arith.constant 0 : i32
        %dma_wait3A_142 = tpu.memref_slice %arg7[%run_scoped3A_133, %dma_wait3A_141] : memref<1x128xi32, #tpu.memory_space<vmem>> -> memref<1x128xi32, #tpu.memory_space<vmem>>
        %dma_wait3A_143 = tpu.memref_squeeze %dma_wait3A_142 : memref<1x128xi32, #tpu.memory_space<vmem>> -> memref<128xi32, #tpu.memory_space<vmem>>
        %dma_wait3A_144 = arith.constant 0 : i32
        %dma_wait3A_145 = arith.constant 0 : i32
        %dma_wait3A_146 = tpu.memref_slice %arg10[%dma_wait3A_144, %dma_wait3A_145] : memref<10000x128xf32, #tpu.memory_space<vmem_shared>> -> memref<10000x128xf32, #tpu.memory_space<vmem_shared>>
        tpu.wait_indirect_dma semaphore(%run_scoped3A_134 : memref<!tpu.dma_semaphore, #tpu.memory_space<semaphore_mem>>) src(%arg8 : memref<128x128xf32, #tpu.memory_space<vmem>>) dst(%dma_wait3A_146 : memref<10000x128xf32, #tpu.memory_space<vmem_shared>>)
        tpu.yield
      }) : () -> ()
    }
    %while3A_35 = arith.constant 1 : i32
    scf.for %while3A_46 = %while3A_33 to %while3A_29 step %while3A_35  : i32 {
      %add3A_47 = arith.addi %add3A, %while3A_46 : i32
      %mul3A_48 = arith.constant 128 : i32
      %mul3A_49 = arith.muli %add3A_47, %mul3A_48 : i32
      %multiple_of3A = tpu.assume_multiple %mul3A_49, 128 : i32
      %run_scoped3A = arith.constant 0 : i32
      "tpu.region"() ({
        %run_scoped3A_134 = tpu.sem_alloc : memref<!tpu.dma_semaphore, #tpu.memory_space<semaphore_mem>>
        %dma_start3A_135 = arith.constant 0 : i32
        %dma_start3A_136 = tpu.memref_slice %arg6[%run_scoped3A, %dma_start3A_135] : memref<1x128xi32, #tpu.memory_space<vmem>> -> memref<1x128xi32, #tpu.memory_space<vmem>>
        %dma_start3A_137 = tpu.memref_squeeze %dma_start3A_136 : memref<1x128xi32, #tpu.memory_space<vmem>> -> memref<128xi32, #tpu.memory_space<vmem>>
        %dma_start3A_138 = tpu.memref_slice %arg2[%multiple_of3A] : memref<320000xi32, #tpu.memory_space<hbm>> -> memref<128xi32, #tpu.memory_space<hbm>>
        %dma_start3A_139 = arith.constant 0 : i32
        %dma_start3A_140 = tpu.memref_slice %arg6[%run_scoped3A, %dma_start3A_139] : memref<1x128xi32, #tpu.memory_space<vmem>> -> memref<1x128xi32, #tpu.memory_space<vmem>>
        %dma_start3A_141 = tpu.memref_squeeze %dma_start3A_140 : memref<1x128xi32, #tpu.memory_space<vmem>> -> memref<128xi32, #tpu.memory_space<vmem>>
        %dma_start3A_142 = tpu.memref_slice %arg2[%multiple_of3A] : memref<320000xi32, #tpu.memory_space<hbm>> -> memref<128xi32, #tpu.memory_space<hbm>>
        tpu.enqueue_dma source(%dma_start3A_142 : memref<128xi32, #tpu.memory_space<hbm>>) target(%dma_start3A_141 : memref<128xi32, #tpu.memory_space<vmem>>) target_semaphore(%run_scoped3A_134 : memref<!tpu.dma_semaphore, #tpu.memory_space<semaphore_mem>>)
        %dma_wait3A_143 = arith.constant 0 : i32
        %dma_wait3A_144 = tpu.memref_slice %arg6[%run_scoped3A, %dma_wait3A_143] : memref<1x128xi32, #tpu.memory_space<vmem>> -> memref<1x128xi32, #tpu.memory_space<vmem>>
        %dma_wait3A_145 = tpu.memref_squeeze %dma_wait3A_144 : memref<1x128xi32, #tpu.memory_space<vmem>> -> memref<128xi32, #tpu.memory_space<vmem>>
        %dma_wait3A_146 = tpu.memref_slice %arg2[%multiple_of3A] : memref<320000xi32, #tpu.memory_space<hbm>> -> memref<128xi32, #tpu.memory_space<hbm>>
        %dma_wait3A_147 = arith.constant 0 : i32
        %dma_wait3A_148 = tpu.memref_slice %arg6[%run_scoped3A, %dma_wait3A_147] : memref<1x128xi32, #tpu.memory_space<vmem>> -> memref<1x128xi32, #tpu.memory_space<vmem>>
        %dma_wait3A_149 = tpu.memref_squeeze %dma_wait3A_148 : memref<1x128xi32, #tpu.memory_space<vmem>> -> memref<128xi32, #tpu.memory_space<vmem>>
        %dma_wait3A_150 = tpu.memref_slice %arg2[%multiple_of3A] : memref<320000xi32, #tpu.memory_space<hbm>> -> memref<128xi32, #tpu.memory_space<hbm>>
        tpu.wait_dma2 semaphore(%run_scoped3A_134 : memref<!tpu.dma_semaphore, #tpu.memory_space<semaphore_mem>>) src(%dma_wait3A_150 : memref<128xi32, #tpu.memory_space<hbm>>) dst(%dma_wait3A_149 : memref<128xi32, #tpu.memory_space<vmem>>)
        tpu.yield
      }) : () -> ()
      %run_scoped3A_50 = arith.constant 0 : i32
      "tpu.region"() ({
        %run_scoped3A_134 = tpu.sem_alloc : memref<!tpu.dma_semaphore, #tpu.memory_space<semaphore_mem>>
        %dma_start3A_135 = arith.constant 0 : i32
        %dma_start3A_136 = tpu.memref_slice %arg7[%run_scoped3A_50, %dma_start3A_135] : memref<1x128xi32, #tpu.memory_space<vmem>> -> memref<1x128xi32, #tpu.memory_space<vmem>>
        %dma_start3A_137 = tpu.memref_squeeze %dma_start3A_136 : memref<1x128xi32, #tpu.memory_space<vmem>> -> memref<128xi32, #tpu.memory_space<vmem>>
        %dma_start3A_138 = tpu.memref_slice %arg3[%multiple_of3A] : memref<320000xi32, #tpu.memory_space<hbm>> -> memref<128xi32, #tpu.memory_space<hbm>>
        %dma_start3A_139 = arith.constant 0 : i32
        %dma_start3A_140 = tpu.memref_slice %arg7[%run_scoped3A_50, %dma_start3A_139] : memref<1x128xi32, #tpu.memory_space<vmem>> -> memref<1x128xi32, #tpu.memory_space<vmem>>
        %dma_start3A_141 = tpu.memref_squeeze %dma_start3A_140 : memref<1x128xi32, #tpu.memory_space<vmem>> -> memref<128xi32, #tpu.memory_space<vmem>>
        %dma_start3A_142 = tpu.memref_slice %arg3[%multiple_of3A] : memref<320000xi32, #tpu.memory_space<hbm>> -> memref<128xi32, #tpu.memory_space<hbm>>
        tpu.enqueue_dma source(%dma_start3A_142 : memref<128xi32, #tpu.memory_space<hbm>>) target(%dma_start3A_141 : memref<128xi32, #tpu.memory_space<vmem>>) target_semaphore(%run_scoped3A_134 : memref<!tpu.dma_semaphore, #tpu.memory_space<semaphore_mem>>)
        %dma_wait3A_143 = arith.constant 0 : i32
        %dma_wait3A_144 = tpu.memref_slice %arg7[%run_scoped3A_50, %dma_wait3A_143] : memref<1x128xi32, #tpu.memory_space<vmem>> -> memref<1x128xi32, #tpu.memory_space<vmem>>
        %dma_wait3A_145 = tpu.memref_squeeze %dma_wait3A_144 : memref<1x128xi32, #tpu.memory_space<vmem>> -> memref<128xi32, #tpu.memory_space<vmem>>
        %dma_wait3A_146 = tpu.memref_slice %arg3[%multiple_of3A] : memref<320000xi32, #tpu.memory_space<hbm>> -> memref<128xi32, #tpu.memory_space<hbm>>
        %dma_wait3A_147 = arith.constant 0 : i32
        %dma_wait3A_148 = tpu.memref_slice %arg7[%run_scoped3A_50, %dma_wait3A_147] : memref<1x128xi32, #tpu.memory_space<vmem>> -> memref<1x128xi32, #tpu.memory_space<vmem>>
        %dma_wait3A_149 = tpu.memref_squeeze %dma_wait3A_148 : memref<1x128xi32, #tpu.memory_space<vmem>> -> memref<128xi32, #tpu.memory_space<vmem>>
        %dma_wait3A_150 = tpu.memref_slice %arg3[%multiple_of3A] : memref<320000xi32, #tpu.memory_space<hbm>> -> memref<128xi32, #tpu.memory_space<hbm>>
        tpu.wait_dma2 semaphore(%run_scoped3A_134 : memref<!tpu.dma_semaphore, #tpu.memory_space<semaphore_mem>>) src(%dma_wait3A_150 : memref<128xi32, #tpu.memory_space<hbm>>) dst(%dma_wait3A_149 : memref<128xi32, #tpu.memory_space<vmem>>)
        tpu.yield
      }) : () -> ()
      %get3A = arith.constant 0 : i32
      %get3A_51 = arith.index_cast %get3A : i32 to index
      %get3A_52 = arith.constant 0 : index
      %get3A_53 = tpu.vector_load %arg6[%get3A_51, %get3A_52] {strides = array<i32>} : memref<1x128xi32, #tpu.memory_space<vmem>>, vector<16xi32>,
      %add3A_54 = arith.addi %get3A_53, %broadcast_in_dim3A_26 : vector<16xi32>
      %swap3A = arith.constant 0 : i32
      %swap3A_55 = arith.index_cast %swap3A : i32 to index
      %swap3A_56 = arith.constant 0 : index
      %swap3A_57 = tpu.vector_load %arg6[%swap3A_55, %swap3A_56] {strides = array<i32>} : memref<1x128xi32, #tpu.memory_space<vmem>>, vector<16xi32>,
      tpu.vector_store %arg6[%swap3A_55, %swap3A_56], %add3A_54 {strides = array<i32>} : memref<1x128xi32, #tpu.memory_space<vmem>>, vector<16xi32>,
      %get3A_58 = arith.constant 0 : i32
      %get3A_59 = arith.index_cast %get3A_58 : i32 to index
      %get3A_60 = arith.constant 16 : index
      %get3A_61 = tpu.vector_load %arg6[%get3A_59, %get3A_60] {strides = array<i32>} : memref<1x128xi32, #tpu.memory_space<vmem>>, vector<16xi32>,
      %add3A_62 = arith.addi %get3A_61, %broadcast_in_dim3A_26 : vector<16xi32>
      %swap3A_63 = arith.constant 0 : i32
      %swap3A_64 = arith.index_cast %swap3A_63 : i32 to index
      %swap3A_65 = arith.constant 16 : index
      %swap3A_66 = tpu.vector_load %arg6[%swap3A_64, %swap3A_65] {strides = array<i32>} : memref<1x128xi32, #tpu.memory_space<vmem>>, vector<16xi32>,
      tpu.vector_store %arg6[%swap3A_64, %swap3A_65], %add3A_62 {strides = array<i32>} : memref<1x128xi32, #tpu.memory_space<vmem>>, vector<16xi32>,
      %get3A_67 = arith.constant 0 : i32
      %get3A_68 = arith.index_cast %get3A_67 : i32 to index
      %get3A_69 = arith.constant 32 : index
      %get3A_70 = tpu.vector_load %arg6[%get3A_68, %get3A_69] {strides = array<i32>} : memref<1x128xi32, #tpu.memory_space<vmem>>, vector<16xi32>,
      %add3A_71 = arith.addi %get3A_70, %broadcast_in_dim3A_26 : vector<16xi32>
      %swap3A_72 = arith.constant 0 : i32
      %swap3A_73 = arith.index_cast %swap3A_72 : i32 to index
      %swap3A_74 = arith.constant 32 : index
      %swap3A_75 = tpu.vector_load %arg6[%swap3A_73, %swap3A_74] {strides = array<i32>} : memref<1x128xi32, #tpu.memory_space<vmem>>, vector<16xi32>,
      tpu.vector_store %arg6[%swap3A_73, %swap3A_74], %add3A_71 {strides = array<i32>} : memref<1x128xi32, #tpu.memory_space<vmem>>, vector<16xi32>,
      %get3A_76 = arith.constant 0 : i32
      %get3A_77 = arith.index_cast %get3A_76 : i32 to index
      %get3A_78 = arith.constant 48 : index
      %get3A_79 = tpu.vector_load %arg6[%get3A_77, %get3A_78] {strides = array<i32>} : memref<1x128xi32, #tpu.memory_space<vmem>>, vector<16xi32>,
      %add3A_80 = arith.addi %get3A_79, %broadcast_in_dim3A_26 : vector<16xi32>
      %swap3A_81 = arith.constant 0 : i32
      %swap3A_82 = arith.index_cast %swap3A_81 : i32 to index
      %swap3A_83 = arith.constant 48 : index
      %swap3A_84 = tpu.vector_load %arg6[%swap3A_82, %swap3A_83] {strides = array<i32>} : memref<1x128xi32, #tpu.memory_space<vmem>>, vector<16xi32>,
      tpu.vector_store %arg6[%swap3A_82, %swap3A_83], %add3A_80 {strides = array<i32>} : memref<1x128xi32, #tpu.memory_space<vmem>>, vector<16xi32>,
      %get3A_85 = arith.constant 0 : i32
      %get3A_86 = arith.index_cast %get3A_85 : i32 to index
      %get3A_87 = arith.constant 64 : index
      %get3A_88 = tpu.vector_load %arg6[%get3A_86, %get3A_87] {strides = array<i32>} : memref<1x128xi32, #tpu.memory_space<vmem>>, vector<16xi32>,
      %add3A_89 = arith.addi %get3A_88, %broadcast_in_dim3A_26 : vector<16xi32>
      %swap3A_90 = arith.constant 0 : i32
      %swap3A_91 = arith.index_cast %swap3A_90 : i32 to index
      %swap3A_92 = arith.constant 64 : index
      %swap3A_93 = tpu.vector_load %arg6[%swap3A_91, %swap3A_92] {strides = array<i32>} : memref<1x128xi32, #tpu.memory_space<vmem>>, vector<16xi32>,
      tpu.vector_store %arg6[%swap3A_91, %swap3A_92], %add3A_89 {strides = array<i32>} : memref<1x128xi32, #tpu.memory_space<vmem>>, vector<16xi32>,
      %get3A_94 = arith.constant 0 : i32
      %get3A_95 = arith.index_cast %get3A_94 : i32 to index
      %get3A_96 = arith.constant 80 : index
      %get3A_97 = tpu.vector_load %arg6[%get3A_95, %get3A_96] {strides = array<i32>} : memref<1x128xi32, #tpu.memory_space<vmem>>, vector<16xi32>,
      %add3A_98 = arith.addi %get3A_97, %broadcast_in_dim3A_26 : vector<16xi32>
      %swap3A_99 = arith.constant 0 : i32
      %swap3A_100 = arith.index_cast %swap3A_99 : i32 to index
      %swap3A_101 = arith.constant 80 : index
      %swap3A_102 = tpu.vector_load %arg6[%swap3A_100, %swap3A_101] {strides = array<i32>} : memref<1x128xi32, #tpu.memory_space<vmem>>, vector<16xi32>,
      tpu.vector_store %arg6[%swap3A_100, %swap3A_101], %add3A_98 {strides = array<i32>} : memref<1x128xi32, #tpu.memory_space<vmem>>, vector<16xi32>,
      %get3A_103 = arith.constant 0 : i32
      %get3A_104 = arith.index_cast %get3A_103 : i32 to index
      %get3A_105 = arith.constant 96 : index
      %get3A_106 = tpu.vector_load %arg6[%get3A_104, %get3A_105] {strides = array<i32>} : memref<1x128xi32, #tpu.memory_space<vmem>>, vector<16xi32>,
      %add3A_107 = arith.addi %get3A_106, %broadcast_in_dim3A_26 : vector<16xi32>
      %swap3A_108 = arith.constant 0 : i32
      %swap3A_109 = arith.index_cast %swap3A_108 : i32 to index
      %swap3A_110 = arith.constant 96 : index
      %swap3A_111 = tpu.vector_load %arg6[%swap3A_109, %swap3A_110] {strides = array<i32>} : memref<1x128xi32, #tpu.memory_space<vmem>>, vector<16xi32>,
      tpu.vector_store %arg6[%swap3A_109, %swap3A_110], %add3A_107 {strides = array<i32>} : memref<1x128xi32, #tpu.memory_space<vmem>>, vector<16xi32>,
      %get3A_112 = arith.constant 0 : i32
      %get3A_113 = arith.index_cast %get3A_112 : i32 to index
      %get3A_114 = arith.constant 112 : index
      %get3A_115 = tpu.vector_load %arg6[%get3A_113, %get3A_114] {strides = array<i32>} : memref<1x128xi32, #tpu.memory_space<vmem>>, vector<16xi32>,
      %add3A_116 = arith.addi %get3A_115, %broadcast_in_dim3A_26 : vector<16xi32>
      %swap3A_117 = arith.constant 0 : i32
      %swap3A_118 = arith.index_cast %swap3A_117 : i32 to index
      %swap3A_119 = arith.constant 112 : index
      %swap3A_120 = tpu.vector_load %arg6[%swap3A_118, %swap3A_119] {strides = array<i32>} : memref<1x128xi32, #tpu.memory_space<vmem>>, vector<16xi32>,
      tpu.vector_store %arg6[%swap3A_118, %swap3A_119], %add3A_116 {strides = array<i32>} : memref<1x128xi32, #tpu.memory_space<vmem>>, vector<16xi32>,
      %dma_start3A = arith.constant 0 : i32
      %dma_start3A_121 = arith.constant 0 : i32
      %dma_start3A_122 = tpu.memref_slice %arg6[%dma_start3A, %dma_start3A_121] : memref<1x128xi32, #tpu.memory_space<vmem>> -> memref<1x128xi32, #tpu.memory_space<vmem>>
      %dma_start3A_123 = tpu.memref_squeeze %dma_start3A_122 : memref<1x128xi32, #tpu.memory_space<vmem>> -> memref<128xi32, #tpu.memory_space<vmem>>
      %dma_start3A_124 = arith.constant 0 : i32
      %dma_start3A_125 = arith.constant 0 : i32
      %dma_start3A_126 = tpu.memref_slice %arg4[%dma_start3A_124, %dma_start3A_125] : memref<20000x128xf32, #tpu.memory_space<hbm>> -> memref<20000x128xf32, #tpu.memory_space<hbm>>
      tpu.enqueue_indirect_dma source(%dma_start3A_126 : memref<20000x128xf32, #tpu.memory_space<hbm>>) target(%arg8 : memref<128x128xf32, #tpu.memory_space<vmem>>) offsets(%dma_start3A_123 : memref<128xi32, #tpu.memory_space<vmem>>) semaphore(%arg11 : memref<!tpu.dma_semaphore, #tpu.memory_space<semaphore_mem>>)
      %dma_wait3A = arith.constant 0 : i32
      %dma_wait3A_127 = arith.constant 0 : i32
      %dma_wait3A_128 = tpu.memref_slice %arg6[%dma_wait3A, %dma_wait3A_127] : memref<1x128xi32, #tpu.memory_space<vmem>> -> memref<1x128xi32, #tpu.memory_space<vmem>>
      %dma_wait3A_129 = tpu.memref_squeeze %dma_wait3A_128 : memref<1x128xi32, #tpu.memory_space<vmem>> -> memref<128xi32, #tpu.memory_space<vmem>>
      %dma_wait3A_130 = arith.constant 0 : i32
      %dma_wait3A_131 = arith.constant 0 : i32
      %dma_wait3A_132 = tpu.memref_slice %arg4[%dma_wait3A_130, %dma_wait3A_131] : memref<20000x128xf32, #tpu.memory_space<hbm>> -> memref<20000x128xf32, #tpu.memory_space<hbm>>
      tpu.wait_indirect_dma semaphore(%arg11 : memref<!tpu.dma_semaphore, #tpu.memory_space<semaphore_mem>>) src(%dma_wait3A_132 : memref<20000x128xf32, #tpu.memory_space<hbm>>) dst(%arg8 : memref<128x128xf32, #tpu.memory_space<vmem>>)
      %run_scoped3A_133 = arith.constant 0 : i32
      "tpu.region"() ({
        %run_scoped3A_134 = tpu.sem_alloc : memref<!tpu.dma_semaphore, #tpu.memory_space<semaphore_mem>>
        %dma_start3A_135 = arith.constant 0 : i32
        %dma_start3A_136 = tpu.memref_slice %arg7[%run_scoped3A_133, %dma_start3A_135] : memref<1x128xi32, #tpu.memory_space<vmem>> -> memref<1x128xi32, #tpu.memory_space<vmem>>
        %dma_start3A_137 = tpu.memref_squeeze %dma_start3A_136 : memref<1x128xi32, #tpu.memory_space<vmem>> -> memref<128xi32, #tpu.memory_space<vmem>>
        %dma_start3A_138 = arith.constant 0 : i32
        %dma_start3A_139 = arith.constant 0 : i32
        %dma_start3A_140 = tpu.memref_slice %arg10[%dma_start3A_138, %dma_start3A_139] : memref<10000x128xf32, #tpu.memory_space<vmem_shared>> -> memref<10000x128xf32, #tpu.memory_space<vmem_shared>>
        tpu.enqueue_indirect_dma source(%arg8 : memref<128x128xf32, #tpu.memory_space<vmem>>) target(%dma_start3A_140 : memref<10000x128xf32, #tpu.memory_space<vmem_shared>>) offsets(%dma_start3A_137 : memref<128xi32, #tpu.memory_space<vmem>>) semaphore(%run_scoped3A_134 : memref<!tpu.dma_semaphore, #tpu.memory_space<semaphore_mem>>) {add = true}
        %dma_wait3A_141 = arith.constant 0 : i32
        %dma_wait3A_142 = tpu.memref_slice %arg7[%run_scoped3A_133, %dma_wait3A_141] : memref<1x128xi32, #tpu.memory_space<vmem>> -> memref<1x128xi32, #tpu.memory_space<vmem>>
        %dma_wait3A_143 = tpu.memref_squeeze %dma_wait3A_142 : memref<1x128xi32, #tpu.memory_space<vmem>> -> memref<128xi32, #tpu.memory_space<vmem>>
        %dma_wait3A_144 = arith.constant 0 : i32
        %dma_wait3A_145 = arith.constant 0 : i32
        %dma_wait3A_146 = tpu.memref_slice %arg10[%dma_wait3A_144, %dma_wait3A_145] : memref<10000x128xf32, #tpu.memory_space<vmem_shared>> -> memref<10000x128xf32, #tpu.memory_space<vmem_shared>>
        tpu.wait_indirect_dma semaphore(%run_scoped3A_134 : memref<!tpu.dma_semaphore, #tpu.memory_space<semaphore_mem>>) src(%arg8 : memref<128x128xf32, #tpu.memory_space<vmem>>) dst(%dma_wait3A_146 : memref<10000x128xf32, #tpu.memory_space<vmem_shared>>)
        tpu.yield
      }) : () -> ()
    }
    %barrier3A_36 = arith.constant 0 : index
    tpu.barrier barrier_id(%barrier3A_36)
    %while3A_37 = arith.constant 0 : i32
    %while3A_38 = arith.subi %select_n3A, %while3A_37 : i32
    %while3A_39 = arith.addi %while3A_37, %while3A_38 : i32
    %while3A_40 = arith.constant 1 : i32
    %while3A_41 = arith.divsi %while3A_38, %while3A_40 : i32
    %while3A_42 = arith.muli %while3A_41, %while3A_40 : i32
    %while3A_43 = arith.addi %while3A_37, %while3A_42 : i32
    %while3A_44 = arith.constant 1 : i32
    scf.for %while3A_46 = %while3A_37 to %while3A_43 step %while3A_44  : i32 {
      %mul3A_47 = arith.constant 640 : i32
      %mul3A_48 = arith.muli %arg1, %mul3A_47 : i32
      %mul3A_49 = arith.constant 80 : i32
      %mul3A_50 = arith.muli %while3A_46, %mul3A_49 : i32
      %add3A_51 = arith.addi %mul3A_48, %mul3A_50 : i32
      %multiple_of3A = tpu.assume_multiple %add3A_51, 80 : i32
      "tpu.region"() ({
        %run_scoped3A = tpu.sem_alloc : memref<!tpu.dma_semaphore, #tpu.memory_space<semaphore_mem>>
        %dma_start3A = arith.constant 0 : i32
        %dma_start3A_55 = tpu.memref_slice %arg10[%multiple_of3A, %dma_start3A] : memref<10000x128xf32, #tpu.memory_space<vmem_shared>> -> memref<80x128xf32, #tpu.memory_space<vmem_shared>>
        %dma_start3A_56 = arith.constant 0 : i32
        %dma_start3A_57 = tpu.memref_slice %arg10[%multiple_of3A, %dma_start3A_56] : memref<10000x128xf32, #tpu.memory_space<vmem_shared>> -> memref<80x128xf32, #tpu.memory_space<vmem_shared>>
        tpu.enqueue_dma source(%dma_start3A_57 : memref<80x128xf32, #tpu.memory_space<vmem_shared>>) target(%arg9 : memref<80x128xf32, #tpu.memory_space<vmem>>) target_semaphore(%run_scoped3A : memref<!tpu.dma_semaphore, #tpu.memory_space<semaphore_mem>>)
        %dma_wait3A = arith.constant 0 : i32
        %dma_wait3A_58 = tpu.memref_slice %arg10[%multiple_of3A, %dma_wait3A] : memref<10000x128xf32, #tpu.memory_space<vmem_shared>> -> memref<80x128xf32, #tpu.memory_space<vmem_shared>>
        %dma_wait3A_59 = arith.constant 0 : i32
        %dma_wait3A_60 = tpu.memref_slice %arg10[%multiple_of3A, %dma_wait3A_59] : memref<10000x128xf32, #tpu.memory_space<vmem_shared>> -> memref<80x128xf32, #tpu.memory_space<vmem_shared>>
        tpu.wait_dma2 semaphore(%run_scoped3A : memref<!tpu.dma_semaphore, #tpu.memory_space<semaphore_mem>>) src(%dma_wait3A_60 : memref<80x128xf32, #tpu.memory_space<vmem_shared>>) dst(%arg9 : memref<80x128xf32, #tpu.memory_space<vmem>>)
        tpu.yield
      }) : () -> ()
      %mul3A_52 = arith.constant 10000 : i32
      %mul3A_53 = arith.muli %arg0, %mul3A_52 : i32
      %add3A_54 = arith.addi %mul3A_53, %multiple_of3A : i32
      "tpu.region"() ({
        %run_scoped3A = tpu.sem_alloc : memref<!tpu.dma_semaphore, #tpu.memory_space<semaphore_mem>>
        %dma_start3A = arith.constant 0 : i32
        %dma_start3A_55 = tpu.memref_slice %arg5[%add3A_54, %dma_start3A] : memref<20000x128xf32, #tpu.memory_space<hbm>> -> memref<80x128xf32, #tpu.memory_space<hbm>>
        %dma_start3A_56 = arith.constant 0 : i32
        %dma_start3A_57 = tpu.memref_slice %arg5[%add3A_54, %dma_start3A_56] : memref<20000x128xf32, #tpu.memory_space<hbm>> -> memref<80x128xf32, #tpu.memory_space<hbm>>
        tpu.enqueue_dma source(%arg9 : memref<80x128xf32, #tpu.memory_space<vmem>>) target(%dma_start3A_57 : memref<80x128xf32, #tpu.memory_space<hbm>>) target_semaphore(%run_scoped3A : memref<!tpu.dma_semaphore, #tpu.memory_space<semaphore_mem>>)
        %dma_wait3A = arith.constant 0 : i32
        %dma_wait3A_58 = tpu.memref_slice %arg5[%add3A_54, %dma_wait3A] : memref<20000x128xf32, #tpu.memory_space<hbm>> -> memref<80x128xf32, #tpu.memory_space<hbm>>
        %dma_wait3A_59 = arith.constant 0 : i32
        %dma_wait3A_60 = tpu.memref_slice %arg5[%add3A_54, %dma_wait3A_59] : memref<20000x128xf32, #tpu.memory_space<hbm>> -> memref<80x128xf32, #tpu.memory_space<hbm>>
        tpu.wait_dma2 semaphore(%run_scoped3A : memref<!tpu.dma_semaphore, #tpu.memory_space<semaphore_mem>>) src(%arg9 : memref<80x128xf32, #tpu.memory_space<vmem>>) dst(%dma_wait3A_60 : memref<80x128xf32, #tpu.memory_space<hbm>>)
        tpu.yield
      }) : () -> ()
    }
    %while3A_45 = arith.constant 1 : i32
    scf.for %while3A_46 = %while3A_43 to %while3A_39 step %while3A_45  : i32 {
      %mul3A_47 = arith.constant 640 : i32
      %mul3A_48 = arith.muli %arg1, %mul3A_47 : i32
      %mul3A_49 = arith.constant 80 : i32
      %mul3A_50 = arith.muli %while3A_46, %mul3A_49 : i32
      %add3A_51 = arith.addi %mul3A_48, %mul3A_50 : i32
      %multiple_of3A = tpu.assume_multiple %add3A_51, 80 : i32
      "tpu.region"() ({
        %run_scoped3A = tpu.sem_alloc : memref<!tpu.dma_semaphore, #tpu.memory_space<semaphore_mem>>
        %dma_start3A = arith.constant 0 : i32
        %dma_start3A_55 = tpu.memref_slice %arg10[%multiple_of3A, %dma_start3A] : memref<10000x128xf32, #tpu.memory_space<vmem_shared>> -> memref<80x128xf32, #tpu.memory_space<vmem_shared>>
        %dma_start3A_56 = arith.constant 0 : i32
        %dma_start3A_57 = tpu.memref_slice %arg10[%multiple_of3A, %dma_start3A_56] : memref<10000x128xf32, #tpu.memory_space<vmem_shared>> -> memref<80x128xf32, #tpu.memory_space<vmem_shared>>
        tpu.enqueue_dma source(%dma_start3A_57 : memref<80x128xf32, #tpu.memory_space<vmem_shared>>) target(%arg9 : memref<80x128xf32, #tpu.memory_space<vmem>>) target_semaphore(%run_scoped3A : memref<!tpu.dma_semaphore, #tpu.memory_space<semaphore_mem>>)
        %dma_wait3A = arith.constant 0 : i32
        %dma_wait3A_58 = tpu.memref_slice %arg10[%multiple_of3A, %dma_wait3A] : memref<10000x128xf32, #tpu.memory_space<vmem_shared>> -> memref<80x128xf32, #tpu.memory_space<vmem_shared>>
        %dma_wait3A_59 = arith.constant 0 : i32
        %dma_wait3A_60 = tpu.memref_slice %arg10[%multiple_of3A, %dma_wait3A_59] : memref<10000x128xf32, #tpu.memory_space<vmem_shared>> -> memref<80x128xf32, #tpu.memory_space<vmem_shared>>
        tpu.wait_dma2 semaphore(%run_scoped3A : memref<!tpu.dma_semaphore, #tpu.memory_space<semaphore_mem>>) src(%dma_wait3A_60 : memref<80x128xf32, #tpu.memory_space<vmem_shared>>) dst(%arg9 : memref<80x128xf32, #tpu.memory_space<vmem>>)
        tpu.yield
      }) : () -> ()
      %mul3A_52 = arith.constant 10000 : i32
      %mul3A_53 = arith.muli %arg0, %mul3A_52 : i32
      %add3A_54 = arith.addi %mul3A_53, %multiple_of3A : i32
      "tpu.region"() ({
        %run_scoped3A = tpu.sem_alloc : memref<!tpu.dma_semaphore, #tpu.memory_space<semaphore_mem>>
        %dma_start3A = arith.constant 0 : i32
        %dma_start3A_55 = tpu.memref_slice %arg5[%add3A_54, %dma_start3A] : memref<20000x128xf32, #tpu.memory_space<hbm>> -> memref<80x128xf32, #tpu.memory_space<hbm>>
        %dma_start3A_56 = arith.constant 0 : i32
        %dma_start3A_57 = tpu.memref_slice %arg5[%add3A_54, %dma_start3A_56] : memref<20000x128xf32, #tpu.memory_space<hbm>> -> memref<80x128xf32, #tpu.memory_space<hbm>>
        tpu.enqueue_dma source(%arg9 : memref<80x128xf32, #tpu.memory_space<vmem>>) target(%dma_start3A_57 : memref<80x128xf32, #tpu.memory_space<hbm>>) target_semaphore(%run_scoped3A : memref<!tpu.dma_semaphore, #tpu.memory_space<semaphore_mem>>)
        %dma_wait3A = arith.constant 0 : i32
        %dma_wait3A_58 = tpu.memref_slice %arg5[%add3A_54, %dma_wait3A] : memref<20000x128xf32, #tpu.memory_space<hbm>> -> memref<80x128xf32, #tpu.memory_space<hbm>>
        %dma_wait3A_59 = arith.constant 0 : i32
        %dma_wait3A_60 = tpu.memref_slice %arg5[%add3A_54, %dma_wait3A_59] : memref<20000x128xf32, #tpu.memory_space<hbm>> -> memref<80x128xf32, #tpu.memory_space<hbm>>
        tpu.wait_dma2 semaphore(%run_scoped3A : memref<!tpu.dma_semaphore, #tpu.memory_space<semaphore_mem>>) src(%arg9 : memref<80x128xf32, #tpu.memory_space<vmem>>) dst(%dma_wait3A_60 : memref<80x128xf32, #tpu.memory_space<hbm>>)
        tpu.yield
      }) : () -> ()
    }
    return
  }
}

module attributes {stable_mosaic.version = 14 : i64} {
  func.func @_matmul_body(%arg0: i32, %arg1: memref<1000x128xf32, #tpu.memory_space<vmem>>, %arg2: memref<128x256xf32, #tpu.memory_space<vmem>>, %arg3: memref<1000x256xf32, #tpu.memory_space<vmem>>) attributes {dimension_semantics = [#tpu.dimension_semantics<arbitrary>], iteration_bounds = array<i64: 10>, scalar_prefetch = 0 : i64, scratch_operands = 0 : i64, tpu.core_type = #tpu.core_type<tc>, window_params = [{transform_indices = @transform_0, window_bounds = array<i64: 1000, 128>}, {pipeline_mode = #tpu.pipeline_mode<synchronous>, transform_indices = @transform_1, window_bounds = array<i64: 128, 256>}, {transform_indices = @transform_2, window_bounds = array<i64: 1000, 256>}]} {
    %get3A = arith.constant 0 : index
    %get3A_0 = arith.constant 0 : index
    %get3A_1 = vector.load %arg1[%get3A, %get3A_0] : memref<1000x128xf32, #tpu.memory_space<vmem>>, vector<1000x128xf32>
    %get3A_2 = arith.constant 0 : index
    %get3A_3 = arith.constant 0 : index
    %get3A_4 = vector.load %arg2[%get3A_2, %get3A_3] : memref<128x256xf32, #tpu.memory_space<vmem>>, vector<128x256xf32>
    %dot_general3A = arith.constant dense<0.000000e+00> : vector<1000x256xf32>
    %dot_general3A_5 = tpu.matmul %get3A_1, %get3A_4, %dot_general3A {dimension_numbers = #tpu.dot_dimension_numbers<[1], [0], [0], [1], [0, 0, 1, 1], [], []>, transpose_lhs_hint = false} : vector<1000x128xf32>, vector<128x256xf32>, vector<1000x256xf32> -> vector<1000x256xf32>
    %swap3A = arith.constant 0 : index
    %swap3A_6 = arith.constant 0 : index
    %swap3A_7 = vector.load %arg3[%swap3A, %swap3A_6] : memref<1000x256xf32, #tpu.memory_space<vmem>>, vector<1000x256xf32>
    tpu.vector_store %arg3[%swap3A, %swap3A_6], %dot_general3A_5 {strides = array<i32>} : memref<1000x256xf32, #tpu.memory_space<vmem>>, vector<1000x256xf32>,
    return
  }
  func.func @transform_0(%arg0: i32) -> (i32, i32) {
    %c0_i32 = arith.constant 0 : i32
    %c0_i32_0 = arith.constant 0 : i32
    return %arg0, %c0_i32 : i32, i32
  }
  func.func @transform_1(%arg0: i32) -> (i32, i32) {
    %c0_i32 = arith.constant 0 : i32
    %c0_i32_0 = arith.constant 0 : i32
    %c0_i32_1 = arith.constant 0 : i32
    return %c0_i32, %c0_i32_0 : i32, i32
  }
  func.func @transform_2(%arg0: i32) -> (i32, i32) {
    %c0_i32 = arith.constant 0 : i32
    %c0_i32_0 = arith.constant 0 : i32
    return %arg0, %c0_i32 : i32, i32
  }
}

module attributes {stable_mosaic.version = 14 : i64} {
  func.func @_fin_body(%arg0: i32, %arg1: memref<2x1000x128xf32, #tpu.memory_space<vmem>>, %arg2: memref<1000x256xf32, #tpu.memory_space<vmem>>, %arg3: memref<1000x1xf32, #tpu.memory_space<vmem>>, %arg4: memref<1x256xf32, #tpu.memory_space<vmem>>, %arg5: memref<1000x256xf32, #tpu.memory_space<vmem>>) attributes {dimension_semantics = [#tpu.dimension_semantics<arbitrary>], iteration_bounds = array<i64: 10>, scalar_prefetch = 0 : i64, scratch_operands = 0 : i64, tpu.core_type = #tpu.core_type<tc>, window_params = [{transform_indices = @transform_0, window_bounds = array<i64: 2, 1000, 128>}, {transform_indices = @transform_1, window_bounds = array<i64: 1000, 256>}, {transform_indices = @transform_2, window_bounds = array<i64: 1000, 1>}, {pipeline_mode = #tpu.pipeline_mode<synchronous>, transform_indices = @transform_3, window_bounds = array<i64: 1, 256>}, {transform_indices = @transform_4, window_bounds = array<i64: 1000, 256>}]} {
    %get3A = arith.constant 0 : index
    %get3A_0 = arith.constant 0 : index
    %get3A_1 = arith.constant 0 : index
    %get3A_2 = vector.load %arg1[%get3A, %get3A_0, %get3A_1] : memref<2x1000x128xf32, #tpu.memory_space<vmem>>, vector<1x1000x128xf32>
    %get3A_3 = vector.shape_cast %get3A_2 : vector<1x1000x128xf32> to vector<1000x128xf32>
    %get3A_4 = arith.constant 1 : index
    %get3A_5 = arith.constant 0 : index
    %get3A_6 = arith.constant 0 : index
    %get3A_7 = vector.load %arg1[%get3A_4, %get3A_5, %get3A_6] : memref<2x1000x128xf32, #tpu.memory_space<vmem>>, vector<1x1000x128xf32>
    %get3A_8 = vector.shape_cast %get3A_7 : vector<1x1000x128xf32> to vector<1000x128xf32>
    %concatenate3A = tpu.concatenate %get3A_3, %get3A_8 in 1 : vector<1000x128xf32>, vector<1000x128xf32> -> vector<1000x256xf32>
    %get3A_9 = arith.constant 0 : index
    %get3A_10 = arith.constant 0 : index
    %get3A_11 = vector.load %arg3[%get3A_9, %get3A_10] : memref<1000x1xf32, #tpu.memory_space<vmem>>, vector<1000x1xf32>
    %get3A_12 = arith.constant 0 : index
    %get3A_13 = arith.constant 0 : index
    %get3A_14 = vector.load %arg2[%get3A_12, %get3A_13] : memref<1000x256xf32, #tpu.memory_space<vmem>>, vector<1000x256xf32>
    %add3A = arith.addf %concatenate3A, %get3A_14 : vector<1000x256xf32>
    %mul3A = vector.broadcast %get3A_11 : vector<1000x1xf32> to vector<1000x256xf32>
    %mul3A_15 = arith.mulf %mul3A, %add3A : vector<1000x256xf32>
    %get3A_16 = arith.constant 0 : index
    %get3A_17 = arith.constant 0 : index
    %get3A_18 = vector.load %arg4[%get3A_16, %get3A_17] : memref<1x256xf32, #tpu.memory_space<vmem>>, vector<1x256xf32>
    %add3A_19 = vector.broadcast %get3A_18 : vector<1x256xf32> to vector<1000x256xf32>
    %add3A_20 = arith.addf %mul3A_15, %add3A_19 : vector<1000x256xf32>
    %max3A = arith.constant 0.000000e+00 : f32
    %max3A_21 = vector.broadcast %max3A : f32 to vector<1000x256xf32>
    %max3A_22 = arith.maximumf %add3A_20, %max3A_21 : vector<1000x256xf32>
    %mul3A_23 = arith.mulf %max3A_22, %max3A_22 : vector<1000x256xf32>
    %reduce_sum3A = arith.constant dense<0.000000e+00> : vector<1000xf32>
    %reduce_sum3A_24 = vector.multi_reduction <add>, %mul3A_23, %reduce_sum3A [1] : vector<1000x256xf32> to vector<1000xf32>
    %broadcast_in_dim3A = vector.shape_cast %reduce_sum3A_24 : vector<1000xf32> to vector<1000x1xf32>
    %sqrt3A = math.sqrt %broadcast_in_dim3A : vector<1000x1xf32>
    %max3A_25 = arith.constant 9.99999996E-13 : f32
    %max3A_26 = vector.broadcast %max3A_25 : f32 to vector<1000x1xf32>
    %max3A_27 = arith.maximumf %sqrt3A, %max3A_26 : vector<1000x1xf32>
    %div3A = vector.broadcast %max3A_27 : vector<1000x1xf32> to vector<1000x256xf32>
    %div3A_28 = arith.divf %max3A_22, %div3A : vector<1000x256xf32>
    %swap3A = arith.constant 0 : index
    %swap3A_29 = arith.constant 0 : index
    %swap3A_30 = vector.load %arg5[%swap3A, %swap3A_29] : memref<1000x256xf32, #tpu.memory_space<vmem>>, vector<1000x256xf32>
    tpu.vector_store %arg5[%swap3A, %swap3A_29], %div3A_28 {strides = array<i32>} : memref<1000x256xf32, #tpu.memory_space<vmem>>, vector<1000x256xf32>,
    return
  }
  func.func @transform_0(%arg0: i32) -> (i32, i32, i32) {
    %c0_i32 = arith.constant 0 : i32
    %c0_i32_0 = arith.constant 0 : i32
    %c0_i32_1 = arith.constant 0 : i32
    return %c0_i32, %arg0, %c0_i32_0 : i32, i32, i32
  }
  func.func @transform_1(%arg0: i32) -> (i32, i32) {
    %c0_i32 = arith.constant 0 : i32
    %c0_i32_0 = arith.constant 0 : i32
    return %arg0, %c0_i32 : i32, i32
  }
  func.func @transform_2(%arg0: i32) -> (i32, i32) {
    %c0_i32 = arith.constant 0 : i32
    %c0_i32_0 = arith.constant 0 : i32
    return %arg0, %c0_i32 : i32, i32
  }
  func.func @transform_3(%arg0: i32) -> (i32, i32) {
    %c0_i32 = arith.constant 0 : i32
    %c0_i32_0 = arith.constant 0 : i32
    %c0_i32_1 = arith.constant 0 : i32
    return %c0_i32, %c0_i32_0 : i32, i32
  }
  func.func @transform_4(%arg0: i32) -> (i32, i32) {
    %c0_i32 = arith.constant 0 : i32
    %c0_i32_0 = arith.constant 0 : i32
    return %arg0, %c0_i32 : i32, i32
  }
}

module attributes {stable_mosaic.version = 14 : i64} {
  func.func @_loss_body(%arg0: memref<2500x128xf32, #tpu.memory_space<vmem>>, %arg1: memref<2500x128xf32, #tpu.memory_space<vmem>>, %arg2: memref<391x128xf32, #tpu.memory_space<vmem>>, %arg3: memref<391x128xf32, #tpu.memory_space<vmem>>, %arg4: memref<391x128xf32, #tpu.memory_space<vmem>>, %arg5: memref<1x1xf32, #tpu.memory_space<vmem>>) attributes {dimension_semantics = [], scalar_prefetch = 0 : i64, scratch_operands = 0 : i64, tpu.core_type = #tpu.core_type<tc>} {
    %get3A = arith.constant 0 : index
    %get3A_0 = arith.constant 0 : index
    %get3A_1 = vector.load %arg1[%get3A, %get3A_0] : memref<2500x128xf32, #tpu.memory_space<vmem>>, vector<2500x128xf32>
    %reduce_sum3A = vector.shape_cast %get3A_1 : vector<2500x128xf32> to vector<1x2500x128xf32>
    %reduce_sum3A_2 = arith.constant dense<0.000000e+00> : vector<1xf32>
    %reduce_sum3A_3 = vector.multi_reduction <add>, %reduce_sum3A, %reduce_sum3A_2 [1, 2] : vector<1x2500x128xf32> to vector<1xf32>
    %reduce_sum3A_4 = vector.shape_cast %reduce_sum3A_3 : vector<1xf32> to vector<1x1x1xf32>
    %reduce_sum3A_5 = vector.extract %reduce_sum3A_4[0, 0, 0] : f32 from vector<1x1x1xf32>
    %get3A_6 = arith.constant 0 : index
    %get3A_7 = arith.constant 0 : index
    %get3A_8 = vector.load %arg0[%get3A_6, %get3A_7] : memref<2500x128xf32, #tpu.memory_space<vmem>>, vector<2500x128xf32>
    %sub3A = arith.constant 1.000000e+00 : f32
    %sub3A_9 = vector.broadcast %sub3A : f32 to vector<2500x128xf32>
    %sub3A_10 = arith.subf %get3A_8, %sub3A_9 : vector<2500x128xf32>
    %mul3A = arith.mulf %get3A_1, %sub3A_10 : vector<2500x128xf32>
    %mul3A_11 = arith.mulf %mul3A, %sub3A_10 : vector<2500x128xf32>
    %reduce_sum3A_12 = vector.shape_cast %mul3A_11 : vector<2500x128xf32> to vector<1x2500x128xf32>
    %reduce_sum3A_13 = arith.constant dense<0.000000e+00> : vector<1xf32>
    %reduce_sum3A_14 = vector.multi_reduction <add>, %reduce_sum3A_12, %reduce_sum3A_13 [1, 2] : vector<1x2500x128xf32> to vector<1xf32>
    %reduce_sum3A_15 = vector.shape_cast %reduce_sum3A_14 : vector<1xf32> to vector<1x1x1xf32>
    %reduce_sum3A_16 = vector.extract %reduce_sum3A_15[0, 0, 0] : f32 from vector<1x1x1xf32>
    %min3A = arith.constant 5.000000e+04 : f32
    %min3A_17 = arith.minimumf %reduce_sum3A_5, %min3A : f32
    %get3A_18 = arith.constant 0 : index
    %get3A_19 = arith.constant 0 : index
    %get3A_20 = vector.load %arg3[%get3A_18, %get3A_19] : memref<391x128xf32, #tpu.memory_space<vmem>>, vector<391x128xf32>
    %get3A_21 = arith.constant 0 : index
    %get3A_22 = arith.constant 0 : index
    %get3A_23 = vector.load %arg4[%get3A_21, %get3A_22] : memref<391x128xf32, #tpu.memory_space<vmem>>, vector<391x128xf32>
    %lt3A = vector.broadcast %min3A_17 : f32 to vector<391x128xf32>
    %lt3A_24 = arith.cmpf olt, %get3A_23, %lt3A : vector<391x128xf32>
    %convert_element_type3A = arith.extui %lt3A_24 : vector<391x128xi1> to vector<391x128xi32>
    %convert_element_type3A_25 = arith.sitofp %convert_element_type3A : vector<391x128xi32> to vector<391x128xf32>
    %mul3A_26 = arith.mulf %get3A_20, %convert_element_type3A_25 : vector<391x128xf32>
    %reduce_sum3A_27 = vector.shape_cast %mul3A_26 : vector<391x128xf32> to vector<1x391x128xf32>
    %reduce_sum3A_28 = arith.constant dense<0.000000e+00> : vector<1xf32>
    %reduce_sum3A_29 = vector.multi_reduction <add>, %reduce_sum3A_27, %reduce_sum3A_28 [1, 2] : vector<1x391x128xf32> to vector<1xf32>
    %reduce_sum3A_30 = vector.shape_cast %reduce_sum3A_29 : vector<1xf32> to vector<1x1x1xf32>
    %reduce_sum3A_31 = vector.extract %reduce_sum3A_30[0, 0, 0] : f32 from vector<1x1x1xf32>
    %get3A_32 = arith.constant 0 : index
    %get3A_33 = arith.constant 0 : index
    %get3A_34 = vector.load %arg2[%get3A_32, %get3A_33] : memref<391x128xf32, #tpu.memory_space<vmem>>, vector<391x128xf32>
    %mul3A_35 = arith.mulf %mul3A_26, %get3A_34 : vector<391x128xf32>
    %mul3A_36 = arith.mulf %mul3A_35, %get3A_34 : vector<391x128xf32>
    %reduce_sum3A_37 = vector.shape_cast %mul3A_36 : vector<391x128xf32> to vector<1x391x128xf32>
    %reduce_sum3A_38 = arith.constant dense<0.000000e+00> : vector<1xf32>
    %reduce_sum3A_39 = vector.multi_reduction <add>, %reduce_sum3A_37, %reduce_sum3A_38 [1, 2] : vector<1x391x128xf32> to vector<1xf32>
    %reduce_sum3A_40 = vector.shape_cast %reduce_sum3A_39 : vector<1xf32> to vector<1x1x1xf32>
    %reduce_sum3A_41 = vector.extract %reduce_sum3A_40[0, 0, 0] : f32 from vector<1x1x1xf32>
    %div3A = arith.divf %reduce_sum3A_16, %reduce_sum3A_5 : f32
    %div3A_42 = arith.divf %reduce_sum3A_41, %reduce_sum3A_31 : f32
    %add3A = arith.addf %div3A, %div3A_42 : f32
    %reshape3A = vector.broadcast %add3A : f32 to vector<1x1xf32>
    %swap3A = arith.constant 0 : index
    %swap3A_43 = arith.constant 0 : index
    %swap3A_44 = vector.load %arg5[%swap3A, %swap3A_43] : memref<1x1xf32, #tpu.memory_space<vmem>>, vector<1x1xf32>
    tpu.vector_store %arg5[%swap3A, %swap3A_43], %reshape3A {strides = array<i32>} : memref<1x1xf32, #tpu.memory_space<vmem>>, vector<1x1xf32>,
    return
  }
}

</mosaic_0001>

<sc_bundles>
// kernel: kernel.11.cloned.1.call-start
scs
__scs_entry_jumppad:
0x0: {  	(pc) =	sbr.rel $0x88, $3  }
0x1: {  	(tag) =	ssettag $0x0;
	lr =	simm.s32 $0x1  }
0x2: {  	[smem:$0x3F9D] =	sst lr;
	_ =	strace $0xD0000000  }
0x3: {  	_ = 	snop  }
0x4: {  	_ = 	snop  }
0x5: {  	_ = 	snop  }
0x6: {  	_ = 	snop  }
0x7: {  	_ = 	snop  }
__scs_overlays_trampoline_lowered:
0x8: {  	[smem:$0x3FAC] =	sst s0  }
0x9: {  	[smem:$0x3FAD] =	sst s1  }
0xa: {  	[smem:$0x3FAE] =	sst s2  }
0xb: {  	[smem:$0x3FAF] =	sst s3  }
0xc: {  	[smem:$0x3FB0] =	sst s4  }
0xd: {  	[smem:$0x3FB1] =	sst s5  }
0xe: {  	[smem:$0x3FB2] =	sst s6  }
0xf: {  	[smem:$0x3FB3] =	sst s7  }
0x10: {  	[smem:$0x3FB4] =	sst s8  }
0x11: {  	[smem:$0x3FB5] =	sst s9;
	s0 =	simm.s32 @!p0 $0x0  }
0x12: {  	s1 =	sld [smem:$0x3F9B];
	s0 =	simm.s32 @p0 $0x1  }
0x13: {  	[smem:$0x3FB6] =	sst s0;
	s0 =	simm.s32 @!p1 $0x0  }
0x14: {  	s2 =	sld [smem:$0x3F9A];
	s0 =	simm.s32 @p1 $0x1  }
0x15: {  	[smem:$0x3FB7] =	sst s0;
	s0 =	simm.s32 @!p2 $0x0  }
0x16: {  	s3 =	sld [smem:$0x3FDB];
	s0 =	simm.s32 @p2 $0x1  }
0x17: {  	s4 =	simm.s32 $0x1BF5;
	[smem:$0x3FB9] =	sst s0  }
0x18: {  	s0 =	sld [smem:$0x3F9C];
	_ =	swait.ge [sflag:s4], $0x0  }
0x19: {  	s7 =	sld [smem:$0x3F9D]  }
0x1a: {  	s8 =	sadd.s32 $0xFFFFE003, lr  }
0x1b: {  	s9 =	sadd.s32 $0xFFFFFEF7, lr;
	s5 =	simm.s32 $0xFFFFFFFF;
	p2 =	slt.u32 s8, $0xFFFFF086  }
0x1c: {  	p1 =	slt.u32 s9, $0xF7A;
	s5 =	simm.s32 @!p2 $0x0  }
0x1d: {  	s5 =	simm.s32 @p1 $0x1;
	p0 =	seq.s32 s7, s2  }
0x1e: {  	s7 =	smul.u32 @!p0 $0xF7A, s2;
	p2 =	seq.s32 @!p0 s5, $0x0  }
0x1f: {  	s9 =	smul.u32 $0xF7A, s1;
	s8 =	simm.s32 @!p0 $0x1BF5;
	p2 =	por !p2, p0  }
0x20: {  	[sflag:s8] =	ssyncset.s32 @!p0 $0xFFFFF086;
	s6 =	sadd.s32 @!p0 s3, s7;
	s7 =	simm.s32 @!p0 $0x108  }
0x21: {  	s3 =	sadd.s32 s3, s9;
	s6 =	sadd.s32 @!p0 $0x88, s6;
	s7 =	simm.s32 @p2 $0x1082  }
0x22: {  	[simem:s7], [sflag:s8] =	dma.local @!p0 [hbm:s6], $0xF7A  }
0x23: {  	s9 =	sor.u32 $0xD0000000, s2;
	s6 =	simm.s32 $0x108;
	_ =	swait.ge @!p0 [sflag:s8], $0x0  }
0x24: {  	s3 =	sadd.s32 $0x88, s3;
	s6 =	simm.s32 @!p1 $0x1082;
	[sflag:s4] =	ssyncset.s32 $0xFFFFF086  }
0x25: {  	[simem:s6], [sflag:s4] =	dma.local [hbm:s3], $0xF7A  }
0x26: {  	[smem:$0x3F9D] =	sst s1;
	(tag) =	ssettag s2;
	_ =	strace s9  }
0x27: {  	s1 =	sld [smem:$0x3FAD]  }
0x28: {  	s2 =	sld [smem:$0x3FAE]  }
0x29: {  	s4 =	sld [smem:$0x3FB0]  }
0x2a: {  	p0 =	seq.s32 s5, $0x0;
	s5 =	sld [smem:$0x3FB1]  }
0x2b: {  	s6 =	sld [smem:$0x3FB2]  }
0x2c: {  	s7 =	sld [smem:$0x3FB3]  }
0x2d: {  	s3 =	simm.s32 $0x108;
	s8 =	sld [smem:$0x3FB4]  }
0x2e: {  	s3 =	simm.s32 @!p0 $0x1082;
	s9 =	sld [smem:$0x3FB5]  }
0x2f: {  	lr =	sadd.s32 s0, s3;
	s0 =	sld [smem:$0x3FAC]  }
0x30: {  	s3 =	sld [smem:$0x3FAF]  }
0x31: {  	[smem:$0x3FB8] =	sst s10  }
0x32: {  	s10 =	sld [smem:$0x3FB6];
	_ =	sdelay $0x3  }
0x33: {  	p0 =	seq.s32 s10, $0x1;
	s10 =	sld [smem:$0x3FB8];
	_ =	sdelay $0x3  }
0x34: {  	[smem:$0x3FB8] =	sst s10  }
0x35: {  	s10 =	sld [smem:$0x3FB7];
	_ =	sdelay $0x3  }
0x36: {  	p1 =	seq.s32 s10, $0x1;
	s10 =	sld [smem:$0x3FB8];
	_ =	sdelay $0x3  }
0x37: {  	[smem:$0x3FB8] =	sst s10  }
0x38: {  	s10 =	sld [smem:$0x3FB9]  }
0x39: {  	_ = 	snop;
	(pc) =	sbr.ind lr, $3  }
0x3a: {  	_ = 	snop  }
0x3b: {  	_ = 	snop  }
0x3c: {  	p2 =	seq.s32 s10, $0x1;
	s10 =	sld [smem:$0x3FB8]  }
0x3d: {  	_ =	shalt  }
0x3e: {  	_ =	shalt  }
0x3f: {  	_ =	shalt  }
0x40: {  	_ =	shalt  }
0x41: {  	_ =	shalt  }
0x42: {  	_ =	shalt  }
0x43: {  	_ =	shalt  }
0x44: {  	_ =	shalt  }
0x45: {  	_ =	shalt  }
0x46: {  	_ =	shalt  }
0x47: {  	_ =	shalt  }
0x48: {  	_ =	shalt  }
0x49: {  	_ =	shalt  }
0x4a: {  	_ =	shalt  }
0x4b: {  	_ =	shalt  }
0x4c: {  	_ =	shalt  }
0x4d: {  	_ =	shalt  }
0x4e: {  	_ =	shalt  }
0x4f: {  	_ =	shalt  }
0x50: {  	_ =	shalt  }
0x51: {  	_ =	shalt  }
0x52: {  	_ =	shalt  }
0x53: {  	_ =	shalt  }
0x54: {  	_ =	shalt  }
0x55: {  	_ =	shalt  }
0x56: {  	_ =	shalt  }
0x57: {  	_ =	shalt  }
0x58: {  	_ =	shalt  }
0x59: {  	_ =	shalt  }
0x5a: {  	_ =	shalt  }
0x5b: {  	_ =	shalt  }
0x5c: {  	_ =	shalt  }
0x5d: {  	_ =	shalt  }
0x5e: {  	_ =	shalt  }
0x5f: {  	_ =	shalt  }
0x60: {  	_ =	shalt  }
0x61: {  	_ =	shalt  }
0x62: {  	_ =	shalt  }
0x63: {  	_ =	shalt  }
0x64: {  	_ =	shalt  }
0x65: {  	_ =	shalt  }
0x66: {  	_ =	shalt  }
0x67: {  	_ =	shalt  }
0x68: {  	_ =	shalt  }
0x69: {  	_ =	shalt  }
0x6a: {  	_ =	shalt  }
0x6b: {  	_ =	shalt  }
0x6c: {  	_ =	shalt  }
0x6d: {  	_ =	shalt  }
0x6e: {  	_ =	shalt  }
0x6f: {  	_ =	shalt  }
0x70: {  	_ =	shalt  }
0x71: {  	_ =	shalt  }
0x72: {  	_ =	shalt  }
0x73: {  	_ =	shalt  }
0x74: {  	_ =	shalt  }
0x75: {  	_ =	shalt  }
0x76: {  	_ =	shalt  }
0x77: {  	_ =	shalt  }
0x78: {  	_ =	shalt  }
0x79: {  	_ =	shalt  }
0x7a: {  	_ =	shalt  }
0x7b: {  	_ =	shalt  }
0x7c: {  	_ =	shalt  }
0x7d: {  	_ =	shalt  }
0x7e: {  	_ =	shalt  }
0x7f: {  	_ =	shalt  }
0x80: {  	_ =	shalt  }
0x81: {  	_ =	shalt  }
0x82: {  	_ =	shalt  }
0x83: {  	_ =	shalt  }
0x84: {  	_ =	shalt  }
0x85: {  	_ =	shalt  }
0x86: {  	_ =	shalt  }
0x87: {  	_ =	shalt  }
.Lfunc_end0:
.L_simem_size_0:
called_computation.1_lowered:
.L_overlay_start_0:
0x88: {  	s2 =	sld [smem:$0x3FD9]  }
0x89: {  	s3 =	sld [smem:$0x3FFE];
	_ =	sdelay $0x1  }
0x8a: {  	s1 =	srdreg.scid  }
0x8b: {  	s0 =	sand.u32 $0x1, s1  }
0x8c: {  	s14 =	sshll.u32 s0, $0xA;
	s2 =	sadd.s32 s3, s2  }
0x8d: {  	s2 =	sadd.s32 s2, s14  }
0x8e: {  	[smem:$0x3FC4] =	sst s2  }
0x8f: {  	_ = 	snop  }
0x90: {  	s2 =	sld [smem:$0x3FD0];
	_ =	sdelay $0x2  }
0x91: {  	s15 =	simm.s32 $0xA;
	s4 =	simm.s32 $0x10  }
0x92: {  	[smem:s4], [sflag:s15] =	dma.local [hbm:s2], $0x1  }
0x93: {  	_ =	swait.eq [sflag:s15], $0x1  }
0x94: {  	[sflag:s15] =	ssyncset.done $0x0  }
0x95: {  	[sflag:s15] =	ssyncadd.s32 $0xFFFFFFFF  }
0x96: {  	s16 =	sld [smem:$0x10];
	(tm) =	ssettm $0x1  }
0x97: {  	s17 =	sld [smem:$0x3FFB];
	_ =	sdelay $0x3  }
0x98: {  	_ =	strace s17  }
0x99: {  	s3 =	sld [smem:$0x3FFC];
	_ =	sdelay $0x3  }
0x9a: {  	_ =	strace s3  }
0x9b: {  	s3 =	sld [smem:$0x3FFD];
	_ =	sdelay $0x3  }
0x9c: {  	_ =	strace s3  }
0x9d: {  	_ =	strace $0x8FFFFFFF  }
0x9e: {  	s18 =	sld [smem:$0x3FDB];
	_ =	sdelay $0x1  }
0x9f: {  	s19 =	simm.s32 $_scs_section_size  }
0xa0: {  	s5 =	simm.s32 $_size__tile_overlayer_lowered;
	s6 =	simm.s32 $_tile_overlayer_lowered  }
0xa1: {  	s22 =	simm.s32 $0x1BFF;
	s21 =	sshll.u32 s6, $0x1;
	s3 =	sadd.s32 s19, s18  }
0xa2: {  	s7 =	simm.s32 $0x0;
	s20 =	sshll.u32 s5, $0x1;
	s5 =	sadd.s32 s21, s3  }
0xa3: {  	[timem:s7], [sflag:s22] =	dma.local [hbm:s5], s20  }
0xa4: {  	_ =	swait.ge [sflag:s22], s20  }
0xa5: {  	s4 =	ssub.s32 $0x0, s20;
	[sflag:s22] =	ssyncset.done $0x0  }
0xa6: {  	[sflag:s22] =	ssyncadd.s32 s4;
	_ =	sdelay $0x1  }
0xa7: {  	s23 =	simm.s32 $0x1B8B  }
0xa8: {  	_ =	swait.ge [sflag:s23], $0x1  }
0xa9: {  	[sflag:s23] =	ssyncset.done $0x0  }
0xaa: {  	s25 =	simm.s32 $0x1B8E;
	s24 =	sld [smem:$0x3FFE];
	[sflag:s23] =	ssyncadd.s32 $0xFFFFFFFF  }
0xab: {  	s26 =	simm.s32 $execute0_lowered;
	[smem:$0x3FD2] =	sst s25  }
0xac: {  	s5 =	sshll.u32 s26, $0x1;
	_ =	strace $0x80000049;
	[dreg:$0x1] =	wrdreg $0xFFFFFFFF  }
0xad: {  	s28 =	simm.s32 $_size_execute0_lowered;
	s3 =	sadd.s32 s3, s5;
	[dreg:$0x0] =	wrdreg $0x0  }
0xae: {  	s5 =	sshll.u32 s28, $0x1;
	[dreg:$0x2] =	wrdreg s3  }
0xaf: {  	[dreg:$0x3] =	wrdreg s5  }
0xb0: {  	[dreg:$0x4] =	wrdreg $0xC0  }
0xb1: {  	_ =	task [dreg:s7], $0x5FFFF  }
0xb2: {  	[dreg:$0x1] =	wrdreg $0xFFFFFFFF  }
0xb3: {  	[dreg:$0x0] =	wrdreg $0x60  }
0xb4: {  	[dreg:$0x2] =	wrdreg s24  }
0xb5: {  	[dreg:$0x3] =	wrdreg s16  }
0xb6: {  	[dreg:$0x4] =	wrdreg $0x69000  }
0xb7: {  	[dreg:$0x5] =	wrdreg $0x9  }
0xb8: {  	_ =	task.clear_ibuf [dreg:s7], $0x6FFFF;
	_ =	strace $0x90000049  }
0xb9: {  	s29 =	simm.s32 $0x9;
	_ =	strace $0x8000004B  }
0xba: {  	_ =	swait.ge [sflag:s29], $0x1  }
0xbb: {  	[sflag:s29] =	ssyncadd.s32 $0xFFFFFFFF  }
0xbc: {  	_ =	strace $0x9000004B  }
0xbd: {  	_ =	sfence  }
0xbe: {  	s30 =	sld [smem:$0x0];
	_ =	sdelay $0x2  }
0xbf: {  	s31 =	sshll.u32 s1, $0xD;
	s1 =	sshrl.u32 s1, $0x2  }
0xc0: {  	s3 =	sand.u32 $0x4000, s31;
	s1 =	sadd.s32 s1, s30  }
0xc1: {  	s0 =	sor.u32 s3, s0;
	s1 =	sshll.u32 s1, $0x11  }
0xc2: {  	s0 =	sor.u32 s1, s0  }
0xc3: {  	s0 =	sadd.s32 $0x8F2B, s0  }
0xc4: {  	[sflag:s0] =	ssyncadd.remote.s32 $0x1  }
0xc5: {  	_ =	sfence.sel $0xFFFF  }
0xc6: {  	[dreg:$0x0] =	wrdreg $0xFFFFFFFF;
	(pc) =	sbr.abs _section_cstart, $3  }
0xc7: {  	[dreg:$0x1] =	wrdreg $0xFFFFFFFF  }
0xc8: {  	_ =	task.clear_ibuf [dreg:s7], $0x2FFFF;
	_ =	strace $0x9FFFFFFF  }
0xc9: {  	(tm) =	ssettm $0x7FFFFFFF  }
tec
execute0_lowered:
.L_overlay_start_1:
0x0: {  	(tag) =	ssettag $0x1  }
0x1: {  	s5 =	rddreg [dreg:$0x0]  }
0x2: {  	s2 =	rddreg [dreg:$0x1]  }
0x3: {  	s3 =	rddreg [dreg:$0x2]  }
0x4: {  	s0 =	rddreg [dreg:$0x3]  }
0x5: {  	s1 =	stileid.u32;
	s6 =	srdreg.scid  }
0x6: {  	s4 =	simm.s32 $0x0;
	s13 =	simm.s32 $0x2;
	s14 =	simm.s32 $0x80  }
0x7: {  	s16 =	simm.s32 $0x1;
	s17 =	simm.s32 $0x0;
	s7 =	smul.u32 $0x9C0, s1  }
0x8: {  	s6 =	sand.u32 $0x1, s6;
	[smem:$0x7FF] =	sst s4;
	s31 =	smul.u32 $0x50000, s1  }
0x9: {  	p0 =	seq.s32 s1, $0xF;
	s11 =	smin.u32 s1, $0x4;
	s12 =	smul.u32 $0x2800, s1  }
0xa: {  	s8 =	smul.u32 $0x27100, s6;
	_ =	strace $0x8000004A;
	s29 =	ssub.s32 $0x2, s6  }
0xb: {  	s15 =	smul.u32 $0x2710, s6;
	s6 =	simm.s32 $0x9D;
	s11 =	sshll.u32 s11, $0x4  }
0xc: {  	s9 =	sadd.s32 s7, s5;
	s30 =	sshrl.u32 s29, $0x1;
	s10 =	sadd.s32 s8, s5  }
0xd: {  	s5 =	simm.s32 $0x5;
	s7 =	ssub.s32 s29, s30;
	s8 =	sshrl.u32 s31, $0x2  }
0xe: {  	s11 =	sadd.s32 s11, s9;
	v0 =	vmov s15;
	s15 =	simm.s32 $0x100;
	s5 =	simm.s32 @!p0 $0x8  }
0xf: {  	p0 =	slt.u32 s1, $0x4;
	s7 =	smax.u32 s7, $0x1;
	s8 =	sadd.s32 s8, s3  }
0x10: {  	s12 =	sadd.s32 s12, s10;
	s9 =	sadd.s32 $0x800, s11;
	s10 =	sadd.s32 $0xA600, s11  }
0x11: {  	v1 =	vimm.f32 $0.0e+00;
	s6 =	simm.s32 @!p0 $0x9C;
	s11 =	sadd.s32 $0x62600, s12;
	s12 =	simm.s32 $0x4100  }
.LBB2_1:
0x12: {  	s18 =	simm.s32 $0x4200  }
0x13: {  	[tilespmem:s18+$0xFFFFFF00] =	vst v1  }
0x14: {  	[tilespmem:s18+$0xF0] =	vst v1  }
0x15: {  	[tilespmem:s18+$0xE0] =	vst v1  }
0x16: {  	[tilespmem:s18+$0xD0] =	vst v1  }
0x17: {  	[tilespmem:s18+$0xC0] =	vst v1  }
0x18: {  	[tilespmem:s18+$0xB0] =	vst v1  }
0x19: {  	[tilespmem:s18+$0xA0] =	vst v1  }
0x1a: {  	[tilespmem:s18+$0x90] =	vst v1  }
0x1b: {  	[tilespmem:s18+$0x80] =	vst v1  }
0x1c: {  	[tilespmem:s18+$0x70] =	vst v1  }
0x1d: {  	[tilespmem:s18+$0x60] =	vst v1  }
0x1e: {  	[tilespmem:s18+$0x50] =	vst v1  }
0x1f: {  	[tilespmem:s18+$0x40] =	vst v1  }
0x20: {  	[tilespmem:s18+$0x30] =	vst v1  }
0x21: {  	[tilespmem:s18+$0x20] =	vst v1  }
0x22: {  	[tilespmem:s18+$0x10] =	vst v1  }
0x23: {  	[tilespmem:s18+$0x0] =	vst v1  }
0x24: {  	[tilespmem:s18+$0xFFFFFFF0] =	vst v1  }
0x25: {  	[tilespmem:s18+$0xFFFFFFE0] =	vst v1  }
0x26: {  	[tilespmem:s18+$0xFFFFFFD0] =	vst v1  }
0x27: {  	[tilespmem:s18+$0xFFFFFFC0] =	vst v1  }
0x28: {  	[tilespmem:s18+$0xFFFFFFB0] =	vst v1  }
0x29: {  	[tilespmem:s18+$0xFFFFFFA0] =	vst v1  }
0x2a: {  	[tilespmem:s18+$0xFFFFFF90] =	vst v1  }
0x2b: {  	[tilespmem:s18+$0xFFFFFF80] =	vst v1  }
0x2c: {  	[tilespmem:s18+$0xFFFFFF70] =	vst v1  }
0x2d: {  	[tilespmem:s18+$0xFFFFFF60] =	vst v1  }
0x2e: {  	[tilespmem:s18+$0xFFFFFF50] =	vst v1  }
0x2f: {  	[tilespmem:s18+$0xFFFFFF40] =	vst v1  }
0x30: {  	[tilespmem:s18+$0xFFFFFF30] =	vst v1  }
0x31: {  	s19 =	simm.s32 $0x0;
	[tilespmem:s18+$0xFFFFFF20] =	vst v1  }
.LBB2_2:
0x32: {  	s19 =	sadd.s32 $0x4, s19;
	[tilespmem:s18+$0xFFFFFF10] =	vst v1;
	s18 =	sadd.s32 $0x200, s18  }
0x33: {  	[tilespmem:s18+$0xFFFFFF00] =	vst v1;
	p0 =	slt.u32 s19, $0x4C  }
0x34: {  	[tilespmem:s18+$0xF0] =	vst v1  }
0x35: {  	[tilespmem:s18+$0xE0] =	vst v1  }
0x36: {  	[tilespmem:s18+$0xD0] =	vst v1  }
0x37: {  	[tilespmem:s18+$0xC0] =	vst v1  }
0x38: {  	[tilespmem:s18+$0xB0] =	vst v1  }
0x39: {  	[tilespmem:s18+$0xA0] =	vst v1  }
0x3a: {  	[tilespmem:s18+$0x90] =	vst v1  }
0x3b: {  	[tilespmem:s18+$0x80] =	vst v1  }
0x3c: {  	[tilespmem:s18+$0x70] =	vst v1  }
0x3d: {  	[tilespmem:s18+$0x60] =	vst v1  }
0x3e: {  	[tilespmem:s18+$0x50] =	vst v1  }
0x3f: {  	[tilespmem:s18+$0x40] =	vst v1  }
0x40: {  	[tilespmem:s18+$0x30] =	vst v1  }
0x41: {  	[tilespmem:s18+$0x20] =	vst v1  }
0x42: {  	[tilespmem:s18+$0x10] =	vst v1  }
0x43: {  	[tilespmem:s18+$0x0] =	vst v1  }
0x44: {  	[tilespmem:s18+$0xFFFFFFF0] =	vst v1  }
0x45: {  	[tilespmem:s18+$0xFFFFFFE0] =	vst v1  }
0x46: {  	[tilespmem:s18+$0xFFFFFFD0] =	vst v1  }
0x47: {  	[tilespmem:s18+$0xFFFFFFC0] =	vst v1  }
0x48: {  	[tilespmem:s18+$0xFFFFFFB0] =	vst v1  }
0x49: {  	[tilespmem:s18+$0xFFFFFFA0] =	vst v1  }
0x4a: {  	[tilespmem:s18+$0xFFFFFF90] =	vst v1  }
0x4b: {  	[tilespmem:s18+$0xFFFFFF80] =	vst v1  }
0x4c: {  	[tilespmem:s18+$0xFFFFFF70] =	vst v1  }
.Ltmp0:
0x4d: {  	[tilespmem:s18+$0xFFFFFF60] =	vst v1;
	(pc) =	sbr.rel @p0 .LBB2_2-.Ltmp0, $4  }
0x4e: {  	[tilespmem:s18+$0xFFFFFF50] =	vst v1  }
0x4f: {  	[tilespmem:s18+$0xFFFFFF40] =	vst v1  }
0x50: {  	[tilespmem:s18+$0xFFFFFF30] =	vst v1  }
0x51: {  	[tilespmem:s18+$0xFFFFFF20] =	vst v1  }
0x52: {  	p0 =	sne.s32 s5, $0x1  }
.Ltmp1:
0x53: {  	_ = 	snop;
	(pc) =	sbr.rel @!p0 .LBB2_5-.Ltmp1, $4  }
0x54: {  	[tilespmem:s18+$0xFFFFFF10] =	vst v1  }
0x55: {  	[spmem:s8] =	stream.linear.scatter [tilespmem:s12], [sflag:$0x2], $0x2800, $0x38;
	[tilespmem:$0x1A180] =	vst v63  }
0x56: {  	_ =	swait.ge [sflag:s13], $0x2800  }
0x57: {  	s18 =	sadd.s32 $0xFFFFFFFF, s5;
	s19 =	smov.u32 s8;
	[sflag:s13] =	ssyncset.done $0x0  }
.LBB2_4:
0x58: {  	p1 =	sne.s32 s18, $0x1;
	[sflag:s13] =	ssyncadd.s32 $0xFFFFD800;
	s19 =	sadd.s32 $0x2800, s19  }
.Ltmp2:
0x59: {  	s18 =	sadd.s32 $0xFFFFFFFF, s18;
	(pc) =	sbr.rel @p1 .LBB2_4-.Ltmp2, $4  }
0x5a: {  	_ = 	snop  }
0x5b: {  	[spmem:s19] =	stream.linear.scatter [tilespmem:s12], [sflag:$0x2], $0x2800, $0x38;
	[tilespmem:$0x1A180] =	vst v63  }
0x5c: {  	_ =	swait.ge [sflag:s13], $0x2800  }
0x5d: {  	[sflag:s13] =	ssyncset.done $0x0  }
.LBB2_5:
0x5e: {  	[sflag:s13] =	ssyncadd.s32 $0xFFFFD800  }
0x5f: {  	[bflag:$0x0] =	sbarrier.arrive $0xFFFF  }
0x60: {  	[tilespmem:s4], [sflag:$0x2] =	stream.linear.gather [hbm4b:s10+s4], $0x80, $0x38;
	[tilespmem:$0x1A180] =	vst v63  }
0x61: {  	_ =	swait.ge [sflag:s13], $0x80  }
0x62: {  	[sflag:s13] =	ssyncset.done $0x0  }
0x63: {  	[sflag:s13] =	ssyncadd.s32 $0xFFFFFF80  }
0x64: {  	[tilespmem:s14], [sflag:$0x2] =	stream.linear.gather [hbm4b:s9+s4], $0x80, $0x38;
	[tilespmem:$0x1A180] =	vst v63  }
0x65: {  	_ =	swait.ge [sflag:s13], $0x80  }
0x66: {  	[sflag:s13] =	ssyncset.done $0x0  }
0x67: {  	[sflag:s13] =	ssyncadd.s32 $0xFFFFFF80  }
0x68: {  	v2 =	vld [tilespmem:$0x70]  }
0x69: {  	v3 =	vld [tilespmem:$0x60]  }
0x6a: {  	v4 =	vld [tilespmem:$0x50]  }
0x6b: {  	v6 =	vld [tilespmem:$0x20]  }
0x6c: {  	v5 =	vld [tilespmem:$0x30]  }
0x6d: {  	v7 =	vld [tilespmem:$0x10];
	v2 =	vadd.s32 v0, v2  }
0x6e: {  	v8 =	vld [tilespmem:$0x40];
	v3 =	vadd.s32 v0, v3;
	[tilespmem:$0x70] =	vst v2  }
0x6f: {  	v4 =	vadd.s32 v0, v4;
	v2 =	vld [tilespmem:$0x0];
	[tilespmem:$0x60] =	vst v3  }
0x70: {  	p1 =	sne.s32 s6, $0x1;
	v63 =	vadd.s32 v0, v6;
	[tilespmem:$0x50] =	vst v4  }
.Ltmp3:
0x71: {  	v3 =	vadd.s32 v0, v5;
	[tilespmem:$0x20] =	vst v63;
	(pc) =	sbr.rel @!p1 .LBB2_7-.Ltmp3, $4  }
0x72: {  	[tilespmem:$0x30] =	vst v3;
	v3 =	vadd.s32 v0, v7  }
0x73: {  	[tilespmem:$0x10] =	vst v3;
	v3 =	vadd.s32 v0, v8  }
0x74: {  	[tilespmem:$0x40] =	vst v3;
	v2 =	vadd.s32 v0, v2  }
0x75: {  	s18 =	sadd.s32 $0xFFFFFFFF, s6;
	s19 =	sadd.s32 $0x10, s9;
	s20 =	sadd.s32 $0x10, s10;
	[tilespmem:$0x0] =	vst v2  }
.LBB2_6:
0x76: {  	[tilespmem:s15], [sflag:$0x1] =	stream.indirect.gather [hbm4b:s2+s14], $0x80, s4, s14, $0xb8;
	[tilespmem:$0x1A180] =	vst v63  }
0x77: {  	p1 =	sne.s32 s18, $0x1;
	s18 =	sadd.s32 $0xFFFFFFFF, s18;
	_ =	swait.ge [sflag:s16], $0x4000  }
0x78: {  	[sflag:s16] =	ssyncset.done $0x0  }
0x79: {  	[sflag:s16] =	ssyncadd.s32 $0xFFFFC000  }
0x7a: {  	[spmem:s3] =	stream.indirect.scatter.add.f32 [tilespmem:s15], [sflag:$0x2], $0x80, s14, s14, $0xb8;
	[tilespmem:$0x1A180] =	vst v63  }
0x7b: {  	_ =	swait.ge [sflag:s13], $0x4000  }
0x7c: {  	[sflag:s13] =	ssyncset.done $0x0  }
0x7d: {  	[sflag:s13] =	ssyncadd.s32 $0xFFFFC000  }
0x7e: {  	[tilespmem:s4], [sflag:$0x2] =	stream.linear.gather [hbm4b:s20+s4], $0x80, $0x38;
	[tilespmem:$0x1A180] =	vst v63  }
0x7f: {  	_ =	swait.ge [sflag:s13], $0x80  }
0x80: {  	[sflag:s13] =	ssyncset.done $0x0  }
0x81: {  	[sflag:s13] =	ssyncadd.s32 $0xFFFFFF80  }
0x82: {  	[tilespmem:s14], [sflag:$0x2] =	stream.linear.gather [hbm4b:s19+s4], $0x80, $0x38;
	[tilespmem:$0x1A180] =	vst v63  }
0x83: {  	_ =	swait.ge [sflag:s13], $0x80  }
0x84: {  	[sflag:s13] =	ssyncset.done $0x0  }
0x85: {  	[sflag:s13] =	ssyncadd.s32 $0xFFFFFF80  }
0x86: {  	v2 =	vld [tilespmem:$0x70]  }
0x87: {  	v3 =	vld [tilespmem:$0x60]  }
0x88: {  	v4 =	vld [tilespmem:$0x50]  }
0x89: {  	v5 =	vld [tilespmem:$0x30]  }
0x8a: {  	v6 =	vld [tilespmem:$0x20]  }
0x8b: {  	v7 =	vld [tilespmem:$0x10];
	v2 =	vadd.s32 v0, v2  }
0x8c: {  	v8 =	vld [tilespmem:$0x40];
	v3 =	vadd.s32 v0, v3;
	[tilespmem:$0x70] =	vst v2  }
0x8d: {  	v2 =	vld [tilespmem:$0x0];
	v4 =	vadd.s32 v0, v4;
	[tilespmem:$0x60] =	vst v3  }
0x8e: {  	v3 =	vadd.s32 v0, v5;
	[tilespmem:$0x50] =	vst v4  }
.Ltmp4:
0x8f: {  	v4 =	vadd.s32 v0, v6;
	[tilespmem:$0x30] =	vst v3;
	(pc) =	sbr.rel @p1 .LBB2_6-.Ltmp4, $4  }
0x90: {  	v3 =	vadd.s32 v0, v7;
	[tilespmem:$0x20] =	vst v4  }
0x91: {  	[tilespmem:$0x10] =	vst v3;
	v3 =	vadd.s32 v0, v8  }
0x92: {  	v2 =	vadd.s32 v0, v2;
	[tilespmem:$0x40] =	vst v3  }
0x93: {  	s20 =	sadd.s32 $0x10, s20;
	s19 =	sadd.s32 $0x10, s19;
	[tilespmem:$0x0] =	vst v2  }
.LBB2_7:
0x94: {  	[tilespmem:s15], [sflag:$0x1] =	stream.indirect.gather [hbm4b:s2+s14], $0x80, s4, s14, $0xb8;
	[tilespmem:$0x1A180] =	vst v63  }
0x95: {  	_ =	swait.ge [sflag:s16], $0x4000  }
0x96: {  	[sflag:s16] =	ssyncset.done $0x0  }
0x97: {  	[sflag:s16] =	ssyncadd.s32 $0xFFFFC000  }
0x98: {  	[spmem:s3] =	stream.indirect.scatter.add.f32 [tilespmem:s15], [sflag:$0x2], $0x80, s14, s14, $0xb8;
	[tilespmem:$0x1A180] =	vst v63  }
0x99: {  	_ =	swait.ge [sflag:s13], $0x4000  }
0x9a: {  	[sflag:s13] =	ssyncset.done $0x0  }
0x9b: {  	[sflag:s13] =	ssyncadd.s32 $0xFFFFC000  }
0x9c: {  	[bflag:$0x0] =	sbarrier.arrive $0xFFFF  }
0x9d: {  	[tilespmem:s12], [sflag:$0x2] =	stream.linear.gather [spmem:s8], $0x2800, $0x38;
	[tilespmem:$0x1A180] =	vst v63  }
0x9e: {  	_ =	swait.ge [sflag:s13], $0x2800  }
.Ltmp5:
0x9f: {  	[sflag:s13] =	ssyncset.done $0x0;
	(pc) =	sbr.rel @!p0 .LBB2_9-.Ltmp5, $4  }
0xa0: {  	[sflag:s13] =	ssyncadd.s32 $0xFFFFD800  }
0xa1: {  	[hbm4b:s11+s4] =	stream.linear.scatter [tilespmem:s12], [sflag:$0x2], $0x2800, $0x38;
	[tilespmem:$0x1A180] =	vst v63  }
0xa2: {  	s18 =	sadd.s32 $0xFFFFFFFF, s5;
	_ =	swait.ge [sflag:s13], $0x2800  }
0xa3: {  	s19 =	smov.u32 s8;
	s20 =	smov.u32 s11;
	[sflag:s13] =	ssyncset.done $0x0  }
.LBB2_8:
0xa4: {  	[sflag:s13] =	ssyncadd.s32 $0xFFFFD800;
	s19 =	sadd.s32 $0x2800, s19;
	s20 =	sadd.s32 $0x500, s20  }
0xa5: {  	[tilespmem:s12], [sflag:$0x2] =	stream.linear.gather [spmem:s19], $0x2800, $0x38;
	[tilespmem:$0x1A180] =	vst v63  }
0xa6: {  	p0 =	sne.s32 s18, $0x1;
	s18 =	sadd.s32 $0xFFFFFFFF, s18;
	_ =	swait.ge [sflag:s13], $0x2800  }
.Ltmp6:
0xa7: {  	[sflag:s13] =	ssyncset.done $0x0;
	(pc) =	sbr.rel @p0 .LBB2_8-.Ltmp6, $4  }
0xa8: {  	[sflag:s13] =	ssyncadd.s32 $0xFFFFD800  }
0xa9: {  	[hbm4b:s20+s4] =	stream.linear.scatter [tilespmem:s12], [sflag:$0x2], $0x2800, $0x38;
	[tilespmem:$0x1A180] =	vst v63  }
0xaa: {  	_ =	swait.ge [sflag:s13], $0x2800  }
0xab: {  	[sflag:s13] =	ssyncset.done $0x0  }
.LBB2_9:
0xac: {  	s17 =	sadd.s32 $0x1, s17  }
0xad: {  	p0 =	sne.s32 s17, s7  }
.Ltmp7:
0xae: {  	_ = 	snop;
	(pc) =	sbr.rel @p0 .LBB2_1-.Ltmp7, $2  }
0xaf: {  	_ =	sdelay $0x2  }
0xb0: {  	[sflag:s13] =	ssyncadd.s32 $0xFFFFD800  }
0xb1: {  	_ =	sfence.sel $0x180000  }
0xb2: {  	[bflag:$0x0] =	sbarrier.arrive $0xFFFF  }
0xb3: {  	p0 =	sne.s32 s1, $0x0;
	_ =	strace $0x9000004A  }
0xb4: {  	s0 =	sadd.s32 @!p0 $0x100000, s0;
	[bflag:$0x2] =	sbarrier.arrive $0xFFFF  }
0xb5: {  	[sflag:s0] =	ssyncadd.tile.s32 @!p0 $0x1;
	_ =	shalt  }
.Lfunc_end2:
_tile_overlayer_lowered:
.L_overlay_start_2:
0xb6: {  	(tag) =	ssettag $0x2  }
0xb7: {  	s0 =	rddreg [dreg:$0x0];
	s2 =	stileid.u32  }
0xb8: {  	s1 =	rddreg [dreg:$0x1];
	p0 =	sne.s32 s2, $0x0  }
0xb9: {  	s3 =	rddreg [dreg:$0x2];
	[bflag:$0x3] =	sbarrier.arrive $0xFFFF;
	s2 =	simm.s32 @!p0 $0x1C02  }
0xba: {  	[timem:s3], [sflag:s2] =	dma.local @!p0 [hbm:s0], s1  }
0xbb: {  	s0 =	simm.s32 @!p0 $0x2  }
0xbc: {  	_ =	swait.ge @!p0 [sflag:s0], s1  }
0xbd: {  	s1 =	ssub.s32 @!p0 $0x0, s1;
	[sflag:s0] =	ssyncset.done @!p0 $0x0  }
0xbe: {  	[sflag:s0] =	ssyncadd.s32 @!p0 s1  }
0xbf: {  	[bflag:$0x3] =	sbarrier.arrive $0xFFFF  }
0xc0: {  	_ =	shalt  }

// kernel: kernel.14.cloned.1.call-start
scs
__scs_entry_jumppad:
0x0: {  	(pc) =	sbr.rel $0x88, $3  }
0x1: {  	(tag) =	ssettag $0x0;
	lr =	simm.s32 $0x1  }
0x2: {  	[smem:$0x3F9D] =	sst lr;
	_ =	strace $0xD0000000  }
0x3: {  	_ = 	snop  }
0x4: {  	_ = 	snop  }
0x5: {  	_ = 	snop  }
0x6: {  	_ = 	snop  }
0x7: {  	_ = 	snop  }
__scs_overlays_trampoline_lowered:
0x8: {  	[smem:$0x3FAC] =	sst s0  }
0x9: {  	[smem:$0x3FAD] =	sst s1  }
0xa: {  	[smem:$0x3FAE] =	sst s2  }
0xb: {  	[smem:$0x3FAF] =	sst s3  }
0xc: {  	[smem:$0x3FB0] =	sst s4  }
0xd: {  	[smem:$0x3FB1] =	sst s5  }
0xe: {  	[smem:$0x3FB2] =	sst s6  }
0xf: {  	[smem:$0x3FB3] =	sst s7  }
0x10: {  	[smem:$0x3FB4] =	sst s8  }
0x11: {  	[smem:$0x3FB5] =	sst s9;
	s0 =	simm.s32 @!p0 $0x0  }
0x12: {  	s1 =	sld [smem:$0x3F9B];
	s0 =	simm.s32 @p0 $0x1  }
0x13: {  	[smem:$0x3FB6] =	sst s0;
	s0 =	simm.s32 @!p1 $0x0  }
0x14: {  	s2 =	sld [smem:$0x3F9A];
	s0 =	simm.s32 @p1 $0x1  }
0x15: {  	[smem:$0x3FB7] =	sst s0;
	s0 =	simm.s32 @!p2 $0x0  }
0x16: {  	s3 =	sld [smem:$0x3FDB];
	s0 =	simm.s32 @p2 $0x1  }
0x17: {  	s4 =	simm.s32 $0x1BF5;
	[smem:$0x3FB9] =	sst s0  }
0x18: {  	s0 =	sld [smem:$0x3F9C];
	_ =	swait.ge [sflag:s4], $0x0  }
0x19: {  	s7 =	sld [smem:$0x3F9D]  }
0x1a: {  	s8 =	sadd.s32 $0xFFFFE003, lr  }
0x1b: {  	s9 =	sadd.s32 $0xFFFFFEF7, lr;
	s5 =	simm.s32 $0xFFFFFFFF;
	p2 =	slt.u32 s8, $0xFFFFF086  }
0x1c: {  	p1 =	slt.u32 s9, $0xF7A;
	s5 =	simm.s32 @!p2 $0x0  }
0x1d: {  	s5 =	simm.s32 @p1 $0x1;
	p0 =	seq.s32 s7, s2  }
0x1e: {  	s7 =	smul.u32 @!p0 $0xF7A, s2;
	p2 =	seq.s32 @!p0 s5, $0x0  }
0x1f: {  	s9 =	smul.u32 $0xF7A, s1;
	s8 =	simm.s32 @!p0 $0x1BF5;
	p2 =	por !p2, p0  }
0x20: {  	[sflag:s8] =	ssyncset.s32 @!p0 $0xFFFFF086;
	s6 =	sadd.s32 @!p0 s3, s7;
	s7 =	simm.s32 @!p0 $0x108  }
0x21: {  	s3 =	sadd.s32 s3, s9;
	s6 =	sadd.s32 @!p0 $0x88, s6;
	s7 =	simm.s32 @p2 $0x1082  }
0x22: {  	[simem:s7], [sflag:s8] =	dma.local @!p0 [hbm:s6], $0xF7A  }
0x23: {  	s9 =	sor.u32 $0xD0000000, s2;
	s6 =	simm.s32 $0x108;
	_ =	swait.ge @!p0 [sflag:s8], $0x0  }
0x24: {  	s3 =	sadd.s32 $0x88, s3;
	s6 =	simm.s32 @!p1 $0x1082;
	[sflag:s4] =	ssyncset.s32 $0xFFFFF086  }
0x25: {  	[simem:s6], [sflag:s4] =	dma.local [hbm:s3], $0xF7A  }
0x26: {  	[smem:$0x3F9D] =	sst s1;
	(tag) =	ssettag s2;
	_ =	strace s9  }
0x27: {  	s1 =	sld [smem:$0x3FAD]  }
0x28: {  	s2 =	sld [smem:$0x3FAE]  }
0x29: {  	s4 =	sld [smem:$0x3FB0]  }
0x2a: {  	p0 =	seq.s32 s5, $0x0;
	s5 =	sld [smem:$0x3FB1]  }
0x2b: {  	s6 =	sld [smem:$0x3FB2]  }
0x2c: {  	s7 =	sld [smem:$0x3FB3]  }
0x2d: {  	s3 =	simm.s32 $0x108;
	s8 =	sld [smem:$0x3FB4]  }
0x2e: {  	s3 =	simm.s32 @!p0 $0x1082;
	s9 =	sld [smem:$0x3FB5]  }
0x2f: {  	lr =	sadd.s32 s0, s3;
	s0 =	sld [smem:$0x3FAC]  }
0x30: {  	s3 =	sld [smem:$0x3FAF]  }
0x31: {  	[smem:$0x3FB8] =	sst s10  }
0x32: {  	s10 =	sld [smem:$0x3FB6];
	_ =	sdelay $0x3  }
0x33: {  	p0 =	seq.s32 s10, $0x1;
	s10 =	sld [smem:$0x3FB8];
	_ =	sdelay $0x3  }
0x34: {  	[smem:$0x3FB8] =	sst s10  }
0x35: {  	s10 =	sld [smem:$0x3FB7];
	_ =	sdelay $0x3  }
0x36: {  	p1 =	seq.s32 s10, $0x1;
	s10 =	sld [smem:$0x3FB8];
	_ =	sdelay $0x3  }
0x37: {  	[smem:$0x3FB8] =	sst s10  }
0x38: {  	s10 =	sld [smem:$0x3FB9]  }
0x39: {  	_ = 	snop;
	(pc) =	sbr.ind lr, $3  }
0x3a: {  	_ = 	snop  }
0x3b: {  	_ = 	snop  }
0x3c: {  	p2 =	seq.s32 s10, $0x1;
	s10 =	sld [smem:$0x3FB8]  }
0x3d: {  	_ =	shalt  }
0x3e: {  	_ =	shalt  }
0x3f: {  	_ =	shalt  }
0x40: {  	_ =	shalt  }
0x41: {  	_ =	shalt  }
0x42: {  	_ =	shalt  }
0x43: {  	_ =	shalt  }
0x44: {  	_ =	shalt  }
0x45: {  	_ =	shalt  }
0x46: {  	_ =	shalt  }
0x47: {  	_ =	shalt  }
0x48: {  	_ =	shalt  }
0x49: {  	_ =	shalt  }
0x4a: {  	_ =	shalt  }
0x4b: {  	_ =	shalt  }
0x4c: {  	_ =	shalt  }
0x4d: {  	_ =	shalt  }
0x4e: {  	_ =	shalt  }
0x4f: {  	_ =	shalt  }
0x50: {  	_ =	shalt  }
0x51: {  	_ =	shalt  }
0x52: {  	_ =	shalt  }
0x53: {  	_ =	shalt  }
0x54: {  	_ =	shalt  }
0x55: {  	_ =	shalt  }
0x56: {  	_ =	shalt  }
0x57: {  	_ =	shalt  }
0x58: {  	_ =	shalt  }
0x59: {  	_ =	shalt  }
0x5a: {  	_ =	shalt  }
0x5b: {  	_ =	shalt  }
0x5c: {  	_ =	shalt  }
0x5d: {  	_ =	shalt  }
0x5e: {  	_ =	shalt  }
0x5f: {  	_ =	shalt  }
0x60: {  	_ =	shalt  }
0x61: {  	_ =	shalt  }
0x62: {  	_ =	shalt  }
0x63: {  	_ =	shalt  }
0x64: {  	_ =	shalt  }
0x65: {  	_ =	shalt  }
0x66: {  	_ =	shalt  }
0x67: {  	_ =	shalt  }
0x68: {  	_ =	shalt  }
0x69: {  	_ =	shalt  }
0x6a: {  	_ =	shalt  }
0x6b: {  	_ =	shalt  }
0x6c: {  	_ =	shalt  }
0x6d: {  	_ =	shalt  }
0x6e: {  	_ =	shalt  }
0x6f: {  	_ =	shalt  }
0x70: {  	_ =	shalt  }
0x71: {  	_ =	shalt  }
0x72: {  	_ =	shalt  }
0x73: {  	_ =	shalt  }
0x74: {  	_ =	shalt  }
0x75: {  	_ =	shalt  }
0x76: {  	_ =	shalt  }
0x77: {  	_ =	shalt  }
0x78: {  	_ =	shalt  }
0x79: {  	_ =	shalt  }
0x7a: {  	_ =	shalt  }
0x7b: {  	_ =	shalt  }
0x7c: {  	_ =	shalt  }
0x7d: {  	_ =	shalt  }
0x7e: {  	_ =	shalt  }
0x7f: {  	_ =	shalt  }
0x80: {  	_ =	shalt  }
0x81: {  	_ =	shalt  }
0x82: {  	_ =	shalt  }
0x83: {  	_ =	shalt  }
0x84: {  	_ =	shalt  }
0x85: {  	_ =	shalt  }
0x86: {  	_ =	shalt  }
0x87: {  	_ =	shalt  }
.Lfunc_end0:
.L_simem_size_0:
called_computation.2_lowered:
.L_overlay_start_0:
0x88: {  	s2 =	sld [smem:$0x3FD9]  }
0x89: {  	s3 =	sld [smem:$0x3FFE];
	_ =	sdelay $0x1  }
0x8a: {  	s1 =	srdreg.scid  }
0x8b: {  	s0 =	sand.u32 $0x1, s1  }
0x8c: {  	s16 =	sshll.u32 s0, $0xA;
	s2 =	sadd.s32 s3, s2  }
0x8d: {  	s2 =	sadd.s32 s2, s16  }
0x8e: {  	[smem:$0x3FC4] =	sst s2  }
0x8f: {  	_ = 	snop  }
0x90: {  	(tm) =	ssettm $0x1  }
0x91: {  	s17 =	sld [smem:$0x3FFB];
	_ =	sdelay $0x3  }
0x92: {  	_ =	strace s17  }
0x93: {  	s2 =	sld [smem:$0x3FFC];
	_ =	sdelay $0x3  }
0x94: {  	_ =	strace s2  }
0x95: {  	s2 =	sld [smem:$0x3FFD];
	_ =	sdelay $0x3  }
0x96: {  	_ =	strace s2  }
0x97: {  	_ =	strace $0x8FFFFFFF  }
0x98: {  	s18 =	sld [smem:$0x3FDB];
	_ =	sdelay $0x1  }
0x99: {  	s19 =	simm.s32 $_scs_section_size  }
0x9a: {  	s4 =	simm.s32 $_size__tile_overlayer_lowered;
	s5 =	simm.s32 $_tile_overlayer_lowered  }
0x9b: {  	s22 =	simm.s32 $0x1BFF;
	s21 =	sshll.u32 s5, $0x1;
	s2 =	sadd.s32 s19, s18  }
0x9c: {  	s6 =	simm.s32 $0x0;
	s20 =	sshll.u32 s4, $0x1;
	s4 =	sadd.s32 s21, s2  }
0x9d: {  	[timem:s6], [sflag:s22] =	dma.local [hbm:s4], s20  }
0x9e: {  	_ =	swait.ge [sflag:s22], s20  }
0x9f: {  	s3 =	ssub.s32 $0x0, s20;
	[sflag:s22] =	ssyncset.done $0x0  }
0xa0: {  	[sflag:s22] =	ssyncadd.s32 s3;
	_ =	sdelay $0x1  }
0xa1: {  	s23 =	simm.s32 $0x1B8B  }
0xa2: {  	_ =	swait.ge [sflag:s23], $0x1  }
0xa3: {  	[sflag:s23] =	ssyncset.done $0x0  }
0xa4: {  	s25 =	simm.s32 $0x1B8E;
	s24 =	sld [smem:$0x3FFE];
	[sflag:s23] =	ssyncadd.s32 $0xFFFFFFFF  }
0xa5: {  	s26 =	simm.s32 $execute0_lowered;
	[smem:$0x3FD2] =	sst s25  }
0xa6: {  	s4 =	sshll.u32 s26, $0x1;
	_ =	strace $0x8000004C;
	[dreg:$0x1] =	wrdreg $0xFFFFFFFF  }
0xa7: {  	s28 =	simm.s32 $_size_execute0_lowered;
	s2 =	sadd.s32 s2, s4;
	[dreg:$0x0] =	wrdreg $0x0  }
0xa8: {  	s4 =	sshll.u32 s28, $0x1;
	[dreg:$0x2] =	wrdreg s2  }
0xa9: {  	[dreg:$0x3] =	wrdreg s4  }
0xaa: {  	[dreg:$0x4] =	wrdreg $0xC0  }
0xab: {  	_ =	task [dreg:s6], $0x5FFFF  }
0xac: {  	[dreg:$0x1] =	wrdreg $0xFFFFFFFF  }
0xad: {  	[dreg:$0x0] =	wrdreg $0x60  }
0xae: {  	[dreg:$0x2] =	wrdreg s24  }
0xaf: {  	[dreg:$0x3] =	wrdreg $0x9  }
0xb0: {  	_ =	task.clear_ibuf [dreg:s6], $0x4FFFF;
	_ =	strace $0x9000004C  }
0xb1: {  	s29 =	simm.s32 $0x9;
	_ =	strace $0x8000004E  }
0xb2: {  	_ =	swait.ge [sflag:s29], $0x1  }
0xb3: {  	[sflag:s29] =	ssyncadd.s32 $0xFFFFFFFF  }
0xb4: {  	_ =	strace $0x9000004E  }
0xb5: {  	_ =	sfence  }
0xb6: {  	s30 =	sld [smem:$0x0];
	_ =	sdelay $0x2  }
0xb7: {  	s31 =	sshll.u32 s1, $0xD;
	s1 =	sshrl.u32 s1, $0x2  }
0xb8: {  	s3 =	sand.u32 $0x4000, s31;
	s1 =	sadd.s32 s1, s30  }
0xb9: {  	s0 =	sor.u32 s3, s0;
	s1 =	sshll.u32 s1, $0x11  }
0xba: {  	s0 =	sor.u32 s1, s0  }
0xbb: {  	s0 =	sadd.s32 $0x8F2B, s0  }
0xbc: {  	[sflag:s0] =	ssyncadd.remote.s32 $0x1  }
0xbd: {  	_ =	sfence.sel $0xFFFF  }
0xbe: {  	[dreg:$0x0] =	wrdreg $0xFFFFFFFF;
	(pc) =	sbr.abs _section_cstart, $3  }
0xbf: {  	[dreg:$0x1] =	wrdreg $0xFFFFFFFF  }
0xc0: {  	_ =	task.clear_ibuf [dreg:s6], $0x2FFFF;
	_ =	strace $0x9FFFFFFF  }
0xc1: {  	(tm) =	ssettm $0x7FFFFFFF  }
tec
execute0_lowered:
.L_overlay_start_1:
0x0: {  	(tag) =	ssettag $0x1  }
0x1: {  	v0 =	vlaneseq.u32  }
0x2: {  	v0 =	vmul.u32 $0x80, v0;
	_ =	sdelay $0x1  }
0x3: {  	v1 =	vor.u32 $0x1, v0  }
0x4: {  	v7 =	vor.u32 $0x7, v0;
	v8 =	vor.u32 $0x8, v0;
	v9 =	vor.u32 $0x9, v0  }
0x5: {  	v10 =	vor.u32 $0xA, v0;
	v11 =	vor.u32 $0xB, v0;
	v12 =	vor.u32 $0xC, v0  }
0x6: {  	v13 =	vor.u32 $0xD, v0;
	v14 =	vor.u32 $0xE, v0;
	v15 =	vor.u32 $0xF, v0  }
0x7: {  	v16 =	vor.u32 $0x800, v0;
	v17 =	vor.u32 $0x801, v0;
	v18 =	vor.u32 $0x802, v0  }
0x8: {  	v19 =	vor.u32 $0x803, v0;
	v20 =	vor.u32 $0x804, v0;
	v21 =	vor.u32 $0x805, v0  }
0x9: {  	v22 =	vor.u32 $0x806, v0;
	v23 =	vor.u32 $0x807, v0;
	v24 =	vor.u32 $0x808, v0  }
0xa: {  	v25 =	vor.u32 $0x809, v0;
	v26 =	vor.u32 $0x80A, v0;
	v27 =	vor.u32 $0x80B, v0  }
0xb: {  	v28 =	vor.u32 $0x80C, v0;
	v29 =	vor.u32 $0x80D, v0;
	v30 =	vor.u32 $0x80E, v0  }
0xc: {  	s6 =	rddreg [dreg:$0x0];
	v31 =	vor.u32 $0x80F, v0;
	v32 =	vor.u32 $0x1000, v0;
	v33 =	vor.u32 $0x1001, v0  }
0xd: {  	s0 =	rddreg [dreg:$0x1];
	s1 =	simm.s32 $0x0;
	v34 =	vor.u32 $0x1002, v0;
	v35 =	vor.u32 $0x1003, v0;
	v36 =	vor.u32 $0x1004, v0  }
0xe: {  	s4 =	srdreg.scid;
	s2 =	stileid.u32;
	s11 =	simm.s32 $0x80;
	v37 =	vor.u32 $0x1005, v0;
	v38 =	vor.u32 $0x1006, v0;
	v39 =	vor.u32 $0x1007, v0  }
0xf: {  	s12 =	simm.s32 $0x100;
	s13 =	simm.s32 $0x4100;
	s14 =	simm.s32 $0x1;
	v40 =	vor.u32 $0x1008, v0;
	v41 =	vor.u32 $0x1009, v0;
	v42 =	vor.u32 $0x100A, v0  }
0x10: {  	s15 =	simm.s32 $0x2;
	s16 =	simm.s32 $0x8180;
	s17 =	simm.s32 $0x8100;
	v43 =	vor.u32 $0x100B, v0;
	v44 =	vor.u32 $0x100C, v0;
	v45 =	vor.u32 $0x100D, v0  }
0x11: {  	s18 =	simm.s32 $0x0;
	[smem:$0x7FF] =	sst s1;
	s3 =	sadd.s32 $0xB0800, s6;
	v46 =	vor.u32 $0x100E, v0;
	v47 =	vor.u32 $0x100F, v0;
	[tilespmem:$0x1FFA0] =	vst v1;
	v1 =	vor.u32 $0x2, v0  }
0x12: {  	s7 =	sand.u32 $0x1, s4;
	s4 =	sadd.s32 $0xBBE00, s6;
	s9 =	sshll.u32 s2, $0x1;
	v48 =	vor.u32 $0x1800, v0;
	v49 =	vor.u32 $0x1801, v0;
	[tilespmem:$0x1FFB0] =	vst v1;
	v1 =	vor.u32 $0x3, v0  }
0x13: {  	s5 =	sadd.s32 $0x800, s6;
	s8 =	ssub.s32 $0x2, s7;
	s7 =	sor.u32 s7, s9;
	v50 =	vor.u32 $0x1802, v0;
	v51 =	vor.u32 $0x1803, v0;
	[tilespmem:$0x1FFC0] =	vst v1;
	v1 =	vor.u32 $0x4, v0  }
0x14: {  	s6 =	sadd.s32 $0x27A00, s6;
	s10 =	sshrl.u32 s8, $0x1;
	s30 =	smul.u32 $0x5A, s7;
	v52 =	vor.u32 $0x1804, v0;
	v53 =	vor.u32 $0x1805, v0;
	[tilespmem:$0x1FFD0] =	vst v1;
	v1 =	vor.u32 $0x5, v0  }
0x15: {  	s31 =	smin.u32 s7, $0xB;
	p0 =	slt.u32 s7, $0xB;
	s7 =	simm.s32 $0x5B;
	v54 =	vor.u32 $0x1806, v0;
	v55 =	vor.u32 $0x1807, v0;
	[tilespmem:$0x1FFE0] =	vst v1;
	v1 =	vor.u32 $0x6, v0  }
0x16: {  	v56 =	vor.u32 $0x1808, v0;
	v57 =	vor.u32 $0x1809, v0;
	v58 =	vor.u32 $0x180A, v0;
	s29 =	ssub.s32 s8, s10;
	s7 =	simm.s32 @!p0 $0x5A;
	s10 =	simm.s32 $0x3;
	[tilespmem:$0x1FFF0] =	vst v1  }
0x17: {  	v59 =	vor.u32 $0x180B, v0;
	v60 =	vor.u32 $0x180C, v0;
	v61 =	vor.u32 $0x180D, v0;
	s8 =	sadd.s32 s31, s30;
	s9 =	smax.u32 s29, $0x1;
	_ =	strace $0x8000004D  }
.LBB2_1:
0x18: {  	s19 =	simm.s32 $0x0  }
.LBB2_2:
0x19: {  	s20 =	sadd.s32 s19, s8  }
0x1a: {  	s20 =	sshll.u32 s20, $0x4  }
0x1b: {  	s20 =	sand.u32 $0x1FFFFFF0, s20  }
0x1c: {  	s21 =	sadd.s32 s3, s20  }
0x1d: {  	[tilespmem:s1], [sflag:$0x3] =	stream.linear.gather [hbm4b:s21+s1], $0x80, $0x38;
	[tilespmem:$0xC180] =	vst v63  }
0x1e: {  	_ =	swait.ge [sflag:s10], $0x80  }
0x1f: {  	[sflag:s10] =	ssyncset.done $0x0  }
0x20: {  	s31 =	sadd.s32 s4, s20;
	[sflag:s10] =	ssyncadd.s32 $0xFFFFFF80  }
0x21: {  	[tilespmem:s11], [sflag:$0x3] =	stream.linear.gather [hbm4b:s31+s1], $0x80, $0x38;
	[tilespmem:$0xC180] =	vst v63  }
0x22: {  	_ =	swait.ge [sflag:s10], $0x80  }
0x23: {  	[sflag:s10] =	ssyncset.done $0x0  }
0x24: {  	[sflag:s10] =	ssyncadd.s32 $0xFFFFFF80  }
0x25: {  	[tilespmem:s12], [sflag:$0x1] =	stream.indirect.gather [hbm4b:s5+s11], $0x80, s1, s11, $0xb8;
	[tilespmem:$0xC180] =	vst v63  }
0x26: {  	_ = 	snop  }
0x27: {  	[tilespmem:s13], [sflag:$0x2] =	stream.indirect.gather [hbm4b:s5+s11], $0x80, s11, s11, $0xb8;
	[tilespmem:$0xC180] =	vst v63  }
0x28: {  	_ =	swait.ge [sflag:s14], $0x4000  }
0x29: {  	[sflag:s14] =	ssyncset.done $0x0  }
0x2a: {  	[sflag:s14] =	ssyncadd.s32 $0xFFFFC000  }
0x2b: {  	_ =	swait.ge [sflag:s15], $0x4000  }
0x2c: {  	[sflag:s15] =	ssyncset.done $0x0  }
0x2d: {  	s21 =	simm.s32 $0x4180;
	[sflag:s15] =	ssyncadd.s32 $0xFFFFC000  }
0x2e: {  	s23 =	simm.s32 $0x180;
	v62 =	vld [tilespmem:s21+$0xFFFFFF80]  }
0x2f: {  	v63 =	vld [tilespmem:s23+$0xFFFFFF80]  }
0x30: {  	v1 =	vld [tilespmem:s23+$0xFFFFFF90]  }
0x31: {  	v2 =	vld [tilespmem:s21+$0xFFFFFF90]  }
0x32: {  	v3 =	vld [tilespmem:s21+$0xFFFFFFA0]  }
0x33: {  	v4 =	vld [tilespmem:s23+$0xFFFFFFA0]  }
0x34: {  	v5 =	vld [tilespmem:s21+$0xFFFFFFB0]  }
0x35: {  	v6 =	vld [tilespmem:s23+$0xFFFFFFB0]  }
0x36: {  	v62 =	vmul.bf16 v62, v63;
	v1 =	vmul.bf16 v2, v1;
	v2 =	vld [tilespmem:s21+$0xFFFFFFC0]  }
0x37: {  	v63 =	vld [tilespmem:s23+$0xFFFFFFC0]  }
0x38: {  	v3 =	vmul.bf16 v3, v4;
	v4 =	vld [tilespmem:s21+$0xFFFFFFD0];
	v1 =	vadd.bf16 v1, v62  }
0x39: {  	v62 =	vld [tilespmem:s23+$0xFFFFFFD0]  }
0x3a: {  	v1 =	vadd.bf16 v3, v1;
	v3 =	vmul.bf16 v5, v6;
	v5 =	vld [tilespmem:s21+$0xFFFFFFE0]  }
0x3b: {  	v6 =	vld [tilespmem:s23+$0xFFFFFFE0]  }
0x3c: {  	v2 =	vmul.bf16 v2, v63;
	v63 =	vld [tilespmem:s23+$0xFFFFFFF0];
	v1 =	vadd.bf16 v3, v1  }
0x3d: {  	v3 =	vld [tilespmem:s21+$0xFFFFFFF0]  }
0x3e: {  	v1 =	vadd.bf16 v2, v1;
	v2 =	vmul.bf16 v4, v62;
	_ =	sdelay $0x1  }
0x3f: {  	v1 =	vadd.bf16 v2, v1;
	v2 =	vmul.bf16 v5, v6;
	_ =	sdelay $0x1  }
0x40: {  	v1 =	vadd.bf16 v2, v1;
	v2 =	vmul.bf16 v3, v63;
	_ =	sdelay $0x1  }
0x41: {  	v1 =	vadd.bf16 v2, v1;
	_ =	sdelay $0x1  }
0x42: {  	v2 =	vunpack.i.u.bf16.f32 v1;
	v1 =	vunpack.i.l.bf16.f32 v1  }
0x43: {  	v1 =	vadd.f32 v1, v2  }
0x44: {  	s22 =	simm.s32 $0x8200  }
0x45: {  	[tilespmem:s22+$0xFFFFFF80] =	vst v1  }
0x46: {  	v1 =	vld [tilespmem:s23+$0x0]  }
0x47: {  	v2 =	vld [tilespmem:s21+$0x0]  }
0x48: {  	v3 =	vld [tilespmem:s21+$0x10]  }
0x49: {  	v4 =	vld [tilespmem:s23+$0x10]  }
0x4a: {  	v5 =	vld [tilespmem:s21+$0x20]  }
0x4b: {  	v6 =	vld [tilespmem:s23+$0x20]  }
0x4c: {  	v62 =	vld [tilespmem:s21+$0x30]  }
0x4d: {  	v63 =	vld [tilespmem:s23+$0x30]  }
0x4e: {  	v1 =	vmul.bf16 v2, v1;
	v2 =	vmul.bf16 v3, v4;
	v3 =	vld [tilespmem:s21+$0x40]  }
0x4f: {  	v4 =	vld [tilespmem:s23+$0x40]  }
0x50: {  	v1 =	vadd.bf16 v2, v1;
	v2 =	vmul.bf16 v5, v6;
	v5 =	vld [tilespmem:s21+$0x50]  }
0x51: {  	v6 =	vld [tilespmem:s23+$0x50]  }
0x52: {  	v1 =	vadd.bf16 v2, v1;
	v2 =	vmul.bf16 v62, v63;
	v62 =	vld [tilespmem:s21+$0x60]  }
0x53: {  	v63 =	vld [tilespmem:s23+$0x60]  }
0x54: {  	v1 =	vadd.bf16 v2, v1;
	v2 =	vmul.bf16 v3, v4;
	v3 =	vld [tilespmem:s21+$0x70]  }
0x55: {  	v4 =	vld [tilespmem:s23+$0x70]  }
0x56: {  	v1 =	vadd.bf16 v2, v1;
	v2 =	vmul.bf16 v5, v6;
	_ =	sdelay $0x1  }
0x57: {  	v1 =	vadd.bf16 v2, v1;
	v2 =	vmul.bf16 v62, v63;
	_ =	sdelay $0x1  }
0x58: {  	v1 =	vadd.bf16 v2, v1;
	v2 =	vmul.bf16 v3, v4;
	_ =	sdelay $0x1  }
0x59: {  	s24 =	simm.s32 $0x0;
	s25 =	simm.s32 $0x280;
	s23 =	simm.s32 $0x8200;
	v62 =	vadd.bf16 v2, v1  }
.LBB2_3:
0x5a: {  	s24 =	sadd.s32 $0x2, s24;
	s22 =	sadd.s32 $0x100, s22;
	s21 =	sadd.s32 $0x100, s21  }
0x5b: {  	p0 =	slt.u32 s24, $0x7E;
	v1 =	vunpack.i.u.bf16.f32 v62;
	v2 =	vunpack.i.l.bf16.f32 v62  }
0x5c: {  	v1 =	vadd.f32 v2, v1;
	_ =	sdelay $0x1  }
0x5d: {  	[tilespmem:s23+$0x0] =	vst v1;
	s23 =	smov.u32 s22  }
0x5e: {  	v1 =	vld [tilespmem:s21+$0xFFFFFF80]  }
0x5f: {  	v2 =	vld [tilespmem:s25+$0xFFFFFF80]  }
0x60: {  	v3 =	vld [tilespmem:s25+$0xFFFFFF90]  }
0x61: {  	v4 =	vld [tilespmem:s21+$0xFFFFFF90]  }
0x62: {  	v5 =	vld [tilespmem:s21+$0xFFFFFFA0]  }
0x63: {  	v6 =	vld [tilespmem:s25+$0xFFFFFFA0]  }
0x64: {  	v62 =	vld [tilespmem:s21+$0xFFFFFFB0]  }
0x65: {  	v1 =	vmul.bf16 v1, v2;
	v2 =	vld [tilespmem:s25+$0xFFFFFFB0]  }
0x66: {  	v3 =	vmul.bf16 v4, v3;
	v4 =	vld [tilespmem:s21+$0xFFFFFFC0]  }
0x67: {  	v63 =	vld [tilespmem:s25+$0xFFFFFFC0]  }
0x68: {  	v1 =	vadd.bf16 v3, v1;
	v3 =	vmul.bf16 v5, v6;
	v5 =	vld [tilespmem:s21+$0xFFFFFFD0]  }
0x69: {  	v6 =	vld [tilespmem:s25+$0xFFFFFFD0]  }
0x6a: {  	v1 =	vadd.bf16 v3, v1;
	v2 =	vmul.bf16 v62, v2;
	v3 =	vld [tilespmem:s21+$0xFFFFFFE0]  }
0x6b: {  	v62 =	vld [tilespmem:s25+$0xFFFFFFE0]  }
0x6c: {  	v1 =	vadd.bf16 v2, v1;
	v2 =	vmul.bf16 v4, v63;
	v4 =	vld [tilespmem:s21+$0xFFFFFFF0]  }
0x6d: {  	v63 =	vld [tilespmem:s25+$0xFFFFFFF0]  }
0x6e: {  	v1 =	vadd.bf16 v2, v1;
	v2 =	vmul.bf16 v5, v6;
	_ =	sdelay $0x1  }
0x6f: {  	v1 =	vadd.bf16 v2, v1;
	v2 =	vmul.bf16 v3, v62;
	_ =	sdelay $0x1  }
0x70: {  	v1 =	vadd.bf16 v2, v1;
	v2 =	vmul.bf16 v4, v63;
	_ =	sdelay $0x1  }
0x71: {  	v1 =	vadd.bf16 v2, v1;
	_ =	sdelay $0x1  }
0x72: {  	v2 =	vunpack.i.u.bf16.f32 v1;
	v1 =	vunpack.i.l.bf16.f32 v1  }
0x73: {  	v1 =	vadd.f32 v1, v2;
	_ =	sdelay $0x1  }
0x74: {  	[tilespmem:s22+$0xFFFFFF80] =	vst v1  }
0x75: {  	v1 =	vld [tilespmem:s25+$0x0]  }
0x76: {  	v2 =	vld [tilespmem:s21+$0x0]  }
0x77: {  	v3 =	vld [tilespmem:s21+$0x10]  }
0x78: {  	v4 =	vld [tilespmem:s25+$0x10]  }
0x79: {  	v5 =	vld [tilespmem:s21+$0x20]  }
0x7a: {  	v6 =	vld [tilespmem:s25+$0x20]  }
0x7b: {  	v1 =	vmul.bf16 v2, v1;
	v2 =	vld [tilespmem:s21+$0x30]  }
0x7c: {  	v62 =	vld [tilespmem:s25+$0x30]  }
0x7d: {  	v3 =	vmul.bf16 v3, v4;
	v4 =	vld [tilespmem:s21+$0x40]  }
0x7e: {  	v63 =	vld [tilespmem:s25+$0x40]  }
0x7f: {  	v1 =	vadd.bf16 v3, v1;
	v3 =	vmul.bf16 v5, v6;
	v5 =	vld [tilespmem:s21+$0x50]  }
0x80: {  	v6 =	vld [tilespmem:s25+$0x50]  }
0x81: {  	v1 =	vadd.bf16 v3, v1;
	v2 =	vmul.bf16 v2, v62;
	v3 =	vld [tilespmem:s21+$0x60]  }
0x82: {  	v62 =	vld [tilespmem:s25+$0x60]  }
0x83: {  	v1 =	vadd.bf16 v2, v1;
	v2 =	vmul.bf16 v4, v63;
	v4 =	vld [tilespmem:s21+$0x70]  }
0x84: {  	v63 =	vld [tilespmem:s25+$0x70]  }
0x85: {  	v1 =	vadd.bf16 v2, v1;
	v2 =	vmul.bf16 v5, v6;
	_ =	sdelay $0x1  }
.Ltmp0:
0x86: {  	v1 =	vadd.bf16 v2, v1;
	v2 =	vmul.bf16 v3, v62;
	(pc) =	sbr.rel @p0 .LBB2_3-.Ltmp0, $3  }
0x87: {  	_ = 	snop  }
0x88: {  	v1 =	vadd.bf16 v2, v1;
	v2 =	vmul.bf16 v4, v63;
	_ =	sdelay $0x1  }
0x89: {  	s25 =	sadd.s32 $0x100, s25;
	v62 =	vadd.bf16 v2, v1  }
0x8a: {  	_ = 	snop  }
0x8b: {  	v1 =	vunpack.i.u.bf16.f32 v62;
	v2 =	vunpack.i.l.bf16.f32 v62  }
0x8c: {  	v1 =	vadd.f32 v2, v1;
	v2 =	vld [tilespmem:$0x1FFA0];
	_ =	sdelay $0x1  }
0x8d: {  	v3 =	vld [tilespmem:$0x1FFB0];
	_ =	sdelay $0x1  }
0x8e: {  	v4 =	vld [tilespmem:$0x1FFC0];
	_ =	sdelay $0x1  }
0x8f: {  	[tilespmem:s23+$0x0] =	vst v1  }
0x90: {  	v1 =	vld.idx.msk [tilespmem:v0+s16+$0x0], $0xffff  }
0x91: {  	v2 =	vld.idx.msk [tilespmem:v2+s16+$0x0], $0xffff;
	_ =	sdelay $0x1  }
0x92: {  	v3 =	vld.idx.msk [tilespmem:v3+s16+$0x0], $0xffff;
	_ =	sdelay $0x1  }
0x93: {  	v4 =	vld.idx.msk [tilespmem:v4+s16+$0x0], $0xffff  }
0x94: {  	v1 =	vadd.f32 v2, v1;
	v2 =	vld [tilespmem:$0x1FFD0];
	_ =	sdelay $0x1  }
0x95: {  	v1 =	vadd.f32 v3, v1;
	v3 =	vld [tilespmem:$0x1FFE0];
	_ =	sdelay $0x1  }
0x96: {  	v1 =	vadd.f32 v4, v1;
	v4 =	vld [tilespmem:$0x1FFF0];
	_ =	sdelay $0x3  }
0x97: {  	v2 =	vld.idx.msk [tilespmem:v2+s16+$0x0], $0xffff;
	_ =	sdelay $0x1  }
0x98: {  	v3 =	vld.idx.msk [tilespmem:v3+s16+$0x0], $0xffff;
	_ =	sdelay $0x1  }
0x99: {  	v4 =	vld.idx.msk [tilespmem:v4+s16+$0x0], $0xffff  }
0x9a: {  	v1 =	vadd.f32 v2, v1  }
0x9b: {  	v2 =	vld.idx.msk [tilespmem:v7+s16+$0x0], $0xffff  }
0x9c: {  	v1 =	vadd.f32 v3, v1  }
0x9d: {  	v3 =	vld.idx.msk [tilespmem:v8+s16+$0x0], $0xffff  }
0x9e: {  	v1 =	vadd.f32 v4, v1  }
0x9f: {  	v4 =	vld.idx.msk [tilespmem:v9+s16+$0x0], $0xffff  }
0xa0: {  	v1 =	vadd.f32 v2, v1  }
0xa1: {  	v2 =	vld.idx.msk [tilespmem:v10+s16+$0x0], $0xffff  }
0xa2: {  	v1 =	vadd.f32 v3, v1  }
0xa3: {  	v3 =	vld.idx.msk [tilespmem:v11+s16+$0x0], $0xffff  }
0xa4: {  	v1 =	vadd.f32 v4, v1  }
0xa5: {  	v4 =	vld.idx.msk [tilespmem:v12+s16+$0x0], $0xffff  }
0xa6: {  	v1 =	vadd.f32 v2, v1  }
0xa7: {  	v2 =	vld.idx.msk [tilespmem:v13+s16+$0x0], $0xffff  }
0xa8: {  	v1 =	vadd.f32 v3, v1  }
0xa9: {  	v3 =	vld.idx.msk [tilespmem:v14+s16+$0x0], $0xffff  }
0xaa: {  	v1 =	vadd.f32 v4, v1  }
0xab: {  	v4 =	vld.idx.msk [tilespmem:v15+s16+$0x0], $0xffff  }
0xac: {  	v1 =	vadd.f32 v2, v1;
	_ =	sdelay $0x1  }
0xad: {  	v1 =	vadd.f32 v3, v1;
	_ =	sdelay $0x1  }
0xae: {  	v1 =	vadd.f32 v4, v1;
	_ =	sdelay $0x1  }
0xaf: {  	[tilespmem:$0x8100] =	vst v1  }
0xb0: {  	v1 =	vld.idx.msk [tilespmem:v16+s16+$0x0], $0xffff  }
0xb1: {  	v2 =	vld.idx.msk [tilespmem:v17+s16+$0x0], $0xffff;
	_ =	sdelay $0x1  }
0xb2: {  	v3 =	vld.idx.msk [tilespmem:v18+s16+$0x0], $0xffff;
	_ =	sdelay $0x1  }
0xb3: {  	v4 =	vld.idx.msk [tilespmem:v19+s16+$0x0], $0xffff  }
0xb4: {  	v1 =	vadd.f32 v2, v1  }
0xb5: {  	v2 =	vld.idx.msk [tilespmem:v20+s16+$0x0], $0xffff  }
0xb6: {  	v1 =	vadd.f32 v3, v1  }
0xb7: {  	v3 =	vld.idx.msk [tilespmem:v21+s16+$0x0], $0xffff  }
0xb8: {  	v1 =	vadd.f32 v4, v1  }
0xb9: {  	v4 =	vld.idx.msk [tilespmem:v22+s16+$0x0], $0xffff  }
0xba: {  	v1 =	vadd.f32 v2, v1  }
0xbb: {  	v2 =	vld.idx.msk [tilespmem:v23+s16+$0x0], $0xffff  }
0xbc: {  	v1 =	vadd.f32 v3, v1  }
0xbd: {  	v3 =	vld.idx.msk [tilespmem:v24+s16+$0x0], $0xffff  }
0xbe: {  	v1 =	vadd.f32 v4, v1  }
0xbf: {  	v4 =	vld.idx.msk [tilespmem:v25+s16+$0x0], $0xffff  }
0xc0: {  	v1 =	vadd.f32 v2, v1  }
0xc1: {  	v2 =	vld.idx.msk [tilespmem:v26+s16+$0x0], $0xffff  }
0xc2: {  	v1 =	vadd.f32 v3, v1  }
0xc3: {  	v3 =	vld.idx.msk [tilespmem:v27+s16+$0x0], $0xffff  }
0xc4: {  	v1 =	vadd.f32 v4, v1  }
0xc5: {  	v4 =	vld.idx.msk [tilespmem:v28+s16+$0x0], $0xffff  }
0xc6: {  	v1 =	vadd.f32 v2, v1  }
0xc7: {  	v2 =	vld.idx.msk [tilespmem:v29+s16+$0x0], $0xffff  }
0xc8: {  	v1 =	vadd.f32 v3, v1  }
0xc9: {  	v3 =	vld.idx.msk [tilespmem:v30+s16+$0x0], $0xffff  }
0xca: {  	v1 =	vadd.f32 v4, v1  }
0xcb: {  	v4 =	vld.idx.msk [tilespmem:v31+s16+$0x0], $0xffff  }
0xcc: {  	v1 =	vadd.f32 v2, v1;
	_ =	sdelay $0x1  }
0xcd: {  	v1 =	vadd.f32 v3, v1;
	_ =	sdelay $0x1  }
0xce: {  	v1 =	vadd.f32 v4, v1;
	_ =	sdelay $0x1  }
0xcf: {  	[tilespmem:$0x8110] =	vst v1  }
0xd0: {  	v1 =	vld.idx.msk [tilespmem:v32+s16+$0x0], $0xffff  }
0xd1: {  	v2 =	vld.idx.msk [tilespmem:v33+s16+$0x0], $0xffff;
	_ =	sdelay $0x1  }
0xd2: {  	v3 =	vld.idx.msk [tilespmem:v34+s16+$0x0], $0xffff;
	_ =	sdelay $0x1  }
0xd3: {  	v4 =	vld.idx.msk [tilespmem:v35+s16+$0x0], $0xffff  }
0xd4: {  	v1 =	vadd.f32 v2, v1  }
0xd5: {  	v2 =	vld.idx.msk [tilespmem:v36+s16+$0x0], $0xffff  }
0xd6: {  	v1 =	vadd.f32 v3, v1  }
0xd7: {  	v3 =	vld.idx.msk [tilespmem:v37+s16+$0x0], $0xffff  }
0xd8: {  	v1 =	vadd.f32 v4, v1  }
0xd9: {  	v4 =	vld.idx.msk [tilespmem:v38+s16+$0x0], $0xffff  }
0xda: {  	v1 =	vadd.f32 v2, v1  }
0xdb: {  	v2 =	vld.idx.msk [tilespmem:v39+s16+$0x0], $0xffff  }
0xdc: {  	v1 =	vadd.f32 v3, v1  }
0xdd: {  	v3 =	vld.idx.msk [tilespmem:v40+s16+$0x0], $0xffff  }
0xde: {  	v1 =	vadd.f32 v4, v1  }
0xdf: {  	v4 =	vld.idx.msk [tilespmem:v41+s16+$0x0], $0xffff  }
0xe0: {  	v1 =	vadd.f32 v2, v1  }
0xe1: {  	v2 =	vld.idx.msk [tilespmem:v42+s16+$0x0], $0xffff  }
0xe2: {  	v1 =	vadd.f32 v3, v1  }
0xe3: {  	v3 =	vld.idx.msk [tilespmem:v43+s16+$0x0], $0xffff  }
0xe4: {  	v1 =	vadd.f32 v4, v1  }
0xe5: {  	v4 =	vld.idx.msk [tilespmem:v44+s16+$0x0], $0xffff  }
0xe6: {  	v1 =	vadd.f32 v2, v1  }
0xe7: {  	v2 =	vld.idx.msk [tilespmem:v45+s16+$0x0], $0xffff  }
0xe8: {  	v1 =	vadd.f32 v3, v1  }
0xe9: {  	v3 =	vld.idx.msk [tilespmem:v46+s16+$0x0], $0xffff  }
0xea: {  	v1 =	vadd.f32 v4, v1  }
0xeb: {  	v4 =	vld.idx.msk [tilespmem:v47+s16+$0x0], $0xffff  }
0xec: {  	v1 =	vadd.f32 v2, v1;
	_ =	sdelay $0x1  }
0xed: {  	v1 =	vadd.f32 v3, v1;
	_ =	sdelay $0x1  }
0xee: {  	v1 =	vadd.f32 v4, v1;
	_ =	sdelay $0x1  }
0xef: {  	[tilespmem:$0x8120] =	vst v1  }
0xf0: {  	v1 =	vld.idx.msk [tilespmem:v48+s16+$0x0], $0xffff  }
0xf1: {  	v2 =	vld.idx.msk [tilespmem:v49+s16+$0x0], $0xffff;
	_ =	sdelay $0x1  }
0xf2: {  	v3 =	vld.idx.msk [tilespmem:v50+s16+$0x0], $0xffff;
	_ =	sdelay $0x1  }
0xf3: {  	v4 =	vld.idx.msk [tilespmem:v51+s16+$0x0], $0xffff  }
0xf4: {  	v1 =	vadd.f32 v2, v1  }
0xf5: {  	v2 =	vld.idx.msk [tilespmem:v52+s16+$0x0], $0xffff  }
0xf6: {  	v1 =	vadd.f32 v3, v1  }
0xf7: {  	v3 =	vld.idx.msk [tilespmem:v53+s16+$0x0], $0xffff  }
0xf8: {  	v1 =	vadd.f32 v4, v1  }
0xf9: {  	v4 =	vld.idx.msk [tilespmem:v54+s16+$0x0], $0xffff  }
0xfa: {  	v1 =	vadd.f32 v2, v1  }
0xfb: {  	v2 =	vld.idx.msk [tilespmem:v55+s16+$0x0], $0xffff  }
0xfc: {  	v1 =	vadd.f32 v3, v1  }
0xfd: {  	v3 =	vld.idx.msk [tilespmem:v56+s16+$0x0], $0xffff  }
0xfe: {  	v1 =	vadd.f32 v4, v1  }
0xff: {  	v4 =	vld.idx.msk [tilespmem:v57+s16+$0x0], $0xffff  }
0x100: {  	v1 =	vadd.f32 v2, v1  }
0x101: {  	v2 =	vld.idx.msk [tilespmem:v58+s16+$0x0], $0xffff  }
0x102: {  	v1 =	vadd.f32 v3, v1  }
0x103: {  	v3 =	vld.idx.msk [tilespmem:v59+s16+$0x0], $0xffff  }
0x104: {  	v1 =	vadd.f32 v4, v1;
	v4 =	vor.u32 $0x180E, v0  }
0x105: {  	v5 =	vld.idx.msk [tilespmem:v60+s16+$0x0], $0xffff  }
0x106: {  	v1 =	vadd.f32 v2, v1;
	v2 =	vor.u32 $0x180F, v0  }
0x107: {  	v6 =	vld.idx.msk [tilespmem:v61+s16+$0x0], $0xffff  }
0x108: {  	v1 =	vadd.f32 v3, v1  }
0x109: {  	v3 =	vld.idx.msk [tilespmem:v4+s16+$0x0], $0xffff  }
0x10a: {  	v1 =	vadd.f32 v5, v1  }
0x10b: {  	v2 =	vld.idx.msk [tilespmem:v2+s16+$0x0], $0xffff  }
0x10c: {  	v1 =	vadd.f32 v6, v1;
	_ =	sdelay $0x1  }
0x10d: {  	v1 =	vadd.f32 v3, v1;
	v3 =	vor.u32 $0x2000, v0  }
0x10e: {  	v4 =	vor.u32 $0x2001, v0  }
0x10f: {  	v1 =	vadd.f32 v2, v1  }
0x110: {  	v2 =	vor.u32 $0x2002, v0  }
0x111: {  	[tilespmem:$0x8130] =	vst v1  }
0x112: {  	v1 =	vld.idx.msk [tilespmem:v3+s16+$0x0], $0xffff;
	v3 =	vor.u32 $0x2003, v0  }
0x113: {  	v4 =	vld.idx.msk [tilespmem:v4+s16+$0x0], $0xffff  }
0x114: {  	v5 =	vor.u32 $0x2004, v0  }
0x115: {  	v2 =	vld.idx.msk [tilespmem:v2+s16+$0x0], $0xffff  }
0x116: {  	v6 =	vor.u32 $0x2005, v0  }
0x117: {  	v3 =	vld.idx.msk [tilespmem:v3+s16+$0x0], $0xffff  }
0x118: {  	v1 =	vadd.f32 v4, v1;
	v4 =	vor.u32 $0x2006, v0  }
0x119: {  	v5 =	vld.idx.msk [tilespmem:v5+s16+$0x0], $0xffff  }
0x11a: {  	v1 =	vadd.f32 v2, v1;
	v2 =	vor.u32 $0x2007, v0  }
0x11b: {  	v6 =	vld.idx.msk [tilespmem:v6+s16+$0x0], $0xffff  }
0x11c: {  	v1 =	vadd.f32 v3, v1;
	v3 =	vor.u32 $0x2008, v0  }
0x11d: {  	v4 =	vld.idx.msk [tilespmem:v4+s16+$0x0], $0xffff  }
0x11e: {  	v1 =	vadd.f32 v5, v1;
	v5 =	vor.u32 $0x2009, v0  }
0x11f: {  	v2 =	vld.idx.msk [tilespmem:v2+s16+$0x0], $0xffff  }
0x120: {  	v1 =	vadd.f32 v6, v1;
	v6 =	vor.u32 $0x200A, v0  }
0x121: {  	v3 =	vld.idx.msk [tilespmem:v3+s16+$0x0], $0xffff  }
0x122: {  	v1 =	vadd.f32 v4, v1;
	v4 =	vor.u32 $0x200B, v0  }
0x123: {  	v5 =	vld.idx.msk [tilespmem:v5+s16+$0x0], $0xffff  }
0x124: {  	v1 =	vadd.f32 v2, v1;
	v2 =	vor.u32 $0x200C, v0  }
0x125: {  	v6 =	vld.idx.msk [tilespmem:v6+s16+$0x0], $0xffff  }
0x126: {  	v1 =	vadd.f32 v3, v1;
	v3 =	vor.u32 $0x200D, v0  }
0x127: {  	v4 =	vld.idx.msk [tilespmem:v4+s16+$0x0], $0xffff  }
0x128: {  	v1 =	vadd.f32 v5, v1;
	v5 =	vor.u32 $0x200E, v0  }
0x129: {  	v2 =	vld.idx.msk [tilespmem:v2+s16+$0x0], $0xffff  }
0x12a: {  	v1 =	vadd.f32 v6, v1;
	v6 =	vor.u32 $0x200F, v0  }
0x12b: {  	v3 =	vld.idx.msk [tilespmem:v3+s16+$0x0], $0xffff  }
0x12c: {  	v1 =	vadd.f32 v4, v1  }
0x12d: {  	v4 =	vld.idx.msk [tilespmem:v5+s16+$0x0], $0xffff  }
0x12e: {  	v1 =	vadd.f32 v2, v1  }
0x12f: {  	v2 =	vld.idx.msk [tilespmem:v6+s16+$0x0], $0xffff  }
0x130: {  	v1 =	vadd.f32 v3, v1;
	_ =	sdelay $0x1  }
0x131: {  	v3 =	vor.u32 $0x2800, v0;
	v1 =	vadd.f32 v4, v1  }
0x132: {  	v4 =	vor.u32 $0x2801, v0  }
0x133: {  	v1 =	vadd.f32 v2, v1  }
0x134: {  	v2 =	vor.u32 $0x2802, v0  }
0x135: {  	[tilespmem:$0x8140] =	vst v1  }
0x136: {  	v1 =	vld.idx.msk [tilespmem:v3+s16+$0x0], $0xffff;
	v3 =	vor.u32 $0x2803, v0  }
0x137: {  	v4 =	vld.idx.msk [tilespmem:v4+s16+$0x0], $0xffff  }
0x138: {  	v5 =	vor.u32 $0x2804, v0  }
0x139: {  	v2 =	vld.idx.msk [tilespmem:v2+s16+$0x0], $0xffff  }
0x13a: {  	v6 =	vor.u32 $0x2805, v0  }
0x13b: {  	v3 =	vld.idx.msk [tilespmem:v3+s16+$0x0], $0xffff  }
0x13c: {  	v1 =	vadd.f32 v4, v1;
	v4 =	vor.u32 $0x2806, v0  }
0x13d: {  	v5 =	vld.idx.msk [tilespmem:v5+s16+$0x0], $0xffff  }
0x13e: {  	v1 =	vadd.f32 v2, v1;
	v2 =	vor.u32 $0x2807, v0  }
0x13f: {  	v6 =	vld.idx.msk [tilespmem:v6+s16+$0x0], $0xffff  }
0x140: {  	v1 =	vadd.f32 v3, v1;
	v3 =	vor.u32 $0x2808, v0  }
0x141: {  	v4 =	vld.idx.msk [tilespmem:v4+s16+$0x0], $0xffff  }
0x142: {  	v1 =	vadd.f32 v5, v1;
	v5 =	vor.u32 $0x2809, v0  }
0x143: {  	v2 =	vld.idx.msk [tilespmem:v2+s16+$0x0], $0xffff  }
0x144: {  	v1 =	vadd.f32 v6, v1;
	v6 =	vor.u32 $0x280A, v0  }
0x145: {  	v3 =	vld.idx.msk [tilespmem:v3+s16+$0x0], $0xffff  }
0x146: {  	v1 =	vadd.f32 v4, v1;
	v4 =	vor.u32 $0x280B, v0  }
0x147: {  	v5 =	vld.idx.msk [tilespmem:v5+s16+$0x0], $0xffff  }
0x148: {  	v1 =	vadd.f32 v2, v1;
	v2 =	vor.u32 $0x280C, v0  }
0x149: {  	v6 =	vld.idx.msk [tilespmem:v6+s16+$0x0], $0xffff  }
0x14a: {  	v1 =	vadd.f32 v3, v1;
	v3 =	vor.u32 $0x280D, v0  }
0x14b: {  	v4 =	vld.idx.msk [tilespmem:v4+s16+$0x0], $0xffff  }
0x14c: {  	v1 =	vadd.f32 v5, v1;
	v5 =	vor.u32 $0x280E, v0  }
0x14d: {  	v2 =	vld.idx.msk [tilespmem:v2+s16+$0x0], $0xffff  }
0x14e: {  	v1 =	vadd.f32 v6, v1;
	v6 =	vor.u32 $0x280F, v0  }
0x14f: {  	v3 =	vld.idx.msk [tilespmem:v3+s16+$0x0], $0xffff  }
0x150: {  	v1 =	vadd.f32 v4, v1  }
0x151: {  	v4 =	vld.idx.msk [tilespmem:v5+s16+$0x0], $0xffff  }
0x152: {  	v1 =	vadd.f32 v2, v1  }
0x153: {  	v2 =	vld.idx.msk [tilespmem:v6+s16+$0x0], $0xffff  }
0x154: {  	v1 =	vadd.f32 v3, v1;
	_ =	sdelay $0x1  }
0x155: {  	v3 =	vor.u32 $0x3000, v0;
	v1 =	vadd.f32 v4, v1  }
0x156: {  	v4 =	vor.u32 $0x3001, v0  }
0x157: {  	v1 =	vadd.f32 v2, v1  }
0x158: {  	v2 =	vor.u32 $0x3002, v0  }
0x159: {  	[tilespmem:$0x8150] =	vst v1  }
0x15a: {  	v1 =	vld.idx.msk [tilespmem:v3+s16+$0x0], $0xffff;
	v3 =	vor.u32 $0x3003, v0  }
0x15b: {  	v4 =	vld.idx.msk [tilespmem:v4+s16+$0x0], $0xffff  }
0x15c: {  	v5 =	vor.u32 $0x3004, v0  }
0x15d: {  	v2 =	vld.idx.msk [tilespmem:v2+s16+$0x0], $0xffff  }
0x15e: {  	v6 =	vor.u32 $0x3005, v0  }
0x15f: {  	v3 =	vld.idx.msk [tilespmem:v3+s16+$0x0], $0xffff  }
0x160: {  	v1 =	vadd.f32 v4, v1;
	v4 =	vor.u32 $0x3006, v0  }
0x161: {  	v5 =	vld.idx.msk [tilespmem:v5+s16+$0x0], $0xffff  }
0x162: {  	v1 =	vadd.f32 v2, v1;
	v2 =	vor.u32 $0x3007, v0  }
0x163: {  	v6 =	vld.idx.msk [tilespmem:v6+s16+$0x0], $0xffff  }
0x164: {  	v1 =	vadd.f32 v3, v1;
	v3 =	vor.u32 $0x3008, v0  }
0x165: {  	v4 =	vld.idx.msk [tilespmem:v4+s16+$0x0], $0xffff  }
0x166: {  	v1 =	vadd.f32 v5, v1;
	v5 =	vor.u32 $0x3009, v0  }
0x167: {  	v2 =	vld.idx.msk [tilespmem:v2+s16+$0x0], $0xffff  }
0x168: {  	v1 =	vadd.f32 v6, v1;
	v6 =	vor.u32 $0x300A, v0  }
0x169: {  	v3 =	vld.idx.msk [tilespmem:v3+s16+$0x0], $0xffff  }
0x16a: {  	v1 =	vadd.f32 v4, v1;
	v4 =	vor.u32 $0x300B, v0  }
0x16b: {  	v5 =	vld.idx.msk [tilespmem:v5+s16+$0x0], $0xffff  }
0x16c: {  	v1 =	vadd.f32 v2, v1;
	v2 =	vor.u32 $0x300C, v0  }
0x16d: {  	v6 =	vld.idx.msk [tilespmem:v6+s16+$0x0], $0xffff  }
0x16e: {  	v1 =	vadd.f32 v3, v1;
	v3 =	vor.u32 $0x300D, v0  }
0x16f: {  	v4 =	vld.idx.msk [tilespmem:v4+s16+$0x0], $0xffff  }
0x170: {  	v1 =	vadd.f32 v5, v1;
	v5 =	vor.u32 $0x300E, v0  }
0x171: {  	v2 =	vld.idx.msk [tilespmem:v2+s16+$0x0], $0xffff  }
0x172: {  	v1 =	vadd.f32 v6, v1;
	v6 =	vor.u32 $0x300F, v0  }
0x173: {  	v3 =	vld.idx.msk [tilespmem:v3+s16+$0x0], $0xffff  }
0x174: {  	v1 =	vadd.f32 v4, v1  }
0x175: {  	v4 =	vld.idx.msk [tilespmem:v5+s16+$0x0], $0xffff  }
0x176: {  	v1 =	vadd.f32 v2, v1  }
0x177: {  	v2 =	vld.idx.msk [tilespmem:v6+s16+$0x0], $0xffff  }
0x178: {  	v1 =	vadd.f32 v3, v1;
	_ =	sdelay $0x1  }
0x179: {  	v3 =	vor.u32 $0x3800, v0;
	v1 =	vadd.f32 v4, v1  }
0x17a: {  	v4 =	vor.u32 $0x3801, v0  }
0x17b: {  	v1 =	vadd.f32 v2, v1  }
0x17c: {  	v2 =	vor.u32 $0x3802, v0  }
0x17d: {  	[tilespmem:$0x8160] =	vst v1  }
0x17e: {  	v1 =	vld.idx.msk [tilespmem:v3+s16+$0x0], $0xffff;
	v3 =	vor.u32 $0x3803, v0  }
0x17f: {  	v4 =	vld.idx.msk [tilespmem:v4+s16+$0x0], $0xffff  }
0x180: {  	v5 =	vor.u32 $0x3804, v0  }
0x181: {  	v2 =	vld.idx.msk [tilespmem:v2+s16+$0x0], $0xffff  }
0x182: {  	v6 =	vor.u32 $0x3805, v0  }
0x183: {  	v3 =	vld.idx.msk [tilespmem:v3+s16+$0x0], $0xffff  }
0x184: {  	v1 =	vadd.f32 v4, v1;
	v4 =	vor.u32 $0x3806, v0  }
0x185: {  	v5 =	vld.idx.msk [tilespmem:v5+s16+$0x0], $0xffff  }
0x186: {  	v1 =	vadd.f32 v2, v1;
	v2 =	vor.u32 $0x3807, v0  }
0x187: {  	v6 =	vld.idx.msk [tilespmem:v6+s16+$0x0], $0xffff  }
0x188: {  	v1 =	vadd.f32 v3, v1;
	v3 =	vor.u32 $0x3808, v0  }
0x189: {  	v4 =	vld.idx.msk [tilespmem:v4+s16+$0x0], $0xffff  }
0x18a: {  	v1 =	vadd.f32 v5, v1;
	v5 =	vor.u32 $0x3809, v0  }
0x18b: {  	v2 =	vld.idx.msk [tilespmem:v2+s16+$0x0], $0xffff  }
0x18c: {  	v1 =	vadd.f32 v6, v1;
	v6 =	vor.u32 $0x380A, v0  }
0x18d: {  	v3 =	vld.idx.msk [tilespmem:v3+s16+$0x0], $0xffff  }
0x18e: {  	v1 =	vadd.f32 v4, v1;
	v4 =	vor.u32 $0x380B, v0  }
0x18f: {  	v5 =	vld.idx.msk [tilespmem:v5+s16+$0x0], $0xffff  }
0x190: {  	v1 =	vadd.f32 v2, v1;
	v2 =	vor.u32 $0x380C, v0  }
0x191: {  	v6 =	vld.idx.msk [tilespmem:v6+s16+$0x0], $0xffff  }
0x192: {  	v1 =	vadd.f32 v3, v1;
	v3 =	vor.u32 $0x380D, v0  }
0x193: {  	v4 =	vld.idx.msk [tilespmem:v4+s16+$0x0], $0xffff  }
0x194: {  	v1 =	vadd.f32 v5, v1;
	v5 =	vor.u32 $0x380E, v0  }
0x195: {  	v2 =	vld.idx.msk [tilespmem:v2+s16+$0x0], $0xffff  }
0x196: {  	v1 =	vadd.f32 v6, v1;
	v6 =	vor.u32 $0x380F, v0  }
0x197: {  	v3 =	vld.idx.msk [tilespmem:v3+s16+$0x0], $0xffff  }
0x198: {  	v1 =	vadd.f32 v4, v1  }
0x199: {  	v4 =	vld.idx.msk [tilespmem:v5+s16+$0x0], $0xffff  }
0x19a: {  	v1 =	vadd.f32 v2, v1  }
0x19b: {  	v2 =	vld.idx.msk [tilespmem:v6+s16+$0x0], $0xffff  }
0x19c: {  	v1 =	vadd.f32 v3, v1;
	_ =	sdelay $0x1  }
0x19d: {  	v1 =	vadd.f32 v4, v1;
	_ =	sdelay $0x1  }
0x19e: {  	s19 =	sadd.s32 $0x1, s19;
	v1 =	vadd.f32 v2, v1  }
0x19f: {  	p0 =	sne.s32 s19, s7  }
.Ltmp1:
0x1a0: {  	s20 =	sadd.s32 s6, s20;
	[tilespmem:$0x8170] =	vst v1;
	(pc) =	sbr.rel @p0 .LBB2_2-.Ltmp1, $4  }
0x1a1: {  	[hbm4b:s20+s1] =	stream.linear.scatter [tilespmem:s17], [sflag:$0x3], $0x80, $0x38;
	[tilespmem:$0xC180] =	vst v63  }
0x1a2: {  	_ =	swait.ge [sflag:s10], $0x80  }
0x1a3: {  	[sflag:s10] =	ssyncset.done $0x0  }
0x1a4: {  	[sflag:s10] =	ssyncadd.s32 $0xFFFFFF80  }
0x1a5: {  	s18 =	sadd.s32 $0x1, s18  }
0x1a6: {  	p0 =	sne.s32 s18, s9  }
.Ltmp2:
0x1a7: {  	_ = 	snop;
	(pc) =	sbr.rel @p0 .LBB2_1-.Ltmp2, $1  }
0x1a8: {  	_ =	sdelay $0x3  }
0x1a9: {  	_ =	sfence.sel $0x180000  }
0x1aa: {  	[bflag:$0x0] =	sbarrier.arrive $0xFFFF  }
0x1ab: {  	p0 =	sne.s32 s2, $0x0;
	_ =	strace $0x9000004D  }
0x1ac: {  	s0 =	sadd.s32 @!p0 $0x100000, s0;
	[bflag:$0x2] =	sbarrier.arrive $0xFFFF  }
0x1ad: {  	[sflag:s0] =	ssyncadd.tile.s32 @!p0 $0x1;
	_ =	shalt  }
.Lfunc_end2:
_tile_overlayer_lowered:
.L_overlay_start_2:
0x1ae: {  	(tag) =	ssettag $0x2  }
0x1af: {  	s0 =	rddreg [dreg:$0x0];
	s2 =	stileid.u32  }
0x1b0: {  	s1 =	rddreg [dreg:$0x1];
	p0 =	sne.s32 s2, $0x0  }
0x1b1: {  	s3 =	rddreg [dreg:$0x2];
	[bflag:$0x3] =	sbarrier.arrive $0xFFFF;
	s2 =	simm.s32 @!p0 $0x1C03  }
0x1b2: {  	[timem:s3], [sflag:s2] =	dma.local @!p0 [hbm:s0], s1  }
0x1b3: {  	s0 =	simm.s32 @!p0 $0x3  }
0x1b4: {  	_ =	swait.ge @!p0 [sflag:s0], s1  }
0x1b5: {  	s1 =	ssub.s32 @!p0 $0x0, s1;
	[sflag:s0] =	ssyncset.done @!p0 $0x0  }
0x1b6: {  	[sflag:s0] =	ssyncadd.s32 @!p0 s1  }
0x1b7: {  	[bflag:$0x3] =	sbarrier.arrive $0xFFFF  }
0x1b8: {  	_ =	shalt  }

// kernel: kernel.8.cloned.1.call-start
scs
__scs_entry_jumppad:
0x0: {  	(pc) =	sbr.rel $0x88, $3  }
0x1: {  	(tag) =	ssettag $0x0;
	lr =	simm.s32 $0x1  }
0x2: {  	[smem:$0x3F9D] =	sst lr;
	_ =	strace $0xD0000000  }
0x3: {  	_ = 	snop  }
0x4: {  	_ = 	snop  }
0x5: {  	_ = 	snop  }
0x6: {  	_ = 	snop  }
0x7: {  	_ = 	snop  }
__scs_overlays_trampoline_lowered:
0x8: {  	[smem:$0x3FAC] =	sst s0  }
0x9: {  	[smem:$0x3FAD] =	sst s1  }
0xa: {  	[smem:$0x3FAE] =	sst s2  }
0xb: {  	[smem:$0x3FAF] =	sst s3  }
0xc: {  	[smem:$0x3FB0] =	sst s4  }
0xd: {  	[smem:$0x3FB1] =	sst s5  }
0xe: {  	[smem:$0x3FB2] =	sst s6  }
0xf: {  	[smem:$0x3FB3] =	sst s7  }
0x10: {  	[smem:$0x3FB4] =	sst s8  }
0x11: {  	[smem:$0x3FB5] =	sst s9;
	s0 =	simm.s32 @!p0 $0x0  }
0x12: {  	s1 =	sld [smem:$0x3F9B];
	s0 =	simm.s32 @p0 $0x1  }
0x13: {  	[smem:$0x3FB6] =	sst s0;
	s0 =	simm.s32 @!p1 $0x0  }
0x14: {  	s2 =	sld [smem:$0x3F9A];
	s0 =	simm.s32 @p1 $0x1  }
0x15: {  	[smem:$0x3FB7] =	sst s0;
	s0 =	simm.s32 @!p2 $0x0  }
0x16: {  	s3 =	sld [smem:$0x3FDB];
	s0 =	simm.s32 @p2 $0x1  }
0x17: {  	s4 =	simm.s32 $0x1BF5;
	[smem:$0x3FB9] =	sst s0  }
0x18: {  	s0 =	sld [smem:$0x3F9C];
	_ =	swait.ge [sflag:s4], $0x0  }
0x19: {  	s7 =	sld [smem:$0x3F9D]  }
0x1a: {  	s8 =	sadd.s32 $0xFFFFE003, lr  }
0x1b: {  	s9 =	sadd.s32 $0xFFFFFEF7, lr;
	s5 =	simm.s32 $0xFFFFFFFF;
	p2 =	slt.u32 s8, $0xFFFFF086  }
0x1c: {  	p1 =	slt.u32 s9, $0xF7A;
	s5 =	simm.s32 @!p2 $0x0  }
0x1d: {  	s5 =	simm.s32 @p1 $0x1;
	p0 =	seq.s32 s7, s2  }
0x1e: {  	s7 =	smul.u32 @!p0 $0xF7A, s2;
	p2 =	seq.s32 @!p0 s5, $0x0  }
0x1f: {  	s9 =	smul.u32 $0xF7A, s1;
	s8 =	simm.s32 @!p0 $0x1BF5;
	p2 =	por !p2, p0  }
0x20: {  	[sflag:s8] =	ssyncset.s32 @!p0 $0xFFFFF086;
	s6 =	sadd.s32 @!p0 s3, s7;
	s7 =	simm.s32 @!p0 $0x108  }
0x21: {  	s3 =	sadd.s32 s3, s9;
	s6 =	sadd.s32 @!p0 $0x88, s6;
	s7 =	simm.s32 @p2 $0x1082  }
0x22: {  	[simem:s7], [sflag:s8] =	dma.local @!p0 [hbm:s6], $0xF7A  }
0x23: {  	s9 =	sor.u32 $0xD0000000, s2;
	s6 =	simm.s32 $0x108;
	_ =	swait.ge @!p0 [sflag:s8], $0x0  }
0x24: {  	s3 =	sadd.s32 $0x88, s3;
	s6 =	simm.s32 @!p1 $0x1082;
	[sflag:s4] =	ssyncset.s32 $0xFFFFF086  }
0x25: {  	[simem:s6], [sflag:s4] =	dma.local [hbm:s3], $0xF7A  }
0x26: {  	[smem:$0x3F9D] =	sst s1;
	(tag) =	ssettag s2;
	_ =	strace s9  }
0x27: {  	s1 =	sld [smem:$0x3FAD]  }
0x28: {  	s2 =	sld [smem:$0x3FAE]  }
0x29: {  	s4 =	sld [smem:$0x3FB0]  }
0x2a: {  	p0 =	seq.s32 s5, $0x0;
	s5 =	sld [smem:$0x3FB1]  }
0x2b: {  	s6 =	sld [smem:$0x3FB2]  }
0x2c: {  	s7 =	sld [smem:$0x3FB3]  }
0x2d: {  	s3 =	simm.s32 $0x108;
	s8 =	sld [smem:$0x3FB4]  }
0x2e: {  	s3 =	simm.s32 @!p0 $0x1082;
	s9 =	sld [smem:$0x3FB5]  }
0x2f: {  	lr =	sadd.s32 s0, s3;
	s0 =	sld [smem:$0x3FAC]  }
0x30: {  	s3 =	sld [smem:$0x3FAF]  }
0x31: {  	[smem:$0x3FB8] =	sst s10  }
0x32: {  	s10 =	sld [smem:$0x3FB6];
	_ =	sdelay $0x3  }
0x33: {  	p0 =	seq.s32 s10, $0x1;
	s10 =	sld [smem:$0x3FB8];
	_ =	sdelay $0x3  }
0x34: {  	[smem:$0x3FB8] =	sst s10  }
0x35: {  	s10 =	sld [smem:$0x3FB7];
	_ =	sdelay $0x3  }
0x36: {  	p1 =	seq.s32 s10, $0x1;
	s10 =	sld [smem:$0x3FB8];
	_ =	sdelay $0x3  }
0x37: {  	[smem:$0x3FB8] =	sst s10  }
0x38: {  	s10 =	sld [smem:$0x3FB9]  }
0x39: {  	_ = 	snop;
	(pc) =	sbr.ind lr, $3  }
0x3a: {  	_ = 	snop  }
0x3b: {  	_ = 	snop  }
0x3c: {  	p2 =	seq.s32 s10, $0x1;
	s10 =	sld [smem:$0x3FB8]  }
0x3d: {  	_ =	shalt  }
0x3e: {  	_ =	shalt  }
0x3f: {  	_ =	shalt  }
0x40: {  	_ =	shalt  }
0x41: {  	_ =	shalt  }
0x42: {  	_ =	shalt  }
0x43: {  	_ =	shalt  }
0x44: {  	_ =	shalt  }
0x45: {  	_ =	shalt  }
0x46: {  	_ =	shalt  }
0x47: {  	_ =	shalt  }
0x48: {  	_ =	shalt  }
0x49: {  	_ =	shalt  }
0x4a: {  	_ =	shalt  }
0x4b: {  	_ =	shalt  }
0x4c: {  	_ =	shalt  }
0x4d: {  	_ =	shalt  }
0x4e: {  	_ =	shalt  }
0x4f: {  	_ =	shalt  }
0x50: {  	_ =	shalt  }
0x51: {  	_ =	shalt  }
0x52: {  	_ =	shalt  }
0x53: {  	_ =	shalt  }
0x54: {  	_ =	shalt  }
0x55: {  	_ =	shalt  }
0x56: {  	_ =	shalt  }
0x57: {  	_ =	shalt  }
0x58: {  	_ =	shalt  }
0x59: {  	_ =	shalt  }
0x5a: {  	_ =	shalt  }
0x5b: {  	_ =	shalt  }
0x5c: {  	_ =	shalt  }
0x5d: {  	_ =	shalt  }
0x5e: {  	_ =	shalt  }
0x5f: {  	_ =	shalt  }
0x60: {  	_ =	shalt  }
0x61: {  	_ =	shalt  }
0x62: {  	_ =	shalt  }
0x63: {  	_ =	shalt  }
0x64: {  	_ =	shalt  }
0x65: {  	_ =	shalt  }
0x66: {  	_ =	shalt  }
0x67: {  	_ =	shalt  }
0x68: {  	_ =	shalt  }
0x69: {  	_ =	shalt  }
0x6a: {  	_ =	shalt  }
0x6b: {  	_ =	shalt  }
0x6c: {  	_ =	shalt  }
0x6d: {  	_ =	shalt  }
0x6e: {  	_ =	shalt  }
0x6f: {  	_ =	shalt  }
0x70: {  	_ =	shalt  }
0x71: {  	_ =	shalt  }
0x72: {  	_ =	shalt  }
0x73: {  	_ =	shalt  }
0x74: {  	_ =	shalt  }
0x75: {  	_ =	shalt  }
0x76: {  	_ =	shalt  }
0x77: {  	_ =	shalt  }
0x78: {  	_ =	shalt  }
0x79: {  	_ =	shalt  }
0x7a: {  	_ =	shalt  }
0x7b: {  	_ =	shalt  }
0x7c: {  	_ =	shalt  }
0x7d: {  	_ =	shalt  }
0x7e: {  	_ =	shalt  }
0x7f: {  	_ =	shalt  }
0x80: {  	_ =	shalt  }
0x81: {  	_ =	shalt  }
0x82: {  	_ =	shalt  }
0x83: {  	_ =	shalt  }
0x84: {  	_ =	shalt  }
0x85: {  	_ =	shalt  }
0x86: {  	_ =	shalt  }
0x87: {  	_ =	shalt  }
.Lfunc_end0:
.L_simem_size_0:
called_computation_lowered:
.L_overlay_start_0:
0x88: {  	s2 =	sld [smem:$0x3FD9]  }
0x89: {  	s3 =	sld [smem:$0x3FFE];
	_ =	sdelay $0x1  }
0x8a: {  	s1 =	srdreg.scid  }
0x8b: {  	s0 =	sand.u32 $0x1, s1  }
0x8c: {  	s14 =	sshll.u32 s0, $0xA;
	s2 =	sadd.s32 s3, s2  }
0x8d: {  	s2 =	sadd.s32 s2, s14  }
0x8e: {  	[smem:$0x3FC4] =	sst s2  }
0x8f: {  	_ = 	snop  }
0x90: {  	s2 =	sld [smem:$0x3FD0];
	_ =	sdelay $0x2  }
0x91: {  	s15 =	simm.s32 $0xA;
	s4 =	simm.s32 $0x10  }
0x92: {  	[smem:s4], [sflag:s15] =	dma.local [hbm:s2], $0x1  }
0x93: {  	_ =	swait.eq [sflag:s15], $0x1  }
0x94: {  	[sflag:s15] =	ssyncset.done $0x0  }
0x95: {  	[sflag:s15] =	ssyncadd.s32 $0xFFFFFFFF  }
0x96: {  	s16 =	sld [smem:$0x10];
	(tm) =	ssettm $0x1  }
0x97: {  	s17 =	sld [smem:$0x3FFB];
	_ =	sdelay $0x3  }
0x98: {  	_ =	strace s17  }
0x99: {  	s3 =	sld [smem:$0x3FFC];
	_ =	sdelay $0x3  }
0x9a: {  	_ =	strace s3  }
0x9b: {  	s3 =	sld [smem:$0x3FFD];
	_ =	sdelay $0x3  }
0x9c: {  	_ =	strace s3  }
0x9d: {  	_ =	strace $0x8FFFFFFF  }
0x9e: {  	s18 =	sld [smem:$0x3FDB];
	_ =	sdelay $0x1  }
0x9f: {  	s19 =	simm.s32 $_scs_section_size  }
0xa0: {  	s5 =	simm.s32 $_size__tile_overlayer_lowered;
	s6 =	simm.s32 $_tile_overlayer_lowered  }
0xa1: {  	s22 =	simm.s32 $0x1BFF;
	s21 =	sshll.u32 s6, $0x1;
	s3 =	sadd.s32 s19, s18  }
0xa2: {  	s7 =	simm.s32 $0x0;
	s20 =	sshll.u32 s5, $0x1;
	s5 =	sadd.s32 s21, s3  }
0xa3: {  	[timem:s7], [sflag:s22] =	dma.local [hbm:s5], s20  }
0xa4: {  	_ =	swait.ge [sflag:s22], s20  }
0xa5: {  	s4 =	ssub.s32 $0x0, s20;
	[sflag:s22] =	ssyncset.done $0x0  }
0xa6: {  	[sflag:s22] =	ssyncadd.s32 s4;
	_ =	sdelay $0x1  }
0xa7: {  	s23 =	simm.s32 $0x1B8B  }
0xa8: {  	_ =	swait.ge [sflag:s23], $0x1  }
0xa9: {  	[sflag:s23] =	ssyncset.done $0x0  }
0xaa: {  	s25 =	simm.s32 $0x1B8E;
	s24 =	sld [smem:$0x3FFE];
	[sflag:s23] =	ssyncadd.s32 $0xFFFFFFFF  }
0xab: {  	s26 =	simm.s32 $execute0_lowered;
	[smem:$0x3FD2] =	sst s25  }
0xac: {  	s5 =	sshll.u32 s26, $0x1;
	_ =	strace $0x80000046;
	[dreg:$0x1] =	wrdreg $0xFFFFFFFF  }
0xad: {  	s28 =	simm.s32 $_size_execute0_lowered;
	s3 =	sadd.s32 s3, s5;
	[dreg:$0x0] =	wrdreg $0x0  }
0xae: {  	s5 =	sshll.u32 s28, $0x1;
	[dreg:$0x2] =	wrdreg s3  }
0xaf: {  	[dreg:$0x3] =	wrdreg s5  }
0xb0: {  	[dreg:$0x4] =	wrdreg $0xC0  }
0xb1: {  	_ =	task [dreg:s7], $0x5FFFF  }
0xb2: {  	[dreg:$0x1] =	wrdreg $0xFFFFFFFF  }
0xb3: {  	[dreg:$0x0] =	wrdreg $0x60  }
0xb4: {  	[dreg:$0x2] =	wrdreg s24  }
0xb5: {  	[dreg:$0x3] =	wrdreg s16  }
0xb6: {  	[dreg:$0x4] =	wrdreg $0x9  }
0xb7: {  	_ =	task.clear_ibuf [dreg:s7], $0x5FFFF;
	_ =	strace $0x90000046  }
0xb8: {  	s29 =	simm.s32 $0x9;
	_ =	strace $0x80000048  }
0xb9: {  	_ =	swait.ge [sflag:s29], $0x1  }
0xba: {  	[sflag:s29] =	ssyncadd.s32 $0xFFFFFFFF  }
0xbb: {  	_ =	strace $0x90000048  }
0xbc: {  	_ =	sfence  }
0xbd: {  	s30 =	sld [smem:$0x0];
	_ =	sdelay $0x2  }
0xbe: {  	s31 =	sshll.u32 s1, $0xD;
	s1 =	sshrl.u32 s1, $0x2  }
0xbf: {  	s3 =	sand.u32 $0x4000, s31;
	s1 =	sadd.s32 s1, s30  }
0xc0: {  	s0 =	sor.u32 s3, s0;
	s1 =	sshll.u32 s1, $0x11  }
0xc1: {  	s0 =	sor.u32 s1, s0  }
0xc2: {  	s0 =	sadd.s32 $0x8F2B, s0  }
0xc3: {  	[sflag:s0] =	ssyncadd.remote.s32 $0x1  }
0xc4: {  	_ =	sfence.sel $0xFFFF  }
0xc5: {  	[dreg:$0x0] =	wrdreg $0xFFFFFFFF;
	(pc) =	sbr.abs _section_cstart, $3  }
0xc6: {  	[dreg:$0x1] =	wrdreg $0xFFFFFFFF  }
0xc7: {  	_ =	task.clear_ibuf [dreg:s7], $0x2FFFF;
	_ =	strace $0x9FFFFFFF  }
0xc8: {  	(tm) =	ssettm $0x7FFFFFFF  }
0xc9: {  	_ =	shalt  }
tec
execute0_lowered:
.L_overlay_start_1:
0x0: {  	(tag) =	ssettag $0x1  }
0x1: {  	s3 =	rddreg [dreg:$0x0]  }
0x2: {  	s1 =	srdreg.scid;
	s0 =	stileid.u32  }
0x3: {  	s4 =	rddreg [dreg:$0x1];
	s9 =	simm.s32 $0x400;
	s10 =	simm.s32 $0x0  }
0x4: {  	s5 =	sand.u32 $0x1, s1;
	s2 =	sshll.u32 s0, $0x1;
	s1 =	rddreg [dreg:$0x2]  }
0x5: {  	s7 =	sshrl.u32 s0, $0x2;
	s6 =	sor.u32 s5, s2;
	s2 =	simm.s32 $0x0  }
0x6: {  	s7 =	smul.u32 $0x13C00, s7;
	s5 =	ssub.s32 $0x2, s5;
	s8 =	sshll.u32 s6, $0x7  }
0x7: {  	[smem:$0x7FF] =	sst s2;
	s6 =	smul.u32 $0x4E2, s6;
	s31 =	sshrl.u32 s5, $0x1  }
0x8: {  	s8 =	sand.u32 $0x380, s8;
	_ =	strace $0x80000047;
	s5 =	ssub.s32 s5, s31  }
0x9: {  	s7 =	sor.u32 s7, s8;
	s3 =	sadd.s32 s6, s3;
	s5 =	smax.u32 s5, $0x1  }
0xa: {  	s6 =	simm.s32 $0x1;
	s8 =	simm.s32 $0x80;
	s7 =	sshrl.u32 s7, $0x3  }
0xb: {  	v0 =	vimm.s32 $0x0;
	s3 =	sadd.s32 $0x800, s3;
	s4 =	sadd.s32 s4, s7;
	s7 =	simm.s32 $0x2780  }
.LBB2_1:
0xc: {  	[tilespmem:s2], [sflag:$0x1] =	stream.linear.gather [hbm4b:s3+s2], $0x2710, $0x38;
	[tilespmem:$0x4F00] =	vst v63  }
0xd: {  	_ =	swait.ge [sflag:s6], $0x2710  }
0xe: {  	[sflag:s6] =	ssyncset.done $0x0  }
0xf: {  	s11 =	simm.s32 $0x27C0;
	[sflag:s6] =	ssyncadd.s32 $0xFFFFD8F0  }
0x10: {  	[tilespmem:s11+$0xFFFFFFC0] =	vst v0  }
0x11: {  	[tilespmem:s11+$0x30] =	vst v0  }
0x12: {  	[tilespmem:s11+$0x20] =	vst v0  }
0x13: {  	[tilespmem:s11+$0x10] =	vst v0  }
0x14: {  	[tilespmem:s11+$0x0] =	vst v0  }
0x15: {  	[tilespmem:s11+$0xFFFFFFF0] =	vst v0  }
0x16: {  	s12 =	simm.s32 $0x0;
	[tilespmem:s11+$0xFFFFFFE0] =	vst v0  }
.LBB2_2:
0x17: {  	s12 =	sadd.s32 $0x8, s12;
	[tilespmem:s11+$0xFFFFFFD0] =	vst v0;
	s11 =	sadd.s32 $0x80, s11  }
0x18: {  	[tilespmem:s11+$0xFFFFFFC0] =	vst v0;
	p0 =	slt.u32 s12, $0x268  }
0x19: {  	[tilespmem:s11+$0x30] =	vst v0  }
.Ltmp0:
0x1a: {  	[tilespmem:s11+$0x20] =	vst v0;
	(pc) =	sbr.rel @p0 .LBB2_2-.Ltmp0, $4  }
0x1b: {  	[tilespmem:s11+$0x10] =	vst v0  }
0x1c: {  	[tilespmem:s11+$0x0] =	vst v0  }
0x1d: {  	[tilespmem:s11+$0xFFFFFFF0] =	vst v0  }
0x1e: {  	[tilespmem:s11+$0xFFFFFFE0] =	vst v0  }
0x1f: {  	[tilespmem:s11+$0xFFFFFFD0] =	vst v0  }
0x20: {  	s11 =	simm.s32 $0xFFFFFFF8;
	s12 =	simm.s32 $0x40;
	[tilespmem:$0x4E80] =	vst v0  }
.LBB2_4:
0x21: {  	v1 =	vld [tilespmem:s12+$0xFFFFFFC0];
	_ =	sdelay $0x4  }
0x22: {  	(xrf1) =	vunique.msk.u32 $0xffff, v1;
	_ =	sdelay $0xd  }
0x23: {  	_, v2, vm0 =	vpop (xrf1);
	_ =	sdelay $0x5  }
0x24: {  	[tilespmem:v1+s7+$0x0] =	vst.idx.add.s32.msk vm0, v2  }
0x25: {  	v1 =	vld [tilespmem:s12+$0xFFFFFFD0];
	_ =	sdelay $0x4  }
0x26: {  	(xrf1) =	vunique.msk.u32 $0xffff, v1;
	_ =	sdelay $0xd  }
0x27: {  	_, v2, vm0 =	vpop (xrf1);
	_ =	sdelay $0x5  }
0x28: {  	[tilespmem:v1+s7+$0x0] =	vst.idx.add.s32.msk vm0, v2  }
0x29: {  	v1 =	vld [tilespmem:s12+$0xFFFFFFE0];
	_ =	sdelay $0x4  }
0x2a: {  	(xrf1) =	vunique.msk.u32 $0xffff, v1;
	_ =	sdelay $0xd  }
0x2b: {  	_, v2, vm0 =	vpop (xrf1);
	_ =	sdelay $0x5  }
0x2c: {  	[tilespmem:v1+s7+$0x0] =	vst.idx.add.s32.msk vm0, v2  }
0x2d: {  	v1 =	vld [tilespmem:s12+$0xFFFFFFF0];
	_ =	sdelay $0x4  }
0x2e: {  	(xrf1) =	vunique.msk.u32 $0xffff, v1;
	_ =	sdelay $0xd  }
0x2f: {  	_, v2, vm0 =	vpop (xrf1);
	_ =	sdelay $0x5  }
0x30: {  	[tilespmem:v1+s7+$0x0] =	vst.idx.add.s32.msk vm0, v2  }
0x31: {  	v1 =	vld [tilespmem:s12+$0x0];
	_ =	sdelay $0x4  }
0x32: {  	(xrf1) =	vunique.msk.u32 $0xffff, v1;
	_ =	sdelay $0xd  }
0x33: {  	_, v2, vm0 =	vpop (xrf1);
	_ =	sdelay $0x5  }
0x34: {  	[tilespmem:v1+s7+$0x0] =	vst.idx.add.s32.msk vm0, v2  }
0x35: {  	v1 =	vld [tilespmem:s12+$0x10];
	_ =	sdelay $0x4  }
0x36: {  	(xrf1) =	vunique.msk.u32 $0xffff, v1;
	_ =	sdelay $0xd  }
0x37: {  	_, v2, vm0 =	vpop (xrf1);
	_ =	sdelay $0x5  }
0x38: {  	[tilespmem:v1+s7+$0x0] =	vst.idx.add.s32.msk vm0, v2  }
0x39: {  	v1 =	vld [tilespmem:s12+$0x20];
	_ =	sdelay $0x4  }
0x3a: {  	(xrf1) =	vunique.msk.u32 $0xffff, v1;
	_ =	sdelay $0xd  }
0x3b: {  	_, v2, vm0 =	vpop (xrf1);
	_ =	sdelay $0x5  }
0x3c: {  	[tilespmem:v1+s7+$0x0] =	vst.idx.add.s32.msk vm0, v2  }
0x3d: {  	v1 =	vld [tilespmem:s12+$0x30];
	_ =	sdelay $0x4  }
0x3e: {  	(xrf1) =	vunique.msk.u32 $0xffff, v1;
	_ =	sdelay $0xd  }
0x3f: {  	s11 =	sadd.s32 $0x8, s11;
	_, v2, vm0 =	vpop (xrf1)  }
0x40: {  	p0 =	slt.u32 s11, $0x268  }
.Ltmp1:
0x41: {  	_ = 	snop;
	(pc) =	sbr.rel @p0 .LBB2_4-.Ltmp1, $2  }
0x42: {  	_ =	sdelay $0x2  }
0x43: {  	s12 =	sadd.s32 $0x80, s12;
	[tilespmem:v1+s7+$0x0] =	vst.idx.add.s32.msk vm0, v2  }
0x44: {  	v1 =	vld [tilespmem:$0x2700];
	_ =	sdelay $0x4  }
0x45: {  	(xrf1) =	vunique.msk.u32 $0xffff, v1;
	_ =	sdelay $0xd  }
0x46: {  	_, v2, vm0 =	vpop (xrf1);
	_ =	sdelay $0x3  }
0x47: {  	s10 =	sadd.s32 $0x1, s10  }
0x48: {  	p0 =	sne.s32 s10, s5  }
.Ltmp2:
0x49: {  	[tilespmem:v1+s7+$0x0] =	vst.idx.add.s32.msk vm0, v2;
	(pc) =	sbr.rel @p0 .LBB2_1-.Ltmp2, $4  }
0x4a: {  	[hbm4b:s4+s8] =	stream.strided.scatter [tilespmem:s7], [sflag:$0x1], $0x2780, s9, s8, $0x38;
	[tilespmem:$0x4F00] =	vst v63  }
0x4b: {  	_ =	swait.ge [sflag:s6], $0x2780  }
0x4c: {  	[sflag:s6] =	ssyncset.done $0x0  }
0x4d: {  	[sflag:s6] =	ssyncadd.s32 $0xFFFFD880  }
0x4e: {  	_ =	sfence.sel $0x180000  }
0x4f: {  	[bflag:$0x0] =	sbarrier.arrive $0xFFFF  }
0x50: {  	p0 =	sne.s32 s0, $0x0;
	_ =	strace $0x90000047  }
0x51: {  	s0 =	sadd.s32 @!p0 $0x100000, s1;
	[bflag:$0x2] =	sbarrier.arrive $0xFFFF  }
0x52: {  	[sflag:s0] =	ssyncadd.tile.s32 @!p0 $0x1;
	_ =	shalt  }
.Lfunc_end2:
_tile_overlayer_lowered:
.L_overlay_start_2:
0x53: {  	(tag) =	ssettag $0x2  }
0x54: {  	s0 =	rddreg [dreg:$0x0];
	s2 =	stileid.u32  }
0x55: {  	s1 =	rddreg [dreg:$0x1];
	p0 =	sne.s32 s2, $0x0  }
0x56: {  	s3 =	rddreg [dreg:$0x2];
	[bflag:$0x3] =	sbarrier.arrive $0xFFFF;
	s2 =	simm.s32 @!p0 $0x1C01  }
0x57: {  	[timem:s3], [sflag:s2] =	dma.local @!p0 [hbm:s0], s1  }
0x58: {  	s0 =	simm.s32 @!p0 $0x1  }
0x59: {  	_ =	swait.ge @!p0 [sflag:s0], s1  }
0x5a: {  	s1 =	ssub.s32 @!p0 $0x0, s1;
	[sflag:s0] =	ssyncset.done @!p0 $0x0  }
0x5b: {  	[sflag:s0] =	ssyncadd.s32 @!p0 s1  }
0x5c: {  	[bflag:$0x3] =	sbarrier.arrive $0xFFFF  }
0x5d: {  	_ =	shalt  }

</sc_bundles>
